<compile_context>
chip_gen: v7x
topology: tpu7x:2x2x1
jax: 0.10.2.dev20260603
libtpu: 0.0.44.dev20260713+nightly
codegen_flags: <defaults>
</compile_context>

<pallas_src>
import functools

import jax
import jax.numpy as jnp
from jax import lax
from jax.experimental import pallas as pl
from jax.experimental.pallas import tpu as pltpu
from jax.experimental.pallas import tpu_sc as plsc

D = 128
NREL = 32
NC, NS = 2, 16
NW = NC * NS
CHUNK = 128
ROWS_PER_TILE = 640
N_PAD = NS * ROWS_PER_TILE


def _sc_partials(entity_emb, head, tail, etype, weight):
    n_edges = head.shape[0]
    n_chunks = n_edges // CHUNK

    mesh = plsc.VectorSubcoreMesh(core_axis_name="c", subcore_axis_name="s")

    @functools.partial(
        pl.kernel,
        out_type=(
            jax.ShapeDtypeStruct((NC, N_PAD, D), jnp.float32),
            jax.ShapeDtypeStruct((NC, N_PAD), jnp.float32),
        ),
        mesh=mesh,
        scratch_types=[
            pltpu.VMEM_SHARED((N_PAD, D), jnp.float32),
            pltpu.VMEM_SHARED((N_PAD,), jnp.float32),
            pltpu.VMEM((NREL, D), jnp.float32),
            pltpu.VMEM((CHUNK,), jnp.int32),
            pltpu.VMEM((CHUNK,), jnp.int32),
            pltpu.VMEM((CHUNK,), jnp.int32),
            pltpu.VMEM((CHUNK, D), jnp.float32),
            pltpu.VMEM((CHUNK,), jnp.float32),
            pltpu.VMEM((ROWS_PER_TILE,), jnp.float32),
            pltpu.SemaphoreType.DMA,
        ],
    )
    def agg(emb_h, head_h, tail_h, type_h, w_h, psum_h, pcnt_h,
            acc_s, cnt_s, w_v, tail_v, head_v, type_v, rows_v, ones_v,
            zcnt_v, sem):
        cid = lax.axis_index("c")
        sid = lax.axis_index("s")
        wid = sid * NC + cid

        def zrow(i, carry):
            for k in range(D // 16):
                rows_v[i, pl.ds(k * 16, 16)] = jnp.zeros((16,), jnp.float32)
            return carry
        lax.fori_loop(0, CHUNK, zrow, 0)

        def zsmall(i, carry):
            ones_v[pl.ds(i * 16, 16)] = jnp.ones((16,), jnp.float32)
            return carry
        lax.fori_loop(0, CHUNK // 16, zsmall, 0)

        def zcnt(i, carry):
            zcnt_v[pl.ds(i * 16, 16)] = jnp.zeros((16,), jnp.float32)
            return carry
        lax.fori_loop(0, ROWS_PER_TILE // 16, zcnt, 0)

        pltpu.sync_copy(w_h, w_v)

        base_row = sid * ROWS_PER_TILE
        for b in range(ROWS_PER_TILE // CHUNK):
            pltpu.sync_copy(rows_v, acc_s.at[pl.ds(base_row + b * CHUNK, CHUNK)])
        pltpu.sync_copy(zcnt_v, cnt_s.at[pl.ds(base_row, ROWS_PER_TILE)])
        plsc.subcore_barrier()

        my_chunks = n_chunks // NW + jnp.where(wid < (n_chunks % NW), 1, 0)

        def chunk_body(j, carry):
            chunk_id = wid + j * NW
            base = chunk_id * CHUNK
            pltpu.sync_copy(tail_h.at[pl.ds(base, CHUNK)], tail_v)
            pltpu.sync_copy(head_h.at[pl.ds(base, CHUNK)], head_v)
            pltpu.sync_copy(type_h.at[pl.ds(base, CHUNK)], type_v)
            pltpu.async_copy(emb_h.at[tail_v], rows_v, sem).wait()

            def group_body(g, c2):
                tvec = type_v[pl.ds(g * 16, 16)]
                for l in range(16):
                    t = tvec[l]
                    e = g * 16 + l
                    for k in range(D // 16):
                        sl = pl.ds(k * 16, 16)
                        rows_v[e, sl] = rows_v[e, sl] * w_v[t, sl]
                return c2
            lax.fori_loop(0, CHUNK // 16, group_body, 0)

            pltpu.sync_copy(rows_v, acc_s.at[head_v], add=True)
            pltpu.sync_copy(ones_v, cnt_s.at[head_v], add=True)
            return carry
        lax.fori_loop(0, my_chunks, chunk_body, 0)

        plsc.subcore_barrier()

        pltpu.sync_copy(acc_s.at[pl.ds(base_row, ROWS_PER_TILE)],
                        psum_h.at[cid, pl.ds(base_row, ROWS_PER_TILE)])
        pltpu.sync_copy(cnt_s.at[pl.ds(base_row, ROWS_PER_TILE)],
                        pcnt_h.at[cid, pl.ds(base_row, ROWS_PER_TILE)])

    return agg(entity_emb, head, tail, etype, weight)


def _combine_kernel(p_ref, c_ref, o_ref):
    s = p_ref[0] + p_ref[1]
    c = c_ref[0] + c_ref[1]
    c = jnp.maximum(c, 1.0)
    o_ref[...] = s / c


def _tc_combine(psum, pcnt):
    blocks = N_PAD // D
    pcnt2 = pcnt.reshape(NC, N_PAD, 1)
    out = pl.pallas_call(
        _combine_kernel,
        grid=(blocks,),
        in_specs=[
            pl.BlockSpec((NC, D, D), lambda i: (0, i, 0)),
            pl.BlockSpec((NC, D, 1), lambda i: (0, i, 0)),
        ],
        out_specs=pl.BlockSpec((D, D), lambda i: (i, 0)),
        out_shape=jax.ShapeDtypeStruct((N_PAD, D), jnp.float32),
    )(psum, pcnt2)
    return out


def kernel(entity_emb, edge_index, edge_type, weight):
    n_entities = entity_emb.shape[0]
    head = edge_index[0].astype(jnp.int32)
    tail = edge_index[1].astype(jnp.int32)
    etype = edge_type.astype(jnp.int32)
    psum, pcnt = _sc_partials(entity_emb, head, tail, etype, weight)
    out = _tc_combine(psum, pcnt)
    return out[:n_entities]

# --- scband reference (transcript-rebuilt; emitter-appended) ---
"""Pipeline reference for scband-aggregator-38543036514382 (READ-ONLY COPY).

The authoritative reference and input builder live on the scoring server;
editing this copy changes nothing except your own understanding.
"""

import jax, jax.numpy as jnp
import numpy as np

N_ENTITIES = 10000
N_EDGES = 320000
D_FEAT = 128
N_RELATIONS = 32


def setup_inputs(seed: int = 0) -> dict:
    key = jax.random.key(seed)
    k1, k2, k3, k4 = jax.random.split(key, 4)
    entity_emb = jax.random.normal(k1, (N_ENTITIES, D_FEAT), dtype=jnp.float32)
    edge_index = jax.random.randint(k2, (2, N_EDGES), 0, N_ENTITIES, dtype=jnp.int64)
    edge_type = jax.random.randint(k3, (N_EDGES,), 0, N_RELATIONS, dtype=jnp.int64)
    weight = jax.random.normal(k4, (N_RELATIONS, D_FEAT), dtype=jnp.float32)
    return {"entity_emb": entity_emb, "edge_index": edge_index, "edge_type": edge_type, "weight": weight}


def reference(entity_emb, edge_index, edge_type, weight):
    n_entities = entity_emb.shape[0]
    head = edge_index[0]
    tail = edge_index[1]
    # gather relation embedding per edge
    edge_relation_emb = weight[edge_type]
    # gather tail entity embedding and modulate by relation
    neigh_relation_emb = entity_emb[tail] * edge_relation_emb
    # scatter_mean over head nodes: segment_sum / clamped counts
    summed = jax.ops.segment_sum(neigh_relation_emb, head, num_segments=n_entities)
    counts = jax.ops.segment_sum(jnp.ones((head.shape[0],), dtype=entity_emb.dtype), head, num_segments=n_entities)
    counts = jnp.clip(counts, 1.0, None)
    entity_agg = summed / counts[:, None]
    return entity_agg


if False:  # reference __main__ guard neutralized (emitter)
    out = reference(**setup_inputs())
    print(out.shape, out.dtype)

if __name__ == "__main__":
    import jax
    _d = setup_inputs()
    print(jax.jit(kernel)(*tuple(_d.values())))

</pallas_src>

<mosaic_0001>
#map = affine_map<(d0, d1) -> (0, 0)>
#map1 = affine_map<(d0, d1) -> (0)>
#map2 = affine_map<(d0, d1) -> (0, 0, 0)>
module attributes {stable_mosaic.version = 14 : i64} {
  func.func @agg(%arg0: i32, %arg1: i32, %arg2: memref<10000x128xf32, #tpu.memory_space<hbm>>, %arg3: memref<320000xi32, #tpu.memory_space<hbm>>, %arg4: memref<320000xi32, #tpu.memory_space<hbm>>, %arg5: memref<320000xi32, #tpu.memory_space<hbm>>, %arg6: memref<32x128xf32, #tpu.memory_space<hbm>>, %arg7: memref<2x10240x128xf32, #tpu.memory_space<hbm>>, %arg8: memref<2x10240xf32, #tpu.memory_space<hbm>>, %arg9: memref<10240x128xf32, #tpu.memory_space<vmem_shared>>, %arg10: memref<10240xf32, #tpu.memory_space<vmem_shared>>, %arg11: memref<32x128xf32, #tpu.memory_space<vmem>>, %arg12: memref<128xi32, #tpu.memory_space<vmem>>, %arg13: memref<128xi32, #tpu.memory_space<vmem>>, %arg14: memref<128xi32, #tpu.memory_space<vmem>>, %arg15: memref<128x128xf32, #tpu.memory_space<vmem>>, %arg16: memref<128xf32, #tpu.memory_space<vmem>>, %arg17: memref<640xf32, #tpu.memory_space<vmem>>, %arg18: memref<!tpu.dma_semaphore, #tpu.memory_space<semaphore_mem>>) attributes {dimension_semantics = [#tpu.dimension_semantics<core_parallel>, #tpu.dimension_semantics<subcore_parallel>], iteration_bounds = array<i64: 2, 16>, scalar_prefetch = 0 : i64, scratch_operands = 10 : i64, tpu.core_type = #tpu.core_type<sc_vector_subcore>, window_params = [{transform_indices = #map}, {transform_indices = #map1}, {transform_indices = #map1}, {transform_indices = #map1}, {transform_indices = #map}, {transform_indices = #map2}, {transform_indices = #map}]} {
    %mul3A = arith.constant 2 : i32
    %mul3A_0 = arith.muli %arg1, %mul3A : i32
    %add3A = arith.addi %mul3A_0, %arg0 : i32
    %scan3A = arith.constant 0 : i32
    %scan3A_1 = arith.constant 0 : i32
    %scan3A_2 = arith.constant 128 : i32
    %scan3A_3 = arith.addi %scan3A_1, %scan3A_2 : i32
    %scan3A_4 = arith.constant 1 : i32
    scf.for %scan3A_44 = %scan3A_1 to %scan3A_3 step %scan3A_4  : i32 {
      %broadcast_in_dim3A = arith.constant 0.000000e+00 : f32
      %broadcast_in_dim3A_45 = vector.broadcast %broadcast_in_dim3A : f32 to vector<16xf32>
      %swap3A = arith.index_cast %scan3A_44 : i32 to index
      %swap3A_46 = arith.constant 0 : index
      %swap3A_47 = tpu.vector_load %arg15[%swap3A, %swap3A_46] {strides = array<i32>} : memref<128x128xf32, #tpu.memory_space<vmem>>, vector<1x16xf32>,
      %swap3A_48 = vector.shape_cast %swap3A_47 : vector<1x16xf32> to vector<16xf32>
      %swap3A_49 = vector.shape_cast %broadcast_in_dim3A_45 : vector<16xf32> to vector<1x16xf32>
      tpu.vector_store %arg15[%swap3A, %swap3A_46], %swap3A_49 {strides = array<i32>} : memref<128x128xf32, #tpu.memory_space<vmem>>, vector<1x16xf32>,
      %broadcast_in_dim3A_50 = arith.constant 0.000000e+00 : f32
      %broadcast_in_dim3A_51 = vector.broadcast %broadcast_in_dim3A_50 : f32 to vector<16xf32>
      %swap3A_52 = arith.index_cast %scan3A_44 : i32 to index
      %swap3A_53 = arith.constant 16 : index
      %swap3A_54 = tpu.vector_load %arg15[%swap3A_52, %swap3A_53] {strides = array<i32>} : memref<128x128xf32, #tpu.memory_space<vmem>>, vector<1x16xf32>,
      %swap3A_55 = vector.shape_cast %swap3A_54 : vector<1x16xf32> to vector<16xf32>
      %swap3A_56 = vector.shape_cast %broadcast_in_dim3A_51 : vector<16xf32> to vector<1x16xf32>
      tpu.vector_store %arg15[%swap3A_52, %swap3A_53], %swap3A_56 {strides = array<i32>} : memref<128x128xf32, #tpu.memory_space<vmem>>, vector<1x16xf32>,
      %broadcast_in_dim3A_57 = arith.constant 0.000000e+00 : f32
      %broadcast_in_dim3A_58 = vector.broadcast %broadcast_in_dim3A_57 : f32 to vector<16xf32>
      %swap3A_59 = arith.index_cast %scan3A_44 : i32 to index
      %swap3A_60 = arith.constant 32 : index
      %swap3A_61 = tpu.vector_load %arg15[%swap3A_59, %swap3A_60] {strides = array<i32>} : memref<128x128xf32, #tpu.memory_space<vmem>>, vector<1x16xf32>,
      %swap3A_62 = vector.shape_cast %swap3A_61 : vector<1x16xf32> to vector<16xf32>
      %swap3A_63 = vector.shape_cast %broadcast_in_dim3A_58 : vector<16xf32> to vector<1x16xf32>
      tpu.vector_store %arg15[%swap3A_59, %swap3A_60], %swap3A_63 {strides = array<i32>} : memref<128x128xf32, #tpu.memory_space<vmem>>, vector<1x16xf32>,
      %broadcast_in_dim3A_64 = arith.constant 0.000000e+00 : f32
      %broadcast_in_dim3A_65 = vector.broadcast %broadcast_in_dim3A_64 : f32 to vector<16xf32>
      %swap3A_66 = arith.index_cast %scan3A_44 : i32 to index
      %swap3A_67 = arith.constant 48 : index
      %swap3A_68 = tpu.vector_load %arg15[%swap3A_66, %swap3A_67] {strides = array<i32>} : memref<128x128xf32, #tpu.memory_space<vmem>>, vector<1x16xf32>,
      %swap3A_69 = vector.shape_cast %swap3A_68 : vector<1x16xf32> to vector<16xf32>
      %swap3A_70 = vector.shape_cast %broadcast_in_dim3A_65 : vector<16xf32> to vector<1x16xf32>
      tpu.vector_store %arg15[%swap3A_66, %swap3A_67], %swap3A_70 {strides = array<i32>} : memref<128x128xf32, #tpu.memory_space<vmem>>, vector<1x16xf32>,
      %broadcast_in_dim3A_71 = arith.constant 0.000000e+00 : f32
      %broadcast_in_dim3A_72 = vector.broadcast %broadcast_in_dim3A_71 : f32 to vector<16xf32>
      %swap3A_73 = arith.index_cast %scan3A_44 : i32 to index
      %swap3A_74 = arith.constant 64 : index
      %swap3A_75 = tpu.vector_load %arg15[%swap3A_73, %swap3A_74] {strides = array<i32>} : memref<128x128xf32, #tpu.memory_space<vmem>>, vector<1x16xf32>,
      %swap3A_76 = vector.shape_cast %swap3A_75 : vector<1x16xf32> to vector<16xf32>
      %swap3A_77 = vector.shape_cast %broadcast_in_dim3A_72 : vector<16xf32> to vector<1x16xf32>
      tpu.vector_store %arg15[%swap3A_73, %swap3A_74], %swap3A_77 {strides = array<i32>} : memref<128x128xf32, #tpu.memory_space<vmem>>, vector<1x16xf32>,
      %broadcast_in_dim3A_78 = arith.constant 0.000000e+00 : f32
      %broadcast_in_dim3A_79 = vector.broadcast %broadcast_in_dim3A_78 : f32 to vector<16xf32>
      %swap3A_80 = arith.index_cast %scan3A_44 : i32 to index
      %swap3A_81 = arith.constant 80 : index
      %swap3A_82 = tpu.vector_load %arg15[%swap3A_80, %swap3A_81] {strides = array<i32>} : memref<128x128xf32, #tpu.memory_space<vmem>>, vector<1x16xf32>,
      %swap3A_83 = vector.shape_cast %swap3A_82 : vector<1x16xf32> to vector<16xf32>
      %swap3A_84 = vector.shape_cast %broadcast_in_dim3A_79 : vector<16xf32> to vector<1x16xf32>
      tpu.vector_store %arg15[%swap3A_80, %swap3A_81], %swap3A_84 {strides = array<i32>} : memref<128x128xf32, #tpu.memory_space<vmem>>, vector<1x16xf32>,
      %broadcast_in_dim3A_85 = arith.constant 0.000000e+00 : f32
      %broadcast_in_dim3A_86 = vector.broadcast %broadcast_in_dim3A_85 : f32 to vector<16xf32>
      %swap3A_87 = arith.index_cast %scan3A_44 : i32 to index
      %swap3A_88 = arith.constant 96 : index
      %swap3A_89 = tpu.vector_load %arg15[%swap3A_87, %swap3A_88] {strides = array<i32>} : memref<128x128xf32, #tpu.memory_space<vmem>>, vector<1x16xf32>,
      %swap3A_90 = vector.shape_cast %swap3A_89 : vector<1x16xf32> to vector<16xf32>
      %swap3A_91 = vector.shape_cast %broadcast_in_dim3A_86 : vector<16xf32> to vector<1x16xf32>
      tpu.vector_store %arg15[%swap3A_87, %swap3A_88], %swap3A_91 {strides = array<i32>} : memref<128x128xf32, #tpu.memory_space<vmem>>, vector<1x16xf32>,
      %broadcast_in_dim3A_92 = arith.constant 0.000000e+00 : f32
      %broadcast_in_dim3A_93 = vector.broadcast %broadcast_in_dim3A_92 : f32 to vector<16xf32>
      %swap3A_94 = arith.index_cast %scan3A_44 : i32 to index
      %swap3A_95 = arith.constant 112 : index
      %swap3A_96 = tpu.vector_load %arg15[%swap3A_94, %swap3A_95] {strides = array<i32>} : memref<128x128xf32, #tpu.memory_space<vmem>>, vector<1x16xf32>,
      %swap3A_97 = vector.shape_cast %swap3A_96 : vector<1x16xf32> to vector<16xf32>
      %swap3A_98 = vector.shape_cast %broadcast_in_dim3A_93 : vector<16xf32> to vector<1x16xf32>
      tpu.vector_store %arg15[%swap3A_94, %swap3A_95], %swap3A_98 {strides = array<i32>} : memref<128x128xf32, #tpu.memory_space<vmem>>, vector<1x16xf32>,
    }
    %scan3A_5 = arith.constant 128 : i32
    %scan3A_6 = arith.constant 0 : i32
    %scan3A_7 = arith.constant 0 : i32
    %scan3A_8 = arith.constant 8 : i32
    %scan3A_9 = arith.addi %scan3A_7, %scan3A_8 : i32
    %scan3A_10 = arith.constant 1 : i32
    scf.for %scan3A_44 = %scan3A_7 to %scan3A_9 step %scan3A_10  : i32 {
      %broadcast_in_dim3A = arith.constant 1.000000e+00 : f32
      %broadcast_in_dim3A_45 = vector.broadcast %broadcast_in_dim3A : f32 to vector<16xf32>
      %mul3A_46 = arith.constant 16 : i32
      %mul3A_47 = arith.muli %scan3A_44, %mul3A_46 : i32
      %swap3A = arith.index_cast %mul3A_47 : i32 to index
      %swap3A_48 = tpu.vector_load %arg16[%swap3A] {strides = array<i32>} : memref<128xf32, #tpu.memory_space<vmem>>, vector<16xf32>,
      %swap3A_49 = vector.shape_cast %swap3A_48 : vector<16xf32> to vector<16xf32>
      %swap3A_50 = vector.shape_cast %broadcast_in_dim3A_45 : vector<16xf32> to vector<16xf32>
      tpu.vector_store %arg16[%swap3A], %swap3A_50 {strides = array<i32>} : memref<128xf32, #tpu.memory_space<vmem>>, vector<16xf32>,
    }
    %scan3A_11 = arith.constant 8 : i32
    %scan3A_12 = arith.constant 0 : i32
    %scan3A_13 = arith.constant 0 : i32
    %scan3A_14 = arith.constant 40 : i32
    %scan3A_15 = arith.addi %scan3A_13, %scan3A_14 : i32
    %scan3A_16 = arith.constant 1 : i32
    scf.for %scan3A_44 = %scan3A_13 to %scan3A_15 step %scan3A_16  : i32 {
      %broadcast_in_dim3A = arith.constant 0.000000e+00 : f32
      %broadcast_in_dim3A_45 = vector.broadcast %broadcast_in_dim3A : f32 to vector<16xf32>
      %mul3A_46 = arith.constant 16 : i32
      %mul3A_47 = arith.muli %scan3A_44, %mul3A_46 : i32
      %swap3A = arith.index_cast %mul3A_47 : i32 to index
      %swap3A_48 = tpu.vector_load %arg17[%swap3A] {strides = array<i32>} : memref<640xf32, #tpu.memory_space<vmem>>, vector<16xf32>,
      %swap3A_49 = vector.shape_cast %swap3A_48 : vector<16xf32> to vector<16xf32>
      %swap3A_50 = vector.shape_cast %broadcast_in_dim3A_45 : vector<16xf32> to vector<16xf32>
      tpu.vector_store %arg17[%swap3A], %swap3A_50 {strides = array<i32>} : memref<640xf32, #tpu.memory_space<vmem>>, vector<16xf32>,
    }
    %scan3A_17 = arith.constant 40 : i32
    "tpu.region"() ({
      %run_scoped3A = tpu.sem_alloc : memref<!tpu.dma_semaphore, #tpu.memory_space<semaphore_mem>>
      tpu.enqueue_dma source(%arg6 : memref<32x128xf32, #tpu.memory_space<hbm>>) target(%arg11 : memref<32x128xf32, #tpu.memory_space<vmem>>) target_semaphore(%run_scoped3A : memref<!tpu.dma_semaphore, #tpu.memory_space<semaphore_mem>>)
      tpu.wait_dma2 semaphore(%run_scoped3A : memref<!tpu.dma_semaphore, #tpu.memory_space<semaphore_mem>>) src(%arg6 : memref<32x128xf32, #tpu.memory_space<hbm>>) dst(%arg11 : memref<32x128xf32, #tpu.memory_space<vmem>>)
      tpu.yield
    }) : () -> ()
    %mul3A_18 = arith.constant 640 : i32
    %mul3A_19 = arith.muli %arg1, %mul3A_18 : i32
    %add3A_20 = arith.constant 0 : i32
    %add3A_21 = arith.addi %mul3A_19, %add3A_20 : i32
    "tpu.region"() ({
      %run_scoped3A = tpu.sem_alloc : memref<!tpu.dma_semaphore, #tpu.memory_space<semaphore_mem>>
      %dma_start3A = arith.constant 0 : i32
      %dma_start3A_44 = tpu.memref_slice %arg9[%add3A_21, %dma_start3A] : memref<10240x128xf32, #tpu.memory_space<vmem_shared>> -> memref<128x128xf32, #tpu.memory_space<vmem_shared>>
      %dma_start3A_45 = arith.constant 0 : i32
      %dma_start3A_46 = tpu.memref_slice %arg9[%add3A_21, %dma_start3A_45] : memref<10240x128xf32, #tpu.memory_space<vmem_shared>> -> memref<128x128xf32, #tpu.memory_space<vmem_shared>>
      tpu.enqueue_dma source(%arg15 : memref<128x128xf32, #tpu.memory_space<vmem>>) target(%dma_start3A_46 : memref<128x128xf32, #tpu.memory_space<vmem_shared>>) target_semaphore(%run_scoped3A : memref<!tpu.dma_semaphore, #tpu.memory_space<semaphore_mem>>)
      %dma_wait3A = arith.constant 0 : i32
      %dma_wait3A_47 = tpu.memref_slice %arg9[%add3A_21, %dma_wait3A] : memref<10240x128xf32, #tpu.memory_space<vmem_shared>> -> memref<128x128xf32, #tpu.memory_space<vmem_shared>>
      %dma_wait3A_48 = arith.constant 0 : i32
      %dma_wait3A_49 = tpu.memref_slice %arg9[%add3A_21, %dma_wait3A_48] : memref<10240x128xf32, #tpu.memory_space<vmem_shared>> -> memref<128x128xf32, #tpu.memory_space<vmem_shared>>
      tpu.wait_dma2 semaphore(%run_scoped3A : memref<!tpu.dma_semaphore, #tpu.memory_space<semaphore_mem>>) src(%arg15 : memref<128x128xf32, #tpu.memory_space<vmem>>) dst(%dma_wait3A_49 : memref<128x128xf32, #tpu.memory_space<vmem_shared>>)
      tpu.yield
    }) : () -> ()
    %add3A_22 = arith.constant 128 : i32
    %add3A_23 = arith.addi %mul3A_19, %add3A_22 : i32
    "tpu.region"() ({
      %run_scoped3A = tpu.sem_alloc : memref<!tpu.dma_semaphore, #tpu.memory_space<semaphore_mem>>
      %dma_start3A = arith.constant 0 : i32
      %dma_start3A_44 = tpu.memref_slice %arg9[%add3A_23, %dma_start3A] : memref<10240x128xf32, #tpu.memory_space<vmem_shared>> -> memref<128x128xf32, #tpu.memory_space<vmem_shared>>
      %dma_start3A_45 = arith.constant 0 : i32
      %dma_start3A_46 = tpu.memref_slice %arg9[%add3A_23, %dma_start3A_45] : memref<10240x128xf32, #tpu.memory_space<vmem_shared>> -> memref<128x128xf32, #tpu.memory_space<vmem_shared>>
      tpu.enqueue_dma source(%arg15 : memref<128x128xf32, #tpu.memory_space<vmem>>) target(%dma_start3A_46 : memref<128x128xf32, #tpu.memory_space<vmem_shared>>) target_semaphore(%run_scoped3A : memref<!tpu.dma_semaphore, #tpu.memory_space<semaphore_mem>>)
      %dma_wait3A = arith.constant 0 : i32
      %dma_wait3A_47 = tpu.memref_slice %arg9[%add3A_23, %dma_wait3A] : memref<10240x128xf32, #tpu.memory_space<vmem_shared>> -> memref<128x128xf32, #tpu.memory_space<vmem_shared>>
      %dma_wait3A_48 = arith.constant 0 : i32
      %dma_wait3A_49 = tpu.memref_slice %arg9[%add3A_23, %dma_wait3A_48] : memref<10240x128xf32, #tpu.memory_space<vmem_shared>> -> memref<128x128xf32, #tpu.memory_space<vmem_shared>>
      tpu.wait_dma2 semaphore(%run_scoped3A : memref<!tpu.dma_semaphore, #tpu.memory_space<semaphore_mem>>) src(%arg15 : memref<128x128xf32, #tpu.memory_space<vmem>>) dst(%dma_wait3A_49 : memref<128x128xf32, #tpu.memory_space<vmem_shared>>)
      tpu.yield
    }) : () -> ()
    %add3A_24 = arith.constant 256 : i32
    %add3A_25 = arith.addi %mul3A_19, %add3A_24 : i32
    "tpu.region"() ({
      %run_scoped3A = tpu.sem_alloc : memref<!tpu.dma_semaphore, #tpu.memory_space<semaphore_mem>>
      %dma_start3A = arith.constant 0 : i32
      %dma_start3A_44 = tpu.memref_slice %arg9[%add3A_25, %dma_start3A] : memref<10240x128xf32, #tpu.memory_space<vmem_shared>> -> memref<128x128xf32, #tpu.memory_space<vmem_shared>>
      %dma_start3A_45 = arith.constant 0 : i32
      %dma_start3A_46 = tpu.memref_slice %arg9[%add3A_25, %dma_start3A_45] : memref<10240x128xf32, #tpu.memory_space<vmem_shared>> -> memref<128x128xf32, #tpu.memory_space<vmem_shared>>
      tpu.enqueue_dma source(%arg15 : memref<128x128xf32, #tpu.memory_space<vmem>>) target(%dma_start3A_46 : memref<128x128xf32, #tpu.memory_space<vmem_shared>>) target_semaphore(%run_scoped3A : memref<!tpu.dma_semaphore, #tpu.memory_space<semaphore_mem>>)
      %dma_wait3A = arith.constant 0 : i32
      %dma_wait3A_47 = tpu.memref_slice %arg9[%add3A_25, %dma_wait3A] : memref<10240x128xf32, #tpu.memory_space<vmem_shared>> -> memref<128x128xf32, #tpu.memory_space<vmem_shared>>
      %dma_wait3A_48 = arith.constant 0 : i32
      %dma_wait3A_49 = tpu.memref_slice %arg9[%add3A_25, %dma_wait3A_48] : memref<10240x128xf32, #tpu.memory_space<vmem_shared>> -> memref<128x128xf32, #tpu.memory_space<vmem_shared>>
      tpu.wait_dma2 semaphore(%run_scoped3A : memref<!tpu.dma_semaphore, #tpu.memory_space<semaphore_mem>>) src(%arg15 : memref<128x128xf32, #tpu.memory_space<vmem>>) dst(%dma_wait3A_49 : memref<128x128xf32, #tpu.memory_space<vmem_shared>>)
      tpu.yield
    }) : () -> ()
    %add3A_26 = arith.constant 384 : i32
    %add3A_27 = arith.addi %mul3A_19, %add3A_26 : i32
    "tpu.region"() ({
      %run_scoped3A = tpu.sem_alloc : memref<!tpu.dma_semaphore, #tpu.memory_space<semaphore_mem>>
      %dma_start3A = arith.constant 0 : i32
      %dma_start3A_44 = tpu.memref_slice %arg9[%add3A_27, %dma_start3A] : memref<10240x128xf32, #tpu.memory_space<vmem_shared>> -> memref<128x128xf32, #tpu.memory_space<vmem_shared>>
      %dma_start3A_45 = arith.constant 0 : i32
      %dma_start3A_46 = tpu.memref_slice %arg9[%add3A_27, %dma_start3A_45] : memref<10240x128xf32, #tpu.memory_space<vmem_shared>> -> memref<128x128xf32, #tpu.memory_space<vmem_shared>>
      tpu.enqueue_dma source(%arg15 : memref<128x128xf32, #tpu.memory_space<vmem>>) target(%dma_start3A_46 : memref<128x128xf32, #tpu.memory_space<vmem_shared>>) target_semaphore(%run_scoped3A : memref<!tpu.dma_semaphore, #tpu.memory_space<semaphore_mem>>)
      %dma_wait3A = arith.constant 0 : i32
      %dma_wait3A_47 = tpu.memref_slice %arg9[%add3A_27, %dma_wait3A] : memref<10240x128xf32, #tpu.memory_space<vmem_shared>> -> memref<128x128xf32, #tpu.memory_space<vmem_shared>>
      %dma_wait3A_48 = arith.constant 0 : i32
      %dma_wait3A_49 = tpu.memref_slice %arg9[%add3A_27, %dma_wait3A_48] : memref<10240x128xf32, #tpu.memory_space<vmem_shared>> -> memref<128x128xf32, #tpu.memory_space<vmem_shared>>
      tpu.wait_dma2 semaphore(%run_scoped3A : memref<!tpu.dma_semaphore, #tpu.memory_space<semaphore_mem>>) src(%arg15 : memref<128x128xf32, #tpu.memory_space<vmem>>) dst(%dma_wait3A_49 : memref<128x128xf32, #tpu.memory_space<vmem_shared>>)
      tpu.yield
    }) : () -> ()
    %add3A_28 = arith.constant 512 : i32
    %add3A_29 = arith.addi %mul3A_19, %add3A_28 : i32
    "tpu.region"() ({
      %run_scoped3A = tpu.sem_alloc : memref<!tpu.dma_semaphore, #tpu.memory_space<semaphore_mem>>
      %dma_start3A = arith.constant 0 : i32
      %dma_start3A_44 = tpu.memref_slice %arg9[%add3A_29, %dma_start3A] : memref<10240x128xf32, #tpu.memory_space<vmem_shared>> -> memref<128x128xf32, #tpu.memory_space<vmem_shared>>
      %dma_start3A_45 = arith.constant 0 : i32
      %dma_start3A_46 = tpu.memref_slice %arg9[%add3A_29, %dma_start3A_45] : memref<10240x128xf32, #tpu.memory_space<vmem_shared>> -> memref<128x128xf32, #tpu.memory_space<vmem_shared>>
      tpu.enqueue_dma source(%arg15 : memref<128x128xf32, #tpu.memory_space<vmem>>) target(%dma_start3A_46 : memref<128x128xf32, #tpu.memory_space<vmem_shared>>) target_semaphore(%run_scoped3A : memref<!tpu.dma_semaphore, #tpu.memory_space<semaphore_mem>>)
      %dma_wait3A = arith.constant 0 : i32
      %dma_wait3A_47 = tpu.memref_slice %arg9[%add3A_29, %dma_wait3A] : memref<10240x128xf32, #tpu.memory_space<vmem_shared>> -> memref<128x128xf32, #tpu.memory_space<vmem_shared>>
      %dma_wait3A_48 = arith.constant 0 : i32
      %dma_wait3A_49 = tpu.memref_slice %arg9[%add3A_29, %dma_wait3A_48] : memref<10240x128xf32, #tpu.memory_space<vmem_shared>> -> memref<128x128xf32, #tpu.memory_space<vmem_shared>>
      tpu.wait_dma2 semaphore(%run_scoped3A : memref<!tpu.dma_semaphore, #tpu.memory_space<semaphore_mem>>) src(%arg15 : memref<128x128xf32, #tpu.memory_space<vmem>>) dst(%dma_wait3A_49 : memref<128x128xf32, #tpu.memory_space<vmem_shared>>)
      tpu.yield
    }) : () -> ()
    "tpu.region"() ({
      %run_scoped3A = tpu.sem_alloc : memref<!tpu.dma_semaphore, #tpu.memory_space<semaphore_mem>>
      %dma_start3A = tpu.memref_slice %arg10[%mul3A_19] : memref<10240xf32, #tpu.memory_space<vmem_shared>> -> memref<640xf32, #tpu.memory_space<vmem_shared>>
      %dma_start3A_44 = tpu.memref_slice %arg10[%mul3A_19] : memref<10240xf32, #tpu.memory_space<vmem_shared>> -> memref<640xf32, #tpu.memory_space<vmem_shared>>
      tpu.enqueue_dma source(%arg17 : memref<640xf32, #tpu.memory_space<vmem>>) target(%dma_start3A_44 : memref<640xf32, #tpu.memory_space<vmem_shared>>) target_semaphore(%run_scoped3A : memref<!tpu.dma_semaphore, #tpu.memory_space<semaphore_mem>>)
      %dma_wait3A = tpu.memref_slice %arg10[%mul3A_19] : memref<10240xf32, #tpu.memory_space<vmem_shared>> -> memref<640xf32, #tpu.memory_space<vmem_shared>>
      %dma_wait3A_45 = tpu.memref_slice %arg10[%mul3A_19] : memref<10240xf32, #tpu.memory_space<vmem_shared>> -> memref<640xf32, #tpu.memory_space<vmem_shared>>
      tpu.wait_dma2 semaphore(%run_scoped3A : memref<!tpu.dma_semaphore, #tpu.memory_space<semaphore_mem>>) src(%arg17 : memref<640xf32, #tpu.memory_space<vmem>>) dst(%dma_wait3A_45 : memref<640xf32, #tpu.memory_space<vmem_shared>>)
      tpu.yield
    }) : () -> ()
    %barrier3A = arith.constant 0 : index
    tpu.barrier barrier_id(%barrier3A)
    %lt3A = arith.constant 4 : i32
    %lt3A_30 = arith.cmpi slt, %add3A, %lt3A : i32
    %jit3A = arith.constant 1 : i32
    %jit3A_31 = arith.constant 0 : i32
    %select_n3A = arith.select %lt3A_30, %jit3A, %jit3A_31 : i32
    %add3A_32 = arith.constant 78 : i32
    %add3A_33 = arith.addi %add3A_32, %select_n3A : i32
    %while3A = arith.constant 0 : i32
    %while3A_34 = arith.constant 0 : i32
    %while3A_35 = arith.subi %add3A_33, %while3A_34 : i32
    %while3A_36 = arith.addi %while3A_34, %while3A_35 : i32
    %while3A_37 = arith.constant 1 : i32
    %while3A_38 = arith.divsi %while3A_35, %while3A_37 : i32
    %while3A_39 = arith.muli %while3A_38, %while3A_37 : i32
    %while3A_40 = arith.addi %while3A_34, %while3A_39 : i32
    %while3A_41 = arith.constant 1 : i32
    scf.for %while3A_44 = %while3A_34 to %while3A_40 step %while3A_41  : i32 {
      %mul3A_45 = arith.constant 32 : i32
      %mul3A_46 = arith.muli %while3A_44, %mul3A_45 : i32
      %add3A_47 = arith.addi %add3A, %mul3A_46 : i32
      %mul3A_48 = arith.constant 128 : i32
      %mul3A_49 = arith.muli %add3A_47, %mul3A_48 : i32
      "tpu.region"() ({
        %run_scoped3A = tpu.sem_alloc : memref<!tpu.dma_semaphore, #tpu.memory_space<semaphore_mem>>
        %dma_start3A_60 = tpu.memref_slice %arg4[%mul3A_49] : memref<320000xi32, #tpu.memory_space<hbm>> -> memref<128xi32, #tpu.memory_space<hbm>>
        %dma_start3A_61 = tpu.memref_slice %arg4[%mul3A_49] : memref<320000xi32, #tpu.memory_space<hbm>> -> memref<128xi32, #tpu.memory_space<hbm>>
        tpu.enqueue_dma source(%dma_start3A_61 : memref<128xi32, #tpu.memory_space<hbm>>) target(%arg12 : memref<128xi32, #tpu.memory_space<vmem>>) target_semaphore(%run_scoped3A : memref<!tpu.dma_semaphore, #tpu.memory_space<semaphore_mem>>)
        %dma_wait3A_62 = tpu.memref_slice %arg4[%mul3A_49] : memref<320000xi32, #tpu.memory_space<hbm>> -> memref<128xi32, #tpu.memory_space<hbm>>
        %dma_wait3A_63 = tpu.memref_slice %arg4[%mul3A_49] : memref<320000xi32, #tpu.memory_space<hbm>> -> memref<128xi32, #tpu.memory_space<hbm>>
        tpu.wait_dma2 semaphore(%run_scoped3A : memref<!tpu.dma_semaphore, #tpu.memory_space<semaphore_mem>>) src(%dma_wait3A_63 : memref<128xi32, #tpu.memory_space<hbm>>) dst(%arg12 : memref<128xi32, #tpu.memory_space<vmem>>)
        tpu.yield
      }) : () -> ()
      "tpu.region"() ({
        %run_scoped3A = tpu.sem_alloc : memref<!tpu.dma_semaphore, #tpu.memory_space<semaphore_mem>>
        %dma_start3A_60 = tpu.memref_slice %arg3[%mul3A_49] : memref<320000xi32, #tpu.memory_space<hbm>> -> memref<128xi32, #tpu.memory_space<hbm>>
        %dma_start3A_61 = tpu.memref_slice %arg3[%mul3A_49] : memref<320000xi32, #tpu.memory_space<hbm>> -> memref<128xi32, #tpu.memory_space<hbm>>
        tpu.enqueue_dma source(%dma_start3A_61 : memref<128xi32, #tpu.memory_space<hbm>>) target(%arg13 : memref<128xi32, #tpu.memory_space<vmem>>) target_semaphore(%run_scoped3A : memref<!tpu.dma_semaphore, #tpu.memory_space<semaphore_mem>>)
        %dma_wait3A_62 = tpu.memref_slice %arg3[%mul3A_49] : memref<320000xi32, #tpu.memory_space<hbm>> -> memref<128xi32, #tpu.memory_space<hbm>>
        %dma_wait3A_63 = tpu.memref_slice %arg3[%mul3A_49] : memref<320000xi32, #tpu.memory_space<hbm>> -> memref<128xi32, #tpu.memory_space<hbm>>
        tpu.wait_dma2 semaphore(%run_scoped3A : memref<!tpu.dma_semaphore, #tpu.memory_space<semaphore_mem>>) src(%dma_wait3A_63 : memref<128xi32, #tpu.memory_space<hbm>>) dst(%arg13 : memref<128xi32, #tpu.memory_space<vmem>>)
        tpu.yield
      }) : () -> ()
      "tpu.region"() ({
        %run_scoped3A = tpu.sem_alloc : memref<!tpu.dma_semaphore, #tpu.memory_space<semaphore_mem>>
        %dma_start3A_60 = tpu.memref_slice %arg5[%mul3A_49] : memref<320000xi32, #tpu.memory_space<hbm>> -> memref<128xi32, #tpu.memory_space<hbm>>
        %dma_start3A_61 = tpu.memref_slice %arg5[%mul3A_49] : memref<320000xi32, #tpu.memory_space<hbm>> -> memref<128xi32, #tpu.memory_space<hbm>>
        tpu.enqueue_dma source(%dma_start3A_61 : memref<128xi32, #tpu.memory_space<hbm>>) target(%arg14 : memref<128xi32, #tpu.memory_space<vmem>>) target_semaphore(%run_scoped3A : memref<!tpu.dma_semaphore, #tpu.memory_space<semaphore_mem>>)
        %dma_wait3A_62 = tpu.memref_slice %arg5[%mul3A_49] : memref<320000xi32, #tpu.memory_space<hbm>> -> memref<128xi32, #tpu.memory_space<hbm>>
        %dma_wait3A_63 = tpu.memref_slice %arg5[%mul3A_49] : memref<320000xi32, #tpu.memory_space<hbm>> -> memref<128xi32, #tpu.memory_space<hbm>>
        tpu.wait_dma2 semaphore(%run_scoped3A : memref<!tpu.dma_semaphore, #tpu.memory_space<semaphore_mem>>) src(%dma_wait3A_63 : memref<128xi32, #tpu.memory_space<hbm>>) dst(%arg14 : memref<128xi32, #tpu.memory_space<vmem>>)
        tpu.yield
      }) : () -> ()
      %dma_start3A = arith.constant 0 : i32
      %dma_start3A_50 = arith.constant 0 : i32
      %dma_start3A_51 = tpu.memref_slice %arg2[%dma_start3A, %dma_start3A_50] : memref<10000x128xf32, #tpu.memory_space<hbm>> -> memref<10000x128xf32, #tpu.memory_space<hbm>>
      tpu.enqueue_indirect_dma source(%dma_start3A_51 : memref<10000x128xf32, #tpu.memory_space<hbm>>) target(%arg15 : memref<128x128xf32, #tpu.memory_space<vmem>>) offsets(%arg12 : memref<128xi32, #tpu.memory_space<vmem>>) semaphore(%arg18 : memref<!tpu.dma_semaphore, #tpu.memory_space<semaphore_mem>>)
      %dma_wait3A = arith.constant 0 : i32
      %dma_wait3A_52 = arith.constant 0 : i32
      %dma_wait3A_53 = tpu.memref_slice %arg2[%dma_wait3A, %dma_wait3A_52] : memref<10000x128xf32, #tpu.memory_space<hbm>> -> memref<10000x128xf32, #tpu.memory_space<hbm>>
      tpu.wait_indirect_dma semaphore(%arg18 : memref<!tpu.dma_semaphore, #tpu.memory_space<semaphore_mem>>) src(%dma_wait3A_53 : memref<10000x128xf32, #tpu.memory_space<hbm>>) dst(%arg15 : memref<128x128xf32, #tpu.memory_space<vmem>>)
      %scan3A_54 = arith.constant 0 : i32
      %scan3A_55 = arith.constant 0 : i32
      %scan3A_56 = arith.constant 8 : i32
      %scan3A_57 = arith.addi %scan3A_55, %scan3A_56 : i32
      %scan3A_58 = arith.constant 1 : i32
      scf.for %scan3A_60 = %scan3A_55 to %scan3A_57 step %scan3A_58  : i32 {
        %mul3A_61 = arith.constant 16 : i32
        %mul3A_62 = arith.muli %scan3A_60, %mul3A_61 : i32
        %get3A = arith.index_cast %mul3A_62 : i32 to index
        %get3A_63 = tpu.vector_load %arg14[%get3A] {strides = array<i32>} : memref<128xi32, #tpu.memory_space<vmem>>, vector<16xi32>,
        %get3A_64 = vector.shape_cast %get3A_63 : vector<16xi32> to vector<16xi32>
        %slice3A = vector.extract_strided_slice %get3A_64 {offsets = [0], sizes = [1], strides = [1]} : vector<16xi32> to vector<1xi32>
        %squeeze3A = vector.extract %slice3A[0] : i32 from vector<1xi32>
        %mul3A_65 = arith.constant 16 : i32
        %mul3A_66 = arith.muli %scan3A_60, %mul3A_65 : i32
        %add3A_67 = arith.constant 0 : i32
        %add3A_68 = arith.addi %mul3A_66, %add3A_67 : i32
        %get3A_69 = arith.index_cast %add3A_68 : i32 to index
        %get3A_70 = arith.constant 0 : index
        %get3A_71 = tpu.vector_load %arg15[%get3A_69, %get3A_70] {strides = array<i32>} : memref<128x128xf32, #tpu.memory_space<vmem>>, vector<1x16xf32>,
        %get3A_72 = vector.shape_cast %get3A_71 : vector<1x16xf32> to vector<16xf32>
        %get3A_73 = arith.index_cast %squeeze3A : i32 to index
        %get3A_74 = arith.constant 0 : index
        %get3A_75 = tpu.vector_load %arg11[%get3A_73, %get3A_74] {strides = array<i32>} : memref<32x128xf32, #tpu.memory_space<vmem>>, vector<1x16xf32>,
        %get3A_76 = vector.shape_cast %get3A_75 : vector<1x16xf32> to vector<16xf32>
        %mul3A_77 = arith.mulf %get3A_72, %get3A_76 : vector<16xf32>
        %swap3A = arith.index_cast %add3A_68 : i32 to index
        %swap3A_78 = arith.constant 0 : index
        %swap3A_79 = tpu.vector_load %arg15[%swap3A, %swap3A_78] {strides = array<i32>} : memref<128x128xf32, #tpu.memory_space<vmem>>, vector<1x16xf32>,
        %swap3A_80 = vector.shape_cast %swap3A_79 : vector<1x16xf32> to vector<16xf32>
        %swap3A_81 = vector.shape_cast %mul3A_77 : vector<16xf32> to vector<1x16xf32>
        tpu.vector_store %arg15[%swap3A, %swap3A_78], %swap3A_81 {strides = array<i32>} : memref<128x128xf32, #tpu.memory_space<vmem>>, vector<1x16xf32>,
        %get3A_82 = arith.index_cast %add3A_68 : i32 to index
        %get3A_83 = arith.constant 16 : index
        %get3A_84 = tpu.vector_load %arg15[%get3A_82, %get3A_83] {strides = array<i32>} : memref<128x128xf32, #tpu.memory_space<vmem>>, vector<1x16xf32>,
        %get3A_85 = vector.shape_cast %get3A_84 : vector<1x16xf32> to vector<16xf32>
        %get3A_86 = arith.index_cast %squeeze3A : i32 to index
        %get3A_87 = arith.constant 16 : index
        %get3A_88 = tpu.vector_load %arg11[%get3A_86, %get3A_87] {strides = array<i32>} : memref<32x128xf32, #tpu.memory_space<vmem>>, vector<1x16xf32>,
        %get3A_89 = vector.shape_cast %get3A_88 : vector<1x16xf32> to vector<16xf32>
        %mul3A_90 = arith.mulf %get3A_85, %get3A_89 : vector<16xf32>
        %swap3A_91 = arith.index_cast %add3A_68 : i32 to index
        %swap3A_92 = arith.constant 16 : index
        %swap3A_93 = tpu.vector_load %arg15[%swap3A_91, %swap3A_92] {strides = array<i32>} : memref<128x128xf32, #tpu.memory_space<vmem>>, vector<1x16xf32>,
        %swap3A_94 = vector.shape_cast %swap3A_93 : vector<1x16xf32> to vector<16xf32>
        %swap3A_95 = vector.shape_cast %mul3A_90 : vector<16xf32> to vector<1x16xf32>
        tpu.vector_store %arg15[%swap3A_91, %swap3A_92], %swap3A_95 {strides = array<i32>} : memref<128x128xf32, #tpu.memory_space<vmem>>, vector<1x16xf32>,
        %get3A_96 = arith.index_cast %add3A_68 : i32 to index
        %get3A_97 = arith.constant 32 : index
        %get3A_98 = tpu.vector_load %arg15[%get3A_96, %get3A_97] {strides = array<i32>} : memref<128x128xf32, #tpu.memory_space<vmem>>, vector<1x16xf32>,
        %get3A_99 = vector.shape_cast %get3A_98 : vector<1x16xf32> to vector<16xf32>
        %get3A_100 = arith.index_cast %squeeze3A : i32 to index
        %get3A_101 = arith.constant 32 : index
        %get3A_102 = tpu.vector_load %arg11[%get3A_100, %get3A_101] {strides = array<i32>} : memref<32x128xf32, #tpu.memory_space<vmem>>, vector<1x16xf32>,
        %get3A_103 = vector.shape_cast %get3A_102 : vector<1x16xf32> to vector<16xf32>
        %mul3A_104 = arith.mulf %get3A_99, %get3A_103 : vector<16xf32>
        %swap3A_105 = arith.index_cast %add3A_68 : i32 to index
        %swap3A_106 = arith.constant 32 : index
        %swap3A_107 = tpu.vector_load %arg15[%swap3A_105, %swap3A_106] {strides = array<i32>} : memref<128x128xf32, #tpu.memory_space<vmem>>, vector<1x16xf32>,
        %swap3A_108 = vector.shape_cast %swap3A_107 : vector<1x16xf32> to vector<16xf32>
        %swap3A_109 = vector.shape_cast %mul3A_104 : vector<16xf32> to vector<1x16xf32>
        tpu.vector_store %arg15[%swap3A_105, %swap3A_106], %swap3A_109 {strides = array<i32>} : memref<128x128xf32, #tpu.memory_space<vmem>>, vector<1x16xf32>,
        %get3A_110 = arith.index_cast %add3A_68 : i32 to index
        %get3A_111 = arith.constant 48 : index
        %get3A_112 = tpu.vector_load %arg15[%get3A_110, %get3A_111] {strides = array<i32>} : memref<128x128xf32, #tpu.memory_space<vmem>>, vector<1x16xf32>,
        %get3A_113 = vector.shape_cast %get3A_112 : vector<1x16xf32> to vector<16xf32>
        %get3A_114 = arith.index_cast %squeeze3A : i32 to index
        %get3A_115 = arith.constant 48 : index
        %get3A_116 = tpu.vector_load %arg11[%get3A_114, %get3A_115] {strides = array<i32>} : memref<32x128xf32, #tpu.memory_space<vmem>>, vector<1x16xf32>,
        %get3A_117 = vector.shape_cast %get3A_116 : vector<1x16xf32> to vector<16xf32>
        %mul3A_118 = arith.mulf %get3A_113, %get3A_117 : vector<16xf32>
        %swap3A_119 = arith.index_cast %add3A_68 : i32 to index
        %swap3A_120 = arith.constant 48 : index
        %swap3A_121 = tpu.vector_load %arg15[%swap3A_119, %swap3A_120] {strides = array<i32>} : memref<128x128xf32, #tpu.memory_space<vmem>>, vector<1x16xf32>,
        %swap3A_122 = vector.shape_cast %swap3A_121 : vector<1x16xf32> to vector<16xf32>
        %swap3A_123 = vector.shape_cast %mul3A_118 : vector<16xf32> to vector<1x16xf32>
        tpu.vector_store %arg15[%swap3A_119, %swap3A_120], %swap3A_123 {strides = array<i32>} : memref<128x128xf32, #tpu.memory_space<vmem>>, vector<1x16xf32>,
        %get3A_124 = arith.index_cast %add3A_68 : i32 to index
        %get3A_125 = arith.constant 64 : index
        %get3A_126 = tpu.vector_load %arg15[%get3A_124, %get3A_125] {strides = array<i32>} : memref<128x128xf32, #tpu.memory_space<vmem>>, vector<1x16xf32>,
        %get3A_127 = vector.shape_cast %get3A_126 : vector<1x16xf32> to vector<16xf32>
        %get3A_128 = arith.index_cast %squeeze3A : i32 to index
        %get3A_129 = arith.constant 64 : index
        %get3A_130 = tpu.vector_load %arg11[%get3A_128, %get3A_129] {strides = array<i32>} : memref<32x128xf32, #tpu.memory_space<vmem>>, vector<1x16xf32>,
        %get3A_131 = vector.shape_cast %get3A_130 : vector<1x16xf32> to vector<16xf32>
        %mul3A_132 = arith.mulf %get3A_127, %get3A_131 : vector<16xf32>
        %swap3A_133 = arith.index_cast %add3A_68 : i32 to index
        %swap3A_134 = arith.constant 64 : index
        %swap3A_135 = tpu.vector_load %arg15[%swap3A_133, %swap3A_134] {strides = array<i32>} : memref<128x128xf32, #tpu.memory_space<vmem>>, vector<1x16xf32>,
        %swap3A_136 = vector.shape_cast %swap3A_135 : vector<1x16xf32> to vector<16xf32>
        %swap3A_137 = vector.shape_cast %mul3A_132 : vector<16xf32> to vector<1x16xf32>
        tpu.vector_store %arg15[%swap3A_133, %swap3A_134], %swap3A_137 {strides = array<i32>} : memref<128x128xf32, #tpu.memory_space<vmem>>, vector<1x16xf32>,
        %get3A_138 = arith.index_cast %add3A_68 : i32 to index
        %get3A_139 = arith.constant 80 : index
        %get3A_140 = tpu.vector_load %arg15[%get3A_138, %get3A_139] {strides = array<i32>} : memref<128x128xf32, #tpu.memory_space<vmem>>, vector<1x16xf32>,
        %get3A_141 = vector.shape_cast %get3A_140 : vector<1x16xf32> to vector<16xf32>
        %get3A_142 = arith.index_cast %squeeze3A : i32 to index
        %get3A_143 = arith.constant 80 : index
        %get3A_144 = tpu.vector_load %arg11[%get3A_142, %get3A_143] {strides = array<i32>} : memref<32x128xf32, #tpu.memory_space<vmem>>, vector<1x16xf32>,
        %get3A_145 = vector.shape_cast %get3A_144 : vector<1x16xf32> to vector<16xf32>
        %mul3A_146 = arith.mulf %get3A_141, %get3A_145 : vector<16xf32>
        %swap3A_147 = arith.index_cast %add3A_68 : i32 to index
        %swap3A_148 = arith.constant 80 : index
        %swap3A_149 = tpu.vector_load %arg15[%swap3A_147, %swap3A_148] {strides = array<i32>} : memref<128x128xf32, #tpu.memory_space<vmem>>, vector<1x16xf32>,
        %swap3A_150 = vector.shape_cast %swap3A_149 : vector<1x16xf32> to vector<16xf32>
        %swap3A_151 = vector.shape_cast %mul3A_146 : vector<16xf32> to vector<1x16xf32>
        tpu.vector_store %arg15[%swap3A_147, %swap3A_148], %swap3A_151 {strides = array<i32>} : memref<128x128xf32, #tpu.memory_space<vmem>>, vector<1x16xf32>,
        %get3A_152 = arith.index_cast %add3A_68 : i32 to index
        %get3A_153 = arith.constant 96 : index
        %get3A_154 = tpu.vector_load %arg15[%get3A_152, %get3A_153] {strides = array<i32>} : memref<128x128xf32, #tpu.memory_space<vmem>>, vector<1x16xf32>,
        %get3A_155 = vector.shape_cast %get3A_154 : vector<1x16xf32> to vector<16xf32>
        %get3A_156 = arith.index_cast %squeeze3A : i32 to index
        %get3A_157 = arith.constant 96 : index
        %get3A_158 = tpu.vector_load %arg11[%get3A_156, %get3A_157] {strides = array<i32>} : memref<32x128xf32, #tpu.memory_space<vmem>>, vector<1x16xf32>,
        %get3A_159 = vector.shape_cast %get3A_158 : vector<1x16xf32> to vector<16xf32>
        %mul3A_160 = arith.mulf %get3A_155, %get3A_159 : vector<16xf32>
        %swap3A_161 = arith.index_cast %add3A_68 : i32 to index
        %swap3A_162 = arith.constant 96 : index
        %swap3A_163 = tpu.vector_load %arg15[%swap3A_161, %swap3A_162] {strides = array<i32>} : memref<128x128xf32, #tpu.memory_space<vmem>>, vector<1x16xf32>,
        %swap3A_164 = vector.shape_cast %swap3A_163 : vector<1x16xf32> to vector<16xf32>
        %swap3A_165 = vector.shape_cast %mul3A_160 : vector<16xf32> to vector<1x16xf32>
        tpu.vector_store %arg15[%swap3A_161, %swap3A_162], %swap3A_165 {strides = array<i32>} : memref<128x128xf32, #tpu.memory_space<vmem>>, vector<1x16xf32>,
        %get3A_166 = arith.index_cast %add3A_68 : i32 to index
        %get3A_167 = arith.constant 112 : index
        %get3A_168 = tpu.vector_load %arg15[%get3A_166, %get3A_167] {strides = array<i32>} : memref<128x128xf32, #tpu.memory_space<vmem>>, vector<1x16xf32>,
        %get3A_169 = vector.shape_cast %get3A_168 : vector<1x16xf32> to vector<16xf32>
        %get3A_170 = arith.index_cast %squeeze3A : i32 to index
        %get3A_171 = arith.constant 112 : index
        %get3A_172 = tpu.vector_load %arg11[%get3A_170, %get3A_171] {strides = array<i32>} : memref<32x128xf32, #tpu.memory_space<vmem>>, vector<1x16xf32>,
        %get3A_173 = vector.shape_cast %get3A_172 : vector<1x16xf32> to vector<16xf32>
        %mul3A_174 = arith.mulf %get3A_169, %get3A_173 : vector<16xf32>
        %swap3A_175 = arith.index_cast %add3A_68 : i32 to index
        %swap3A_176 = arith.constant 112 : index
        %swap3A_177 = tpu.vector_load %arg15[%swap3A_175, %swap3A_176] {strides = array<i32>} : memref<128x128xf32, #tpu.memory_space<vmem>>, vector<1x16xf32>,
        %swap3A_178 = vector.shape_cast %swap3A_177 : vector<1x16xf32> to vector<16xf32>
        %swap3A_179 = vector.shape_cast %mul3A_174 : vector<16xf32> to vector<1x16xf32>
        tpu.vector_store %arg15[%swap3A_175, %swap3A_176], %swap3A_179 {strides = array<i32>} : memref<128x128xf32, #tpu.memory_space<vmem>>, vector<1x16xf32>,
        %slice3A_180 = vector.extract_strided_slice %get3A_64 {offsets = [1], sizes = [1], strides = [1]} : vector<16xi32> to vector<1xi32>
        %squeeze3A_181 = vector.extract %slice3A_180[0] : i32 from vector<1xi32>
        %mul3A_182 = arith.constant 16 : i32
        %mul3A_183 = arith.muli %scan3A_60, %mul3A_182 : i32
        %add3A_184 = arith.constant 1 : i32
        %add3A_185 = arith.addi %mul3A_183, %add3A_184 : i32
        %get3A_186 = arith.index_cast %add3A_185 : i32 to index
        %get3A_187 = arith.constant 0 : index
        %get3A_188 = tpu.vector_load %arg15[%get3A_186, %get3A_187] {strides = array<i32>} : memref<128x128xf32, #tpu.memory_space<vmem>>, vector<1x16xf32>,
        %get3A_189 = vector.shape_cast %get3A_188 : vector<1x16xf32> to vector<16xf32>
        %get3A_190 = arith.index_cast %squeeze3A_181 : i32 to index
        %get3A_191 = arith.constant 0 : index
        %get3A_192 = tpu.vector_load %arg11[%get3A_190, %get3A_191] {strides = array<i32>} : memref<32x128xf32, #tpu.memory_space<vmem>>, vector<1x16xf32>,
        %get3A_193 = vector.shape_cast %get3A_192 : vector<1x16xf32> to vector<16xf32>
        %mul3A_194 = arith.mulf %get3A_189, %get3A_193 : vector<16xf32>
        %swap3A_195 = arith.index_cast %add3A_185 : i32 to index
        %swap3A_196 = arith.constant 0 : index
        %swap3A_197 = tpu.vector_load %arg15[%swap3A_195, %swap3A_196] {strides = array<i32>} : memref<128x128xf32, #tpu.memory_space<vmem>>, vector<1x16xf32>,
        %swap3A_198 = vector.shape_cast %swap3A_197 : vector<1x16xf32> to vector<16xf32>
        %swap3A_199 = vector.shape_cast %mul3A_194 : vector<16xf32> to vector<1x16xf32>
        tpu.vector_store %arg15[%swap3A_195, %swap3A_196], %swap3A_199 {strides = array<i32>} : memref<128x128xf32, #tpu.memory_space<vmem>>, vector<1x16xf32>,
        %get3A_200 = arith.index_cast %add3A_185 : i32 to index
        %get3A_201 = arith.constant 16 : index
        %get3A_202 = tpu.vector_load %arg15[%get3A_200, %get3A_201] {strides = array<i32>} : memref<128x128xf32, #tpu.memory_space<vmem>>, vector<1x16xf32>,
        %get3A_203 = vector.shape_cast %get3A_202 : vector<1x16xf32> to vector<16xf32>
        %get3A_204 = arith.index_cast %squeeze3A_181 : i32 to index
        %get3A_205 = arith.constant 16 : index
        %get3A_206 = tpu.vector_load %arg11[%get3A_204, %get3A_205] {strides = array<i32>} : memref<32x128xf32, #tpu.memory_space<vmem>>, vector<1x16xf32>,
        %get3A_207 = vector.shape_cast %get3A_206 : vector<1x16xf32> to vector<16xf32>
        %mul3A_208 = arith.mulf %get3A_203, %get3A_207 : vector<16xf32>
        %swap3A_209 = arith.index_cast %add3A_185 : i32 to index
        %swap3A_210 = arith.constant 16 : index
        %swap3A_211 = tpu.vector_load %arg15[%swap3A_209, %swap3A_210] {strides = array<i32>} : memref<128x128xf32, #tpu.memory_space<vmem>>, vector<1x16xf32>,
        %swap3A_212 = vector.shape_cast %swap3A_211 : vector<1x16xf32> to vector<16xf32>
        %swap3A_213 = vector.shape_cast %mul3A_208 : vector<16xf32> to vector<1x16xf32>
        tpu.vector_store %arg15[%swap3A_209, %swap3A_210], %swap3A_213 {strides = array<i32>} : memref<128x128xf32, #tpu.memory_space<vmem>>, vector<1x16xf32>,
        %get3A_214 = arith.index_cast %add3A_185 : i32 to index
        %get3A_215 = arith.constant 32 : index
        %get3A_216 = tpu.vector_load %arg15[%get3A_214, %get3A_215] {strides = array<i32>} : memref<128x128xf32, #tpu.memory_space<vmem>>, vector<1x16xf32>,
        %get3A_217 = vector.shape_cast %get3A_216 : vector<1x16xf32> to vector<16xf32>
        %get3A_218 = arith.index_cast %squeeze3A_181 : i32 to index
        %get3A_219 = arith.constant 32 : index
        %get3A_220 = tpu.vector_load %arg11[%get3A_218, %get3A_219] {strides = array<i32>} : memref<32x128xf32, #tpu.memory_space<vmem>>, vector<1x16xf32>,
        %get3A_221 = vector.shape_cast %get3A_220 : vector<1x16xf32> to vector<16xf32>
        %mul3A_222 = arith.mulf %get3A_217, %get3A_221 : vector<16xf32>
        %swap3A_223 = arith.index_cast %add3A_185 : i32 to index
        %swap3A_224 = arith.constant 32 : index
        %swap3A_225 = tpu.vector_load %arg15[%swap3A_223, %swap3A_224] {strides = array<i32>} : memref<128x128xf32, #tpu.memory_space<vmem>>, vector<1x16xf32>,
        %swap3A_226 = vector.shape_cast %swap3A_225 : vector<1x16xf32> to vector<16xf32>
        %swap3A_227 = vector.shape_cast %mul3A_222 : vector<16xf32> to vector<1x16xf32>
        tpu.vector_store %arg15[%swap3A_223, %swap3A_224], %swap3A_227 {strides = array<i32>} : memref<128x128xf32, #tpu.memory_space<vmem>>, vector<1x16xf32>,
        %get3A_228 = arith.index_cast %add3A_185 : i32 to index
        %get3A_229 = arith.constant 48 : index
        %get3A_230 = tpu.vector_load %arg15[%get3A_228, %get3A_229] {strides = array<i32>} : memref<128x128xf32, #tpu.memory_space<vmem>>, vector<1x16xf32>,
        %get3A_231 = vector.shape_cast %get3A_230 : vector<1x16xf32> to vector<16xf32>
        %get3A_232 = arith.index_cast %squeeze3A_181 : i32 to index
        %get3A_233 = arith.constant 48 : index
        %get3A_234 = tpu.vector_load %arg11[%get3A_232, %get3A_233] {strides = array<i32>} : memref<32x128xf32, #tpu.memory_space<vmem>>, vector<1x16xf32>,
        %get3A_235 = vector.shape_cast %get3A_234 : vector<1x16xf32> to vector<16xf32>
        %mul3A_236 = arith.mulf %get3A_231, %get3A_235 : vector<16xf32>
        %swap3A_237 = arith.index_cast %add3A_185 : i32 to index
        %swap3A_238 = arith.constant 48 : index
        %swap3A_239 = tpu.vector_load %arg15[%swap3A_237, %swap3A_238] {strides = array<i32>} : memref<128x128xf32, #tpu.memory_space<vmem>>, vector<1x16xf32>,
        %swap3A_240 = vector.shape_cast %swap3A_239 : vector<1x16xf32> to vector<16xf32>
        %swap3A_241 = vector.shape_cast %mul3A_236 : vector<16xf32> to vector<1x16xf32>
        tpu.vector_store %arg15[%swap3A_237, %swap3A_238], %swap3A_241 {strides = array<i32>} : memref<128x128xf32, #tpu.memory_space<vmem>>, vector<1x16xf32>,
        %get3A_242 = arith.index_cast %add3A_185 : i32 to index
        %get3A_243 = arith.constant 64 : index
        %get3A_244 = tpu.vector_load %arg15[%get3A_242, %get3A_243] {strides = array<i32>} : memref<128x128xf32, #tpu.memory_space<vmem>>, vector<1x16xf32>,
        %get3A_245 = vector.shape_cast %get3A_244 : vector<1x16xf32> to vector<16xf32>
        %get3A_246 = arith.index_cast %squeeze3A_181 : i32 to index
        %get3A_247 = arith.constant 64 : index
        %get3A_248 = tpu.vector_load %arg11[%get3A_246, %get3A_247] {strides = array<i32>} : memref<32x128xf32, #tpu.memory_space<vmem>>, vector<1x16xf32>,
        %get3A_249 = vector.shape_cast %get3A_248 : vector<1x16xf32> to vector<16xf32>
        %mul3A_250 = arith.mulf %get3A_245, %get3A_249 : vector<16xf32>
        %swap3A_251 = arith.index_cast %add3A_185 : i32 to index
        %swap3A_252 = arith.constant 64 : index
        %swap3A_253 = tpu.vector_load %arg15[%swap3A_251, %swap3A_252] {strides = array<i32>} : memref<128x128xf32, #tpu.memory_space<vmem>>, vector<1x16xf32>,
        %swap3A_254 = vector.shape_cast %swap3A_253 : vector<1x16xf32> to vector<16xf32>
        %swap3A_255 = vector.shape_cast %mul3A_250 : vector<16xf32> to vector<1x16xf32>
        tpu.vector_store %arg15[%swap3A_251, %swap3A_252], %swap3A_255 {strides = array<i32>} : memref<128x128xf32, #tpu.memory_space<vmem>>, vector<1x16xf32>,
        %get3A_256 = arith.index_cast %add3A_185 : i32 to index
        %get3A_257 = arith.constant 80 : index
        %get3A_258 = tpu.vector_load %arg15[%get3A_256, %get3A_257] {strides = array<i32>} : memref<128x128xf32, #tpu.memory_space<vmem>>, vector<1x16xf32>,
        %get3A_259 = vector.shape_cast %get3A_258 : vector<1x16xf32> to vector<16xf32>
        %get3A_260 = arith.index_cast %squeeze3A_181 : i32 to index
        %get3A_261 = arith.constant 80 : index
        %get3A_262 = tpu.vector_load %arg11[%get3A_260, %get3A_261] {strides = array<i32>} : memref<32x128xf32, #tpu.memory_space<vmem>>, vector<1x16xf32>,
        %get3A_263 = vector.shape_cast %get3A_262 : vector<1x16xf32> to vector<16xf32>
        %mul3A_264 = arith.mulf %get3A_259, %get3A_263 : vector<16xf32>
        %swap3A_265 = arith.index_cast %add3A_185 : i32 to index
        %swap3A_266 = arith.constant 80 : index
        %swap3A_267 = tpu.vector_load %arg15[%swap3A_265, %swap3A_266] {strides = array<i32>} : memref<128x128xf32, #tpu.memory_space<vmem>>, vector<1x16xf32>,
        %swap3A_268 = vector.shape_cast %swap3A_267 : vector<1x16xf32> to vector<16xf32>
        %swap3A_269 = vector.shape_cast %mul3A_264 : vector<16xf32> to vector<1x16xf32>
        tpu.vector_store %arg15[%swap3A_265, %swap3A_266], %swap3A_269 {strides = array<i32>} : memref<128x128xf32, #tpu.memory_space<vmem>>, vector<1x16xf32>,
        %get3A_270 = arith.index_cast %add3A_185 : i32 to index
        %get3A_271 = arith.constant 96 : index
        %get3A_272 = tpu.vector_load %arg15[%get3A_270, %get3A_271] {strides = array<i32>} : memref<128x128xf32, #tpu.memory_space<vmem>>, vector<1x16xf32>,
        %get3A_273 = vector.shape_cast %get3A_272 : vector<1x16xf32> to vector<16xf32>
        %get3A_274 = arith.index_cast %squeeze3A_181 : i32 to index
        %get3A_275 = arith.constant 96 : index
        %get3A_276 = tpu.vector_load %arg11[%get3A_274, %get3A_275] {strides = array<i32>} : memref<32x128xf32, #tpu.memory_space<vmem>>, vector<1x16xf32>,
        %get3A_277 = vector.shape_cast %get3A_276 : vector<1x16xf32> to vector<16xf32>
        %mul3A_278 = arith.mulf %get3A_273, %get3A_277 : vector<16xf32>
        %swap3A_279 = arith.index_cast %add3A_185 : i32 to index
        %swap3A_280 = arith.constant 96 : index
        %swap3A_281 = tpu.vector_load %arg15[%swap3A_279, %swap3A_280] {strides = array<i32>} : memref<128x128xf32, #tpu.memory_space<vmem>>, vector<1x16xf32>,
        %swap3A_282 = vector.shape_cast %swap3A_281 : vector<1x16xf32> to vector<16xf32>
        %swap3A_283 = vector.shape_cast %mul3A_278 : vector<16xf32> to vector<1x16xf32>
        tpu.vector_store %arg15[%swap3A_279, %swap3A_280], %swap3A_283 {strides = array<i32>} : memref<128x128xf32, #tpu.memory_space<vmem>>, vector<1x16xf32>,
        %get3A_284 = arith.index_cast %add3A_185 : i32 to index
        %get3A_285 = arith.constant 112 : index
        %get3A_286 = tpu.vector_load %arg15[%get3A_284, %get3A_285] {strides = array<i32>} : memref<128x128xf32, #tpu.memory_space<vmem>>, vector<1x16xf32>,
        %get3A_287 = vector.shape_cast %get3A_286 : vector<1x16xf32> to vector<16xf32>
        %get3A_288 = arith.index_cast %squeeze3A_181 : i32 to index
        %get3A_289 = arith.constant 112 : index
        %get3A_290 = tpu.vector_load %arg11[%get3A_288, %get3A_289] {strides = array<i32>} : memref<32x128xf32, #tpu.memory_space<vmem>>, vector<1x16xf32>,
        %get3A_291 = vector.shape_cast %get3A_290 : vector<1x16xf32> to vector<16xf32>
        %mul3A_292 = arith.mulf %get3A_287, %get3A_291 : vector<16xf32>
        %swap3A_293 = arith.index_cast %add3A_185 : i32 to index
        %swap3A_294 = arith.constant 112 : index
        %swap3A_295 = tpu.vector_load %arg15[%swap3A_293, %swap3A_294] {strides = array<i32>} : memref<128x128xf32, #tpu.memory_space<vmem>>, vector<1x16xf32>,
        %swap3A_296 = vector.shape_cast %swap3A_295 : vector<1x16xf32> to vector<16xf32>
        %swap3A_297 = vector.shape_cast %mul3A_292 : vector<16xf32> to vector<1x16xf32>
        tpu.vector_store %arg15[%swap3A_293, %swap3A_294], %swap3A_297 {strides = array<i32>} : memref<128x128xf32, #tpu.memory_space<vmem>>, vector<1x16xf32>,
        %slice3A_298 = vector.extract_strided_slice %get3A_64 {offsets = [2], sizes = [1], strides = [1]} : vector<16xi32> to vector<1xi32>
        %squeeze3A_299 = vector.extract %slice3A_298[0] : i32 from vector<1xi32>
        %mul3A_300 = arith.constant 16 : i32
        %mul3A_301 = arith.muli %scan3A_60, %mul3A_300 : i32
        %add3A_302 = arith.constant 2 : i32
        %add3A_303 = arith.addi %mul3A_301, %add3A_302 : i32
        %get3A_304 = arith.index_cast %add3A_303 : i32 to index
        %get3A_305 = arith.constant 0 : index
        %get3A_306 = tpu.vector_load %arg15[%get3A_304, %get3A_305] {strides = array<i32>} : memref<128x128xf32, #tpu.memory_space<vmem>>, vector<1x16xf32>,
        %get3A_307 = vector.shape_cast %get3A_306 : vector<1x16xf32> to vector<16xf32>
        %get3A_308 = arith.index_cast %squeeze3A_299 : i32 to index
        %get3A_309 = arith.constant 0 : index
        %get3A_310 = tpu.vector_load %arg11[%get3A_308, %get3A_309] {strides = array<i32>} : memref<32x128xf32, #tpu.memory_space<vmem>>, vector<1x16xf32>,
        %get3A_311 = vector.shape_cast %get3A_310 : vector<1x16xf32> to vector<16xf32>
        %mul3A_312 = arith.mulf %get3A_307, %get3A_311 : vector<16xf32>
        %swap3A_313 = arith.index_cast %add3A_303 : i32 to index
        %swap3A_314 = arith.constant 0 : index
        %swap3A_315 = tpu.vector_load %arg15[%swap3A_313, %swap3A_314] {strides = array<i32>} : memref<128x128xf32, #tpu.memory_space<vmem>>, vector<1x16xf32>,
        %swap3A_316 = vector.shape_cast %swap3A_315 : vector<1x16xf32> to vector<16xf32>
        %swap3A_317 = vector.shape_cast %mul3A_312 : vector<16xf32> to vector<1x16xf32>
        tpu.vector_store %arg15[%swap3A_313, %swap3A_314], %swap3A_317 {strides = array<i32>} : memref<128x128xf32, #tpu.memory_space<vmem>>, vector<1x16xf32>,
        %get3A_318 = arith.index_cast %add3A_303 : i32 to index
        %get3A_319 = arith.constant 16 : index
        %get3A_320 = tpu.vector_load %arg15[%get3A_318, %get3A_319] {strides = array<i32>} : memref<128x128xf32, #tpu.memory_space<vmem>>, vector<1x16xf32>,
        %get3A_321 = vector.shape_cast %get3A_320 : vector<1x16xf32> to vector<16xf32>
        %get3A_322 = arith.index_cast %squeeze3A_299 : i32 to index
        %get3A_323 = arith.constant 16 : index
        %get3A_324 = tpu.vector_load %arg11[%get3A_322, %get3A_323] {strides = array<i32>} : memref<32x128xf32, #tpu.memory_space<vmem>>, vector<1x16xf32>,
        %get3A_325 = vector.shape_cast %get3A_324 : vector<1x16xf32> to vector<16xf32>
        %mul3A_326 = arith.mulf %get3A_321, %get3A_325 : vector<16xf32>
        %swap3A_327 = arith.index_cast %add3A_303 : i32 to index
        %swap3A_328 = arith.constant 16 : index
        %swap3A_329 = tpu.vector_load %arg15[%swap3A_327, %swap3A_328] {strides = array<i32>} : memref<128x128xf32, #tpu.memory_space<vmem>>, vector<1x16xf32>,
        %swap3A_330 = vector.shape_cast %swap3A_329 : vector<1x16xf32> to vector<16xf32>
        %swap3A_331 = vector.shape_cast %mul3A_326 : vector<16xf32> to vector<1x16xf32>
        tpu.vector_store %arg15[%swap3A_327, %swap3A_328], %swap3A_331 {strides = array<i32>} : memref<128x128xf32, #tpu.memory_space<vmem>>, vector<1x16xf32>,
        %get3A_332 = arith.index_cast %add3A_303 : i32 to index
        %get3A_333 = arith.constant 32 : index
        %get3A_334 = tpu.vector_load %arg15[%get3A_332, %get3A_333] {strides = array<i32>} : memref<128x128xf32, #tpu.memory_space<vmem>>, vector<1x16xf32>,
        %get3A_335 = vector.shape_cast %get3A_334 : vector<1x16xf32> to vector<16xf32>
        %get3A_336 = arith.index_cast %squeeze3A_299 : i32 to index
        %get3A_337 = arith.constant 32 : index
        %get3A_338 = tpu.vector_load %arg11[%get3A_336, %get3A_337] {strides = array<i32>} : memref<32x128xf32, #tpu.memory_space<vmem>>, vector<1x16xf32>,
        %get3A_339 = vector.shape_cast %get3A_338 : vector<1x16xf32> to vector<16xf32>
        %mul3A_340 = arith.mulf %get3A_335, %get3A_339 : vector<16xf32>
        %swap3A_341 = arith.index_cast %add3A_303 : i32 to index
        %swap3A_342 = arith.constant 32 : index
        %swap3A_343 = tpu.vector_load %arg15[%swap3A_341, %swap3A_342] {strides = array<i32>} : memref<128x128xf32, #tpu.memory_space<vmem>>, vector<1x16xf32>,
        %swap3A_344 = vector.shape_cast %swap3A_343 : vector<1x16xf32> to vector<16xf32>
        %swap3A_345 = vector.shape_cast %mul3A_340 : vector<16xf32> to vector<1x16xf32>
        tpu.vector_store %arg15[%swap3A_341, %swap3A_342], %swap3A_345 {strides = array<i32>} : memref<128x128xf32, #tpu.memory_space<vmem>>, vector<1x16xf32>,
        %get3A_346 = arith.index_cast %add3A_303 : i32 to index
        %get3A_347 = arith.constant 48 : index
        %get3A_348 = tpu.vector_load %arg15[%get3A_346, %get3A_347] {strides = array<i32>} : memref<128x128xf32, #tpu.memory_space<vmem>>, vector<1x16xf32>,
        %get3A_349 = vector.shape_cast %get3A_348 : vector<1x16xf32> to vector<16xf32>
        %get3A_350 = arith.index_cast %squeeze3A_299 : i32 to index
        %get3A_351 = arith.constant 48 : index
        %get3A_352 = tpu.vector_load %arg11[%get3A_350, %get3A_351] {strides = array<i32>} : memref<32x128xf32, #tpu.memory_space<vmem>>, vector<1x16xf32>,
        %get3A_353 = vector.shape_cast %get3A_352 : vector<1x16xf32> to vector<16xf32>
        %mul3A_354 = arith.mulf %get3A_349, %get3A_353 : vector<16xf32>
        %swap3A_355 = arith.index_cast %add3A_303 : i32 to index
        %swap3A_356 = arith.constant 48 : index
        %swap3A_357 = tpu.vector_load %arg15[%swap3A_355, %swap3A_356] {strides = array<i32>} : memref<128x128xf32, #tpu.memory_space<vmem>>, vector<1x16xf32>,
        %swap3A_358 = vector.shape_cast %swap3A_357 : vector<1x16xf32> to vector<16xf32>
        %swap3A_359 = vector.shape_cast %mul3A_354 : vector<16xf32> to vector<1x16xf32>
        tpu.vector_store %arg15[%swap3A_355, %swap3A_356], %swap3A_359 {strides = array<i32>} : memref<128x128xf32, #tpu.memory_space<vmem>>, vector<1x16xf32>,
        %get3A_360 = arith.index_cast %add3A_303 : i32 to index
        %get3A_361 = arith.constant 64 : index
        %get3A_362 = tpu.vector_load %arg15[%get3A_360, %get3A_361] {strides = array<i32>} : memref<128x128xf32, #tpu.memory_space<vmem>>, vector<1x16xf32>,
        %get3A_363 = vector.shape_cast %get3A_362 : vector<1x16xf32> to vector<16xf32>
        %get3A_364 = arith.index_cast %squeeze3A_299 : i32 to index
        %get3A_365 = arith.constant 64 : index
        %get3A_366 = tpu.vector_load %arg11[%get3A_364, %get3A_365] {strides = array<i32>} : memref<32x128xf32, #tpu.memory_space<vmem>>, vector<1x16xf32>,
        %get3A_367 = vector.shape_cast %get3A_366 : vector<1x16xf32> to vector<16xf32>
        %mul3A_368 = arith.mulf %get3A_363, %get3A_367 : vector<16xf32>
        %swap3A_369 = arith.index_cast %add3A_303 : i32 to index
        %swap3A_370 = arith.constant 64 : index
        %swap3A_371 = tpu.vector_load %arg15[%swap3A_369, %swap3A_370] {strides = array<i32>} : memref<128x128xf32, #tpu.memory_space<vmem>>, vector<1x16xf32>,
        %swap3A_372 = vector.shape_cast %swap3A_371 : vector<1x16xf32> to vector<16xf32>
        %swap3A_373 = vector.shape_cast %mul3A_368 : vector<16xf32> to vector<1x16xf32>
        tpu.vector_store %arg15[%swap3A_369, %swap3A_370], %swap3A_373 {strides = array<i32>} : memref<128x128xf32, #tpu.memory_space<vmem>>, vector<1x16xf32>,
        %get3A_374 = arith.index_cast %add3A_303 : i32 to index
        %get3A_375 = arith.constant 80 : index
        %get3A_376 = tpu.vector_load %arg15[%get3A_374, %get3A_375] {strides = array<i32>} : memref<128x128xf32, #tpu.memory_space<vmem>>, vector<1x16xf32>,
        %get3A_377 = vector.shape_cast %get3A_376 : vector<1x16xf32> to vector<16xf32>
        %get3A_378 = arith.index_cast %squeeze3A_299 : i32 to index
        %get3A_379 = arith.constant 80 : index
        %get3A_380 = tpu.vector_load %arg11[%get3A_378, %get3A_379] {strides = array<i32>} : memref<32x128xf32, #tpu.memory_space<vmem>>, vector<1x16xf32>,
        %get3A_381 = vector.shape_cast %get3A_380 : vector<1x16xf32> to vector<16xf32>
        %mul3A_382 = arith.mulf %get3A_377, %get3A_381 : vector<16xf32>
        %swap3A_383 = arith.index_cast %add3A_303 : i32 to index
        %swap3A_384 = arith.constant 80 : index
        %swap3A_385 = tpu.vector_load %arg15[%swap3A_383, %swap3A_384] {strides = array<i32>} : memref<128x128xf32, #tpu.memory_space<vmem>>, vector<1x16xf32>,
        %swap3A_386 = vector.shape_cast %swap3A_385 : vector<1x16xf32> to vector<16xf32>
        %swap3A_387 = vector.shape_cast %mul3A_382 : vector<16xf32> to vector<1x16xf32>
        tpu.vector_store %arg15[%swap3A_383, %swap3A_384], %swap3A_387 {strides = array<i32>} : memref<128x128xf32, #tpu.memory_space<vmem>>, vector<1x16xf32>,
        %get3A_388 = arith.index_cast %add3A_303 : i32 to index
        %get3A_389 = arith.constant 96 : index
        %get3A_390 = tpu.vector_load %arg15[%get3A_388, %get3A_389] {strides = array<i32>} : memref<128x128xf32, #tpu.memory_space<vmem>>, vector<1x16xf32>,
        %get3A_391 = vector.shape_cast %get3A_390 : vector<1x16xf32> to vector<16xf32>
        %get3A_392 = arith.index_cast %squeeze3A_299 : i32 to index
        %get3A_393 = arith.constant 96 : index
        %get3A_394 = tpu.vector_load %arg11[%get3A_392, %get3A_393] {strides = array<i32>} : memref<32x128xf32, #tpu.memory_space<vmem>>, vector<1x16xf32>,
        %get3A_395 = vector.shape_cast %get3A_394 : vector<1x16xf32> to vector<16xf32>
        %mul3A_396 = arith.mulf %get3A_391, %get3A_395 : vector<16xf32>
        %swap3A_397 = arith.index_cast %add3A_303 : i32 to index
        %swap3A_398 = arith.constant 96 : index
        %swap3A_399 = tpu.vector_load %arg15[%swap3A_397, %swap3A_398] {strides = array<i32>} : memref<128x128xf32, #tpu.memory_space<vmem>>, vector<1x16xf32>,
        %swap3A_400 = vector.shape_cast %swap3A_399 : vector<1x16xf32> to vector<16xf32>
        %swap3A_401 = vector.shape_cast %mul3A_396 : vector<16xf32> to vector<1x16xf32>
        tpu.vector_store %arg15[%swap3A_397, %swap3A_398], %swap3A_401 {strides = array<i32>} : memref<128x128xf32, #tpu.memory_space<vmem>>, vector<1x16xf32>,
        %get3A_402 = arith.index_cast %add3A_303 : i32 to index
        %get3A_403 = arith.constant 112 : index
        %get3A_404 = tpu.vector_load %arg15[%get3A_402, %get3A_403] {strides = array<i32>} : memref<128x128xf32, #tpu.memory_space<vmem>>, vector<1x16xf32>,
        %get3A_405 = vector.shape_cast %get3A_404 : vector<1x16xf32> to vector<16xf32>
        %get3A_406 = arith.index_cast %squeeze3A_299 : i32 to index
        %get3A_407 = arith.constant 112 : index
        %get3A_408 = tpu.vector_load %arg11[%get3A_406, %get3A_407] {strides = array<i32>} : memref<32x128xf32, #tpu.memory_space<vmem>>, vector<1x16xf32>,
        %get3A_409 = vector.shape_cast %get3A_408 : vector<1x16xf32> to vector<16xf32>
        %mul3A_410 = arith.mulf %get3A_405, %get3A_409 : vector<16xf32>
        %swap3A_411 = arith.index_cast %add3A_303 : i32 to index
        %swap3A_412 = arith.constant 112 : index
        %swap3A_413 = tpu.vector_load %arg15[%swap3A_411, %swap3A_412] {strides = array<i32>} : memref<128x128xf32, #tpu.memory_space<vmem>>, vector<1x16xf32>,
        %swap3A_414 = vector.shape_cast %swap3A_413 : vector<1x16xf32> to vector<16xf32>
        %swap3A_415 = vector.shape_cast %mul3A_410 : vector<16xf32> to vector<1x16xf32>
        tpu.vector_store %arg15[%swap3A_411, %swap3A_412], %swap3A_415 {strides = array<i32>} : memref<128x128xf32, #tpu.memory_space<vmem>>, vector<1x16xf32>,
        %slice3A_416 = vector.extract_strided_slice %get3A_64 {offsets = [3], sizes = [1], strides = [1]} : vector<16xi32> to vector<1xi32>
        %squeeze3A_417 = vector.extract %slice3A_416[0] : i32 from vector<1xi32>
        %mul3A_418 = arith.constant 16 : i32
        %mul3A_419 = arith.muli %scan3A_60, %mul3A_418 : i32
        %add3A_420 = arith.constant 3 : i32
        %add3A_421 = arith.addi %mul3A_419, %add3A_420 : i32
        %get3A_422 = arith.index_cast %add3A_421 : i32 to index
        %get3A_423 = arith.constant 0 : index
        %get3A_424 = tpu.vector_load %arg15[%get3A_422, %get3A_423] {strides = array<i32>} : memref<128x128xf32, #tpu.memory_space<vmem>>, vector<1x16xf32>,
        %get3A_425 = vector.shape_cast %get3A_424 : vector<1x16xf32> to vector<16xf32>
        %get3A_426 = arith.index_cast %squeeze3A_417 : i32 to index
        %get3A_427 = arith.constant 0 : index
        %get3A_428 = tpu.vector_load %arg11[%get3A_426, %get3A_427] {strides = array<i32>} : memref<32x128xf32, #tpu.memory_space<vmem>>, vector<1x16xf32>,
        %get3A_429 = vector.shape_cast %get3A_428 : vector<1x16xf32> to vector<16xf32>
        %mul3A_430 = arith.mulf %get3A_425, %get3A_429 : vector<16xf32>
        %swap3A_431 = arith.index_cast %add3A_421 : i32 to index
        %swap3A_432 = arith.constant 0 : index
        %swap3A_433 = tpu.vector_load %arg15[%swap3A_431, %swap3A_432] {strides = array<i32>} : memref<128x128xf32, #tpu.memory_space<vmem>>, vector<1x16xf32>,
        %swap3A_434 = vector.shape_cast %swap3A_433 : vector<1x16xf32> to vector<16xf32>
        %swap3A_435 = vector.shape_cast %mul3A_430 : vector<16xf32> to vector<1x16xf32>
        tpu.vector_store %arg15[%swap3A_431, %swap3A_432], %swap3A_435 {strides = array<i32>} : memref<128x128xf32, #tpu.memory_space<vmem>>, vector<1x16xf32>,
        %get3A_436 = arith.index_cast %add3A_421 : i32 to index
        %get3A_437 = arith.constant 16 : index
        %get3A_438 = tpu.vector_load %arg15[%get3A_436, %get3A_437] {strides = array<i32>} : memref<128x128xf32, #tpu.memory_space<vmem>>, vector<1x16xf32>,
        %get3A_439 = vector.shape_cast %get3A_438 : vector<1x16xf32> to vector<16xf32>
        %get3A_440 = arith.index_cast %squeeze3A_417 : i32 to index
        %get3A_441 = arith.constant 16 : index
        %get3A_442 = tpu.vector_load %arg11[%get3A_440, %get3A_441] {strides = array<i32>} : memref<32x128xf32, #tpu.memory_space<vmem>>, vector<1x16xf32>,
        %get3A_443 = vector.shape_cast %get3A_442 : vector<1x16xf32> to vector<16xf32>
        %mul3A_444 = arith.mulf %get3A_439, %get3A_443 : vector<16xf32>
        %swap3A_445 = arith.index_cast %add3A_421 : i32 to index
        %swap3A_446 = arith.constant 16 : index
        %swap3A_447 = tpu.vector_load %arg15[%swap3A_445, %swap3A_446] {strides = array<i32>} : memref<128x128xf32, #tpu.memory_space<vmem>>, vector<1x16xf32>,
        %swap3A_448 = vector.shape_cast %swap3A_447 : vector<1x16xf32> to vector<16xf32>
        %swap3A_449 = vector.shape_cast %mul3A_444 : vector<16xf32> to vector<1x16xf32>
        tpu.vector_store %arg15[%swap3A_445, %swap3A_446], %swap3A_449 {strides = array<i32>} : memref<128x128xf32, #tpu.memory_space<vmem>>, vector<1x16xf32>,
        %get3A_450 = arith.index_cast %add3A_421 : i32 to index
        %get3A_451 = arith.constant 32 : index
        %get3A_452 = tpu.vector_load %arg15[%get3A_450, %get3A_451] {strides = array<i32>} : memref<128x128xf32, #tpu.memory_space<vmem>>, vector<1x16xf32>,
        %get3A_453 = vector.shape_cast %get3A_452 : vector<1x16xf32> to vector<16xf32>
        %get3A_454 = arith.index_cast %squeeze3A_417 : i32 to index
        %get3A_455 = arith.constant 32 : index
        %get3A_456 = tpu.vector_load %arg11[%get3A_454, %get3A_455] {strides = array<i32>} : memref<32x128xf32, #tpu.memory_space<vmem>>, vector<1x16xf32>,
        %get3A_457 = vector.shape_cast %get3A_456 : vector<1x16xf32> to vector<16xf32>
        %mul3A_458 = arith.mulf %get3A_453, %get3A_457 : vector<16xf32>
        %swap3A_459 = arith.index_cast %add3A_421 : i32 to index
        %swap3A_460 = arith.constant 32 : index
        %swap3A_461 = tpu.vector_load %arg15[%swap3A_459, %swap3A_460] {strides = array<i32>} : memref<128x128xf32, #tpu.memory_space<vmem>>, vector<1x16xf32>,
        %swap3A_462 = vector.shape_cast %swap3A_461 : vector<1x16xf32> to vector<16xf32>
        %swap3A_463 = vector.shape_cast %mul3A_458 : vector<16xf32> to vector<1x16xf32>
        tpu.vector_store %arg15[%swap3A_459, %swap3A_460], %swap3A_463 {strides = array<i32>} : memref<128x128xf32, #tpu.memory_space<vmem>>, vector<1x16xf32>,
        %get3A_464 = arith.index_cast %add3A_421 : i32 to index
        %get3A_465 = arith.constant 48 : index
        %get3A_466 = tpu.vector_load %arg15[%get3A_464, %get3A_465] {strides = array<i32>} : memref<128x128xf32, #tpu.memory_space<vmem>>, vector<1x16xf32>,
        %get3A_467 = vector.shape_cast %get3A_466 : vector<1x16xf32> to vector<16xf32>
        %get3A_468 = arith.index_cast %squeeze3A_417 : i32 to index
        %get3A_469 = arith.constant 48 : index
        %get3A_470 = tpu.vector_load %arg11[%get3A_468, %get3A_469] {strides = array<i32>} : memref<32x128xf32, #tpu.memory_space<vmem>>, vector<1x16xf32>,
        %get3A_471 = vector.shape_cast %get3A_470 : vector<1x16xf32> to vector<16xf32>
        %mul3A_472 = arith.mulf %get3A_467, %get3A_471 : vector<16xf32>
        %swap3A_473 = arith.index_cast %add3A_421 : i32 to index
        %swap3A_474 = arith.constant 48 : index
        %swap3A_475 = tpu.vector_load %arg15[%swap3A_473, %swap3A_474] {strides = array<i32>} : memref<128x128xf32, #tpu.memory_space<vmem>>, vector<1x16xf32>,
        %swap3A_476 = vector.shape_cast %swap3A_475 : vector<1x16xf32> to vector<16xf32>
        %swap3A_477 = vector.shape_cast %mul3A_472 : vector<16xf32> to vector<1x16xf32>
        tpu.vector_store %arg15[%swap3A_473, %swap3A_474], %swap3A_477 {strides = array<i32>} : memref<128x128xf32, #tpu.memory_space<vmem>>, vector<1x16xf32>,
        %get3A_478 = arith.index_cast %add3A_421 : i32 to index
        %get3A_479 = arith.constant 64 : index
        %get3A_480 = tpu.vector_load %arg15[%get3A_478, %get3A_479] {strides = array<i32>} : memref<128x128xf32, #tpu.memory_space<vmem>>, vector<1x16xf32>,
        %get3A_481 = vector.shape_cast %get3A_480 : vector<1x16xf32> to vector<16xf32>
        %get3A_482 = arith.index_cast %squeeze3A_417 : i32 to index
        %get3A_483 = arith.constant 64 : index
        %get3A_484 = tpu.vector_load %arg11[%get3A_482, %get3A_483] {strides = array<i32>} : memref<32x128xf32, #tpu.memory_space<vmem>>, vector<1x16xf32>,
        %get3A_485 = vector.shape_cast %get3A_484 : vector<1x16xf32> to vector<16xf32>
        %mul3A_486 = arith.mulf %get3A_481, %get3A_485 : vector<16xf32>
        %swap3A_487 = arith.index_cast %add3A_421 : i32 to index
        %swap3A_488 = arith.constant 64 : index
        %swap3A_489 = tpu.vector_load %arg15[%swap3A_487, %swap3A_488] {strides = array<i32>} : memref<128x128xf32, #tpu.memory_space<vmem>>, vector<1x16xf32>,
        %swap3A_490 = vector.shape_cast %swap3A_489 : vector<1x16xf32> to vector<16xf32>
        %swap3A_491 = vector.shape_cast %mul3A_486 : vector<16xf32> to vector<1x16xf32>
        tpu.vector_store %arg15[%swap3A_487, %swap3A_488], %swap3A_491 {strides = array<i32>} : memref<128x128xf32, #tpu.memory_space<vmem>>, vector<1x16xf32>,
        %get3A_492 = arith.index_cast %add3A_421 : i32 to index
        %get3A_493 = arith.constant 80 : index
        %get3A_494 = tpu.vector_load %arg15[%get3A_492, %get3A_493] {strides = array<i32>} : memref<128x128xf32, #tpu.memory_space<vmem>>, vector<1x16xf32>,
        %get3A_495 = vector.shape_cast %get3A_494 : vector<1x16xf32> to vector<16xf32>
        %get3A_496 = arith.index_cast %squeeze3A_417 : i32 to index
        %get3A_497 = arith.constant 80 : index
        %get3A_498 = tpu.vector_load %arg11[%get3A_496, %get3A_497] {strides = array<i32>} : memref<32x128xf32, #tpu.memory_space<vmem>>, vector<1x16xf32>,
        %get3A_499 = vector.shape_cast %get3A_498 : vector<1x16xf32> to vector<16xf32>
        %mul3A_500 = arith.mulf %get3A_495, %get3A_499 : vector<16xf32>
        %swap3A_501 = arith.index_cast %add3A_421 : i32 to index
        %swap3A_502 = arith.constant 80 : index
        %swap3A_503 = tpu.vector_load %arg15[%swap3A_501, %swap3A_502] {strides = array<i32>} : memref<128x128xf32, #tpu.memory_space<vmem>>, vector<1x16xf32>,
        %swap3A_504 = vector.shape_cast %swap3A_503 : vector<1x16xf32> to vector<16xf32>
        %swap3A_505 = vector.shape_cast %mul3A_500 : vector<16xf32> to vector<1x16xf32>
        tpu.vector_store %arg15[%swap3A_501, %swap3A_502], %swap3A_505 {strides = array<i32>} : memref<128x128xf32, #tpu.memory_space<vmem>>, vector<1x16xf32>,
        %get3A_506 = arith.index_cast %add3A_421 : i32 to index
        %get3A_507 = arith.constant 96 : index
        %get3A_508 = tpu.vector_load %arg15[%get3A_506, %get3A_507] {strides = array<i32>} : memref<128x128xf32, #tpu.memory_space<vmem>>, vector<1x16xf32>,
        %get3A_509 = vector.shape_cast %get3A_508 : vector<1x16xf32> to vector<16xf32>
        %get3A_510 = arith.index_cast %squeeze3A_417 : i32 to index
        %get3A_511 = arith.constant 96 : index
        %get3A_512 = tpu.vector_load %arg11[%get3A_510, %get3A_511] {strides = array<i32>} : memref<32x128xf32, #tpu.memory_space<vmem>>, vector<1x16xf32>,
        %get3A_513 = vector.shape_cast %get3A_512 : vector<1x16xf32> to vector<16xf32>
        %mul3A_514 = arith.mulf %get3A_509, %get3A_513 : vector<16xf32>
        %swap3A_515 = arith.index_cast %add3A_421 : i32 to index
        %swap3A_516 = arith.constant 96 : index
        %swap3A_517 = tpu.vector_load %arg15[%swap3A_515, %swap3A_516] {strides = array<i32>} : memref<128x128xf32, #tpu.memory_space<vmem>>, vector<1x16xf32>,
        %swap3A_518 = vector.shape_cast %swap3A_517 : vector<1x16xf32> to vector<16xf32>
        %swap3A_519 = vector.shape_cast %mul3A_514 : vector<16xf32> to vector<1x16xf32>
        tpu.vector_store %arg15[%swap3A_515, %swap3A_516], %swap3A_519 {strides = array<i32>} : memref<128x128xf32, #tpu.memory_space<vmem>>, vector<1x16xf32>,
        %get3A_520 = arith.index_cast %add3A_421 : i32 to index
        %get3A_521 = arith.constant 112 : index
        %get3A_522 = tpu.vector_load %arg15[%get3A_520, %get3A_521] {strides = array<i32>} : memref<128x128xf32, #tpu.memory_space<vmem>>, vector<1x16xf32>,
        %get3A_523 = vector.shape_cast %get3A_522 : vector<1x16xf32> to vector<16xf32>
        %get3A_524 = arith.index_cast %squeeze3A_417 : i32 to index
        %get3A_525 = arith.constant 112 : index
        %get3A_526 = tpu.vector_load %arg11[%get3A_524, %get3A_525] {strides = array<i32>} : memref<32x128xf32, #tpu.memory_space<vmem>>, vector<1x16xf32>,
        %get3A_527 = vector.shape_cast %get3A_526 : vector<1x16xf32> to vector<16xf32>
        %mul3A_528 = arith.mulf %get3A_523, %get3A_527 : vector<16xf32>
        %swap3A_529 = arith.index_cast %add3A_421 : i32 to index
        %swap3A_530 = arith.constant 112 : index
        %swap3A_531 = tpu.vector_load %arg15[%swap3A_529, %swap3A_530] {strides = array<i32>} : memref<128x128xf32, #tpu.memory_space<vmem>>, vector<1x16xf32>,
        %swap3A_532 = vector.shape_cast %swap3A_531 : vector<1x16xf32> to vector<16xf32>
        %swap3A_533 = vector.shape_cast %mul3A_528 : vector<16xf32> to vector<1x16xf32>
        tpu.vector_store %arg15[%swap3A_529, %swap3A_530], %swap3A_533 {strides = array<i32>} : memref<128x128xf32, #tpu.memory_space<vmem>>, vector<1x16xf32>,
        %slice3A_534 = vector.extract_strided_slice %get3A_64 {offsets = [4], sizes = [1], strides = [1]} : vector<16xi32> to vector<1xi32>
        %squeeze3A_535 = vector.extract %slice3A_534[0] : i32 from vector<1xi32>
        %mul3A_536 = arith.constant 16 : i32
        %mul3A_537 = arith.muli %scan3A_60, %mul3A_536 : i32
        %add3A_538 = arith.constant 4 : i32
        %add3A_539 = arith.addi %mul3A_537, %add3A_538 : i32
        %get3A_540 = arith.index_cast %add3A_539 : i32 to index
        %get3A_541 = arith.constant 0 : index
        %get3A_542 = tpu.vector_load %arg15[%get3A_540, %get3A_541] {strides = array<i32>} : memref<128x128xf32, #tpu.memory_space<vmem>>, vector<1x16xf32>,
        %get3A_543 = vector.shape_cast %get3A_542 : vector<1x16xf32> to vector<16xf32>
        %get3A_544 = arith.index_cast %squeeze3A_535 : i32 to index
        %get3A_545 = arith.constant 0 : index
        %get3A_546 = tpu.vector_load %arg11[%get3A_544, %get3A_545] {strides = array<i32>} : memref<32x128xf32, #tpu.memory_space<vmem>>, vector<1x16xf32>,
        %get3A_547 = vector.shape_cast %get3A_546 : vector<1x16xf32> to vector<16xf32>
        %mul3A_548 = arith.mulf %get3A_543, %get3A_547 : vector<16xf32>
        %swap3A_549 = arith.index_cast %add3A_539 : i32 to index
        %swap3A_550 = arith.constant 0 : index
        %swap3A_551 = tpu.vector_load %arg15[%swap3A_549, %swap3A_550] {strides = array<i32>} : memref<128x128xf32, #tpu.memory_space<vmem>>, vector<1x16xf32>,
        %swap3A_552 = vector.shape_cast %swap3A_551 : vector<1x16xf32> to vector<16xf32>
        %swap3A_553 = vector.shape_cast %mul3A_548 : vector<16xf32> to vector<1x16xf32>
        tpu.vector_store %arg15[%swap3A_549, %swap3A_550], %swap3A_553 {strides = array<i32>} : memref<128x128xf32, #tpu.memory_space<vmem>>, vector<1x16xf32>,
        %get3A_554 = arith.index_cast %add3A_539 : i32 to index
        %get3A_555 = arith.constant 16 : index
        %get3A_556 = tpu.vector_load %arg15[%get3A_554, %get3A_555] {strides = array<i32>} : memref<128x128xf32, #tpu.memory_space<vmem>>, vector<1x16xf32>,
        %get3A_557 = vector.shape_cast %get3A_556 : vector<1x16xf32> to vector<16xf32>
        %get3A_558 = arith.index_cast %squeeze3A_535 : i32 to index
        %get3A_559 = arith.constant 16 : index
        %get3A_560 = tpu.vector_load %arg11[%get3A_558, %get3A_559] {strides = array<i32>} : memref<32x128xf32, #tpu.memory_space<vmem>>, vector<1x16xf32>,
        %get3A_561 = vector.shape_cast %get3A_560 : vector<1x16xf32> to vector<16xf32>
        %mul3A_562 = arith.mulf %get3A_557, %get3A_561 : vector<16xf32>
        %swap3A_563 = arith.index_cast %add3A_539 : i32 to index
        %swap3A_564 = arith.constant 16 : index
        %swap3A_565 = tpu.vector_load %arg15[%swap3A_563, %swap3A_564] {strides = array<i32>} : memref<128x128xf32, #tpu.memory_space<vmem>>, vector<1x16xf32>,
        %swap3A_566 = vector.shape_cast %swap3A_565 : vector<1x16xf32> to vector<16xf32>
        %swap3A_567 = vector.shape_cast %mul3A_562 : vector<16xf32> to vector<1x16xf32>
        tpu.vector_store %arg15[%swap3A_563, %swap3A_564], %swap3A_567 {strides = array<i32>} : memref<128x128xf32, #tpu.memory_space<vmem>>, vector<1x16xf32>,
        %get3A_568 = arith.index_cast %add3A_539 : i32 to index
        %get3A_569 = arith.constant 32 : index
        %get3A_570 = tpu.vector_load %arg15[%get3A_568, %get3A_569] {strides = array<i32>} : memref<128x128xf32, #tpu.memory_space<vmem>>, vector<1x16xf32>,
        %get3A_571 = vector.shape_cast %get3A_570 : vector<1x16xf32> to vector<16xf32>
        %get3A_572 = arith.index_cast %squeeze3A_535 : i32 to index
        %get3A_573 = arith.constant 32 : index
        %get3A_574 = tpu.vector_load %arg11[%get3A_572, %get3A_573] {strides = array<i32>} : memref<32x128xf32, #tpu.memory_space<vmem>>, vector<1x16xf32>,
        %get3A_575 = vector.shape_cast %get3A_574 : vector<1x16xf32> to vector<16xf32>
        %mul3A_576 = arith.mulf %get3A_571, %get3A_575 : vector<16xf32>
        %swap3A_577 = arith.index_cast %add3A_539 : i32 to index
        %swap3A_578 = arith.constant 32 : index
        %swap3A_579 = tpu.vector_load %arg15[%swap3A_577, %swap3A_578] {strides = array<i32>} : memref<128x128xf32, #tpu.memory_space<vmem>>, vector<1x16xf32>,
        %swap3A_580 = vector.shape_cast %swap3A_579 : vector<1x16xf32> to vector<16xf32>
        %swap3A_581 = vector.shape_cast %mul3A_576 : vector<16xf32> to vector<1x16xf32>
        tpu.vector_store %arg15[%swap3A_577, %swap3A_578], %swap3A_581 {strides = array<i32>} : memref<128x128xf32, #tpu.memory_space<vmem>>, vector<1x16xf32>,
        %get3A_582 = arith.index_cast %add3A_539 : i32 to index
        %get3A_583 = arith.constant 48 : index
        %get3A_584 = tpu.vector_load %arg15[%get3A_582, %get3A_583] {strides = array<i32>} : memref<128x128xf32, #tpu.memory_space<vmem>>, vector<1x16xf32>,
        %get3A_585 = vector.shape_cast %get3A_584 : vector<1x16xf32> to vector<16xf32>
        %get3A_586 = arith.index_cast %squeeze3A_535 : i32 to index
        %get3A_587 = arith.constant 48 : index
        %get3A_588 = tpu.vector_load %arg11[%get3A_586, %get3A_587] {strides = array<i32>} : memref<32x128xf32, #tpu.memory_space<vmem>>, vector<1x16xf32>,
        %get3A_589 = vector.shape_cast %get3A_588 : vector<1x16xf32> to vector<16xf32>
        %mul3A_590 = arith.mulf %get3A_585, %get3A_589 : vector<16xf32>
        %swap3A_591 = arith.index_cast %add3A_539 : i32 to index
        %swap3A_592 = arith.constant 48 : index
        %swap3A_593 = tpu.vector_load %arg15[%swap3A_591, %swap3A_592] {strides = array<i32>} : memref<128x128xf32, #tpu.memory_space<vmem>>, vector<1x16xf32>,
        %swap3A_594 = vector.shape_cast %swap3A_593 : vector<1x16xf32> to vector<16xf32>
        %swap3A_595 = vector.shape_cast %mul3A_590 : vector<16xf32> to vector<1x16xf32>
        tpu.vector_store %arg15[%swap3A_591, %swap3A_592], %swap3A_595 {strides = array<i32>} : memref<128x128xf32, #tpu.memory_space<vmem>>, vector<1x16xf32>,
        %get3A_596 = arith.index_cast %add3A_539 : i32 to index
        %get3A_597 = arith.constant 64 : index
        %get3A_598 = tpu.vector_load %arg15[%get3A_596, %get3A_597] {strides = array<i32>} : memref<128x128xf32, #tpu.memory_space<vmem>>, vector<1x16xf32>,
        %get3A_599 = vector.shape_cast %get3A_598 : vector<1x16xf32> to vector<16xf32>
        %get3A_600 = arith.index_cast %squeeze3A_535 : i32 to index
        %get3A_601 = arith.constant 64 : index
        %get3A_602 = tpu.vector_load %arg11[%get3A_600, %get3A_601] {strides = array<i32>} : memref<32x128xf32, #tpu.memory_space<vmem>>, vector<1x16xf32>,
        %get3A_603 = vector.shape_cast %get3A_602 : vector<1x16xf32> to vector<16xf32>
        %mul3A_604 = arith.mulf %get3A_599, %get3A_603 : vector<16xf32>
        %swap3A_605 = arith.index_cast %add3A_539 : i32 to index
        %swap3A_606 = arith.constant 64 : index
        %swap3A_607 = tpu.vector_load %arg15[%swap3A_605, %swap3A_606] {strides = array<i32>} : memref<128x128xf32, #tpu.memory_space<vmem>>, vector<1x16xf32>,
        %swap3A_608 = vector.shape_cast %swap3A_607 : vector<1x16xf32> to vector<16xf32>
        %swap3A_609 = vector.shape_cast %mul3A_604 : vector<16xf32> to vector<1x16xf32>
        tpu.vector_store %arg15[%swap3A_605, %swap3A_606], %swap3A_609 {strides = array<i32>} : memref<128x128xf32, #tpu.memory_space<vmem>>, vector<1x16xf32>,
        %get3A_610 = arith.index_cast %add3A_539 : i32 to index
        %get3A_611 = arith.constant 80 : index
        %get3A_612 = tpu.vector_load %arg15[%get3A_610, %get3A_611] {strides = array<i32>} : memref<128x128xf32, #tpu.memory_space<vmem>>, vector<1x16xf32>,
        %get3A_613 = vector.shape_cast %get3A_612 : vector<1x16xf32> to vector<16xf32>
        %get3A_614 = arith.index_cast %squeeze3A_535 : i32 to index
        %get3A_615 = arith.constant 80 : index
        %get3A_616 = tpu.vector_load %arg11[%get3A_614, %get3A_615] {strides = array<i32>} : memref<32x128xf32, #tpu.memory_space<vmem>>, vector<1x16xf32>,
        %get3A_617 = vector.shape_cast %get3A_616 : vector<1x16xf32> to vector<16xf32>
        %mul3A_618 = arith.mulf %get3A_613, %get3A_617 : vector<16xf32>
        %swap3A_619 = arith.index_cast %add3A_539 : i32 to index
        %swap3A_620 = arith.constant 80 : index
        %swap3A_621 = tpu.vector_load %arg15[%swap3A_619, %swap3A_620] {strides = array<i32>} : memref<128x128xf32, #tpu.memory_space<vmem>>, vector<1x16xf32>,
        %swap3A_622 = vector.shape_cast %swap3A_621 : vector<1x16xf32> to vector<16xf32>
        %swap3A_623 = vector.shape_cast %mul3A_618 : vector<16xf32> to vector<1x16xf32>
        tpu.vector_store %arg15[%swap3A_619, %swap3A_620], %swap3A_623 {strides = array<i32>} : memref<128x128xf32, #tpu.memory_space<vmem>>, vector<1x16xf32>,
        %get3A_624 = arith.index_cast %add3A_539 : i32 to index
        %get3A_625 = arith.constant 96 : index
        %get3A_626 = tpu.vector_load %arg15[%get3A_624, %get3A_625] {strides = array<i32>} : memref<128x128xf32, #tpu.memory_space<vmem>>, vector<1x16xf32>,
        %get3A_627 = vector.shape_cast %get3A_626 : vector<1x16xf32> to vector<16xf32>
        %get3A_628 = arith.index_cast %squeeze3A_535 : i32 to index
        %get3A_629 = arith.constant 96 : index
        %get3A_630 = tpu.vector_load %arg11[%get3A_628, %get3A_629] {strides = array<i32>} : memref<32x128xf32, #tpu.memory_space<vmem>>, vector<1x16xf32>,
        %get3A_631 = vector.shape_cast %get3A_630 : vector<1x16xf32> to vector<16xf32>
        %mul3A_632 = arith.mulf %get3A_627, %get3A_631 : vector<16xf32>
        %swap3A_633 = arith.index_cast %add3A_539 : i32 to index
        %swap3A_634 = arith.constant 96 : index
        %swap3A_635 = tpu.vector_load %arg15[%swap3A_633, %swap3A_634] {strides = array<i32>} : memref<128x128xf32, #tpu.memory_space<vmem>>, vector<1x16xf32>,
        %swap3A_636 = vector.shape_cast %swap3A_635 : vector<1x16xf32> to vector<16xf32>
        %swap3A_637 = vector.shape_cast %mul3A_632 : vector<16xf32> to vector<1x16xf32>
        tpu.vector_store %arg15[%swap3A_633, %swap3A_634], %swap3A_637 {strides = array<i32>} : memref<128x128xf32, #tpu.memory_space<vmem>>, vector<1x16xf32>,
        %get3A_638 = arith.index_cast %add3A_539 : i32 to index
        %get3A_639 = arith.constant 112 : index
        %get3A_640 = tpu.vector_load %arg15[%get3A_638, %get3A_639] {strides = array<i32>} : memref<128x128xf32, #tpu.memory_space<vmem>>, vector<1x16xf32>,
        %get3A_641 = vector.shape_cast %get3A_640 : vector<1x16xf32> to vector<16xf32>
        %get3A_642 = arith.index_cast %squeeze3A_535 : i32 to index
        %get3A_643 = arith.constant 112 : index
        %get3A_644 = tpu.vector_load %arg11[%get3A_642, %get3A_643] {strides = array<i32>} : memref<32x128xf32, #tpu.memory_space<vmem>>, vector<1x16xf32>,
        %get3A_645 = vector.shape_cast %get3A_644 : vector<1x16xf32> to vector<16xf32>
        %mul3A_646 = arith.mulf %get3A_641, %get3A_645 : vector<16xf32>
        %swap3A_647 = arith.index_cast %add3A_539 : i32 to index
        %swap3A_648 = arith.constant 112 : index
        %swap3A_649 = tpu.vector_load %arg15[%swap3A_647, %swap3A_648] {strides = array<i32>} : memref<128x128xf32, #tpu.memory_space<vmem>>, vector<1x16xf32>,
        %swap3A_650 = vector.shape_cast %swap3A_649 : vector<1x16xf32> to vector<16xf32>
        %swap3A_651 = vector.shape_cast %mul3A_646 : vector<16xf32> to vector<1x16xf32>
        tpu.vector_store %arg15[%swap3A_647, %swap3A_648], %swap3A_651 {strides = array<i32>} : memref<128x128xf32, #tpu.memory_space<vmem>>, vector<1x16xf32>,
        %slice3A_652 = vector.extract_strided_slice %get3A_64 {offsets = [5], sizes = [1], strides = [1]} : vector<16xi32> to vector<1xi32>
        %squeeze3A_653 = vector.extract %slice3A_652[0] : i32 from vector<1xi32>
        %mul3A_654 = arith.constant 16 : i32
        %mul3A_655 = arith.muli %scan3A_60, %mul3A_654 : i32
        %add3A_656 = arith.constant 5 : i32
        %add3A_657 = arith.addi %mul3A_655, %add3A_656 : i32
        %get3A_658 = arith.index_cast %add3A_657 : i32 to index
        %get3A_659 = arith.constant 0 : index
        %get3A_660 = tpu.vector_load %arg15[%get3A_658, %get3A_659] {strides = array<i32>} : memref<128x128xf32, #tpu.memory_space<vmem>>, vector<1x16xf32>,
        %get3A_661 = vector.shape_cast %get3A_660 : vector<1x16xf32> to vector<16xf32>
        %get3A_662 = arith.index_cast %squeeze3A_653 : i32 to index
        %get3A_663 = arith.constant 0 : index
        %get3A_664 = tpu.vector_load %arg11[%get3A_662, %get3A_663] {strides = array<i32>} : memref<32x128xf32, #tpu.memory_space<vmem>>, vector<1x16xf32>,
        %get3A_665 = vector.shape_cast %get3A_664 : vector<1x16xf32> to vector<16xf32>
        %mul3A_666 = arith.mulf %get3A_661, %get3A_665 : vector<16xf32>
        %swap3A_667 = arith.index_cast %add3A_657 : i32 to index
        %swap3A_668 = arith.constant 0 : index
        %swap3A_669 = tpu.vector_load %arg15[%swap3A_667, %swap3A_668] {strides = array<i32>} : memref<128x128xf32, #tpu.memory_space<vmem>>, vector<1x16xf32>,
        %swap3A_670 = vector.shape_cast %swap3A_669 : vector<1x16xf32> to vector<16xf32>
        %swap3A_671 = vector.shape_cast %mul3A_666 : vector<16xf32> to vector<1x16xf32>
        tpu.vector_store %arg15[%swap3A_667, %swap3A_668], %swap3A_671 {strides = array<i32>} : memref<128x128xf32, #tpu.memory_space<vmem>>, vector<1x16xf32>,
        %get3A_672 = arith.index_cast %add3A_657 : i32 to index
        %get3A_673 = arith.constant 16 : index
        %get3A_674 = tpu.vector_load %arg15[%get3A_672, %get3A_673] {strides = array<i32>} : memref<128x128xf32, #tpu.memory_space<vmem>>, vector<1x16xf32>,
        %get3A_675 = vector.shape_cast %get3A_674 : vector<1x16xf32> to vector<16xf32>
        %get3A_676 = arith.index_cast %squeeze3A_653 : i32 to index
        %get3A_677 = arith.constant 16 : index
        %get3A_678 = tpu.vector_load %arg11[%get3A_676, %get3A_677] {strides = array<i32>} : memref<32x128xf32, #tpu.memory_space<vmem>>, vector<1x16xf32>,
        %get3A_679 = vector.shape_cast %get3A_678 : vector<1x16xf32> to vector<16xf32>
        %mul3A_680 = arith.mulf %get3A_675, %get3A_679 : vector<16xf32>
        %swap3A_681 = arith.index_cast %add3A_657 : i32 to index
        %swap3A_682 = arith.constant 16 : index
        %swap3A_683 = tpu.vector_load %arg15[%swap3A_681, %swap3A_682] {strides = array<i32>} : memref<128x128xf32, #tpu.memory_space<vmem>>, vector<1x16xf32>,
        %swap3A_684 = vector.shape_cast %swap3A_683 : vector<1x16xf32> to vector<16xf32>
        %swap3A_685 = vector.shape_cast %mul3A_680 : vector<16xf32> to vector<1x16xf32>
        tpu.vector_store %arg15[%swap3A_681, %swap3A_682], %swap3A_685 {strides = array<i32>} : memref<128x128xf32, #tpu.memory_space<vmem>>, vector<1x16xf32>,
        %get3A_686 = arith.index_cast %add3A_657 : i32 to index
        %get3A_687 = arith.constant 32 : index
        %get3A_688 = tpu.vector_load %arg15[%get3A_686, %get3A_687] {strides = array<i32>} : memref<128x128xf32, #tpu.memory_space<vmem>>, vector<1x16xf32>,
        %get3A_689 = vector.shape_cast %get3A_688 : vector<1x16xf32> to vector<16xf32>
        %get3A_690 = arith.index_cast %squeeze3A_653 : i32 to index
        %get3A_691 = arith.constant 32 : index
        %get3A_692 = tpu.vector_load %arg11[%get3A_690, %get3A_691] {strides = array<i32>} : memref<32x128xf32, #tpu.memory_space<vmem>>, vector<1x16xf32>,
        %get3A_693 = vector.shape_cast %get3A_692 : vector<1x16xf32> to vector<16xf32>
        %mul3A_694 = arith.mulf %get3A_689, %get3A_693 : vector<16xf32>
        %swap3A_695 = arith.index_cast %add3A_657 : i32 to index
        %swap3A_696 = arith.constant 32 : index
        %swap3A_697 = tpu.vector_load %arg15[%swap3A_695, %swap3A_696] {strides = array<i32>} : memref<128x128xf32, #tpu.memory_space<vmem>>, vector<1x16xf32>,
        %swap3A_698 = vector.shape_cast %swap3A_697 : vector<1x16xf32> to vector<16xf32>
        %swap3A_699 = vector.shape_cast %mul3A_694 : vector<16xf32> to vector<1x16xf32>
        tpu.vector_store %arg15[%swap3A_695, %swap3A_696], %swap3A_699 {strides = array<i32>} : memref<128x128xf32, #tpu.memory_space<vmem>>, vector<1x16xf32>,
        %get3A_700 = arith.index_cast %add3A_657 : i32 to index
        %get3A_701 = arith.constant 48 : index
        %get3A_702 = tpu.vector_load %arg15[%get3A_700, %get3A_701] {strides = array<i32>} : memref<128x128xf32, #tpu.memory_space<vmem>>, vector<1x16xf32>,
        %get3A_703 = vector.shape_cast %get3A_702 : vector<1x16xf32> to vector<16xf32>
        %get3A_704 = arith.index_cast %squeeze3A_653 : i32 to index
        %get3A_705 = arith.constant 48 : index
        %get3A_706 = tpu.vector_load %arg11[%get3A_704, %get3A_705] {strides = array<i32>} : memref<32x128xf32, #tpu.memory_space<vmem>>, vector<1x16xf32>,
        %get3A_707 = vector.shape_cast %get3A_706 : vector<1x16xf32> to vector<16xf32>
        %mul3A_708 = arith.mulf %get3A_703, %get3A_707 : vector<16xf32>
        %swap3A_709 = arith.index_cast %add3A_657 : i32 to index
        %swap3A_710 = arith.constant 48 : index
        %swap3A_711 = tpu.vector_load %arg15[%swap3A_709, %swap3A_710] {strides = array<i32>} : memref<128x128xf32, #tpu.memory_space<vmem>>, vector<1x16xf32>,
        %swap3A_712 = vector.shape_cast %swap3A_711 : vector<1x16xf32> to vector<16xf32>
        %swap3A_713 = vector.shape_cast %mul3A_708 : vector<16xf32> to vector<1x16xf32>
        tpu.vector_store %arg15[%swap3A_709, %swap3A_710], %swap3A_713 {strides = array<i32>} : memref<128x128xf32, #tpu.memory_space<vmem>>, vector<1x16xf32>,
        %get3A_714 = arith.index_cast %add3A_657 : i32 to index
        %get3A_715 = arith.constant 64 : index
        %get3A_716 = tpu.vector_load %arg15[%get3A_714, %get3A_715] {strides = array<i32>} : memref<128x128xf32, #tpu.memory_space<vmem>>, vector<1x16xf32>,
        %get3A_717 = vector.shape_cast %get3A_716 : vector<1x16xf32> to vector<16xf32>
        %get3A_718 = arith.index_cast %squeeze3A_653 : i32 to index
        %get3A_719 = arith.constant 64 : index
        %get3A_720 = tpu.vector_load %arg11[%get3A_718, %get3A_719] {strides = array<i32>} : memref<32x128xf32, #tpu.memory_space<vmem>>, vector<1x16xf32>,
        %get3A_721 = vector.shape_cast %get3A_720 : vector<1x16xf32> to vector<16xf32>
        %mul3A_722 = arith.mulf %get3A_717, %get3A_721 : vector<16xf32>
        %swap3A_723 = arith.index_cast %add3A_657 : i32 to index
        %swap3A_724 = arith.constant 64 : index
        %swap3A_725 = tpu.vector_load %arg15[%swap3A_723, %swap3A_724] {strides = array<i32>} : memref<128x128xf32, #tpu.memory_space<vmem>>, vector<1x16xf32>,
        %swap3A_726 = vector.shape_cast %swap3A_725 : vector<1x16xf32> to vector<16xf32>
        %swap3A_727 = vector.shape_cast %mul3A_722 : vector<16xf32> to vector<1x16xf32>
        tpu.vector_store %arg15[%swap3A_723, %swap3A_724], %swap3A_727 {strides = array<i32>} : memref<128x128xf32, #tpu.memory_space<vmem>>, vector<1x16xf32>,
        %get3A_728 = arith.index_cast %add3A_657 : i32 to index
        %get3A_729 = arith.constant 80 : index
        %get3A_730 = tpu.vector_load %arg15[%get3A_728, %get3A_729] {strides = array<i32>} : memref<128x128xf32, #tpu.memory_space<vmem>>, vector<1x16xf32>,
        %get3A_731 = vector.shape_cast %get3A_730 : vector<1x16xf32> to vector<16xf32>
        %get3A_732 = arith.index_cast %squeeze3A_653 : i32 to index
        %get3A_733 = arith.constant 80 : index
        %get3A_734 = tpu.vector_load %arg11[%get3A_732, %get3A_733] {strides = array<i32>} : memref<32x128xf32, #tpu.memory_space<vmem>>, vector<1x16xf32>,
        %get3A_735 = vector.shape_cast %get3A_734 : vector<1x16xf32> to vector<16xf32>
        %mul3A_736 = arith.mulf %get3A_731, %get3A_735 : vector<16xf32>
        %swap3A_737 = arith.index_cast %add3A_657 : i32 to index
        %swap3A_738 = arith.constant 80 : index
        %swap3A_739 = tpu.vector_load %arg15[%swap3A_737, %swap3A_738] {strides = array<i32>} : memref<128x128xf32, #tpu.memory_space<vmem>>, vector<1x16xf32>,
        %swap3A_740 = vector.shape_cast %swap3A_739 : vector<1x16xf32> to vector<16xf32>
        %swap3A_741 = vector.shape_cast %mul3A_736 : vector<16xf32> to vector<1x16xf32>
        tpu.vector_store %arg15[%swap3A_737, %swap3A_738], %swap3A_741 {strides = array<i32>} : memref<128x128xf32, #tpu.memory_space<vmem>>, vector<1x16xf32>,
        %get3A_742 = arith.index_cast %add3A_657 : i32 to index
        %get3A_743 = arith.constant 96 : index
        %get3A_744 = tpu.vector_load %arg15[%get3A_742, %get3A_743] {strides = array<i32>} : memref<128x128xf32, #tpu.memory_space<vmem>>, vector<1x16xf32>,
        %get3A_745 = vector.shape_cast %get3A_744 : vector<1x16xf32> to vector<16xf32>
        %get3A_746 = arith.index_cast %squeeze3A_653 : i32 to index
        %get3A_747 = arith.constant 96 : index
        %get3A_748 = tpu.vector_load %arg11[%get3A_746, %get3A_747] {strides = array<i32>} : memref<32x128xf32, #tpu.memory_space<vmem>>, vector<1x16xf32>,
        %get3A_749 = vector.shape_cast %get3A_748 : vector<1x16xf32> to vector<16xf32>
        %mul3A_750 = arith.mulf %get3A_745, %get3A_749 : vector<16xf32>
        %swap3A_751 = arith.index_cast %add3A_657 : i32 to index
        %swap3A_752 = arith.constant 96 : index
        %swap3A_753 = tpu.vector_load %arg15[%swap3A_751, %swap3A_752] {strides = array<i32>} : memref<128x128xf32, #tpu.memory_space<vmem>>, vector<1x16xf32>,
        %swap3A_754 = vector.shape_cast %swap3A_753 : vector<1x16xf32> to vector<16xf32>
        %swap3A_755 = vector.shape_cast %mul3A_750 : vector<16xf32> to vector<1x16xf32>
        tpu.vector_store %arg15[%swap3A_751, %swap3A_752], %swap3A_755 {strides = array<i32>} : memref<128x128xf32, #tpu.memory_space<vmem>>, vector<1x16xf32>,
        %get3A_756 = arith.index_cast %add3A_657 : i32 to index
        %get3A_757 = arith.constant 112 : index
        %get3A_758 = tpu.vector_load %arg15[%get3A_756, %get3A_757] {strides = array<i32>} : memref<128x128xf32, #tpu.memory_space<vmem>>, vector<1x16xf32>,
        %get3A_759 = vector.shape_cast %get3A_758 : vector<1x16xf32> to vector<16xf32>
        %get3A_760 = arith.index_cast %squeeze3A_653 : i32 to index
        %get3A_761 = arith.constant 112 : index
        %get3A_762 = tpu.vector_load %arg11[%get3A_760, %get3A_761] {strides = array<i32>} : memref<32x128xf32, #tpu.memory_space<vmem>>, vector<1x16xf32>,
        %get3A_763 = vector.shape_cast %get3A_762 : vector<1x16xf32> to vector<16xf32>
        %mul3A_764 = arith.mulf %get3A_759, %get3A_763 : vector<16xf32>
        %swap3A_765 = arith.index_cast %add3A_657 : i32 to index
        %swap3A_766 = arith.constant 112 : index
        %swap3A_767 = tpu.vector_load %arg15[%swap3A_765, %swap3A_766] {strides = array<i32>} : memref<128x128xf32, #tpu.memory_space<vmem>>, vector<1x16xf32>,
        %swap3A_768 = vector.shape_cast %swap3A_767 : vector<1x16xf32> to vector<16xf32>
        %swap3A_769 = vector.shape_cast %mul3A_764 : vector<16xf32> to vector<1x16xf32>
        tpu.vector_store %arg15[%swap3A_765, %swap3A_766], %swap3A_769 {strides = array<i32>} : memref<128x128xf32, #tpu.memory_space<vmem>>, vector<1x16xf32>,
        %slice3A_770 = vector.extract_strided_slice %get3A_64 {offsets = [6], sizes = [1], strides = [1]} : vector<16xi32> to vector<1xi32>
        %squeeze3A_771 = vector.extract %slice3A_770[0] : i32 from vector<1xi32>
        %mul3A_772 = arith.constant 16 : i32
        %mul3A_773 = arith.muli %scan3A_60, %mul3A_772 : i32
        %add3A_774 = arith.constant 6 : i32
        %add3A_775 = arith.addi %mul3A_773, %add3A_774 : i32
        %get3A_776 = arith.index_cast %add3A_775 : i32 to index
        %get3A_777 = arith.constant 0 : index
        %get3A_778 = tpu.vector_load %arg15[%get3A_776, %get3A_777] {strides = array<i32>} : memref<128x128xf32, #tpu.memory_space<vmem>>, vector<1x16xf32>,
        %get3A_779 = vector.shape_cast %get3A_778 : vector<1x16xf32> to vector<16xf32>
        %get3A_780 = arith.index_cast %squeeze3A_771 : i32 to index
        %get3A_781 = arith.constant 0 : index
        %get3A_782 = tpu.vector_load %arg11[%get3A_780, %get3A_781] {strides = array<i32>} : memref<32x128xf32, #tpu.memory_space<vmem>>, vector<1x16xf32>,
        %get3A_783 = vector.shape_cast %get3A_782 : vector<1x16xf32> to vector<16xf32>
        %mul3A_784 = arith.mulf %get3A_779, %get3A_783 : vector<16xf32>
        %swap3A_785 = arith.index_cast %add3A_775 : i32 to index
        %swap3A_786 = arith.constant 0 : index
        %swap3A_787 = tpu.vector_load %arg15[%swap3A_785, %swap3A_786] {strides = array<i32>} : memref<128x128xf32, #tpu.memory_space<vmem>>, vector<1x16xf32>,
        %swap3A_788 = vector.shape_cast %swap3A_787 : vector<1x16xf32> to vector<16xf32>
        %swap3A_789 = vector.shape_cast %mul3A_784 : vector<16xf32> to vector<1x16xf32>
        tpu.vector_store %arg15[%swap3A_785, %swap3A_786], %swap3A_789 {strides = array<i32>} : memref<128x128xf32, #tpu.memory_space<vmem>>, vector<1x16xf32>,
        %get3A_790 = arith.index_cast %add3A_775 : i32 to index
        %get3A_791 = arith.constant 16 : index
        %get3A_792 = tpu.vector_load %arg15[%get3A_790, %get3A_791] {strides = array<i32>} : memref<128x128xf32, #tpu.memory_space<vmem>>, vector<1x16xf32>,
        %get3A_793 = vector.shape_cast %get3A_792 : vector<1x16xf32> to vector<16xf32>
        %get3A_794 = arith.index_cast %squeeze3A_771 : i32 to index
        %get3A_795 = arith.constant 16 : index
        %get3A_796 = tpu.vector_load %arg11[%get3A_794, %get3A_795] {strides = array<i32>} : memref<32x128xf32, #tpu.memory_space<vmem>>, vector<1x16xf32>,
        %get3A_797 = vector.shape_cast %get3A_796 : vector<1x16xf32> to vector<16xf32>
        %mul3A_798 = arith.mulf %get3A_793, %get3A_797 : vector<16xf32>
        %swap3A_799 = arith.index_cast %add3A_775 : i32 to index
        %swap3A_800 = arith.constant 16 : index
        %swap3A_801 = tpu.vector_load %arg15[%swap3A_799, %swap3A_800] {strides = array<i32>} : memref<128x128xf32, #tpu.memory_space<vmem>>, vector<1x16xf32>,
        %swap3A_802 = vector.shape_cast %swap3A_801 : vector<1x16xf32> to vector<16xf32>
        %swap3A_803 = vector.shape_cast %mul3A_798 : vector<16xf32> to vector<1x16xf32>
        tpu.vector_store %arg15[%swap3A_799, %swap3A_800], %swap3A_803 {strides = array<i32>} : memref<128x128xf32, #tpu.memory_space<vmem>>, vector<1x16xf32>,
        %get3A_804 = arith.index_cast %add3A_775 : i32 to index
        %get3A_805 = arith.constant 32 : index
        %get3A_806 = tpu.vector_load %arg15[%get3A_804, %get3A_805] {strides = array<i32>} : memref<128x128xf32, #tpu.memory_space<vmem>>, vector<1x16xf32>,
        %get3A_807 = vector.shape_cast %get3A_806 : vector<1x16xf32> to vector<16xf32>
        %get3A_808 = arith.index_cast %squeeze3A_771 : i32 to index
        %get3A_809 = arith.constant 32 : index
        %get3A_810 = tpu.vector_load %arg11[%get3A_808, %get3A_809] {strides = array<i32>} : memref<32x128xf32, #tpu.memory_space<vmem>>, vector<1x16xf32>,
        %get3A_811 = vector.shape_cast %get3A_810 : vector<1x16xf32> to vector<16xf32>
        %mul3A_812 = arith.mulf %get3A_807, %get3A_811 : vector<16xf32>
        %swap3A_813 = arith.index_cast %add3A_775 : i32 to index
        %swap3A_814 = arith.constant 32 : index
        %swap3A_815 = tpu.vector_load %arg15[%swap3A_813, %swap3A_814] {strides = array<i32>} : memref<128x128xf32, #tpu.memory_space<vmem>>, vector<1x16xf32>,
        %swap3A_816 = vector.shape_cast %swap3A_815 : vector<1x16xf32> to vector<16xf32>
        %swap3A_817 = vector.shape_cast %mul3A_812 : vector<16xf32> to vector<1x16xf32>
        tpu.vector_store %arg15[%swap3A_813, %swap3A_814], %swap3A_817 {strides = array<i32>} : memref<128x128xf32, #tpu.memory_space<vmem>>, vector<1x16xf32>,
        %get3A_818 = arith.index_cast %add3A_775 : i32 to index
        %get3A_819 = arith.constant 48 : index
        %get3A_820 = tpu.vector_load %arg15[%get3A_818, %get3A_819] {strides = array<i32>} : memref<128x128xf32, #tpu.memory_space<vmem>>, vector<1x16xf32>,
        %get3A_821 = vector.shape_cast %get3A_820 : vector<1x16xf32> to vector<16xf32>
        %get3A_822 = arith.index_cast %squeeze3A_771 : i32 to index
        %get3A_823 = arith.constant 48 : index
        %get3A_824 = tpu.vector_load %arg11[%get3A_822, %get3A_823] {strides = array<i32>} : memref<32x128xf32, #tpu.memory_space<vmem>>, vector<1x16xf32>,
        %get3A_825 = vector.shape_cast %get3A_824 : vector<1x16xf32> to vector<16xf32>
        %mul3A_826 = arith.mulf %get3A_821, %get3A_825 : vector<16xf32>
        %swap3A_827 = arith.index_cast %add3A_775 : i32 to index
        %swap3A_828 = arith.constant 48 : index
        %swap3A_829 = tpu.vector_load %arg15[%swap3A_827, %swap3A_828] {strides = array<i32>} : memref<128x128xf32, #tpu.memory_space<vmem>>, vector<1x16xf32>,
        %swap3A_830 = vector.shape_cast %swap3A_829 : vector<1x16xf32> to vector<16xf32>
        %swap3A_831 = vector.shape_cast %mul3A_826 : vector<16xf32> to vector<1x16xf32>
        tpu.vector_store %arg15[%swap3A_827, %swap3A_828], %swap3A_831 {strides = array<i32>} : memref<128x128xf32, #tpu.memory_space<vmem>>, vector<1x16xf32>,
        %get3A_832 = arith.index_cast %add3A_775 : i32 to index
        %get3A_833 = arith.constant 64 : index
        %get3A_834 = tpu.vector_load %arg15[%get3A_832, %get3A_833] {strides = array<i32>} : memref<128x128xf32, #tpu.memory_space<vmem>>, vector<1x16xf32>,
        %get3A_835 = vector.shape_cast %get3A_834 : vector<1x16xf32> to vector<16xf32>
        %get3A_836 = arith.index_cast %squeeze3A_771 : i32 to index
        %get3A_837 = arith.constant 64 : index
        %get3A_838 = tpu.vector_load %arg11[%get3A_836, %get3A_837] {strides = array<i32>} : memref<32x128xf32, #tpu.memory_space<vmem>>, vector<1x16xf32>,
        %get3A_839 = vector.shape_cast %get3A_838 : vector<1x16xf32> to vector<16xf32>
        %mul3A_840 = arith.mulf %get3A_835, %get3A_839 : vector<16xf32>
        %swap3A_841 = arith.index_cast %add3A_775 : i32 to index
        %swap3A_842 = arith.constant 64 : index
        %swap3A_843 = tpu.vector_load %arg15[%swap3A_841, %swap3A_842] {strides = array<i32>} : memref<128x128xf32, #tpu.memory_space<vmem>>, vector<1x16xf32>,
        %swap3A_844 = vector.shape_cast %swap3A_843 : vector<1x16xf32> to vector<16xf32>
        %swap3A_845 = vector.shape_cast %mul3A_840 : vector<16xf32> to vector<1x16xf32>
        tpu.vector_store %arg15[%swap3A_841, %swap3A_842], %swap3A_845 {strides = array<i32>} : memref<128x128xf32, #tpu.memory_space<vmem>>, vector<1x16xf32>,
        %get3A_846 = arith.index_cast %add3A_775 : i32 to index
        %get3A_847 = arith.constant 80 : index
        %get3A_848 = tpu.vector_load %arg15[%get3A_846, %get3A_847] {strides = array<i32>} : memref<128x128xf32, #tpu.memory_space<vmem>>, vector<1x16xf32>,
        %get3A_849 = vector.shape_cast %get3A_848 : vector<1x16xf32> to vector<16xf32>
        %get3A_850 = arith.index_cast %squeeze3A_771 : i32 to index
        %get3A_851 = arith.constant 80 : index
        %get3A_852 = tpu.vector_load %arg11[%get3A_850, %get3A_851] {strides = array<i32>} : memref<32x128xf32, #tpu.memory_space<vmem>>, vector<1x16xf32>,
        %get3A_853 = vector.shape_cast %get3A_852 : vector<1x16xf32> to vector<16xf32>
        %mul3A_854 = arith.mulf %get3A_849, %get3A_853 : vector<16xf32>
        %swap3A_855 = arith.index_cast %add3A_775 : i32 to index
        %swap3A_856 = arith.constant 80 : index
        %swap3A_857 = tpu.vector_load %arg15[%swap3A_855, %swap3A_856] {strides = array<i32>} : memref<128x128xf32, #tpu.memory_space<vmem>>, vector<1x16xf32>,
        %swap3A_858 = vector.shape_cast %swap3A_857 : vector<1x16xf32> to vector<16xf32>
        %swap3A_859 = vector.shape_cast %mul3A_854 : vector<16xf32> to vector<1x16xf32>
        tpu.vector_store %arg15[%swap3A_855, %swap3A_856], %swap3A_859 {strides = array<i32>} : memref<128x128xf32, #tpu.memory_space<vmem>>, vector<1x16xf32>,
        %get3A_860 = arith.index_cast %add3A_775 : i32 to index
        %get3A_861 = arith.constant 96 : index
        %get3A_862 = tpu.vector_load %arg15[%get3A_860, %get3A_861] {strides = array<i32>} : memref<128x128xf32, #tpu.memory_space<vmem>>, vector<1x16xf32>,
        %get3A_863 = vector.shape_cast %get3A_862 : vector<1x16xf32> to vector<16xf32>
        %get3A_864 = arith.index_cast %squeeze3A_771 : i32 to index
        %get3A_865 = arith.constant 96 : index
        %get3A_866 = tpu.vector_load %arg11[%get3A_864, %get3A_865] {strides = array<i32>} : memref<32x128xf32, #tpu.memory_space<vmem>>, vector<1x16xf32>,
        %get3A_867 = vector.shape_cast %get3A_866 : vector<1x16xf32> to vector<16xf32>
        %mul3A_868 = arith.mulf %get3A_863, %get3A_867 : vector<16xf32>
        %swap3A_869 = arith.index_cast %add3A_775 : i32 to index
        %swap3A_870 = arith.constant 96 : index
        %swap3A_871 = tpu.vector_load %arg15[%swap3A_869, %swap3A_870] {strides = array<i32>} : memref<128x128xf32, #tpu.memory_space<vmem>>, vector<1x16xf32>,
        %swap3A_872 = vector.shape_cast %swap3A_871 : vector<1x16xf32> to vector<16xf32>
        %swap3A_873 = vector.shape_cast %mul3A_868 : vector<16xf32> to vector<1x16xf32>
        tpu.vector_store %arg15[%swap3A_869, %swap3A_870], %swap3A_873 {strides = array<i32>} : memref<128x128xf32, #tpu.memory_space<vmem>>, vector<1x16xf32>,
        %get3A_874 = arith.index_cast %add3A_775 : i32 to index
        %get3A_875 = arith.constant 112 : index
        %get3A_876 = tpu.vector_load %arg15[%get3A_874, %get3A_875] {strides = array<i32>} : memref<128x128xf32, #tpu.memory_space<vmem>>, vector<1x16xf32>,
        %get3A_877 = vector.shape_cast %get3A_876 : vector<1x16xf32> to vector<16xf32>
        %get3A_878 = arith.index_cast %squeeze3A_771 : i32 to index
        %get3A_879 = arith.constant 112 : index
        %get3A_880 = tpu.vector_load %arg11[%get3A_878, %get3A_879] {strides = array<i32>} : memref<32x128xf32, #tpu.memory_space<vmem>>, vector<1x16xf32>,
        %get3A_881 = vector.shape_cast %get3A_880 : vector<1x16xf32> to vector<16xf32>
        %mul3A_882 = arith.mulf %get3A_877, %get3A_881 : vector<16xf32>
        %swap3A_883 = arith.index_cast %add3A_775 : i32 to index
        %swap3A_884 = arith.constant 112 : index
        %swap3A_885 = tpu.vector_load %arg15[%swap3A_883, %swap3A_884] {strides = array<i32>} : memref<128x128xf32, #tpu.memory_space<vmem>>, vector<1x16xf32>,
        %swap3A_886 = vector.shape_cast %swap3A_885 : vector<1x16xf32> to vector<16xf32>
        %swap3A_887 = vector.shape_cast %mul3A_882 : vector<16xf32> to vector<1x16xf32>
        tpu.vector_store %arg15[%swap3A_883, %swap3A_884], %swap3A_887 {strides = array<i32>} : memref<128x128xf32, #tpu.memory_space<vmem>>, vector<1x16xf32>,
        %slice3A_888 = vector.extract_strided_slice %get3A_64 {offsets = [7], sizes = [1], strides = [1]} : vector<16xi32> to vector<1xi32>
        %squeeze3A_889 = vector.extract %slice3A_888[0] : i32 from vector<1xi32>
        %mul3A_890 = arith.constant 16 : i32
        %mul3A_891 = arith.muli %scan3A_60, %mul3A_890 : i32
        %add3A_892 = arith.constant 7 : i32
        %add3A_893 = arith.addi %mul3A_891, %add3A_892 : i32
        %get3A_894 = arith.index_cast %add3A_893 : i32 to index
        %get3A_895 = arith.constant 0 : index
        %get3A_896 = tpu.vector_load %arg15[%get3A_894, %get3A_895] {strides = array<i32>} : memref<128x128xf32, #tpu.memory_space<vmem>>, vector<1x16xf32>,
        %get3A_897 = vector.shape_cast %get3A_896 : vector<1x16xf32> to vector<16xf32>
        %get3A_898 = arith.index_cast %squeeze3A_889 : i32 to index
        %get3A_899 = arith.constant 0 : index
        %get3A_900 = tpu.vector_load %arg11[%get3A_898, %get3A_899] {strides = array<i32>} : memref<32x128xf32, #tpu.memory_space<vmem>>, vector<1x16xf32>,
        %get3A_901 = vector.shape_cast %get3A_900 : vector<1x16xf32> to vector<16xf32>
        %mul3A_902 = arith.mulf %get3A_897, %get3A_901 : vector<16xf32>
        %swap3A_903 = arith.index_cast %add3A_893 : i32 to index
        %swap3A_904 = arith.constant 0 : index
        %swap3A_905 = tpu.vector_load %arg15[%swap3A_903, %swap3A_904] {strides = array<i32>} : memref<128x128xf32, #tpu.memory_space<vmem>>, vector<1x16xf32>,
        %swap3A_906 = vector.shape_cast %swap3A_905 : vector<1x16xf32> to vector<16xf32>
        %swap3A_907 = vector.shape_cast %mul3A_902 : vector<16xf32> to vector<1x16xf32>
        tpu.vector_store %arg15[%swap3A_903, %swap3A_904], %swap3A_907 {strides = array<i32>} : memref<128x128xf32, #tpu.memory_space<vmem>>, vector<1x16xf32>,
        %get3A_908 = arith.index_cast %add3A_893 : i32 to index
        %get3A_909 = arith.constant 16 : index
        %get3A_910 = tpu.vector_load %arg15[%get3A_908, %get3A_909] {strides = array<i32>} : memref<128x128xf32, #tpu.memory_space<vmem>>, vector<1x16xf32>,
        %get3A_911 = vector.shape_cast %get3A_910 : vector<1x16xf32> to vector<16xf32>
        %get3A_912 = arith.index_cast %squeeze3A_889 : i32 to index
        %get3A_913 = arith.constant 16 : index
        %get3A_914 = tpu.vector_load %arg11[%get3A_912, %get3A_913] {strides = array<i32>} : memref<32x128xf32, #tpu.memory_space<vmem>>, vector<1x16xf32>,
        %get3A_915 = vector.shape_cast %get3A_914 : vector<1x16xf32> to vector<16xf32>
        %mul3A_916 = arith.mulf %get3A_911, %get3A_915 : vector<16xf32>
        %swap3A_917 = arith.index_cast %add3A_893 : i32 to index
        %swap3A_918 = arith.constant 16 : index
        %swap3A_919 = tpu.vector_load %arg15[%swap3A_917, %swap3A_918] {strides = array<i32>} : memref<128x128xf32, #tpu.memory_space<vmem>>, vector<1x16xf32>,
        %swap3A_920 = vector.shape_cast %swap3A_919 : vector<1x16xf32> to vector<16xf32>
        %swap3A_921 = vector.shape_cast %mul3A_916 : vector<16xf32> to vector<1x16xf32>
        tpu.vector_store %arg15[%swap3A_917, %swap3A_918], %swap3A_921 {strides = array<i32>} : memref<128x128xf32, #tpu.memory_space<vmem>>, vector<1x16xf32>,
        %get3A_922 = arith.index_cast %add3A_893 : i32 to index
        %get3A_923 = arith.constant 32 : index
        %get3A_924 = tpu.vector_load %arg15[%get3A_922, %get3A_923] {strides = array<i32>} : memref<128x128xf32, #tpu.memory_space<vmem>>, vector<1x16xf32>,
        %get3A_925 = vector.shape_cast %get3A_924 : vector<1x16xf32> to vector<16xf32>
        %get3A_926 = arith.index_cast %squeeze3A_889 : i32 to index
        %get3A_927 = arith.constant 32 : index
        %get3A_928 = tpu.vector_load %arg11[%get3A_926, %get3A_927] {strides = array<i32>} : memref<32x128xf32, #tpu.memory_space<vmem>>, vector<1x16xf32>,
        %get3A_929 = vector.shape_cast %get3A_928 : vector<1x16xf32> to vector<16xf32>
        %mul3A_930 = arith.mulf %get3A_925, %get3A_929 : vector<16xf32>
        %swap3A_931 = arith.index_cast %add3A_893 : i32 to index
        %swap3A_932 = arith.constant 32 : index
        %swap3A_933 = tpu.vector_load %arg15[%swap3A_931, %swap3A_932] {strides = array<i32>} : memref<128x128xf32, #tpu.memory_space<vmem>>, vector<1x16xf32>,
        %swap3A_934 = vector.shape_cast %swap3A_933 : vector<1x16xf32> to vector<16xf32>
        %swap3A_935 = vector.shape_cast %mul3A_930 : vector<16xf32> to vector<1x16xf32>
        tpu.vector_store %arg15[%swap3A_931, %swap3A_932], %swap3A_935 {strides = array<i32>} : memref<128x128xf32, #tpu.memory_space<vmem>>, vector<1x16xf32>,
        %get3A_936 = arith.index_cast %add3A_893 : i32 to index
        %get3A_937 = arith.constant 48 : index
        %get3A_938 = tpu.vector_load %arg15[%get3A_936, %get3A_937] {strides = array<i32>} : memref<128x128xf32, #tpu.memory_space<vmem>>, vector<1x16xf32>,
        %get3A_939 = vector.shape_cast %get3A_938 : vector<1x16xf32> to vector<16xf32>
        %get3A_940 = arith.index_cast %squeeze3A_889 : i32 to index
        %get3A_941 = arith.constant 48 : index
        %get3A_942 = tpu.vector_load %arg11[%get3A_940, %get3A_941] {strides = array<i32>} : memref<32x128xf32, #tpu.memory_space<vmem>>, vector<1x16xf32>,
        %get3A_943 = vector.shape_cast %get3A_942 : vector<1x16xf32> to vector<16xf32>
        %mul3A_944 = arith.mulf %get3A_939, %get3A_943 : vector<16xf32>
        %swap3A_945 = arith.index_cast %add3A_893 : i32 to index
        %swap3A_946 = arith.constant 48 : index
        %swap3A_947 = tpu.vector_load %arg15[%swap3A_945, %swap3A_946] {strides = array<i32>} : memref<128x128xf32, #tpu.memory_space<vmem>>, vector<1x16xf32>,
        %swap3A_948 = vector.shape_cast %swap3A_947 : vector<1x16xf32> to vector<16xf32>
        %swap3A_949 = vector.shape_cast %mul3A_944 : vector<16xf32> to vector<1x16xf32>
        tpu.vector_store %arg15[%swap3A_945, %swap3A_946], %swap3A_949 {strides = array<i32>} : memref<128x128xf32, #tpu.memory_space<vmem>>, vector<1x16xf32>,
        %get3A_950 = arith.index_cast %add3A_893 : i32 to index
        %get3A_951 = arith.constant 64 : index
        %get3A_952 = tpu.vector_load %arg15[%get3A_950, %get3A_951] {strides = array<i32>} : memref<128x128xf32, #tpu.memory_space<vmem>>, vector<1x16xf32>,
        %get3A_953 = vector.shape_cast %get3A_952 : vector<1x16xf32> to vector<16xf32>
        %get3A_954 = arith.index_cast %squeeze3A_889 : i32 to index
        %get3A_955 = arith.constant 64 : index
        %get3A_956 = tpu.vector_load %arg11[%get3A_954, %get3A_955] {strides = array<i32>} : memref<32x128xf32, #tpu.memory_space<vmem>>, vector<1x16xf32>,
        %get3A_957 = vector.shape_cast %get3A_956 : vector<1x16xf32> to vector<16xf32>
        %mul3A_958 = arith.mulf %get3A_953, %get3A_957 : vector<16xf32>
        %swap3A_959 = arith.index_cast %add3A_893 : i32 to index
        %swap3A_960 = arith.constant 64 : index
        %swap3A_961 = tpu.vector_load %arg15[%swap3A_959, %swap3A_960] {strides = array<i32>} : memref<128x128xf32, #tpu.memory_space<vmem>>, vector<1x16xf32>,
        %swap3A_962 = vector.shape_cast %swap3A_961 : vector<1x16xf32> to vector<16xf32>
        %swap3A_963 = vector.shape_cast %mul3A_958 : vector<16xf32> to vector<1x16xf32>
        tpu.vector_store %arg15[%swap3A_959, %swap3A_960], %swap3A_963 {strides = array<i32>} : memref<128x128xf32, #tpu.memory_space<vmem>>, vector<1x16xf32>,
        %get3A_964 = arith.index_cast %add3A_893 : i32 to index
        %get3A_965 = arith.constant 80 : index
        %get3A_966 = tpu.vector_load %arg15[%get3A_964, %get3A_965] {strides = array<i32>} : memref<128x128xf32, #tpu.memory_space<vmem>>, vector<1x16xf32>,
        %get3A_967 = vector.shape_cast %get3A_966 : vector<1x16xf32> to vector<16xf32>
        %get3A_968 = arith.index_cast %squeeze3A_889 : i32 to index
        %get3A_969 = arith.constant 80 : index
        %get3A_970 = tpu.vector_load %arg11[%get3A_968, %get3A_969] {strides = array<i32>} : memref<32x128xf32, #tpu.memory_space<vmem>>, vector<1x16xf32>,
        %get3A_971 = vector.shape_cast %get3A_970 : vector<1x16xf32> to vector<16xf32>
        %mul3A_972 = arith.mulf %get3A_967, %get3A_971 : vector<16xf32>
        %swap3A_973 = arith.index_cast %add3A_893 : i32 to index
        %swap3A_974 = arith.constant 80 : index
        %swap3A_975 = tpu.vector_load %arg15[%swap3A_973, %swap3A_974] {strides = array<i32>} : memref<128x128xf32, #tpu.memory_space<vmem>>, vector<1x16xf32>,
        %swap3A_976 = vector.shape_cast %swap3A_975 : vector<1x16xf32> to vector<16xf32>
        %swap3A_977 = vector.shape_cast %mul3A_972 : vector<16xf32> to vector<1x16xf32>
        tpu.vector_store %arg15[%swap3A_973, %swap3A_974], %swap3A_977 {strides = array<i32>} : memref<128x128xf32, #tpu.memory_space<vmem>>, vector<1x16xf32>,
        %get3A_978 = arith.index_cast %add3A_893 : i32 to index
        %get3A_979 = arith.constant 96 : index
        %get3A_980 = tpu.vector_load %arg15[%get3A_978, %get3A_979] {strides = array<i32>} : memref<128x128xf32, #tpu.memory_space<vmem>>, vector<1x16xf32>,
        %get3A_981 = vector.shape_cast %get3A_980 : vector<1x16xf32> to vector<16xf32>
        %get3A_982 = arith.index_cast %squeeze3A_889 : i32 to index
        %get3A_983 = arith.constant 96 : index
        %get3A_984 = tpu.vector_load %arg11[%get3A_982, %get3A_983] {strides = array<i32>} : memref<32x128xf32, #tpu.memory_space<vmem>>, vector<1x16xf32>,
        %get3A_985 = vector.shape_cast %get3A_984 : vector<1x16xf32> to vector<16xf32>
        %mul3A_986 = arith.mulf %get3A_981, %get3A_985 : vector<16xf32>
        %swap3A_987 = arith.index_cast %add3A_893 : i32 to index
        %swap3A_988 = arith.constant 96 : index
        %swap3A_989 = tpu.vector_load %arg15[%swap3A_987, %swap3A_988] {strides = array<i32>} : memref<128x128xf32, #tpu.memory_space<vmem>>, vector<1x16xf32>,
        %swap3A_990 = vector.shape_cast %swap3A_989 : vector<1x16xf32> to vector<16xf32>
        %swap3A_991 = vector.shape_cast %mul3A_986 : vector<16xf32> to vector<1x16xf32>
        tpu.vector_store %arg15[%swap3A_987, %swap3A_988], %swap3A_991 {strides = array<i32>} : memref<128x128xf32, #tpu.memory_space<vmem>>, vector<1x16xf32>,
        %get3A_992 = arith.index_cast %add3A_893 : i32 to index
        %get3A_993 = arith.constant 112 : index
        %get3A_994 = tpu.vector_load %arg15[%get3A_992, %get3A_993] {strides = array<i32>} : memref<128x128xf32, #tpu.memory_space<vmem>>, vector<1x16xf32>,
        %get3A_995 = vector.shape_cast %get3A_994 : vector<1x16xf32> to vector<16xf32>
        %get3A_996 = arith.index_cast %squeeze3A_889 : i32 to index
        %get3A_997 = arith.constant 112 : index
        %get3A_998 = tpu.vector_load %arg11[%get3A_996, %get3A_997] {strides = array<i32>} : memref<32x128xf32, #tpu.memory_space<vmem>>, vector<1x16xf32>,
        %get3A_999 = vector.shape_cast %get3A_998 : vector<1x16xf32> to vector<16xf32>
        %mul3A_1000 = arith.mulf %get3A_995, %get3A_999 : vector<16xf32>
        %swap3A_1001 = arith.index_cast %add3A_893 : i32 to index
        %swap3A_1002 = arith.constant 112 : index
        %swap3A_1003 = tpu.vector_load %arg15[%swap3A_1001, %swap3A_1002] {strides = array<i32>} : memref<128x128xf32, #tpu.memory_space<vmem>>, vector<1x16xf32>,
        %swap3A_1004 = vector.shape_cast %swap3A_1003 : vector<1x16xf32> to vector<16xf32>
        %swap3A_1005 = vector.shape_cast %mul3A_1000 : vector<16xf32> to vector<1x16xf32>
        tpu.vector_store %arg15[%swap3A_1001, %swap3A_1002], %swap3A_1005 {strides = array<i32>} : memref<128x128xf32, #tpu.memory_space<vmem>>, vector<1x16xf32>,
        %slice3A_1006 = vector.extract_strided_slice %get3A_64 {offsets = [8], sizes = [1], strides = [1]} : vector<16xi32> to vector<1xi32>
        %squeeze3A_1007 = vector.extract %slice3A_1006[0] : i32 from vector<1xi32>
        %mul3A_1008 = arith.constant 16 : i32
        %mul3A_1009 = arith.muli %scan3A_60, %mul3A_1008 : i32
        %add3A_1010 = arith.constant 8 : i32
        %add3A_1011 = arith.addi %mul3A_1009, %add3A_1010 : i32
        %get3A_1012 = arith.index_cast %add3A_1011 : i32 to index
        %get3A_1013 = arith.constant 0 : index
        %get3A_1014 = tpu.vector_load %arg15[%get3A_1012, %get3A_1013] {strides = array<i32>} : memref<128x128xf32, #tpu.memory_space<vmem>>, vector<1x16xf32>,
        %get3A_1015 = vector.shape_cast %get3A_1014 : vector<1x16xf32> to vector<16xf32>
        %get3A_1016 = arith.index_cast %squeeze3A_1007 : i32 to index
        %get3A_1017 = arith.constant 0 : index
        %get3A_1018 = tpu.vector_load %arg11[%get3A_1016, %get3A_1017] {strides = array<i32>} : memref<32x128xf32, #tpu.memory_space<vmem>>, vector<1x16xf32>,
        %get3A_1019 = vector.shape_cast %get3A_1018 : vector<1x16xf32> to vector<16xf32>
        %mul3A_1020 = arith.mulf %get3A_1015, %get3A_1019 : vector<16xf32>
        %swap3A_1021 = arith.index_cast %add3A_1011 : i32 to index
        %swap3A_1022 = arith.constant 0 : index
        %swap3A_1023 = tpu.vector_load %arg15[%swap3A_1021, %swap3A_1022] {strides = array<i32>} : memref<128x128xf32, #tpu.memory_space<vmem>>, vector<1x16xf32>,
        %swap3A_1024 = vector.shape_cast %swap3A_1023 : vector<1x16xf32> to vector<16xf32>
        %swap3A_1025 = vector.shape_cast %mul3A_1020 : vector<16xf32> to vector<1x16xf32>
        tpu.vector_store %arg15[%swap3A_1021, %swap3A_1022], %swap3A_1025 {strides = array<i32>} : memref<128x128xf32, #tpu.memory_space<vmem>>, vector<1x16xf32>,
        %get3A_1026 = arith.index_cast %add3A_1011 : i32 to index
        %get3A_1027 = arith.constant 16 : index
        %get3A_1028 = tpu.vector_load %arg15[%get3A_1026, %get3A_1027] {strides = array<i32>} : memref<128x128xf32, #tpu.memory_space<vmem>>, vector<1x16xf32>,
        %get3A_1029 = vector.shape_cast %get3A_1028 : vector<1x16xf32> to vector<16xf32>
        %get3A_1030 = arith.index_cast %squeeze3A_1007 : i32 to index
        %get3A_1031 = arith.constant 16 : index
        %get3A_1032 = tpu.vector_load %arg11[%get3A_1030, %get3A_1031] {strides = array<i32>} : memref<32x128xf32, #tpu.memory_space<vmem>>, vector<1x16xf32>,
        %get3A_1033 = vector.shape_cast %get3A_1032 : vector<1x16xf32> to vector<16xf32>
        %mul3A_1034 = arith.mulf %get3A_1029, %get3A_1033 : vector<16xf32>
        %swap3A_1035 = arith.index_cast %add3A_1011 : i32 to index
        %swap3A_1036 = arith.constant 16 : index
        %swap3A_1037 = tpu.vector_load %arg15[%swap3A_1035, %swap3A_1036] {strides = array<i32>} : memref<128x128xf32, #tpu.memory_space<vmem>>, vector<1x16xf32>,
        %swap3A_1038 = vector.shape_cast %swap3A_1037 : vector<1x16xf32> to vector<16xf32>
        %swap3A_1039 = vector.shape_cast %mul3A_1034 : vector<16xf32> to vector<1x16xf32>
        tpu.vector_store %arg15[%swap3A_1035, %swap3A_1036], %swap3A_1039 {strides = array<i32>} : memref<128x128xf32, #tpu.memory_space<vmem>>, vector<1x16xf32>,
        %get3A_1040 = arith.index_cast %add3A_1011 : i32 to index
        %get3A_1041 = arith.constant 32 : index
        %get3A_1042 = tpu.vector_load %arg15[%get3A_1040, %get3A_1041] {strides = array<i32>} : memref<128x128xf32, #tpu.memory_space<vmem>>, vector<1x16xf32>,
        %get3A_1043 = vector.shape_cast %get3A_1042 : vector<1x16xf32> to vector<16xf32>
        %get3A_1044 = arith.index_cast %squeeze3A_1007 : i32 to index
        %get3A_1045 = arith.constant 32 : index
        %get3A_1046 = tpu.vector_load %arg11[%get3A_1044, %get3A_1045] {strides = array<i32>} : memref<32x128xf32, #tpu.memory_space<vmem>>, vector<1x16xf32>,
        %get3A_1047 = vector.shape_cast %get3A_1046 : vector<1x16xf32> to vector<16xf32>
        %mul3A_1048 = arith.mulf %get3A_1043, %get3A_1047 : vector<16xf32>
        %swap3A_1049 = arith.index_cast %add3A_1011 : i32 to index
        %swap3A_1050 = arith.constant 32 : index
        %swap3A_1051 = tpu.vector_load %arg15[%swap3A_1049, %swap3A_1050] {strides = array<i32>} : memref<128x128xf32, #tpu.memory_space<vmem>>, vector<1x16xf32>,
        %swap3A_1052 = vector.shape_cast %swap3A_1051 : vector<1x16xf32> to vector<16xf32>
        %swap3A_1053 = vector.shape_cast %mul3A_1048 : vector<16xf32> to vector<1x16xf32>
        tpu.vector_store %arg15[%swap3A_1049, %swap3A_1050], %swap3A_1053 {strides = array<i32>} : memref<128x128xf32, #tpu.memory_space<vmem>>, vector<1x16xf32>,
        %get3A_1054 = arith.index_cast %add3A_1011 : i32 to index
        %get3A_1055 = arith.constant 48 : index
        %get3A_1056 = tpu.vector_load %arg15[%get3A_1054, %get3A_1055] {strides = array<i32>} : memref<128x128xf32, #tpu.memory_space<vmem>>, vector<1x16xf32>,
        %get3A_1057 = vector.shape_cast %get3A_1056 : vector<1x16xf32> to vector<16xf32>
        %get3A_1058 = arith.index_cast %squeeze3A_1007 : i32 to index
        %get3A_1059 = arith.constant 48 : index
        %get3A_1060 = tpu.vector_load %arg11[%get3A_1058, %get3A_1059] {strides = array<i32>} : memref<32x128xf32, #tpu.memory_space<vmem>>, vector<1x16xf32>,
        %get3A_1061 = vector.shape_cast %get3A_1060 : vector<1x16xf32> to vector<16xf32>
        %mul3A_1062 = arith.mulf %get3A_1057, %get3A_1061 : vector<16xf32>
        %swap3A_1063 = arith.index_cast %add3A_1011 : i32 to index
        %swap3A_1064 = arith.constant 48 : index
        %swap3A_1065 = tpu.vector_load %arg15[%swap3A_1063, %swap3A_1064] {strides = array<i32>} : memref<128x128xf32, #tpu.memory_space<vmem>>, vector<1x16xf32>,
        %swap3A_1066 = vector.shape_cast %swap3A_1065 : vector<1x16xf32> to vector<16xf32>
        %swap3A_1067 = vector.shape_cast %mul3A_1062 : vector<16xf32> to vector<1x16xf32>
        tpu.vector_store %arg15[%swap3A_1063, %swap3A_1064], %swap3A_1067 {strides = array<i32>} : memref<128x128xf32, #tpu.memory_space<vmem>>, vector<1x16xf32>,
        %get3A_1068 = arith.index_cast %add3A_1011 : i32 to index
        %get3A_1069 = arith.constant 64 : index
        %get3A_1070 = tpu.vector_load %arg15[%get3A_1068, %get3A_1069] {strides = array<i32>} : memref<128x128xf32, #tpu.memory_space<vmem>>, vector<1x16xf32>,
        %get3A_1071 = vector.shape_cast %get3A_1070 : vector<1x16xf32> to vector<16xf32>
        %get3A_1072 = arith.index_cast %squeeze3A_1007 : i32 to index
        %get3A_1073 = arith.constant 64 : index
        %get3A_1074 = tpu.vector_load %arg11[%get3A_1072, %get3A_1073] {strides = array<i32>} : memref<32x128xf32, #tpu.memory_space<vmem>>, vector<1x16xf32>,
        %get3A_1075 = vector.shape_cast %get3A_1074 : vector<1x16xf32> to vector<16xf32>
        %mul3A_1076 = arith.mulf %get3A_1071, %get3A_1075 : vector<16xf32>
        %swap3A_1077 = arith.index_cast %add3A_1011 : i32 to index
        %swap3A_1078 = arith.constant 64 : index
        %swap3A_1079 = tpu.vector_load %arg15[%swap3A_1077, %swap3A_1078] {strides = array<i32>} : memref<128x128xf32, #tpu.memory_space<vmem>>, vector<1x16xf32>,
        %swap3A_1080 = vector.shape_cast %swap3A_1079 : vector<1x16xf32> to vector<16xf32>
        %swap3A_1081 = vector.shape_cast %mul3A_1076 : vector<16xf32> to vector<1x16xf32>
        tpu.vector_store %arg15[%swap3A_1077, %swap3A_1078], %swap3A_1081 {strides = array<i32>} : memref<128x128xf32, #tpu.memory_space<vmem>>, vector<1x16xf32>,
        %get3A_1082 = arith.index_cast %add3A_1011 : i32 to index
        %get3A_1083 = arith.constant 80 : index
        %get3A_1084 = tpu.vector_load %arg15[%get3A_1082, %get3A_1083] {strides = array<i32>} : memref<128x128xf32, #tpu.memory_space<vmem>>, vector<1x16xf32>,
        %get3A_1085 = vector.shape_cast %get3A_1084 : vector<1x16xf32> to vector<16xf32>
        %get3A_1086 = arith.index_cast %squeeze3A_1007 : i32 to index
        %get3A_1087 = arith.constant 80 : index
        %get3A_1088 = tpu.vector_load %arg11[%get3A_1086, %get3A_1087] {strides = array<i32>} : memref<32x128xf32, #tpu.memory_space<vmem>>, vector<1x16xf32>,
        %get3A_1089 = vector.shape_cast %get3A_1088 : vector<1x16xf32> to vector<16xf32>
        %mul3A_1090 = arith.mulf %get3A_1085, %get3A_1089 : vector<16xf32>
        %swap3A_1091 = arith.index_cast %add3A_1011 : i32 to index
        %swap3A_1092 = arith.constant 80 : index
        %swap3A_1093 = tpu.vector_load %arg15[%swap3A_1091, %swap3A_1092] {strides = array<i32>} : memref<128x128xf32, #tpu.memory_space<vmem>>, vector<1x16xf32>,
        %swap3A_1094 = vector.shape_cast %swap3A_1093 : vector<1x16xf32> to vector<16xf32>
        %swap3A_1095 = vector.shape_cast %mul3A_1090 : vector<16xf32> to vector<1x16xf32>
        tpu.vector_store %arg15[%swap3A_1091, %swap3A_1092], %swap3A_1095 {strides = array<i32>} : memref<128x128xf32, #tpu.memory_space<vmem>>, vector<1x16xf32>,
        %get3A_1096 = arith.index_cast %add3A_1011 : i32 to index
        %get3A_1097 = arith.constant 96 : index
        %get3A_1098 = tpu.vector_load %arg15[%get3A_1096, %get3A_1097] {strides = array<i32>} : memref<128x128xf32, #tpu.memory_space<vmem>>, vector<1x16xf32>,
        %get3A_1099 = vector.shape_cast %get3A_1098 : vector<1x16xf32> to vector<16xf32>
        %get3A_1100 = arith.index_cast %squeeze3A_1007 : i32 to index
        %get3A_1101 = arith.constant 96 : index
        %get3A_1102 = tpu.vector_load %arg11[%get3A_1100, %get3A_1101] {strides = array<i32>} : memref<32x128xf32, #tpu.memory_space<vmem>>, vector<1x16xf32>,
        %get3A_1103 = vector.shape_cast %get3A_1102 : vector<1x16xf32> to vector<16xf32>
        %mul3A_1104 = arith.mulf %get3A_1099, %get3A_1103 : vector<16xf32>
        %swap3A_1105 = arith.index_cast %add3A_1011 : i32 to index
        %swap3A_1106 = arith.constant 96 : index
        %swap3A_1107 = tpu.vector_load %arg15[%swap3A_1105, %swap3A_1106] {strides = array<i32>} : memref<128x128xf32, #tpu.memory_space<vmem>>, vector<1x16xf32>,
        %swap3A_1108 = vector.shape_cast %swap3A_1107 : vector<1x16xf32> to vector<16xf32>
        %swap3A_1109 = vector.shape_cast %mul3A_1104 : vector<16xf32> to vector<1x16xf32>
        tpu.vector_store %arg15[%swap3A_1105, %swap3A_1106], %swap3A_1109 {strides = array<i32>} : memref<128x128xf32, #tpu.memory_space<vmem>>, vector<1x16xf32>,
        %get3A_1110 = arith.index_cast %add3A_1011 : i32 to index
        %get3A_1111 = arith.constant 112 : index
        %get3A_1112 = tpu.vector_load %arg15[%get3A_1110, %get3A_1111] {strides = array<i32>} : memref<128x128xf32, #tpu.memory_space<vmem>>, vector<1x16xf32>,
        %get3A_1113 = vector.shape_cast %get3A_1112 : vector<1x16xf32> to vector<16xf32>
        %get3A_1114 = arith.index_cast %squeeze3A_1007 : i32 to index
        %get3A_1115 = arith.constant 112 : index
        %get3A_1116 = tpu.vector_load %arg11[%get3A_1114, %get3A_1115] {strides = array<i32>} : memref<32x128xf32, #tpu.memory_space<vmem>>, vector<1x16xf32>,
        %get3A_1117 = vector.shape_cast %get3A_1116 : vector<1x16xf32> to vector<16xf32>
        %mul3A_1118 = arith.mulf %get3A_1113, %get3A_1117 : vector<16xf32>
        %swap3A_1119 = arith.index_cast %add3A_1011 : i32 to index
        %swap3A_1120 = arith.constant 112 : index
        %swap3A_1121 = tpu.vector_load %arg15[%swap3A_1119, %swap3A_1120] {strides = array<i32>} : memref<128x128xf32, #tpu.memory_space<vmem>>, vector<1x16xf32>,
        %swap3A_1122 = vector.shape_cast %swap3A_1121 : vector<1x16xf32> to vector<16xf32>
        %swap3A_1123 = vector.shape_cast %mul3A_1118 : vector<16xf32> to vector<1x16xf32>
        tpu.vector_store %arg15[%swap3A_1119, %swap3A_1120], %swap3A_1123 {strides = array<i32>} : memref<128x128xf32, #tpu.memory_space<vmem>>, vector<1x16xf32>,
        %slice3A_1124 = vector.extract_strided_slice %get3A_64 {offsets = [9], sizes = [1], strides = [1]} : vector<16xi32> to vector<1xi32>
        %squeeze3A_1125 = vector.extract %slice3A_1124[0] : i32 from vector<1xi32>
        %mul3A_1126 = arith.constant 16 : i32
        %mul3A_1127 = arith.muli %scan3A_60, %mul3A_1126 : i32
        %add3A_1128 = arith.constant 9 : i32
        %add3A_1129 = arith.addi %mul3A_1127, %add3A_1128 : i32
        %get3A_1130 = arith.index_cast %add3A_1129 : i32 to index
        %get3A_1131 = arith.constant 0 : index
        %get3A_1132 = tpu.vector_load %arg15[%get3A_1130, %get3A_1131] {strides = array<i32>} : memref<128x128xf32, #tpu.memory_space<vmem>>, vector<1x16xf32>,
        %get3A_1133 = vector.shape_cast %get3A_1132 : vector<1x16xf32> to vector<16xf32>
        %get3A_1134 = arith.index_cast %squeeze3A_1125 : i32 to index
        %get3A_1135 = arith.constant 0 : index
        %get3A_1136 = tpu.vector_load %arg11[%get3A_1134, %get3A_1135] {strides = array<i32>} : memref<32x128xf32, #tpu.memory_space<vmem>>, vector<1x16xf32>,
        %get3A_1137 = vector.shape_cast %get3A_1136 : vector<1x16xf32> to vector<16xf32>
        %mul3A_1138 = arith.mulf %get3A_1133, %get3A_1137 : vector<16xf32>
        %swap3A_1139 = arith.index_cast %add3A_1129 : i32 to index
        %swap3A_1140 = arith.constant 0 : index
        %swap3A_1141 = tpu.vector_load %arg15[%swap3A_1139, %swap3A_1140] {strides = array<i32>} : memref<128x128xf32, #tpu.memory_space<vmem>>, vector<1x16xf32>,
        %swap3A_1142 = vector.shape_cast %swap3A_1141 : vector<1x16xf32> to vector<16xf32>
        %swap3A_1143 = vector.shape_cast %mul3A_1138 : vector<16xf32> to vector<1x16xf32>
        tpu.vector_store %arg15[%swap3A_1139, %swap3A_1140], %swap3A_1143 {strides = array<i32>} : memref<128x128xf32, #tpu.memory_space<vmem>>, vector<1x16xf32>,
        %get3A_1144 = arith.index_cast %add3A_1129 : i32 to index
        %get3A_1145 = arith.constant 16 : index
        %get3A_1146 = tpu.vector_load %arg15[%get3A_1144, %get3A_1145] {strides = array<i32>} : memref<128x128xf32, #tpu.memory_space<vmem>>, vector<1x16xf32>,
        %get3A_1147 = vector.shape_cast %get3A_1146 : vector<1x16xf32> to vector<16xf32>
        %get3A_1148 = arith.index_cast %squeeze3A_1125 : i32 to index
        %get3A_1149 = arith.constant 16 : index
        %get3A_1150 = tpu.vector_load %arg11[%get3A_1148, %get3A_1149] {strides = array<i32>} : memref<32x128xf32, #tpu.memory_space<vmem>>, vector<1x16xf32>,
        %get3A_1151 = vector.shape_cast %get3A_1150 : vector<1x16xf32> to vector<16xf32>
        %mul3A_1152 = arith.mulf %get3A_1147, %get3A_1151 : vector<16xf32>
        %swap3A_1153 = arith.index_cast %add3A_1129 : i32 to index
        %swap3A_1154 = arith.constant 16 : index
        %swap3A_1155 = tpu.vector_load %arg15[%swap3A_1153, %swap3A_1154] {strides = array<i32>} : memref<128x128xf32, #tpu.memory_space<vmem>>, vector<1x16xf32>,
        %swap3A_1156 = vector.shape_cast %swap3A_1155 : vector<1x16xf32> to vector<16xf32>
        %swap3A_1157 = vector.shape_cast %mul3A_1152 : vector<16xf32> to vector<1x16xf32>
        tpu.vector_store %arg15[%swap3A_1153, %swap3A_1154], %swap3A_1157 {strides = array<i32>} : memref<128x128xf32, #tpu.memory_space<vmem>>, vector<1x16xf32>,
        %get3A_1158 = arith.index_cast %add3A_1129 : i32 to index
        %get3A_1159 = arith.constant 32 : index
        %get3A_1160 = tpu.vector_load %arg15[%get3A_1158, %get3A_1159] {strides = array<i32>} : memref<128x128xf32, #tpu.memory_space<vmem>>, vector<1x16xf32>,
        %get3A_1161 = vector.shape_cast %get3A_1160 : vector<1x16xf32> to vector<16xf32>
        %get3A_1162 = arith.index_cast %squeeze3A_1125 : i32 to index
        %get3A_1163 = arith.constant 32 : index
        %get3A_1164 = tpu.vector_load %arg11[%get3A_1162, %get3A_1163] {strides = array<i32>} : memref<32x128xf32, #tpu.memory_space<vmem>>, vector<1x16xf32>,
        %get3A_1165 = vector.shape_cast %get3A_1164 : vector<1x16xf32> to vector<16xf32>
        %mul3A_1166 = arith.mulf %get3A_1161, %get3A_1165 : vector<16xf32>
        %swap3A_1167 = arith.index_cast %add3A_1129 : i32 to index
        %swap3A_1168 = arith.constant 32 : index
        %swap3A_1169 = tpu.vector_load %arg15[%swap3A_1167, %swap3A_1168] {strides = array<i32>} : memref<128x128xf32, #tpu.memory_space<vmem>>, vector<1x16xf32>,
        %swap3A_1170 = vector.shape_cast %swap3A_1169 : vector<1x16xf32> to vector<16xf32>
        %swap3A_1171 = vector.shape_cast %mul3A_1166 : vector<16xf32> to vector<1x16xf32>
        tpu.vector_store %arg15[%swap3A_1167, %swap3A_1168], %swap3A_1171 {strides = array<i32>} : memref<128x128xf32, #tpu.memory_space<vmem>>, vector<1x16xf32>,
        %get3A_1172 = arith.index_cast %add3A_1129 : i32 to index
        %get3A_1173 = arith.constant 48 : index
        %get3A_1174 = tpu.vector_load %arg15[%get3A_1172, %get3A_1173] {strides = array<i32>} : memref<128x128xf32, #tpu.memory_space<vmem>>, vector<1x16xf32>,
        %get3A_1175 = vector.shape_cast %get3A_1174 : vector<1x16xf32> to vector<16xf32>
        %get3A_1176 = arith.index_cast %squeeze3A_1125 : i32 to index
        %get3A_1177 = arith.constant 48 : index
        %get3A_1178 = tpu.vector_load %arg11[%get3A_1176, %get3A_1177] {strides = array<i32>} : memref<32x128xf32, #tpu.memory_space<vmem>>, vector<1x16xf32>,
        %get3A_1179 = vector.shape_cast %get3A_1178 : vector<1x16xf32> to vector<16xf32>
        %mul3A_1180 = arith.mulf %get3A_1175, %get3A_1179 : vector<16xf32>
        %swap3A_1181 = arith.index_cast %add3A_1129 : i32 to index
        %swap3A_1182 = arith.constant 48 : index
        %swap3A_1183 = tpu.vector_load %arg15[%swap3A_1181, %swap3A_1182] {strides = array<i32>} : memref<128x128xf32, #tpu.memory_space<vmem>>, vector<1x16xf32>,
        %swap3A_1184 = vector.shape_cast %swap3A_1183 : vector<1x16xf32> to vector<16xf32>
        %swap3A_1185 = vector.shape_cast %mul3A_1180 : vector<16xf32> to vector<1x16xf32>
        tpu.vector_store %arg15[%swap3A_1181, %swap3A_1182], %swap3A_1185 {strides = array<i32>} : memref<128x128xf32, #tpu.memory_space<vmem>>, vector<1x16xf32>,
        %get3A_1186 = arith.index_cast %add3A_1129 : i32 to index
        %get3A_1187 = arith.constant 64 : index
        %get3A_1188 = tpu.vector_load %arg15[%get3A_1186, %get3A_1187] {strides = array<i32>} : memref<128x128xf32, #tpu.memory_space<vmem>>, vector<1x16xf32>,
        %get3A_1189 = vector.shape_cast %get3A_1188 : vector<1x16xf32> to vector<16xf32>
        %get3A_1190 = arith.index_cast %squeeze3A_1125 : i32 to index
        %get3A_1191 = arith.constant 64 : index
        %get3A_1192 = tpu.vector_load %arg11[%get3A_1190, %get3A_1191] {strides = array<i32>} : memref<32x128xf32, #tpu.memory_space<vmem>>, vector<1x16xf32>,
        %get3A_1193 = vector.shape_cast %get3A_1192 : vector<1x16xf32> to vector<16xf32>
        %mul3A_1194 = arith.mulf %get3A_1189, %get3A_1193 : vector<16xf32>
        %swap3A_1195 = arith.index_cast %add3A_1129 : i32 to index
        %swap3A_1196 = arith.constant 64 : index
        %swap3A_1197 = tpu.vector_load %arg15[%swap3A_1195, %swap3A_1196] {strides = array<i32>} : memref<128x128xf32, #tpu.memory_space<vmem>>, vector<1x16xf32>,
        %swap3A_1198 = vector.shape_cast %swap3A_1197 : vector<1x16xf32> to vector<16xf32>
        %swap3A_1199 = vector.shape_cast %mul3A_1194 : vector<16xf32> to vector<1x16xf32>
        tpu.vector_store %arg15[%swap3A_1195, %swap3A_1196], %swap3A_1199 {strides = array<i32>} : memref<128x128xf32, #tpu.memory_space<vmem>>, vector<1x16xf32>,
        %get3A_1200 = arith.index_cast %add3A_1129 : i32 to index
        %get3A_1201 = arith.constant 80 : index
        %get3A_1202 = tpu.vector_load %arg15[%get3A_1200, %get3A_1201] {strides = array<i32>} : memref<128x128xf32, #tpu.memory_space<vmem>>, vector<1x16xf32>,
        %get3A_1203 = vector.shape_cast %get3A_1202 : vector<1x16xf32> to vector<16xf32>
        %get3A_1204 = arith.index_cast %squeeze3A_1125 : i32 to index
        %get3A_1205 = arith.constant 80 : index
        %get3A_1206 = tpu.vector_load %arg11[%get3A_1204, %get3A_1205] {strides = array<i32>} : memref<32x128xf32, #tpu.memory_space<vmem>>, vector<1x16xf32>,
        %get3A_1207 = vector.shape_cast %get3A_1206 : vector<1x16xf32> to vector<16xf32>
        %mul3A_1208 = arith.mulf %get3A_1203, %get3A_1207 : vector<16xf32>
        %swap3A_1209 = arith.index_cast %add3A_1129 : i32 to index
        %swap3A_1210 = arith.constant 80 : index
        %swap3A_1211 = tpu.vector_load %arg15[%swap3A_1209, %swap3A_1210] {strides = array<i32>} : memref<128x128xf32, #tpu.memory_space<vmem>>, vector<1x16xf32>,
        %swap3A_1212 = vector.shape_cast %swap3A_1211 : vector<1x16xf32> to vector<16xf32>
        %swap3A_1213 = vector.shape_cast %mul3A_1208 : vector<16xf32> to vector<1x16xf32>
        tpu.vector_store %arg15[%swap3A_1209, %swap3A_1210], %swap3A_1213 {strides = array<i32>} : memref<128x128xf32, #tpu.memory_space<vmem>>, vector<1x16xf32>,
        %get3A_1214 = arith.index_cast %add3A_1129 : i32 to index
        %get3A_1215 = arith.constant 96 : index
        %get3A_1216 = tpu.vector_load %arg15[%get3A_1214, %get3A_1215] {strides = array<i32>} : memref<128x128xf32, #tpu.memory_space<vmem>>, vector<1x16xf32>,
        %get3A_1217 = vector.shape_cast %get3A_1216 : vector<1x16xf32> to vector<16xf32>
        %get3A_1218 = arith.index_cast %squeeze3A_1125 : i32 to index
        %get3A_1219 = arith.constant 96 : index
        %get3A_1220 = tpu.vector_load %arg11[%get3A_1218, %get3A_1219] {strides = array<i32>} : memref<32x128xf32, #tpu.memory_space<vmem>>, vector<1x16xf32>,
        %get3A_1221 = vector.shape_cast %get3A_1220 : vector<1x16xf32> to vector<16xf32>
        %mul3A_1222 = arith.mulf %get3A_1217, %get3A_1221 : vector<16xf32>
        %swap3A_1223 = arith.index_cast %add3A_1129 : i32 to index
        %swap3A_1224 = arith.constant 96 : index
        %swap3A_1225 = tpu.vector_load %arg15[%swap3A_1223, %swap3A_1224] {strides = array<i32>} : memref<128x128xf32, #tpu.memory_space<vmem>>, vector<1x16xf32>,
        %swap3A_1226 = vector.shape_cast %swap3A_1225 : vector<1x16xf32> to vector<16xf32>
        %swap3A_1227 = vector.shape_cast %mul3A_1222 : vector<16xf32> to vector<1x16xf32>
        tpu.vector_store %arg15[%swap3A_1223, %swap3A_1224], %swap3A_1227 {strides = array<i32>} : memref<128x128xf32, #tpu.memory_space<vmem>>, vector<1x16xf32>,
        %get3A_1228 = arith.index_cast %add3A_1129 : i32 to index
        %get3A_1229 = arith.constant 112 : index
        %get3A_1230 = tpu.vector_load %arg15[%get3A_1228, %get3A_1229] {strides = array<i32>} : memref<128x128xf32, #tpu.memory_space<vmem>>, vector<1x16xf32>,
        %get3A_1231 = vector.shape_cast %get3A_1230 : vector<1x16xf32> to vector<16xf32>
        %get3A_1232 = arith.index_cast %squeeze3A_1125 : i32 to index
        %get3A_1233 = arith.constant 112 : index
        %get3A_1234 = tpu.vector_load %arg11[%get3A_1232, %get3A_1233] {strides = array<i32>} : memref<32x128xf32, #tpu.memory_space<vmem>>, vector<1x16xf32>,
        %get3A_1235 = vector.shape_cast %get3A_1234 : vector<1x16xf32> to vector<16xf32>
        %mul3A_1236 = arith.mulf %get3A_1231, %get3A_1235 : vector<16xf32>
        %swap3A_1237 = arith.index_cast %add3A_1129 : i32 to index
        %swap3A_1238 = arith.constant 112 : index
        %swap3A_1239 = tpu.vector_load %arg15[%swap3A_1237, %swap3A_1238] {strides = array<i32>} : memref<128x128xf32, #tpu.memory_space<vmem>>, vector<1x16xf32>,
        %swap3A_1240 = vector.shape_cast %swap3A_1239 : vector<1x16xf32> to vector<16xf32>
        %swap3A_1241 = vector.shape_cast %mul3A_1236 : vector<16xf32> to vector<1x16xf32>
        tpu.vector_store %arg15[%swap3A_1237, %swap3A_1238], %swap3A_1241 {strides = array<i32>} : memref<128x128xf32, #tpu.memory_space<vmem>>, vector<1x16xf32>,
        %slice3A_1242 = vector.extract_strided_slice %get3A_64 {offsets = [10], sizes = [1], strides = [1]} : vector<16xi32> to vector<1xi32>
        %squeeze3A_1243 = vector.extract %slice3A_1242[0] : i32 from vector<1xi32>
        %mul3A_1244 = arith.constant 16 : i32
        %mul3A_1245 = arith.muli %scan3A_60, %mul3A_1244 : i32
        %add3A_1246 = arith.constant 10 : i32
        %add3A_1247 = arith.addi %mul3A_1245, %add3A_1246 : i32
        %get3A_1248 = arith.index_cast %add3A_1247 : i32 to index
        %get3A_1249 = arith.constant 0 : index
        %get3A_1250 = tpu.vector_load %arg15[%get3A_1248, %get3A_1249] {strides = array<i32>} : memref<128x128xf32, #tpu.memory_space<vmem>>, vector<1x16xf32>,
        %get3A_1251 = vector.shape_cast %get3A_1250 : vector<1x16xf32> to vector<16xf32>
        %get3A_1252 = arith.index_cast %squeeze3A_1243 : i32 to index
        %get3A_1253 = arith.constant 0 : index
        %get3A_1254 = tpu.vector_load %arg11[%get3A_1252, %get3A_1253] {strides = array<i32>} : memref<32x128xf32, #tpu.memory_space<vmem>>, vector<1x16xf32>,
        %get3A_1255 = vector.shape_cast %get3A_1254 : vector<1x16xf32> to vector<16xf32>
        %mul3A_1256 = arith.mulf %get3A_1251, %get3A_1255 : vector<16xf32>
        %swap3A_1257 = arith.index_cast %add3A_1247 : i32 to index
        %swap3A_1258 = arith.constant 0 : index
        %swap3A_1259 = tpu.vector_load %arg15[%swap3A_1257, %swap3A_1258] {strides = array<i32>} : memref<128x128xf32, #tpu.memory_space<vmem>>, vector<1x16xf32>,
        %swap3A_1260 = vector.shape_cast %swap3A_1259 : vector<1x16xf32> to vector<16xf32>
        %swap3A_1261 = vector.shape_cast %mul3A_1256 : vector<16xf32> to vector<1x16xf32>
        tpu.vector_store %arg15[%swap3A_1257, %swap3A_1258], %swap3A_1261 {strides = array<i32>} : memref<128x128xf32, #tpu.memory_space<vmem>>, vector<1x16xf32>,
        %get3A_1262 = arith.index_cast %add3A_1247 : i32 to index
        %get3A_1263 = arith.constant 16 : index
        %get3A_1264 = tpu.vector_load %arg15[%get3A_1262, %get3A_1263] {strides = array<i32>} : memref<128x128xf32, #tpu.memory_space<vmem>>, vector<1x16xf32>,
        %get3A_1265 = vector.shape_cast %get3A_1264 : vector<1x16xf32> to vector<16xf32>
        %get3A_1266 = arith.index_cast %squeeze3A_1243 : i32 to index
        %get3A_1267 = arith.constant 16 : index
        %get3A_1268 = tpu.vector_load %arg11[%get3A_1266, %get3A_1267] {strides = array<i32>} : memref<32x128xf32, #tpu.memory_space<vmem>>, vector<1x16xf32>,
        %get3A_1269 = vector.shape_cast %get3A_1268 : vector<1x16xf32> to vector<16xf32>
        %mul3A_1270 = arith.mulf %get3A_1265, %get3A_1269 : vector<16xf32>
        %swap3A_1271 = arith.index_cast %add3A_1247 : i32 to index
        %swap3A_1272 = arith.constant 16 : index
        %swap3A_1273 = tpu.vector_load %arg15[%swap3A_1271, %swap3A_1272] {strides = array<i32>} : memref<128x128xf32, #tpu.memory_space<vmem>>, vector<1x16xf32>,
        %swap3A_1274 = vector.shape_cast %swap3A_1273 : vector<1x16xf32> to vector<16xf32>
        %swap3A_1275 = vector.shape_cast %mul3A_1270 : vector<16xf32> to vector<1x16xf32>
        tpu.vector_store %arg15[%swap3A_1271, %swap3A_1272], %swap3A_1275 {strides = array<i32>} : memref<128x128xf32, #tpu.memory_space<vmem>>, vector<1x16xf32>,
        %get3A_1276 = arith.index_cast %add3A_1247 : i32 to index
        %get3A_1277 = arith.constant 32 : index
        %get3A_1278 = tpu.vector_load %arg15[%get3A_1276, %get3A_1277] {strides = array<i32>} : memref<128x128xf32, #tpu.memory_space<vmem>>, vector<1x16xf32>,
        %get3A_1279 = vector.shape_cast %get3A_1278 : vector<1x16xf32> to vector<16xf32>
        %get3A_1280 = arith.index_cast %squeeze3A_1243 : i32 to index
        %get3A_1281 = arith.constant 32 : index
        %get3A_1282 = tpu.vector_load %arg11[%get3A_1280, %get3A_1281] {strides = array<i32>} : memref<32x128xf32, #tpu.memory_space<vmem>>, vector<1x16xf32>,
        %get3A_1283 = vector.shape_cast %get3A_1282 : vector<1x16xf32> to vector<16xf32>
        %mul3A_1284 = arith.mulf %get3A_1279, %get3A_1283 : vector<16xf32>
        %swap3A_1285 = arith.index_cast %add3A_1247 : i32 to index
        %swap3A_1286 = arith.constant 32 : index
        %swap3A_1287 = tpu.vector_load %arg15[%swap3A_1285, %swap3A_1286] {strides = array<i32>} : memref<128x128xf32, #tpu.memory_space<vmem>>, vector<1x16xf32>,
        %swap3A_1288 = vector.shape_cast %swap3A_1287 : vector<1x16xf32> to vector<16xf32>
        %swap3A_1289 = vector.shape_cast %mul3A_1284 : vector<16xf32> to vector<1x16xf32>
        tpu.vector_store %arg15[%swap3A_1285, %swap3A_1286], %swap3A_1289 {strides = array<i32>} : memref<128x128xf32, #tpu.memory_space<vmem>>, vector<1x16xf32>,
        %get3A_1290 = arith.index_cast %add3A_1247 : i32 to index
        %get3A_1291 = arith.constant 48 : index
        %get3A_1292 = tpu.vector_load %arg15[%get3A_1290, %get3A_1291] {strides = array<i32>} : memref<128x128xf32, #tpu.memory_space<vmem>>, vector<1x16xf32>,
        %get3A_1293 = vector.shape_cast %get3A_1292 : vector<1x16xf32> to vector<16xf32>
        %get3A_1294 = arith.index_cast %squeeze3A_1243 : i32 to index
        %get3A_1295 = arith.constant 48 : index
        %get3A_1296 = tpu.vector_load %arg11[%get3A_1294, %get3A_1295] {strides = array<i32>} : memref<32x128xf32, #tpu.memory_space<vmem>>, vector<1x16xf32>,
        %get3A_1297 = vector.shape_cast %get3A_1296 : vector<1x16xf32> to vector<16xf32>
        %mul3A_1298 = arith.mulf %get3A_1293, %get3A_1297 : vector<16xf32>
        %swap3A_1299 = arith.index_cast %add3A_1247 : i32 to index
        %swap3A_1300 = arith.constant 48 : index
        %swap3A_1301 = tpu.vector_load %arg15[%swap3A_1299, %swap3A_1300] {strides = array<i32>} : memref<128x128xf32, #tpu.memory_space<vmem>>, vector<1x16xf32>,
        %swap3A_1302 = vector.shape_cast %swap3A_1301 : vector<1x16xf32> to vector<16xf32>
        %swap3A_1303 = vector.shape_cast %mul3A_1298 : vector<16xf32> to vector<1x16xf32>
        tpu.vector_store %arg15[%swap3A_1299, %swap3A_1300], %swap3A_1303 {strides = array<i32>} : memref<128x128xf32, #tpu.memory_space<vmem>>, vector<1x16xf32>,
        %get3A_1304 = arith.index_cast %add3A_1247 : i32 to index
        %get3A_1305 = arith.constant 64 : index
        %get3A_1306 = tpu.vector_load %arg15[%get3A_1304, %get3A_1305] {strides = array<i32>} : memref<128x128xf32, #tpu.memory_space<vmem>>, vector<1x16xf32>,
        %get3A_1307 = vector.shape_cast %get3A_1306 : vector<1x16xf32> to vector<16xf32>
        %get3A_1308 = arith.index_cast %squeeze3A_1243 : i32 to index
        %get3A_1309 = arith.constant 64 : index
        %get3A_1310 = tpu.vector_load %arg11[%get3A_1308, %get3A_1309] {strides = array<i32>} : memref<32x128xf32, #tpu.memory_space<vmem>>, vector<1x16xf32>,
        %get3A_1311 = vector.shape_cast %get3A_1310 : vector<1x16xf32> to vector<16xf32>
        %mul3A_1312 = arith.mulf %get3A_1307, %get3A_1311 : vector<16xf32>
        %swap3A_1313 = arith.index_cast %add3A_1247 : i32 to index
        %swap3A_1314 = arith.constant 64 : index
        %swap3A_1315 = tpu.vector_load %arg15[%swap3A_1313, %swap3A_1314] {strides = array<i32>} : memref<128x128xf32, #tpu.memory_space<vmem>>, vector<1x16xf32>,
        %swap3A_1316 = vector.shape_cast %swap3A_1315 : vector<1x16xf32> to vector<16xf32>
        %swap3A_1317 = vector.shape_cast %mul3A_1312 : vector<16xf32> to vector<1x16xf32>
        tpu.vector_store %arg15[%swap3A_1313, %swap3A_1314], %swap3A_1317 {strides = array<i32>} : memref<128x128xf32, #tpu.memory_space<vmem>>, vector<1x16xf32>,
        %get3A_1318 = arith.index_cast %add3A_1247 : i32 to index
        %get3A_1319 = arith.constant 80 : index
        %get3A_1320 = tpu.vector_load %arg15[%get3A_1318, %get3A_1319] {strides = array<i32>} : memref<128x128xf32, #tpu.memory_space<vmem>>, vector<1x16xf32>,
        %get3A_1321 = vector.shape_cast %get3A_1320 : vector<1x16xf32> to vector<16xf32>
        %get3A_1322 = arith.index_cast %squeeze3A_1243 : i32 to index
        %get3A_1323 = arith.constant 80 : index
        %get3A_1324 = tpu.vector_load %arg11[%get3A_1322, %get3A_1323] {strides = array<i32>} : memref<32x128xf32, #tpu.memory_space<vmem>>, vector<1x16xf32>,
        %get3A_1325 = vector.shape_cast %get3A_1324 : vector<1x16xf32> to vector<16xf32>
        %mul3A_1326 = arith.mulf %get3A_1321, %get3A_1325 : vector<16xf32>
        %swap3A_1327 = arith.index_cast %add3A_1247 : i32 to index
        %swap3A_1328 = arith.constant 80 : index
        %swap3A_1329 = tpu.vector_load %arg15[%swap3A_1327, %swap3A_1328] {strides = array<i32>} : memref<128x128xf32, #tpu.memory_space<vmem>>, vector<1x16xf32>,
        %swap3A_1330 = vector.shape_cast %swap3A_1329 : vector<1x16xf32> to vector<16xf32>
        %swap3A_1331 = vector.shape_cast %mul3A_1326 : vector<16xf32> to vector<1x16xf32>
        tpu.vector_store %arg15[%swap3A_1327, %swap3A_1328], %swap3A_1331 {strides = array<i32>} : memref<128x128xf32, #tpu.memory_space<vmem>>, vector<1x16xf32>,
        %get3A_1332 = arith.index_cast %add3A_1247 : i32 to index
        %get3A_1333 = arith.constant 96 : index
        %get3A_1334 = tpu.vector_load %arg15[%get3A_1332, %get3A_1333] {strides = array<i32>} : memref<128x128xf32, #tpu.memory_space<vmem>>, vector<1x16xf32>,
        %get3A_1335 = vector.shape_cast %get3A_1334 : vector<1x16xf32> to vector<16xf32>
        %get3A_1336 = arith.index_cast %squeeze3A_1243 : i32 to index
        %get3A_1337 = arith.constant 96 : index
        %get3A_1338 = tpu.vector_load %arg11[%get3A_1336, %get3A_1337] {strides = array<i32>} : memref<32x128xf32, #tpu.memory_space<vmem>>, vector<1x16xf32>,
        %get3A_1339 = vector.shape_cast %get3A_1338 : vector<1x16xf32> to vector<16xf32>
        %mul3A_1340 = arith.mulf %get3A_1335, %get3A_1339 : vector<16xf32>
        %swap3A_1341 = arith.index_cast %add3A_1247 : i32 to index
        %swap3A_1342 = arith.constant 96 : index
        %swap3A_1343 = tpu.vector_load %arg15[%swap3A_1341, %swap3A_1342] {strides = array<i32>} : memref<128x128xf32, #tpu.memory_space<vmem>>, vector<1x16xf32>,
        %swap3A_1344 = vector.shape_cast %swap3A_1343 : vector<1x16xf32> to vector<16xf32>
        %swap3A_1345 = vector.shape_cast %mul3A_1340 : vector<16xf32> to vector<1x16xf32>
        tpu.vector_store %arg15[%swap3A_1341, %swap3A_1342], %swap3A_1345 {strides = array<i32>} : memref<128x128xf32, #tpu.memory_space<vmem>>, vector<1x16xf32>,
        %get3A_1346 = arith.index_cast %add3A_1247 : i32 to index
        %get3A_1347 = arith.constant 112 : index
        %get3A_1348 = tpu.vector_load %arg15[%get3A_1346, %get3A_1347] {strides = array<i32>} : memref<128x128xf32, #tpu.memory_space<vmem>>, vector<1x16xf32>,
        %get3A_1349 = vector.shape_cast %get3A_1348 : vector<1x16xf32> to vector<16xf32>
        %get3A_1350 = arith.index_cast %squeeze3A_1243 : i32 to index
        %get3A_1351 = arith.constant 112 : index
        %get3A_1352 = tpu.vector_load %arg11[%get3A_1350, %get3A_1351] {strides = array<i32>} : memref<32x128xf32, #tpu.memory_space<vmem>>, vector<1x16xf32>,
        %get3A_1353 = vector.shape_cast %get3A_1352 : vector<1x16xf32> to vector<16xf32>
        %mul3A_1354 = arith.mulf %get3A_1349, %get3A_1353 : vector<16xf32>
        %swap3A_1355 = arith.index_cast %add3A_1247 : i32 to index
        %swap3A_1356 = arith.constant 112 : index
        %swap3A_1357 = tpu.vector_load %arg15[%swap3A_1355, %swap3A_1356] {strides = array<i32>} : memref<128x128xf32, #tpu.memory_space<vmem>>, vector<1x16xf32>,
        %swap3A_1358 = vector.shape_cast %swap3A_1357 : vector<1x16xf32> to vector<16xf32>
        %swap3A_1359 = vector.shape_cast %mul3A_1354 : vector<16xf32> to vector<1x16xf32>
        tpu.vector_store %arg15[%swap3A_1355, %swap3A_1356], %swap3A_1359 {strides = array<i32>} : memref<128x128xf32, #tpu.memory_space<vmem>>, vector<1x16xf32>,
        %slice3A_1360 = vector.extract_strided_slice %get3A_64 {offsets = [11], sizes = [1], strides = [1]} : vector<16xi32> to vector<1xi32>
        %squeeze3A_1361 = vector.extract %slice3A_1360[0] : i32 from vector<1xi32>
        %mul3A_1362 = arith.constant 16 : i32
        %mul3A_1363 = arith.muli %scan3A_60, %mul3A_1362 : i32
        %add3A_1364 = arith.constant 11 : i32
        %add3A_1365 = arith.addi %mul3A_1363, %add3A_1364 : i32
        %get3A_1366 = arith.index_cast %add3A_1365 : i32 to index
        %get3A_1367 = arith.constant 0 : index
        %get3A_1368 = tpu.vector_load %arg15[%get3A_1366, %get3A_1367] {strides = array<i32>} : memref<128x128xf32, #tpu.memory_space<vmem>>, vector<1x16xf32>,
        %get3A_1369 = vector.shape_cast %get3A_1368 : vector<1x16xf32> to vector<16xf32>
        %get3A_1370 = arith.index_cast %squeeze3A_1361 : i32 to index
        %get3A_1371 = arith.constant 0 : index
        %get3A_1372 = tpu.vector_load %arg11[%get3A_1370, %get3A_1371] {strides = array<i32>} : memref<32x128xf32, #tpu.memory_space<vmem>>, vector<1x16xf32>,
        %get3A_1373 = vector.shape_cast %get3A_1372 : vector<1x16xf32> to vector<16xf32>
        %mul3A_1374 = arith.mulf %get3A_1369, %get3A_1373 : vector<16xf32>
        %swap3A_1375 = arith.index_cast %add3A_1365 : i32 to index
        %swap3A_1376 = arith.constant 0 : index
        %swap3A_1377 = tpu.vector_load %arg15[%swap3A_1375, %swap3A_1376] {strides = array<i32>} : memref<128x128xf32, #tpu.memory_space<vmem>>, vector<1x16xf32>,
        %swap3A_1378 = vector.shape_cast %swap3A_1377 : vector<1x16xf32> to vector<16xf32>
        %swap3A_1379 = vector.shape_cast %mul3A_1374 : vector<16xf32> to vector<1x16xf32>
        tpu.vector_store %arg15[%swap3A_1375, %swap3A_1376], %swap3A_1379 {strides = array<i32>} : memref<128x128xf32, #tpu.memory_space<vmem>>, vector<1x16xf32>,
        %get3A_1380 = arith.index_cast %add3A_1365 : i32 to index
        %get3A_1381 = arith.constant 16 : index
        %get3A_1382 = tpu.vector_load %arg15[%get3A_1380, %get3A_1381] {strides = array<i32>} : memref<128x128xf32, #tpu.memory_space<vmem>>, vector<1x16xf32>,
        %get3A_1383 = vector.shape_cast %get3A_1382 : vector<1x16xf32> to vector<16xf32>
        %get3A_1384 = arith.index_cast %squeeze3A_1361 : i32 to index
        %get3A_1385 = arith.constant 16 : index
        %get3A_1386 = tpu.vector_load %arg11[%get3A_1384, %get3A_1385] {strides = array<i32>} : memref<32x128xf32, #tpu.memory_space<vmem>>, vector<1x16xf32>,
        %get3A_1387 = vector.shape_cast %get3A_1386 : vector<1x16xf32> to vector<16xf32>
        %mul3A_1388 = arith.mulf %get3A_1383, %get3A_1387 : vector<16xf32>
        %swap3A_1389 = arith.index_cast %add3A_1365 : i32 to index
        %swap3A_1390 = arith.constant 16 : index
        %swap3A_1391 = tpu.vector_load %arg15[%swap3A_1389, %swap3A_1390] {strides = array<i32>} : memref<128x128xf32, #tpu.memory_space<vmem>>, vector<1x16xf32>,
        %swap3A_1392 = vector.shape_cast %swap3A_1391 : vector<1x16xf32> to vector<16xf32>
        %swap3A_1393 = vector.shape_cast %mul3A_1388 : vector<16xf32> to vector<1x16xf32>
        tpu.vector_store %arg15[%swap3A_1389, %swap3A_1390], %swap3A_1393 {strides = array<i32>} : memref<128x128xf32, #tpu.memory_space<vmem>>, vector<1x16xf32>,
        %get3A_1394 = arith.index_cast %add3A_1365 : i32 to index
        %get3A_1395 = arith.constant 32 : index
        %get3A_1396 = tpu.vector_load %arg15[%get3A_1394, %get3A_1395] {strides = array<i32>} : memref<128x128xf32, #tpu.memory_space<vmem>>, vector<1x16xf32>,
        %get3A_1397 = vector.shape_cast %get3A_1396 : vector<1x16xf32> to vector<16xf32>
        %get3A_1398 = arith.index_cast %squeeze3A_1361 : i32 to index
        %get3A_1399 = arith.constant 32 : index
        %get3A_1400 = tpu.vector_load %arg11[%get3A_1398, %get3A_1399] {strides = array<i32>} : memref<32x128xf32, #tpu.memory_space<vmem>>, vector<1x16xf32>,
        %get3A_1401 = vector.shape_cast %get3A_1400 : vector<1x16xf32> to vector<16xf32>
        %mul3A_1402 = arith.mulf %get3A_1397, %get3A_1401 : vector<16xf32>
        %swap3A_1403 = arith.index_cast %add3A_1365 : i32 to index
        %swap3A_1404 = arith.constant 32 : index
        %swap3A_1405 = tpu.vector_load %arg15[%swap3A_1403, %swap3A_1404] {strides = array<i32>} : memref<128x128xf32, #tpu.memory_space<vmem>>, vector<1x16xf32>,
        %swap3A_1406 = vector.shape_cast %swap3A_1405 : vector<1x16xf32> to vector<16xf32>
        %swap3A_1407 = vector.shape_cast %mul3A_1402 : vector<16xf32> to vector<1x16xf32>
        tpu.vector_store %arg15[%swap3A_1403, %swap3A_1404], %swap3A_1407 {strides = array<i32>} : memref<128x128xf32, #tpu.memory_space<vmem>>, vector<1x16xf32>,
        %get3A_1408 = arith.index_cast %add3A_1365 : i32 to index
        %get3A_1409 = arith.constant 48 : index
        %get3A_1410 = tpu.vector_load %arg15[%get3A_1408, %get3A_1409] {strides = array<i32>} : memref<128x128xf32, #tpu.memory_space<vmem>>, vector<1x16xf32>,
        %get3A_1411 = vector.shape_cast %get3A_1410 : vector<1x16xf32> to vector<16xf32>
        %get3A_1412 = arith.index_cast %squeeze3A_1361 : i32 to index
        %get3A_1413 = arith.constant 48 : index
        %get3A_1414 = tpu.vector_load %arg11[%get3A_1412, %get3A_1413] {strides = array<i32>} : memref<32x128xf32, #tpu.memory_space<vmem>>, vector<1x16xf32>,
        %get3A_1415 = vector.shape_cast %get3A_1414 : vector<1x16xf32> to vector<16xf32>
        %mul3A_1416 = arith.mulf %get3A_1411, %get3A_1415 : vector<16xf32>
        %swap3A_1417 = arith.index_cast %add3A_1365 : i32 to index
        %swap3A_1418 = arith.constant 48 : index
        %swap3A_1419 = tpu.vector_load %arg15[%swap3A_1417, %swap3A_1418] {strides = array<i32>} : memref<128x128xf32, #tpu.memory_space<vmem>>, vector<1x16xf32>,
        %swap3A_1420 = vector.shape_cast %swap3A_1419 : vector<1x16xf32> to vector<16xf32>
        %swap3A_1421 = vector.shape_cast %mul3A_1416 : vector<16xf32> to vector<1x16xf32>
        tpu.vector_store %arg15[%swap3A_1417, %swap3A_1418], %swap3A_1421 {strides = array<i32>} : memref<128x128xf32, #tpu.memory_space<vmem>>, vector<1x16xf32>,
        %get3A_1422 = arith.index_cast %add3A_1365 : i32 to index
        %get3A_1423 = arith.constant 64 : index
        %get3A_1424 = tpu.vector_load %arg15[%get3A_1422, %get3A_1423] {strides = array<i32>} : memref<128x128xf32, #tpu.memory_space<vmem>>, vector<1x16xf32>,
        %get3A_1425 = vector.shape_cast %get3A_1424 : vector<1x16xf32> to vector<16xf32>
        %get3A_1426 = arith.index_cast %squeeze3A_1361 : i32 to index
        %get3A_1427 = arith.constant 64 : index
        %get3A_1428 = tpu.vector_load %arg11[%get3A_1426, %get3A_1427] {strides = array<i32>} : memref<32x128xf32, #tpu.memory_space<vmem>>, vector<1x16xf32>,
        %get3A_1429 = vector.shape_cast %get3A_1428 : vector<1x16xf32> to vector<16xf32>
        %mul3A_1430 = arith.mulf %get3A_1425, %get3A_1429 : vector<16xf32>
        %swap3A_1431 = arith.index_cast %add3A_1365 : i32 to index
        %swap3A_1432 = arith.constant 64 : index
        %swap3A_1433 = tpu.vector_load %arg15[%swap3A_1431, %swap3A_1432] {strides = array<i32>} : memref<128x128xf32, #tpu.memory_space<vmem>>, vector<1x16xf32>,
        %swap3A_1434 = vector.shape_cast %swap3A_1433 : vector<1x16xf32> to vector<16xf32>
        %swap3A_1435 = vector.shape_cast %mul3A_1430 : vector<16xf32> to vector<1x16xf32>
        tpu.vector_store %arg15[%swap3A_1431, %swap3A_1432], %swap3A_1435 {strides = array<i32>} : memref<128x128xf32, #tpu.memory_space<vmem>>, vector<1x16xf32>,
        %get3A_1436 = arith.index_cast %add3A_1365 : i32 to index
        %get3A_1437 = arith.constant 80 : index
        %get3A_1438 = tpu.vector_load %arg15[%get3A_1436, %get3A_1437] {strides = array<i32>} : memref<128x128xf32, #tpu.memory_space<vmem>>, vector<1x16xf32>,
        %get3A_1439 = vector.shape_cast %get3A_1438 : vector<1x16xf32> to vector<16xf32>
        %get3A_1440 = arith.index_cast %squeeze3A_1361 : i32 to index
        %get3A_1441 = arith.constant 80 : index
        %get3A_1442 = tpu.vector_load %arg11[%get3A_1440, %get3A_1441] {strides = array<i32>} : memref<32x128xf32, #tpu.memory_space<vmem>>, vector<1x16xf32>,
        %get3A_1443 = vector.shape_cast %get3A_1442 : vector<1x16xf32> to vector<16xf32>
        %mul3A_1444 = arith.mulf %get3A_1439, %get3A_1443 : vector<16xf32>
        %swap3A_1445 = arith.index_cast %add3A_1365 : i32 to index
        %swap3A_1446 = arith.constant 80 : index
        %swap3A_1447 = tpu.vector_load %arg15[%swap3A_1445, %swap3A_1446] {strides = array<i32>} : memref<128x128xf32, #tpu.memory_space<vmem>>, vector<1x16xf32>,
        %swap3A_1448 = vector.shape_cast %swap3A_1447 : vector<1x16xf32> to vector<16xf32>
        %swap3A_1449 = vector.shape_cast %mul3A_1444 : vector<16xf32> to vector<1x16xf32>
        tpu.vector_store %arg15[%swap3A_1445, %swap3A_1446], %swap3A_1449 {strides = array<i32>} : memref<128x128xf32, #tpu.memory_space<vmem>>, vector<1x16xf32>,
        %get3A_1450 = arith.index_cast %add3A_1365 : i32 to index
        %get3A_1451 = arith.constant 96 : index
        %get3A_1452 = tpu.vector_load %arg15[%get3A_1450, %get3A_1451] {strides = array<i32>} : memref<128x128xf32, #tpu.memory_space<vmem>>, vector<1x16xf32>,
        %get3A_1453 = vector.shape_cast %get3A_1452 : vector<1x16xf32> to vector<16xf32>
        %get3A_1454 = arith.index_cast %squeeze3A_1361 : i32 to index
        %get3A_1455 = arith.constant 96 : index
        %get3A_1456 = tpu.vector_load %arg11[%get3A_1454, %get3A_1455] {strides = array<i32>} : memref<32x128xf32, #tpu.memory_space<vmem>>, vector<1x16xf32>,
        %get3A_1457 = vector.shape_cast %get3A_1456 : vector<1x16xf32> to vector<16xf32>
        %mul3A_1458 = arith.mulf %get3A_1453, %get3A_1457 : vector<16xf32>
        %swap3A_1459 = arith.index_cast %add3A_1365 : i32 to index
        %swap3A_1460 = arith.constant 96 : index
        %swap3A_1461 = tpu.vector_load %arg15[%swap3A_1459, %swap3A_1460] {strides = array<i32>} : memref<128x128xf32, #tpu.memory_space<vmem>>, vector<1x16xf32>,
        %swap3A_1462 = vector.shape_cast %swap3A_1461 : vector<1x16xf32> to vector<16xf32>
        %swap3A_1463 = vector.shape_cast %mul3A_1458 : vector<16xf32> to vector<1x16xf32>
        tpu.vector_store %arg15[%swap3A_1459, %swap3A_1460], %swap3A_1463 {strides = array<i32>} : memref<128x128xf32, #tpu.memory_space<vmem>>, vector<1x16xf32>,
        %get3A_1464 = arith.index_cast %add3A_1365 : i32 to index
        %get3A_1465 = arith.constant 112 : index
        %get3A_1466 = tpu.vector_load %arg15[%get3A_1464, %get3A_1465] {strides = array<i32>} : memref<128x128xf32, #tpu.memory_space<vmem>>, vector<1x16xf32>,
        %get3A_1467 = vector.shape_cast %get3A_1466 : vector<1x16xf32> to vector<16xf32>
        %get3A_1468 = arith.index_cast %squeeze3A_1361 : i32 to index
        %get3A_1469 = arith.constant 112 : index
        %get3A_1470 = tpu.vector_load %arg11[%get3A_1468, %get3A_1469] {strides = array<i32>} : memref<32x128xf32, #tpu.memory_space<vmem>>, vector<1x16xf32>,
        %get3A_1471 = vector.shape_cast %get3A_1470 : vector<1x16xf32> to vector<16xf32>
        %mul3A_1472 = arith.mulf %get3A_1467, %get3A_1471 : vector<16xf32>
        %swap3A_1473 = arith.index_cast %add3A_1365 : i32 to index
        %swap3A_1474 = arith.constant 112 : index
        %swap3A_1475 = tpu.vector_load %arg15[%swap3A_1473, %swap3A_1474] {strides = array<i32>} : memref<128x128xf32, #tpu.memory_space<vmem>>, vector<1x16xf32>,
        %swap3A_1476 = vector.shape_cast %swap3A_1475 : vector<1x16xf32> to vector<16xf32>
        %swap3A_1477 = vector.shape_cast %mul3A_1472 : vector<16xf32> to vector<1x16xf32>
        tpu.vector_store %arg15[%swap3A_1473, %swap3A_1474], %swap3A_1477 {strides = array<i32>} : memref<128x128xf32, #tpu.memory_space<vmem>>, vector<1x16xf32>,
        %slice3A_1478 = vector.extract_strided_slice %get3A_64 {offsets = [12], sizes = [1], strides = [1]} : vector<16xi32> to vector<1xi32>
        %squeeze3A_1479 = vector.extract %slice3A_1478[0] : i32 from vector<1xi32>
        %mul3A_1480 = arith.constant 16 : i32
        %mul3A_1481 = arith.muli %scan3A_60, %mul3A_1480 : i32
        %add3A_1482 = arith.constant 12 : i32
        %add3A_1483 = arith.addi %mul3A_1481, %add3A_1482 : i32
        %get3A_1484 = arith.index_cast %add3A_1483 : i32 to index
        %get3A_1485 = arith.constant 0 : index
        %get3A_1486 = tpu.vector_load %arg15[%get3A_1484, %get3A_1485] {strides = array<i32>} : memref<128x128xf32, #tpu.memory_space<vmem>>, vector<1x16xf32>,
        %get3A_1487 = vector.shape_cast %get3A_1486 : vector<1x16xf32> to vector<16xf32>
        %get3A_1488 = arith.index_cast %squeeze3A_1479 : i32 to index
        %get3A_1489 = arith.constant 0 : index
        %get3A_1490 = tpu.vector_load %arg11[%get3A_1488, %get3A_1489] {strides = array<i32>} : memref<32x128xf32, #tpu.memory_space<vmem>>, vector<1x16xf32>,
        %get3A_1491 = vector.shape_cast %get3A_1490 : vector<1x16xf32> to vector<16xf32>
        %mul3A_1492 = arith.mulf %get3A_1487, %get3A_1491 : vector<16xf32>
        %swap3A_1493 = arith.index_cast %add3A_1483 : i32 to index
        %swap3A_1494 = arith.constant 0 : index
        %swap3A_1495 = tpu.vector_load %arg15[%swap3A_1493, %swap3A_1494] {strides = array<i32>} : memref<128x128xf32, #tpu.memory_space<vmem>>, vector<1x16xf32>,
        %swap3A_1496 = vector.shape_cast %swap3A_1495 : vector<1x16xf32> to vector<16xf32>
        %swap3A_1497 = vector.shape_cast %mul3A_1492 : vector<16xf32> to vector<1x16xf32>
        tpu.vector_store %arg15[%swap3A_1493, %swap3A_1494], %swap3A_1497 {strides = array<i32>} : memref<128x128xf32, #tpu.memory_space<vmem>>, vector<1x16xf32>,
        %get3A_1498 = arith.index_cast %add3A_1483 : i32 to index
        %get3A_1499 = arith.constant 16 : index
        %get3A_1500 = tpu.vector_load %arg15[%get3A_1498, %get3A_1499] {strides = array<i32>} : memref<128x128xf32, #tpu.memory_space<vmem>>, vector<1x16xf32>,
        %get3A_1501 = vector.shape_cast %get3A_1500 : vector<1x16xf32> to vector<16xf32>
        %get3A_1502 = arith.index_cast %squeeze3A_1479 : i32 to index
        %get3A_1503 = arith.constant 16 : index
        %get3A_1504 = tpu.vector_load %arg11[%get3A_1502, %get3A_1503] {strides = array<i32>} : memref<32x128xf32, #tpu.memory_space<vmem>>, vector<1x16xf32>,
        %get3A_1505 = vector.shape_cast %get3A_1504 : vector<1x16xf32> to vector<16xf32>
        %mul3A_1506 = arith.mulf %get3A_1501, %get3A_1505 : vector<16xf32>
        %swap3A_1507 = arith.index_cast %add3A_1483 : i32 to index
        %swap3A_1508 = arith.constant 16 : index
        %swap3A_1509 = tpu.vector_load %arg15[%swap3A_1507, %swap3A_1508] {strides = array<i32>} : memref<128x128xf32, #tpu.memory_space<vmem>>, vector<1x16xf32>,
        %swap3A_1510 = vector.shape_cast %swap3A_1509 : vector<1x16xf32> to vector<16xf32>
        %swap3A_1511 = vector.shape_cast %mul3A_1506 : vector<16xf32> to vector<1x16xf32>
        tpu.vector_store %arg15[%swap3A_1507, %swap3A_1508], %swap3A_1511 {strides = array<i32>} : memref<128x128xf32, #tpu.memory_space<vmem>>, vector<1x16xf32>,
        %get3A_1512 = arith.index_cast %add3A_1483 : i32 to index
        %get3A_1513 = arith.constant 32 : index
        %get3A_1514 = tpu.vector_load %arg15[%get3A_1512, %get3A_1513] {strides = array<i32>} : memref<128x128xf32, #tpu.memory_space<vmem>>, vector<1x16xf32>,
        %get3A_1515 = vector.shape_cast %get3A_1514 : vector<1x16xf32> to vector<16xf32>
        %get3A_1516 = arith.index_cast %squeeze3A_1479 : i32 to index
        %get3A_1517 = arith.constant 32 : index
        %get3A_1518 = tpu.vector_load %arg11[%get3A_1516, %get3A_1517] {strides = array<i32>} : memref<32x128xf32, #tpu.memory_space<vmem>>, vector<1x16xf32>,
        %get3A_1519 = vector.shape_cast %get3A_1518 : vector<1x16xf32> to vector<16xf32>
        %mul3A_1520 = arith.mulf %get3A_1515, %get3A_1519 : vector<16xf32>
        %swap3A_1521 = arith.index_cast %add3A_1483 : i32 to index
        %swap3A_1522 = arith.constant 32 : index
        %swap3A_1523 = tpu.vector_load %arg15[%swap3A_1521, %swap3A_1522] {strides = array<i32>} : memref<128x128xf32, #tpu.memory_space<vmem>>, vector<1x16xf32>,
        %swap3A_1524 = vector.shape_cast %swap3A_1523 : vector<1x16xf32> to vector<16xf32>
        %swap3A_1525 = vector.shape_cast %mul3A_1520 : vector<16xf32> to vector<1x16xf32>
        tpu.vector_store %arg15[%swap3A_1521, %swap3A_1522], %swap3A_1525 {strides = array<i32>} : memref<128x128xf32, #tpu.memory_space<vmem>>, vector<1x16xf32>,
        %get3A_1526 = arith.index_cast %add3A_1483 : i32 to index
        %get3A_1527 = arith.constant 48 : index
        %get3A_1528 = tpu.vector_load %arg15[%get3A_1526, %get3A_1527] {strides = array<i32>} : memref<128x128xf32, #tpu.memory_space<vmem>>, vector<1x16xf32>,
        %get3A_1529 = vector.shape_cast %get3A_1528 : vector<1x16xf32> to vector<16xf32>
        %get3A_1530 = arith.index_cast %squeeze3A_1479 : i32 to index
        %get3A_1531 = arith.constant 48 : index
        %get3A_1532 = tpu.vector_load %arg11[%get3A_1530, %get3A_1531] {strides = array<i32>} : memref<32x128xf32, #tpu.memory_space<vmem>>, vector<1x16xf32>,
        %get3A_1533 = vector.shape_cast %get3A_1532 : vector<1x16xf32> to vector<16xf32>
        %mul3A_1534 = arith.mulf %get3A_1529, %get3A_1533 : vector<16xf32>
        %swap3A_1535 = arith.index_cast %add3A_1483 : i32 to index
        %swap3A_1536 = arith.constant 48 : index
        %swap3A_1537 = tpu.vector_load %arg15[%swap3A_1535, %swap3A_1536] {strides = array<i32>} : memref<128x128xf32, #tpu.memory_space<vmem>>, vector<1x16xf32>,
        %swap3A_1538 = vector.shape_cast %swap3A_1537 : vector<1x16xf32> to vector<16xf32>
        %swap3A_1539 = vector.shape_cast %mul3A_1534 : vector<16xf32> to vector<1x16xf32>
        tpu.vector_store %arg15[%swap3A_1535, %swap3A_1536], %swap3A_1539 {strides = array<i32>} : memref<128x128xf32, #tpu.memory_space<vmem>>, vector<1x16xf32>,
        %get3A_1540 = arith.index_cast %add3A_1483 : i32 to index
        %get3A_1541 = arith.constant 64 : index
        %get3A_1542 = tpu.vector_load %arg15[%get3A_1540, %get3A_1541] {strides = array<i32>} : memref<128x128xf32, #tpu.memory_space<vmem>>, vector<1x16xf32>,
        %get3A_1543 = vector.shape_cast %get3A_1542 : vector<1x16xf32> to vector<16xf32>
        %get3A_1544 = arith.index_cast %squeeze3A_1479 : i32 to index
        %get3A_1545 = arith.constant 64 : index
        %get3A_1546 = tpu.vector_load %arg11[%get3A_1544, %get3A_1545] {strides = array<i32>} : memref<32x128xf32, #tpu.memory_space<vmem>>, vector<1x16xf32>,
        %get3A_1547 = vector.shape_cast %get3A_1546 : vector<1x16xf32> to vector<16xf32>
        %mul3A_1548 = arith.mulf %get3A_1543, %get3A_1547 : vector<16xf32>
        %swap3A_1549 = arith.index_cast %add3A_1483 : i32 to index
        %swap3A_1550 = arith.constant 64 : index
        %swap3A_1551 = tpu.vector_load %arg15[%swap3A_1549, %swap3A_1550] {strides = array<i32>} : memref<128x128xf32, #tpu.memory_space<vmem>>, vector<1x16xf32>,
        %swap3A_1552 = vector.shape_cast %swap3A_1551 : vector<1x16xf32> to vector<16xf32>
        %swap3A_1553 = vector.shape_cast %mul3A_1548 : vector<16xf32> to vector<1x16xf32>
        tpu.vector_store %arg15[%swap3A_1549, %swap3A_1550], %swap3A_1553 {strides = array<i32>} : memref<128x128xf32, #tpu.memory_space<vmem>>, vector<1x16xf32>,
        %get3A_1554 = arith.index_cast %add3A_1483 : i32 to index
        %get3A_1555 = arith.constant 80 : index
        %get3A_1556 = tpu.vector_load %arg15[%get3A_1554, %get3A_1555] {strides = array<i32>} : memref<128x128xf32, #tpu.memory_space<vmem>>, vector<1x16xf32>,
        %get3A_1557 = vector.shape_cast %get3A_1556 : vector<1x16xf32> to vector<16xf32>
        %get3A_1558 = arith.index_cast %squeeze3A_1479 : i32 to index
        %get3A_1559 = arith.constant 80 : index
        %get3A_1560 = tpu.vector_load %arg11[%get3A_1558, %get3A_1559] {strides = array<i32>} : memref<32x128xf32, #tpu.memory_space<vmem>>, vector<1x16xf32>,
        %get3A_1561 = vector.shape_cast %get3A_1560 : vector<1x16xf32> to vector<16xf32>
        %mul3A_1562 = arith.mulf %get3A_1557, %get3A_1561 : vector<16xf32>
        %swap3A_1563 = arith.index_cast %add3A_1483 : i32 to index
        %swap3A_1564 = arith.constant 80 : index
        %swap3A_1565 = tpu.vector_load %arg15[%swap3A_1563, %swap3A_1564] {strides = array<i32>} : memref<128x128xf32, #tpu.memory_space<vmem>>, vector<1x16xf32>,
        %swap3A_1566 = vector.shape_cast %swap3A_1565 : vector<1x16xf32> to vector<16xf32>
        %swap3A_1567 = vector.shape_cast %mul3A_1562 : vector<16xf32> to vector<1x16xf32>
        tpu.vector_store %arg15[%swap3A_1563, %swap3A_1564], %swap3A_1567 {strides = array<i32>} : memref<128x128xf32, #tpu.memory_space<vmem>>, vector<1x16xf32>,
        %get3A_1568 = arith.index_cast %add3A_1483 : i32 to index
        %get3A_1569 = arith.constant 96 : index
        %get3A_1570 = tpu.vector_load %arg15[%get3A_1568, %get3A_1569] {strides = array<i32>} : memref<128x128xf32, #tpu.memory_space<vmem>>, vector<1x16xf32>,
        %get3A_1571 = vector.shape_cast %get3A_1570 : vector<1x16xf32> to vector<16xf32>
        %get3A_1572 = arith.index_cast %squeeze3A_1479 : i32 to index
        %get3A_1573 = arith.constant 96 : index
        %get3A_1574 = tpu.vector_load %arg11[%get3A_1572, %get3A_1573] {strides = array<i32>} : memref<32x128xf32, #tpu.memory_space<vmem>>, vector<1x16xf32>,
        %get3A_1575 = vector.shape_cast %get3A_1574 : vector<1x16xf32> to vector<16xf32>
        %mul3A_1576 = arith.mulf %get3A_1571, %get3A_1575 : vector<16xf32>
        %swap3A_1577 = arith.index_cast %add3A_1483 : i32 to index
        %swap3A_1578 = arith.constant 96 : index
        %swap3A_1579 = tpu.vector_load %arg15[%swap3A_1577, %swap3A_1578] {strides = array<i32>} : memref<128x128xf32, #tpu.memory_space<vmem>>, vector<1x16xf32>,
        %swap3A_1580 = vector.shape_cast %swap3A_1579 : vector<1x16xf32> to vector<16xf32>
        %swap3A_1581 = vector.shape_cast %mul3A_1576 : vector<16xf32> to vector<1x16xf32>
        tpu.vector_store %arg15[%swap3A_1577, %swap3A_1578], %swap3A_1581 {strides = array<i32>} : memref<128x128xf32, #tpu.memory_space<vmem>>, vector<1x16xf32>,
        %get3A_1582 = arith.index_cast %add3A_1483 : i32 to index
        %get3A_1583 = arith.constant 112 : index
        %get3A_1584 = tpu.vector_load %arg15[%get3A_1582, %get3A_1583] {strides = array<i32>} : memref<128x128xf32, #tpu.memory_space<vmem>>, vector<1x16xf32>,
        %get3A_1585 = vector.shape_cast %get3A_1584 : vector<1x16xf32> to vector<16xf32>
        %get3A_1586 = arith.index_cast %squeeze3A_1479 : i32 to index
        %get3A_1587 = arith.constant 112 : index
        %get3A_1588 = tpu.vector_load %arg11[%get3A_1586, %get3A_1587] {strides = array<i32>} : memref<32x128xf32, #tpu.memory_space<vmem>>, vector<1x16xf32>,
        %get3A_1589 = vector.shape_cast %get3A_1588 : vector<1x16xf32> to vector<16xf32>
        %mul3A_1590 = arith.mulf %get3A_1585, %get3A_1589 : vector<16xf32>
        %swap3A_1591 = arith.index_cast %add3A_1483 : i32 to index
        %swap3A_1592 = arith.constant 112 : index
        %swap3A_1593 = tpu.vector_load %arg15[%swap3A_1591, %swap3A_1592] {strides = array<i32>} : memref<128x128xf32, #tpu.memory_space<vmem>>, vector<1x16xf32>,
        %swap3A_1594 = vector.shape_cast %swap3A_1593 : vector<1x16xf32> to vector<16xf32>
        %swap3A_1595 = vector.shape_cast %mul3A_1590 : vector<16xf32> to vector<1x16xf32>
        tpu.vector_store %arg15[%swap3A_1591, %swap3A_1592], %swap3A_1595 {strides = array<i32>} : memref<128x128xf32, #tpu.memory_space<vmem>>, vector<1x16xf32>,
        %slice3A_1596 = vector.extract_strided_slice %get3A_64 {offsets = [13], sizes = [1], strides = [1]} : vector<16xi32> to vector<1xi32>
        %squeeze3A_1597 = vector.extract %slice3A_1596[0] : i32 from vector<1xi32>
        %mul3A_1598 = arith.constant 16 : i32
        %mul3A_1599 = arith.muli %scan3A_60, %mul3A_1598 : i32
        %add3A_1600 = arith.constant 13 : i32
        %add3A_1601 = arith.addi %mul3A_1599, %add3A_1600 : i32
        %get3A_1602 = arith.index_cast %add3A_1601 : i32 to index
        %get3A_1603 = arith.constant 0 : index
        %get3A_1604 = tpu.vector_load %arg15[%get3A_1602, %get3A_1603] {strides = array<i32>} : memref<128x128xf32, #tpu.memory_space<vmem>>, vector<1x16xf32>,
        %get3A_1605 = vector.shape_cast %get3A_1604 : vector<1x16xf32> to vector<16xf32>
        %get3A_1606 = arith.index_cast %squeeze3A_1597 : i32 to index
        %get3A_1607 = arith.constant 0 : index
        %get3A_1608 = tpu.vector_load %arg11[%get3A_1606, %get3A_1607] {strides = array<i32>} : memref<32x128xf32, #tpu.memory_space<vmem>>, vector<1x16xf32>,
        %get3A_1609 = vector.shape_cast %get3A_1608 : vector<1x16xf32> to vector<16xf32>
        %mul3A_1610 = arith.mulf %get3A_1605, %get3A_1609 : vector<16xf32>
        %swap3A_1611 = arith.index_cast %add3A_1601 : i32 to index
        %swap3A_1612 = arith.constant 0 : index
        %swap3A_1613 = tpu.vector_load %arg15[%swap3A_1611, %swap3A_1612] {strides = array<i32>} : memref<128x128xf32, #tpu.memory_space<vmem>>, vector<1x16xf32>,
        %swap3A_1614 = vector.shape_cast %swap3A_1613 : vector<1x16xf32> to vector<16xf32>
        %swap3A_1615 = vector.shape_cast %mul3A_1610 : vector<16xf32> to vector<1x16xf32>
        tpu.vector_store %arg15[%swap3A_1611, %swap3A_1612], %swap3A_1615 {strides = array<i32>} : memref<128x128xf32, #tpu.memory_space<vmem>>, vector<1x16xf32>,
        %get3A_1616 = arith.index_cast %add3A_1601 : i32 to index
        %get3A_1617 = arith.constant 16 : index
        %get3A_1618 = tpu.vector_load %arg15[%get3A_1616, %get3A_1617] {strides = array<i32>} : memref<128x128xf32, #tpu.memory_space<vmem>>, vector<1x16xf32>,
        %get3A_1619 = vector.shape_cast %get3A_1618 : vector<1x16xf32> to vector<16xf32>
        %get3A_1620 = arith.index_cast %squeeze3A_1597 : i32 to index
        %get3A_1621 = arith.constant 16 : index
        %get3A_1622 = tpu.vector_load %arg11[%get3A_1620, %get3A_1621] {strides = array<i32>} : memref<32x128xf32, #tpu.memory_space<vmem>>, vector<1x16xf32>,
        %get3A_1623 = vector.shape_cast %get3A_1622 : vector<1x16xf32> to vector<16xf32>
        %mul3A_1624 = arith.mulf %get3A_1619, %get3A_1623 : vector<16xf32>
        %swap3A_1625 = arith.index_cast %add3A_1601 : i32 to index
        %swap3A_1626 = arith.constant 16 : index
        %swap3A_1627 = tpu.vector_load %arg15[%swap3A_1625, %swap3A_1626] {strides = array<i32>} : memref<128x128xf32, #tpu.memory_space<vmem>>, vector<1x16xf32>,
        %swap3A_1628 = vector.shape_cast %swap3A_1627 : vector<1x16xf32> to vector<16xf32>
        %swap3A_1629 = vector.shape_cast %mul3A_1624 : vector<16xf32> to vector<1x16xf32>
        tpu.vector_store %arg15[%swap3A_1625, %swap3A_1626], %swap3A_1629 {strides = array<i32>} : memref<128x128xf32, #tpu.memory_space<vmem>>, vector<1x16xf32>,
        %get3A_1630 = arith.index_cast %add3A_1601 : i32 to index
        %get3A_1631 = arith.constant 32 : index
        %get3A_1632 = tpu.vector_load %arg15[%get3A_1630, %get3A_1631] {strides = array<i32>} : memref<128x128xf32, #tpu.memory_space<vmem>>, vector<1x16xf32>,
        %get3A_1633 = vector.shape_cast %get3A_1632 : vector<1x16xf32> to vector<16xf32>
        %get3A_1634 = arith.index_cast %squeeze3A_1597 : i32 to index
        %get3A_1635 = arith.constant 32 : index
        %get3A_1636 = tpu.vector_load %arg11[%get3A_1634, %get3A_1635] {strides = array<i32>} : memref<32x128xf32, #tpu.memory_space<vmem>>, vector<1x16xf32>,
        %get3A_1637 = vector.shape_cast %get3A_1636 : vector<1x16xf32> to vector<16xf32>
        %mul3A_1638 = arith.mulf %get3A_1633, %get3A_1637 : vector<16xf32>
        %swap3A_1639 = arith.index_cast %add3A_1601 : i32 to index
        %swap3A_1640 = arith.constant 32 : index
        %swap3A_1641 = tpu.vector_load %arg15[%swap3A_1639, %swap3A_1640] {strides = array<i32>} : memref<128x128xf32, #tpu.memory_space<vmem>>, vector<1x16xf32>,
        %swap3A_1642 = vector.shape_cast %swap3A_1641 : vector<1x16xf32> to vector<16xf32>
        %swap3A_1643 = vector.shape_cast %mul3A_1638 : vector<16xf32> to vector<1x16xf32>
        tpu.vector_store %arg15[%swap3A_1639, %swap3A_1640], %swap3A_1643 {strides = array<i32>} : memref<128x128xf32, #tpu.memory_space<vmem>>, vector<1x16xf32>,
        %get3A_1644 = arith.index_cast %add3A_1601 : i32 to index
        %get3A_1645 = arith.constant 48 : index
        %get3A_1646 = tpu.vector_load %arg15[%get3A_1644, %get3A_1645] {strides = array<i32>} : memref<128x128xf32, #tpu.memory_space<vmem>>, vector<1x16xf32>,
        %get3A_1647 = vector.shape_cast %get3A_1646 : vector<1x16xf32> to vector<16xf32>
        %get3A_1648 = arith.index_cast %squeeze3A_1597 : i32 to index
        %get3A_1649 = arith.constant 48 : index
        %get3A_1650 = tpu.vector_load %arg11[%get3A_1648, %get3A_1649] {strides = array<i32>} : memref<32x128xf32, #tpu.memory_space<vmem>>, vector<1x16xf32>,
        %get3A_1651 = vector.shape_cast %get3A_1650 : vector<1x16xf32> to vector<16xf32>
        %mul3A_1652 = arith.mulf %get3A_1647, %get3A_1651 : vector<16xf32>
        %swap3A_1653 = arith.index_cast %add3A_1601 : i32 to index
        %swap3A_1654 = arith.constant 48 : index
        %swap3A_1655 = tpu.vector_load %arg15[%swap3A_1653, %swap3A_1654] {strides = array<i32>} : memref<128x128xf32, #tpu.memory_space<vmem>>, vector<1x16xf32>,
        %swap3A_1656 = vector.shape_cast %swap3A_1655 : vector<1x16xf32> to vector<16xf32>
        %swap3A_1657 = vector.shape_cast %mul3A_1652 : vector<16xf32> to vector<1x16xf32>
        tpu.vector_store %arg15[%swap3A_1653, %swap3A_1654], %swap3A_1657 {strides = array<i32>} : memref<128x128xf32, #tpu.memory_space<vmem>>, vector<1x16xf32>,
        %get3A_1658 = arith.index_cast %add3A_1601 : i32 to index
        %get3A_1659 = arith.constant 64 : index
        %get3A_1660 = tpu.vector_load %arg15[%get3A_1658, %get3A_1659] {strides = array<i32>} : memref<128x128xf32, #tpu.memory_space<vmem>>, vector<1x16xf32>,
        %get3A_1661 = vector.shape_cast %get3A_1660 : vector<1x16xf32> to vector<16xf32>
        %get3A_1662 = arith.index_cast %squeeze3A_1597 : i32 to index
        %get3A_1663 = arith.constant 64 : index
        %get3A_1664 = tpu.vector_load %arg11[%get3A_1662, %get3A_1663] {strides = array<i32>} : memref<32x128xf32, #tpu.memory_space<vmem>>, vector<1x16xf32>,
        %get3A_1665 = vector.shape_cast %get3A_1664 : vector<1x16xf32> to vector<16xf32>
        %mul3A_1666 = arith.mulf %get3A_1661, %get3A_1665 : vector<16xf32>
        %swap3A_1667 = arith.index_cast %add3A_1601 : i32 to index
        %swap3A_1668 = arith.constant 64 : index
        %swap3A_1669 = tpu.vector_load %arg15[%swap3A_1667, %swap3A_1668] {strides = array<i32>} : memref<128x128xf32, #tpu.memory_space<vmem>>, vector<1x16xf32>,
        %swap3A_1670 = vector.shape_cast %swap3A_1669 : vector<1x16xf32> to vector<16xf32>
        %swap3A_1671 = vector.shape_cast %mul3A_1666 : vector<16xf32> to vector<1x16xf32>
        tpu.vector_store %arg15[%swap3A_1667, %swap3A_1668], %swap3A_1671 {strides = array<i32>} : memref<128x128xf32, #tpu.memory_space<vmem>>, vector<1x16xf32>,
        %get3A_1672 = arith.index_cast %add3A_1601 : i32 to index
        %get3A_1673 = arith.constant 80 : index
        %get3A_1674 = tpu.vector_load %arg15[%get3A_1672, %get3A_1673] {strides = array<i32>} : memref<128x128xf32, #tpu.memory_space<vmem>>, vector<1x16xf32>,
        %get3A_1675 = vector.shape_cast %get3A_1674 : vector<1x16xf32> to vector<16xf32>
        %get3A_1676 = arith.index_cast %squeeze3A_1597 : i32 to index
        %get3A_1677 = arith.constant 80 : index
        %get3A_1678 = tpu.vector_load %arg11[%get3A_1676, %get3A_1677] {strides = array<i32>} : memref<32x128xf32, #tpu.memory_space<vmem>>, vector<1x16xf32>,
        %get3A_1679 = vector.shape_cast %get3A_1678 : vector<1x16xf32> to vector<16xf32>
        %mul3A_1680 = arith.mulf %get3A_1675, %get3A_1679 : vector<16xf32>
        %swap3A_1681 = arith.index_cast %add3A_1601 : i32 to index
        %swap3A_1682 = arith.constant 80 : index
        %swap3A_1683 = tpu.vector_load %arg15[%swap3A_1681, %swap3A_1682] {strides = array<i32>} : memref<128x128xf32, #tpu.memory_space<vmem>>, vector<1x16xf32>,
        %swap3A_1684 = vector.shape_cast %swap3A_1683 : vector<1x16xf32> to vector<16xf32>
        %swap3A_1685 = vector.shape_cast %mul3A_1680 : vector<16xf32> to vector<1x16xf32>
        tpu.vector_store %arg15[%swap3A_1681, %swap3A_1682], %swap3A_1685 {strides = array<i32>} : memref<128x128xf32, #tpu.memory_space<vmem>>, vector<1x16xf32>,
        %get3A_1686 = arith.index_cast %add3A_1601 : i32 to index
        %get3A_1687 = arith.constant 96 : index
        %get3A_1688 = tpu.vector_load %arg15[%get3A_1686, %get3A_1687] {strides = array<i32>} : memref<128x128xf32, #tpu.memory_space<vmem>>, vector<1x16xf32>,
        %get3A_1689 = vector.shape_cast %get3A_1688 : vector<1x16xf32> to vector<16xf32>
        %get3A_1690 = arith.index_cast %squeeze3A_1597 : i32 to index
        %get3A_1691 = arith.constant 96 : index
        %get3A_1692 = tpu.vector_load %arg11[%get3A_1690, %get3A_1691] {strides = array<i32>} : memref<32x128xf32, #tpu.memory_space<vmem>>, vector<1x16xf32>,
        %get3A_1693 = vector.shape_cast %get3A_1692 : vector<1x16xf32> to vector<16xf32>
        %mul3A_1694 = arith.mulf %get3A_1689, %get3A_1693 : vector<16xf32>
        %swap3A_1695 = arith.index_cast %add3A_1601 : i32 to index
        %swap3A_1696 = arith.constant 96 : index
        %swap3A_1697 = tpu.vector_load %arg15[%swap3A_1695, %swap3A_1696] {strides = array<i32>} : memref<128x128xf32, #tpu.memory_space<vmem>>, vector<1x16xf32>,
        %swap3A_1698 = vector.shape_cast %swap3A_1697 : vector<1x16xf32> to vector<16xf32>
        %swap3A_1699 = vector.shape_cast %mul3A_1694 : vector<16xf32> to vector<1x16xf32>
        tpu.vector_store %arg15[%swap3A_1695, %swap3A_1696], %swap3A_1699 {strides = array<i32>} : memref<128x128xf32, #tpu.memory_space<vmem>>, vector<1x16xf32>,
        %get3A_1700 = arith.index_cast %add3A_1601 : i32 to index
        %get3A_1701 = arith.constant 112 : index
        %get3A_1702 = tpu.vector_load %arg15[%get3A_1700, %get3A_1701] {strides = array<i32>} : memref<128x128xf32, #tpu.memory_space<vmem>>, vector<1x16xf32>,
        %get3A_1703 = vector.shape_cast %get3A_1702 : vector<1x16xf32> to vector<16xf32>
        %get3A_1704 = arith.index_cast %squeeze3A_1597 : i32 to index
        %get3A_1705 = arith.constant 112 : index
        %get3A_1706 = tpu.vector_load %arg11[%get3A_1704, %get3A_1705] {strides = array<i32>} : memref<32x128xf32, #tpu.memory_space<vmem>>, vector<1x16xf32>,
        %get3A_1707 = vector.shape_cast %get3A_1706 : vector<1x16xf32> to vector<16xf32>
        %mul3A_1708 = arith.mulf %get3A_1703, %get3A_1707 : vector<16xf32>
        %swap3A_1709 = arith.index_cast %add3A_1601 : i32 to index
        %swap3A_1710 = arith.constant 112 : index
        %swap3A_1711 = tpu.vector_load %arg15[%swap3A_1709, %swap3A_1710] {strides = array<i32>} : memref<128x128xf32, #tpu.memory_space<vmem>>, vector<1x16xf32>,
        %swap3A_1712 = vector.shape_cast %swap3A_1711 : vector<1x16xf32> to vector<16xf32>
        %swap3A_1713 = vector.shape_cast %mul3A_1708 : vector<16xf32> to vector<1x16xf32>
        tpu.vector_store %arg15[%swap3A_1709, %swap3A_1710], %swap3A_1713 {strides = array<i32>} : memref<128x128xf32, #tpu.memory_space<vmem>>, vector<1x16xf32>,
        %slice3A_1714 = vector.extract_strided_slice %get3A_64 {offsets = [14], sizes = [1], strides = [1]} : vector<16xi32> to vector<1xi32>
        %squeeze3A_1715 = vector.extract %slice3A_1714[0] : i32 from vector<1xi32>
        %mul3A_1716 = arith.constant 16 : i32
        %mul3A_1717 = arith.muli %scan3A_60, %mul3A_1716 : i32
        %add3A_1718 = arith.constant 14 : i32
        %add3A_1719 = arith.addi %mul3A_1717, %add3A_1718 : i32
        %get3A_1720 = arith.index_cast %add3A_1719 : i32 to index
        %get3A_1721 = arith.constant 0 : index
        %get3A_1722 = tpu.vector_load %arg15[%get3A_1720, %get3A_1721] {strides = array<i32>} : memref<128x128xf32, #tpu.memory_space<vmem>>, vector<1x16xf32>,
        %get3A_1723 = vector.shape_cast %get3A_1722 : vector<1x16xf32> to vector<16xf32>
        %get3A_1724 = arith.index_cast %squeeze3A_1715 : i32 to index
        %get3A_1725 = arith.constant 0 : index
        %get3A_1726 = tpu.vector_load %arg11[%get3A_1724, %get3A_1725] {strides = array<i32>} : memref<32x128xf32, #tpu.memory_space<vmem>>, vector<1x16xf32>,
        %get3A_1727 = vector.shape_cast %get3A_1726 : vector<1x16xf32> to vector<16xf32>
        %mul3A_1728 = arith.mulf %get3A_1723, %get3A_1727 : vector<16xf32>
        %swap3A_1729 = arith.index_cast %add3A_1719 : i32 to index
        %swap3A_1730 = arith.constant 0 : index
        %swap3A_1731 = tpu.vector_load %arg15[%swap3A_1729, %swap3A_1730] {strides = array<i32>} : memref<128x128xf32, #tpu.memory_space<vmem>>, vector<1x16xf32>,
        %swap3A_1732 = vector.shape_cast %swap3A_1731 : vector<1x16xf32> to vector<16xf32>
        %swap3A_1733 = vector.shape_cast %mul3A_1728 : vector<16xf32> to vector<1x16xf32>
        tpu.vector_store %arg15[%swap3A_1729, %swap3A_1730], %swap3A_1733 {strides = array<i32>} : memref<128x128xf32, #tpu.memory_space<vmem>>, vector<1x16xf32>,
        %get3A_1734 = arith.index_cast %add3A_1719 : i32 to index
        %get3A_1735 = arith.constant 16 : index
        %get3A_1736 = tpu.vector_load %arg15[%get3A_1734, %get3A_1735] {strides = array<i32>} : memref<128x128xf32, #tpu.memory_space<vmem>>, vector<1x16xf32>,
        %get3A_1737 = vector.shape_cast %get3A_1736 : vector<1x16xf32> to vector<16xf32>
        %get3A_1738 = arith.index_cast %squeeze3A_1715 : i32 to index
        %get3A_1739 = arith.constant 16 : index
        %get3A_1740 = tpu.vector_load %arg11[%get3A_1738, %get3A_1739] {strides = array<i32>} : memref<32x128xf32, #tpu.memory_space<vmem>>, vector<1x16xf32>,
        %get3A_1741 = vector.shape_cast %get3A_1740 : vector<1x16xf32> to vector<16xf32>
        %mul3A_1742 = arith.mulf %get3A_1737, %get3A_1741 : vector<16xf32>
        %swap3A_1743 = arith.index_cast %add3A_1719 : i32 to index
        %swap3A_1744 = arith.constant 16 : index
        %swap3A_1745 = tpu.vector_load %arg15[%swap3A_1743, %swap3A_1744] {strides = array<i32>} : memref<128x128xf32, #tpu.memory_space<vmem>>, vector<1x16xf32>,
        %swap3A_1746 = vector.shape_cast %swap3A_1745 : vector<1x16xf32> to vector<16xf32>
        %swap3A_1747 = vector.shape_cast %mul3A_1742 : vector<16xf32> to vector<1x16xf32>
        tpu.vector_store %arg15[%swap3A_1743, %swap3A_1744], %swap3A_1747 {strides = array<i32>} : memref<128x128xf32, #tpu.memory_space<vmem>>, vector<1x16xf32>,
        %get3A_1748 = arith.index_cast %add3A_1719 : i32 to index
        %get3A_1749 = arith.constant 32 : index
        %get3A_1750 = tpu.vector_load %arg15[%get3A_1748, %get3A_1749] {strides = array<i32>} : memref<128x128xf32, #tpu.memory_space<vmem>>, vector<1x16xf32>,
        %get3A_1751 = vector.shape_cast %get3A_1750 : vector<1x16xf32> to vector<16xf32>
        %get3A_1752 = arith.index_cast %squeeze3A_1715 : i32 to index
        %get3A_1753 = arith.constant 32 : index
        %get3A_1754 = tpu.vector_load %arg11[%get3A_1752, %get3A_1753] {strides = array<i32>} : memref<32x128xf32, #tpu.memory_space<vmem>>, vector<1x16xf32>,
        %get3A_1755 = vector.shape_cast %get3A_1754 : vector<1x16xf32> to vector<16xf32>
        %mul3A_1756 = arith.mulf %get3A_1751, %get3A_1755 : vector<16xf32>
        %swap3A_1757 = arith.index_cast %add3A_1719 : i32 to index
        %swap3A_1758 = arith.constant 32 : index
        %swap3A_1759 = tpu.vector_load %arg15[%swap3A_1757, %swap3A_1758] {strides = array<i32>} : memref<128x128xf32, #tpu.memory_space<vmem>>, vector<1x16xf32>,
        %swap3A_1760 = vector.shape_cast %swap3A_1759 : vector<1x16xf32> to vector<16xf32>
        %swap3A_1761 = vector.shape_cast %mul3A_1756 : vector<16xf32> to vector<1x16xf32>
        tpu.vector_store %arg15[%swap3A_1757, %swap3A_1758], %swap3A_1761 {strides = array<i32>} : memref<128x128xf32, #tpu.memory_space<vmem>>, vector<1x16xf32>,
        %get3A_1762 = arith.index_cast %add3A_1719 : i32 to index
        %get3A_1763 = arith.constant 48 : index
        %get3A_1764 = tpu.vector_load %arg15[%get3A_1762, %get3A_1763] {strides = array<i32>} : memref<128x128xf32, #tpu.memory_space<vmem>>, vector<1x16xf32>,
        %get3A_1765 = vector.shape_cast %get3A_1764 : vector<1x16xf32> to vector<16xf32>
        %get3A_1766 = arith.index_cast %squeeze3A_1715 : i32 to index
        %get3A_1767 = arith.constant 48 : index
        %get3A_1768 = tpu.vector_load %arg11[%get3A_1766, %get3A_1767] {strides = array<i32>} : memref<32x128xf32, #tpu.memory_space<vmem>>, vector<1x16xf32>,
        %get3A_1769 = vector.shape_cast %get3A_1768 : vector<1x16xf32> to vector<16xf32>
        %mul3A_1770 = arith.mulf %get3A_1765, %get3A_1769 : vector<16xf32>
        %swap3A_1771 = arith.index_cast %add3A_1719 : i32 to index
        %swap3A_1772 = arith.constant 48 : index
        %swap3A_1773 = tpu.vector_load %arg15[%swap3A_1771, %swap3A_1772] {strides = array<i32>} : memref<128x128xf32, #tpu.memory_space<vmem>>, vector<1x16xf32>,
        %swap3A_1774 = vector.shape_cast %swap3A_1773 : vector<1x16xf32> to vector<16xf32>
        %swap3A_1775 = vector.shape_cast %mul3A_1770 : vector<16xf32> to vector<1x16xf32>
        tpu.vector_store %arg15[%swap3A_1771, %swap3A_1772], %swap3A_1775 {strides = array<i32>} : memref<128x128xf32, #tpu.memory_space<vmem>>, vector<1x16xf32>,
        %get3A_1776 = arith.index_cast %add3A_1719 : i32 to index
        %get3A_1777 = arith.constant 64 : index
        %get3A_1778 = tpu.vector_load %arg15[%get3A_1776, %get3A_1777] {strides = array<i32>} : memref<128x128xf32, #tpu.memory_space<vmem>>, vector<1x16xf32>,
        %get3A_1779 = vector.shape_cast %get3A_1778 : vector<1x16xf32> to vector<16xf32>
        %get3A_1780 = arith.index_cast %squeeze3A_1715 : i32 to index
        %get3A_1781 = arith.constant 64 : index
        %get3A_1782 = tpu.vector_load %arg11[%get3A_1780, %get3A_1781] {strides = array<i32>} : memref<32x128xf32, #tpu.memory_space<vmem>>, vector<1x16xf32>,
        %get3A_1783 = vector.shape_cast %get3A_1782 : vector<1x16xf32> to vector<16xf32>
        %mul3A_1784 = arith.mulf %get3A_1779, %get3A_1783 : vector<16xf32>
        %swap3A_1785 = arith.index_cast %add3A_1719 : i32 to index
        %swap3A_1786 = arith.constant 64 : index
        %swap3A_1787 = tpu.vector_load %arg15[%swap3A_1785, %swap3A_1786] {strides = array<i32>} : memref<128x128xf32, #tpu.memory_space<vmem>>, vector<1x16xf32>,
        %swap3A_1788 = vector.shape_cast %swap3A_1787 : vector<1x16xf32> to vector<16xf32>
        %swap3A_1789 = vector.shape_cast %mul3A_1784 : vector<16xf32> to vector<1x16xf32>
        tpu.vector_store %arg15[%swap3A_1785, %swap3A_1786], %swap3A_1789 {strides = array<i32>} : memref<128x128xf32, #tpu.memory_space<vmem>>, vector<1x16xf32>,
        %get3A_1790 = arith.index_cast %add3A_1719 : i32 to index
        %get3A_1791 = arith.constant 80 : index
        %get3A_1792 = tpu.vector_load %arg15[%get3A_1790, %get3A_1791] {strides = array<i32>} : memref<128x128xf32, #tpu.memory_space<vmem>>, vector<1x16xf32>,
        %get3A_1793 = vector.shape_cast %get3A_1792 : vector<1x16xf32> to vector<16xf32>
        %get3A_1794 = arith.index_cast %squeeze3A_1715 : i32 to index
        %get3A_1795 = arith.constant 80 : index
        %get3A_1796 = tpu.vector_load %arg11[%get3A_1794, %get3A_1795] {strides = array<i32>} : memref<32x128xf32, #tpu.memory_space<vmem>>, vector<1x16xf32>,
        %get3A_1797 = vector.shape_cast %get3A_1796 : vector<1x16xf32> to vector<16xf32>
        %mul3A_1798 = arith.mulf %get3A_1793, %get3A_1797 : vector<16xf32>
        %swap3A_1799 = arith.index_cast %add3A_1719 : i32 to index
        %swap3A_1800 = arith.constant 80 : index
        %swap3A_1801 = tpu.vector_load %arg15[%swap3A_1799, %swap3A_1800] {strides = array<i32>} : memref<128x128xf32, #tpu.memory_space<vmem>>, vector<1x16xf32>,
        %swap3A_1802 = vector.shape_cast %swap3A_1801 : vector<1x16xf32> to vector<16xf32>
        %swap3A_1803 = vector.shape_cast %mul3A_1798 : vector<16xf32> to vector<1x16xf32>
        tpu.vector_store %arg15[%swap3A_1799, %swap3A_1800], %swap3A_1803 {strides = array<i32>} : memref<128x128xf32, #tpu.memory_space<vmem>>, vector<1x16xf32>,
        %get3A_1804 = arith.index_cast %add3A_1719 : i32 to index
        %get3A_1805 = arith.constant 96 : index
        %get3A_1806 = tpu.vector_load %arg15[%get3A_1804, %get3A_1805] {strides = array<i32>} : memref<128x128xf32, #tpu.memory_space<vmem>>, vector<1x16xf32>,
        %get3A_1807 = vector.shape_cast %get3A_1806 : vector<1x16xf32> to vector<16xf32>
        %get3A_1808 = arith.index_cast %squeeze3A_1715 : i32 to index
        %get3A_1809 = arith.constant 96 : index
        %get3A_1810 = tpu.vector_load %arg11[%get3A_1808, %get3A_1809] {strides = array<i32>} : memref<32x128xf32, #tpu.memory_space<vmem>>, vector<1x16xf32>,
        %get3A_1811 = vector.shape_cast %get3A_1810 : vector<1x16xf32> to vector<16xf32>
        %mul3A_1812 = arith.mulf %get3A_1807, %get3A_1811 : vector<16xf32>
        %swap3A_1813 = arith.index_cast %add3A_1719 : i32 to index
        %swap3A_1814 = arith.constant 96 : index
        %swap3A_1815 = tpu.vector_load %arg15[%swap3A_1813, %swap3A_1814] {strides = array<i32>} : memref<128x128xf32, #tpu.memory_space<vmem>>, vector<1x16xf32>,
        %swap3A_1816 = vector.shape_cast %swap3A_1815 : vector<1x16xf32> to vector<16xf32>
        %swap3A_1817 = vector.shape_cast %mul3A_1812 : vector<16xf32> to vector<1x16xf32>
        tpu.vector_store %arg15[%swap3A_1813, %swap3A_1814], %swap3A_1817 {strides = array<i32>} : memref<128x128xf32, #tpu.memory_space<vmem>>, vector<1x16xf32>,
        %get3A_1818 = arith.index_cast %add3A_1719 : i32 to index
        %get3A_1819 = arith.constant 112 : index
        %get3A_1820 = tpu.vector_load %arg15[%get3A_1818, %get3A_1819] {strides = array<i32>} : memref<128x128xf32, #tpu.memory_space<vmem>>, vector<1x16xf32>,
        %get3A_1821 = vector.shape_cast %get3A_1820 : vector<1x16xf32> to vector<16xf32>
        %get3A_1822 = arith.index_cast %squeeze3A_1715 : i32 to index
        %get3A_1823 = arith.constant 112 : index
        %get3A_1824 = tpu.vector_load %arg11[%get3A_1822, %get3A_1823] {strides = array<i32>} : memref<32x128xf32, #tpu.memory_space<vmem>>, vector<1x16xf32>,
        %get3A_1825 = vector.shape_cast %get3A_1824 : vector<1x16xf32> to vector<16xf32>
        %mul3A_1826 = arith.mulf %get3A_1821, %get3A_1825 : vector<16xf32>
        %swap3A_1827 = arith.index_cast %add3A_1719 : i32 to index
        %swap3A_1828 = arith.constant 112 : index
        %swap3A_1829 = tpu.vector_load %arg15[%swap3A_1827, %swap3A_1828] {strides = array<i32>} : memref<128x128xf32, #tpu.memory_space<vmem>>, vector<1x16xf32>,
        %swap3A_1830 = vector.shape_cast %swap3A_1829 : vector<1x16xf32> to vector<16xf32>
        %swap3A_1831 = vector.shape_cast %mul3A_1826 : vector<16xf32> to vector<1x16xf32>
        tpu.vector_store %arg15[%swap3A_1827, %swap3A_1828], %swap3A_1831 {strides = array<i32>} : memref<128x128xf32, #tpu.memory_space<vmem>>, vector<1x16xf32>,
        %slice3A_1832 = vector.extract_strided_slice %get3A_64 {offsets = [15], sizes = [1], strides = [1]} : vector<16xi32> to vector<1xi32>
        %squeeze3A_1833 = vector.extract %slice3A_1832[0] : i32 from vector<1xi32>
        %mul3A_1834 = arith.constant 16 : i32
        %mul3A_1835 = arith.muli %scan3A_60, %mul3A_1834 : i32
        %add3A_1836 = arith.constant 15 : i32
        %add3A_1837 = arith.addi %mul3A_1835, %add3A_1836 : i32
        %get3A_1838 = arith.index_cast %add3A_1837 : i32 to index
        %get3A_1839 = arith.constant 0 : index
        %get3A_1840 = tpu.vector_load %arg15[%get3A_1838, %get3A_1839] {strides = array<i32>} : memref<128x128xf32, #tpu.memory_space<vmem>>, vector<1x16xf32>,
        %get3A_1841 = vector.shape_cast %get3A_1840 : vector<1x16xf32> to vector<16xf32>
        %get3A_1842 = arith.index_cast %squeeze3A_1833 : i32 to index
        %get3A_1843 = arith.constant 0 : index
        %get3A_1844 = tpu.vector_load %arg11[%get3A_1842, %get3A_1843] {strides = array<i32>} : memref<32x128xf32, #tpu.memory_space<vmem>>, vector<1x16xf32>,
        %get3A_1845 = vector.shape_cast %get3A_1844 : vector<1x16xf32> to vector<16xf32>
        %mul3A_1846 = arith.mulf %get3A_1841, %get3A_1845 : vector<16xf32>
        %swap3A_1847 = arith.index_cast %add3A_1837 : i32 to index
        %swap3A_1848 = arith.constant 0 : index
        %swap3A_1849 = tpu.vector_load %arg15[%swap3A_1847, %swap3A_1848] {strides = array<i32>} : memref<128x128xf32, #tpu.memory_space<vmem>>, vector<1x16xf32>,
        %swap3A_1850 = vector.shape_cast %swap3A_1849 : vector<1x16xf32> to vector<16xf32>
        %swap3A_1851 = vector.shape_cast %mul3A_1846 : vector<16xf32> to vector<1x16xf32>
        tpu.vector_store %arg15[%swap3A_1847, %swap3A_1848], %swap3A_1851 {strides = array<i32>} : memref<128x128xf32, #tpu.memory_space<vmem>>, vector<1x16xf32>,
        %get3A_1852 = arith.index_cast %add3A_1837 : i32 to index
        %get3A_1853 = arith.constant 16 : index
        %get3A_1854 = tpu.vector_load %arg15[%get3A_1852, %get3A_1853] {strides = array<i32>} : memref<128x128xf32, #tpu.memory_space<vmem>>, vector<1x16xf32>,
        %get3A_1855 = vector.shape_cast %get3A_1854 : vector<1x16xf32> to vector<16xf32>
        %get3A_1856 = arith.index_cast %squeeze3A_1833 : i32 to index
        %get3A_1857 = arith.constant 16 : index
        %get3A_1858 = tpu.vector_load %arg11[%get3A_1856, %get3A_1857] {strides = array<i32>} : memref<32x128xf32, #tpu.memory_space<vmem>>, vector<1x16xf32>,
        %get3A_1859 = vector.shape_cast %get3A_1858 : vector<1x16xf32> to vector<16xf32>
        %mul3A_1860 = arith.mulf %get3A_1855, %get3A_1859 : vector<16xf32>
        %swap3A_1861 = arith.index_cast %add3A_1837 : i32 to index
        %swap3A_1862 = arith.constant 16 : index
        %swap3A_1863 = tpu.vector_load %arg15[%swap3A_1861, %swap3A_1862] {strides = array<i32>} : memref<128x128xf32, #tpu.memory_space<vmem>>, vector<1x16xf32>,
        %swap3A_1864 = vector.shape_cast %swap3A_1863 : vector<1x16xf32> to vector<16xf32>
        %swap3A_1865 = vector.shape_cast %mul3A_1860 : vector<16xf32> to vector<1x16xf32>
        tpu.vector_store %arg15[%swap3A_1861, %swap3A_1862], %swap3A_1865 {strides = array<i32>} : memref<128x128xf32, #tpu.memory_space<vmem>>, vector<1x16xf32>,
        %get3A_1866 = arith.index_cast %add3A_1837 : i32 to index
        %get3A_1867 = arith.constant 32 : index
        %get3A_1868 = tpu.vector_load %arg15[%get3A_1866, %get3A_1867] {strides = array<i32>} : memref<128x128xf32, #tpu.memory_space<vmem>>, vector<1x16xf32>,
        %get3A_1869 = vector.shape_cast %get3A_1868 : vector<1x16xf32> to vector<16xf32>
        %get3A_1870 = arith.index_cast %squeeze3A_1833 : i32 to index
        %get3A_1871 = arith.constant 32 : index
        %get3A_1872 = tpu.vector_load %arg11[%get3A_1870, %get3A_1871] {strides = array<i32>} : memref<32x128xf32, #tpu.memory_space<vmem>>, vector<1x16xf32>,
        %get3A_1873 = vector.shape_cast %get3A_1872 : vector<1x16xf32> to vector<16xf32>
        %mul3A_1874 = arith.mulf %get3A_1869, %get3A_1873 : vector<16xf32>
        %swap3A_1875 = arith.index_cast %add3A_1837 : i32 to index
        %swap3A_1876 = arith.constant 32 : index
        %swap3A_1877 = tpu.vector_load %arg15[%swap3A_1875, %swap3A_1876] {strides = array<i32>} : memref<128x128xf32, #tpu.memory_space<vmem>>, vector<1x16xf32>,
        %swap3A_1878 = vector.shape_cast %swap3A_1877 : vector<1x16xf32> to vector<16xf32>
        %swap3A_1879 = vector.shape_cast %mul3A_1874 : vector<16xf32> to vector<1x16xf32>
        tpu.vector_store %arg15[%swap3A_1875, %swap3A_1876], %swap3A_1879 {strides = array<i32>} : memref<128x128xf32, #tpu.memory_space<vmem>>, vector<1x16xf32>,
        %get3A_1880 = arith.index_cast %add3A_1837 : i32 to index
        %get3A_1881 = arith.constant 48 : index
        %get3A_1882 = tpu.vector_load %arg15[%get3A_1880, %get3A_1881] {strides = array<i32>} : memref<128x128xf32, #tpu.memory_space<vmem>>, vector<1x16xf32>,
        %get3A_1883 = vector.shape_cast %get3A_1882 : vector<1x16xf32> to vector<16xf32>
        %get3A_1884 = arith.index_cast %squeeze3A_1833 : i32 to index
        %get3A_1885 = arith.constant 48 : index
        %get3A_1886 = tpu.vector_load %arg11[%get3A_1884, %get3A_1885] {strides = array<i32>} : memref<32x128xf32, #tpu.memory_space<vmem>>, vector<1x16xf32>,
        %get3A_1887 = vector.shape_cast %get3A_1886 : vector<1x16xf32> to vector<16xf32>
        %mul3A_1888 = arith.mulf %get3A_1883, %get3A_1887 : vector<16xf32>
        %swap3A_1889 = arith.index_cast %add3A_1837 : i32 to index
        %swap3A_1890 = arith.constant 48 : index
        %swap3A_1891 = tpu.vector_load %arg15[%swap3A_1889, %swap3A_1890] {strides = array<i32>} : memref<128x128xf32, #tpu.memory_space<vmem>>, vector<1x16xf32>,
        %swap3A_1892 = vector.shape_cast %swap3A_1891 : vector<1x16xf32> to vector<16xf32>
        %swap3A_1893 = vector.shape_cast %mul3A_1888 : vector<16xf32> to vector<1x16xf32>
        tpu.vector_store %arg15[%swap3A_1889, %swap3A_1890], %swap3A_1893 {strides = array<i32>} : memref<128x128xf32, #tpu.memory_space<vmem>>, vector<1x16xf32>,
        %get3A_1894 = arith.index_cast %add3A_1837 : i32 to index
        %get3A_1895 = arith.constant 64 : index
        %get3A_1896 = tpu.vector_load %arg15[%get3A_1894, %get3A_1895] {strides = array<i32>} : memref<128x128xf32, #tpu.memory_space<vmem>>, vector<1x16xf32>,
        %get3A_1897 = vector.shape_cast %get3A_1896 : vector<1x16xf32> to vector<16xf32>
        %get3A_1898 = arith.index_cast %squeeze3A_1833 : i32 to index
        %get3A_1899 = arith.constant 64 : index
        %get3A_1900 = tpu.vector_load %arg11[%get3A_1898, %get3A_1899] {strides = array<i32>} : memref<32x128xf32, #tpu.memory_space<vmem>>, vector<1x16xf32>,
        %get3A_1901 = vector.shape_cast %get3A_1900 : vector<1x16xf32> to vector<16xf32>
        %mul3A_1902 = arith.mulf %get3A_1897, %get3A_1901 : vector<16xf32>
        %swap3A_1903 = arith.index_cast %add3A_1837 : i32 to index
        %swap3A_1904 = arith.constant 64 : index
        %swap3A_1905 = tpu.vector_load %arg15[%swap3A_1903, %swap3A_1904] {strides = array<i32>} : memref<128x128xf32, #tpu.memory_space<vmem>>, vector<1x16xf32>,
        %swap3A_1906 = vector.shape_cast %swap3A_1905 : vector<1x16xf32> to vector<16xf32>
        %swap3A_1907 = vector.shape_cast %mul3A_1902 : vector<16xf32> to vector<1x16xf32>
        tpu.vector_store %arg15[%swap3A_1903, %swap3A_1904], %swap3A_1907 {strides = array<i32>} : memref<128x128xf32, #tpu.memory_space<vmem>>, vector<1x16xf32>,
        %get3A_1908 = arith.index_cast %add3A_1837 : i32 to index
        %get3A_1909 = arith.constant 80 : index
        %get3A_1910 = tpu.vector_load %arg15[%get3A_1908, %get3A_1909] {strides = array<i32>} : memref<128x128xf32, #tpu.memory_space<vmem>>, vector<1x16xf32>,
        %get3A_1911 = vector.shape_cast %get3A_1910 : vector<1x16xf32> to vector<16xf32>
        %get3A_1912 = arith.index_cast %squeeze3A_1833 : i32 to index
        %get3A_1913 = arith.constant 80 : index
        %get3A_1914 = tpu.vector_load %arg11[%get3A_1912, %get3A_1913] {strides = array<i32>} : memref<32x128xf32, #tpu.memory_space<vmem>>, vector<1x16xf32>,
        %get3A_1915 = vector.shape_cast %get3A_1914 : vector<1x16xf32> to vector<16xf32>
        %mul3A_1916 = arith.mulf %get3A_1911, %get3A_1915 : vector<16xf32>
        %swap3A_1917 = arith.index_cast %add3A_1837 : i32 to index
        %swap3A_1918 = arith.constant 80 : index
        %swap3A_1919 = tpu.vector_load %arg15[%swap3A_1917, %swap3A_1918] {strides = array<i32>} : memref<128x128xf32, #tpu.memory_space<vmem>>, vector<1x16xf32>,
        %swap3A_1920 = vector.shape_cast %swap3A_1919 : vector<1x16xf32> to vector<16xf32>
        %swap3A_1921 = vector.shape_cast %mul3A_1916 : vector<16xf32> to vector<1x16xf32>
        tpu.vector_store %arg15[%swap3A_1917, %swap3A_1918], %swap3A_1921 {strides = array<i32>} : memref<128x128xf32, #tpu.memory_space<vmem>>, vector<1x16xf32>,
        %get3A_1922 = arith.index_cast %add3A_1837 : i32 to index
        %get3A_1923 = arith.constant 96 : index
        %get3A_1924 = tpu.vector_load %arg15[%get3A_1922, %get3A_1923] {strides = array<i32>} : memref<128x128xf32, #tpu.memory_space<vmem>>, vector<1x16xf32>,
        %get3A_1925 = vector.shape_cast %get3A_1924 : vector<1x16xf32> to vector<16xf32>
        %get3A_1926 = arith.index_cast %squeeze3A_1833 : i32 to index
        %get3A_1927 = arith.constant 96 : index
        %get3A_1928 = tpu.vector_load %arg11[%get3A_1926, %get3A_1927] {strides = array<i32>} : memref<32x128xf32, #tpu.memory_space<vmem>>, vector<1x16xf32>,
        %get3A_1929 = vector.shape_cast %get3A_1928 : vector<1x16xf32> to vector<16xf32>
        %mul3A_1930 = arith.mulf %get3A_1925, %get3A_1929 : vector<16xf32>
        %swap3A_1931 = arith.index_cast %add3A_1837 : i32 to index
        %swap3A_1932 = arith.constant 96 : index
        %swap3A_1933 = tpu.vector_load %arg15[%swap3A_1931, %swap3A_1932] {strides = array<i32>} : memref<128x128xf32, #tpu.memory_space<vmem>>, vector<1x16xf32>,
        %swap3A_1934 = vector.shape_cast %swap3A_1933 : vector<1x16xf32> to vector<16xf32>
        %swap3A_1935 = vector.shape_cast %mul3A_1930 : vector<16xf32> to vector<1x16xf32>
        tpu.vector_store %arg15[%swap3A_1931, %swap3A_1932], %swap3A_1935 {strides = array<i32>} : memref<128x128xf32, #tpu.memory_space<vmem>>, vector<1x16xf32>,
        %get3A_1936 = arith.index_cast %add3A_1837 : i32 to index
        %get3A_1937 = arith.constant 112 : index
        %get3A_1938 = tpu.vector_load %arg15[%get3A_1936, %get3A_1937] {strides = array<i32>} : memref<128x128xf32, #tpu.memory_space<vmem>>, vector<1x16xf32>,
        %get3A_1939 = vector.shape_cast %get3A_1938 : vector<1x16xf32> to vector<16xf32>
        %get3A_1940 = arith.index_cast %squeeze3A_1833 : i32 to index
        %get3A_1941 = arith.constant 112 : index
        %get3A_1942 = tpu.vector_load %arg11[%get3A_1940, %get3A_1941] {strides = array<i32>} : memref<32x128xf32, #tpu.memory_space<vmem>>, vector<1x16xf32>,
        %get3A_1943 = vector.shape_cast %get3A_1942 : vector<1x16xf32> to vector<16xf32>
        %mul3A_1944 = arith.mulf %get3A_1939, %get3A_1943 : vector<16xf32>
        %swap3A_1945 = arith.index_cast %add3A_1837 : i32 to index
        %swap3A_1946 = arith.constant 112 : index
        %swap3A_1947 = tpu.vector_load %arg15[%swap3A_1945, %swap3A_1946] {strides = array<i32>} : memref<128x128xf32, #tpu.memory_space<vmem>>, vector<1x16xf32>,
        %swap3A_1948 = vector.shape_cast %swap3A_1947 : vector<1x16xf32> to vector<16xf32>
        %swap3A_1949 = vector.shape_cast %mul3A_1944 : vector<16xf32> to vector<1x16xf32>
        tpu.vector_store %arg15[%swap3A_1945, %swap3A_1946], %swap3A_1949 {strides = array<i32>} : memref<128x128xf32, #tpu.memory_space<vmem>>, vector<1x16xf32>,
      }
      %scan3A_59 = arith.constant 8 : i32
      "tpu.region"() ({
        %run_scoped3A = tpu.sem_alloc : memref<!tpu.dma_semaphore, #tpu.memory_space<semaphore_mem>>
        %dma_start3A_60 = arith.constant 0 : i32
        %dma_start3A_61 = arith.constant 0 : i32
        %dma_start3A_62 = tpu.memref_slice %arg9[%dma_start3A_60, %dma_start3A_61] : memref<10240x128xf32, #tpu.memory_space<vmem_shared>> -> memref<10240x128xf32, #tpu.memory_space<vmem_shared>>
        tpu.enqueue_indirect_dma source(%arg15 : memref<128x128xf32, #tpu.memory_space<vmem>>) target(%dma_start3A_62 : memref<10240x128xf32, #tpu.memory_space<vmem_shared>>) offsets(%arg13 : memref<128xi32, #tpu.memory_space<vmem>>) semaphore(%run_scoped3A : memref<!tpu.dma_semaphore, #tpu.memory_space<semaphore_mem>>) {add = true}
        %dma_wait3A_63 = arith.constant 0 : i32
        %dma_wait3A_64 = arith.constant 0 : i32
        %dma_wait3A_65 = tpu.memref_slice %arg9[%dma_wait3A_63, %dma_wait3A_64] : memref<10240x128xf32, #tpu.memory_space<vmem_shared>> -> memref<10240x128xf32, #tpu.memory_space<vmem_shared>>
        tpu.wait_indirect_dma semaphore(%run_scoped3A : memref<!tpu.dma_semaphore, #tpu.memory_space<semaphore_mem>>) src(%arg15 : memref<128x128xf32, #tpu.memory_space<vmem>>) dst(%dma_wait3A_65 : memref<10240x128xf32, #tpu.memory_space<vmem_shared>>)
        tpu.yield
      }) : () -> ()
      "tpu.region"() ({
        %run_scoped3A = tpu.sem_alloc : memref<!tpu.dma_semaphore, #tpu.memory_space<semaphore_mem>>
        %dma_start3A_60 = arith.constant 0 : i32
        %dma_start3A_61 = tpu.memref_slice %arg10[%dma_start3A_60] : memref<10240xf32, #tpu.memory_space<vmem_shared>> -> memref<10240xf32, #tpu.memory_space<vmem_shared>>
        tpu.enqueue_indirect_dma source(%arg16 : memref<128xf32, #tpu.memory_space<vmem>>) target(%dma_start3A_61 : memref<10240xf32, #tpu.memory_space<vmem_shared>>) offsets(%arg13 : memref<128xi32, #tpu.memory_space<vmem>>) semaphore(%run_scoped3A : memref<!tpu.dma_semaphore, #tpu.memory_space<semaphore_mem>>) {add = true}
        %dma_wait3A_62 = arith.constant 0 : i32
        %dma_wait3A_63 = tpu.memref_slice %arg10[%dma_wait3A_62] : memref<10240xf32, #tpu.memory_space<vmem_shared>> -> memref<10240xf32, #tpu.memory_space<vmem_shared>>
        tpu.wait_indirect_dma semaphore(%run_scoped3A : memref<!tpu.dma_semaphore, #tpu.memory_space<semaphore_mem>>) src(%arg16 : memref<128xf32, #tpu.memory_space<vmem>>) dst(%dma_wait3A_63 : memref<10240xf32, #tpu.memory_space<vmem_shared>>)
        tpu.yield
      }) : () -> ()
    }
    %while3A_42 = arith.constant 1 : i32
    scf.for %while3A_44 = %while3A_40 to %while3A_36 step %while3A_42  : i32 {
      %mul3A_45 = arith.constant 32 : i32
      %mul3A_46 = arith.muli %while3A_44, %mul3A_45 : i32
      %add3A_47 = arith.addi %add3A, %mul3A_46 : i32
      %mul3A_48 = arith.constant 128 : i32
      %mul3A_49 = arith.muli %add3A_47, %mul3A_48 : i32
      "tpu.region"() ({
        %run_scoped3A = tpu.sem_alloc : memref<!tpu.dma_semaphore, #tpu.memory_space<semaphore_mem>>
        %dma_start3A_60 = tpu.memref_slice %arg4[%mul3A_49] : memref<320000xi32, #tpu.memory_space<hbm>> -> memref<128xi32, #tpu.memory_space<hbm>>
        %dma_start3A_61 = tpu.memref_slice %arg4[%mul3A_49] : memref<320000xi32, #tpu.memory_space<hbm>> -> memref<128xi32, #tpu.memory_space<hbm>>
        tpu.enqueue_dma source(%dma_start3A_61 : memref<128xi32, #tpu.memory_space<hbm>>) target(%arg12 : memref<128xi32, #tpu.memory_space<vmem>>) target_semaphore(%run_scoped3A : memref<!tpu.dma_semaphore, #tpu.memory_space<semaphore_mem>>)
        %dma_wait3A_62 = tpu.memref_slice %arg4[%mul3A_49] : memref<320000xi32, #tpu.memory_space<hbm>> -> memref<128xi32, #tpu.memory_space<hbm>>
        %dma_wait3A_63 = tpu.memref_slice %arg4[%mul3A_49] : memref<320000xi32, #tpu.memory_space<hbm>> -> memref<128xi32, #tpu.memory_space<hbm>>
        tpu.wait_dma2 semaphore(%run_scoped3A : memref<!tpu.dma_semaphore, #tpu.memory_space<semaphore_mem>>) src(%dma_wait3A_63 : memref<128xi32, #tpu.memory_space<hbm>>) dst(%arg12 : memref<128xi32, #tpu.memory_space<vmem>>)
        tpu.yield
      }) : () -> ()
      "tpu.region"() ({
        %run_scoped3A = tpu.sem_alloc : memref<!tpu.dma_semaphore, #tpu.memory_space<semaphore_mem>>
        %dma_start3A_60 = tpu.memref_slice %arg3[%mul3A_49] : memref<320000xi32, #tpu.memory_space<hbm>> -> memref<128xi32, #tpu.memory_space<hbm>>
        %dma_start3A_61 = tpu.memref_slice %arg3[%mul3A_49] : memref<320000xi32, #tpu.memory_space<hbm>> -> memref<128xi32, #tpu.memory_space<hbm>>
        tpu.enqueue_dma source(%dma_start3A_61 : memref<128xi32, #tpu.memory_space<hbm>>) target(%arg13 : memref<128xi32, #tpu.memory_space<vmem>>) target_semaphore(%run_scoped3A : memref<!tpu.dma_semaphore, #tpu.memory_space<semaphore_mem>>)
        %dma_wait3A_62 = tpu.memref_slice %arg3[%mul3A_49] : memref<320000xi32, #tpu.memory_space<hbm>> -> memref<128xi32, #tpu.memory_space<hbm>>
        %dma_wait3A_63 = tpu.memref_slice %arg3[%mul3A_49] : memref<320000xi32, #tpu.memory_space<hbm>> -> memref<128xi32, #tpu.memory_space<hbm>>
        tpu.wait_dma2 semaphore(%run_scoped3A : memref<!tpu.dma_semaphore, #tpu.memory_space<semaphore_mem>>) src(%dma_wait3A_63 : memref<128xi32, #tpu.memory_space<hbm>>) dst(%arg13 : memref<128xi32, #tpu.memory_space<vmem>>)
        tpu.yield
      }) : () -> ()
      "tpu.region"() ({
        %run_scoped3A = tpu.sem_alloc : memref<!tpu.dma_semaphore, #tpu.memory_space<semaphore_mem>>
        %dma_start3A_60 = tpu.memref_slice %arg5[%mul3A_49] : memref<320000xi32, #tpu.memory_space<hbm>> -> memref<128xi32, #tpu.memory_space<hbm>>
        %dma_start3A_61 = tpu.memref_slice %arg5[%mul3A_49] : memref<320000xi32, #tpu.memory_space<hbm>> -> memref<128xi32, #tpu.memory_space<hbm>>
        tpu.enqueue_dma source(%dma_start3A_61 : memref<128xi32, #tpu.memory_space<hbm>>) target(%arg14 : memref<128xi32, #tpu.memory_space<vmem>>) target_semaphore(%run_scoped3A : memref<!tpu.dma_semaphore, #tpu.memory_space<semaphore_mem>>)
        %dma_wait3A_62 = tpu.memref_slice %arg5[%mul3A_49] : memref<320000xi32, #tpu.memory_space<hbm>> -> memref<128xi32, #tpu.memory_space<hbm>>
        %dma_wait3A_63 = tpu.memref_slice %arg5[%mul3A_49] : memref<320000xi32, #tpu.memory_space<hbm>> -> memref<128xi32, #tpu.memory_space<hbm>>
        tpu.wait_dma2 semaphore(%run_scoped3A : memref<!tpu.dma_semaphore, #tpu.memory_space<semaphore_mem>>) src(%dma_wait3A_63 : memref<128xi32, #tpu.memory_space<hbm>>) dst(%arg14 : memref<128xi32, #tpu.memory_space<vmem>>)
        tpu.yield
      }) : () -> ()
      %dma_start3A = arith.constant 0 : i32
      %dma_start3A_50 = arith.constant 0 : i32
      %dma_start3A_51 = tpu.memref_slice %arg2[%dma_start3A, %dma_start3A_50] : memref<10000x128xf32, #tpu.memory_space<hbm>> -> memref<10000x128xf32, #tpu.memory_space<hbm>>
      tpu.enqueue_indirect_dma source(%dma_start3A_51 : memref<10000x128xf32, #tpu.memory_space<hbm>>) target(%arg15 : memref<128x128xf32, #tpu.memory_space<vmem>>) offsets(%arg12 : memref<128xi32, #tpu.memory_space<vmem>>) semaphore(%arg18 : memref<!tpu.dma_semaphore, #tpu.memory_space<semaphore_mem>>)
      %dma_wait3A = arith.constant 0 : i32
      %dma_wait3A_52 = arith.constant 0 : i32
      %dma_wait3A_53 = tpu.memref_slice %arg2[%dma_wait3A, %dma_wait3A_52] : memref<10000x128xf32, #tpu.memory_space<hbm>> -> memref<10000x128xf32, #tpu.memory_space<hbm>>
      tpu.wait_indirect_dma semaphore(%arg18 : memref<!tpu.dma_semaphore, #tpu.memory_space<semaphore_mem>>) src(%dma_wait3A_53 : memref<10000x128xf32, #tpu.memory_space<hbm>>) dst(%arg15 : memref<128x128xf32, #tpu.memory_space<vmem>>)
      %scan3A_54 = arith.constant 0 : i32
      %scan3A_55 = arith.constant 0 : i32
      %scan3A_56 = arith.constant 8 : i32
      %scan3A_57 = arith.addi %scan3A_55, %scan3A_56 : i32
      %scan3A_58 = arith.constant 1 : i32
      scf.for %scan3A_60 = %scan3A_55 to %scan3A_57 step %scan3A_58  : i32 {
        %mul3A_61 = arith.constant 16 : i32
        %mul3A_62 = arith.muli %scan3A_60, %mul3A_61 : i32
        %get3A = arith.index_cast %mul3A_62 : i32 to index
        %get3A_63 = tpu.vector_load %arg14[%get3A] {strides = array<i32>} : memref<128xi32, #tpu.memory_space<vmem>>, vector<16xi32>,
        %get3A_64 = vector.shape_cast %get3A_63 : vector<16xi32> to vector<16xi32>
        %slice3A = vector.extract_strided_slice %get3A_64 {offsets = [0], sizes = [1], strides = [1]} : vector<16xi32> to vector<1xi32>
        %squeeze3A = vector.extract %slice3A[0] : i32 from vector<1xi32>
        %mul3A_65 = arith.constant 16 : i32
        %mul3A_66 = arith.muli %scan3A_60, %mul3A_65 : i32
        %add3A_67 = arith.constant 0 : i32
        %add3A_68 = arith.addi %mul3A_66, %add3A_67 : i32
        %get3A_69 = arith.index_cast %add3A_68 : i32 to index
        %get3A_70 = arith.constant 0 : index
        %get3A_71 = tpu.vector_load %arg15[%get3A_69, %get3A_70] {strides = array<i32>} : memref<128x128xf32, #tpu.memory_space<vmem>>, vector<1x16xf32>,
        %get3A_72 = vector.shape_cast %get3A_71 : vector<1x16xf32> to vector<16xf32>
        %get3A_73 = arith.index_cast %squeeze3A : i32 to index
        %get3A_74 = arith.constant 0 : index
        %get3A_75 = tpu.vector_load %arg11[%get3A_73, %get3A_74] {strides = array<i32>} : memref<32x128xf32, #tpu.memory_space<vmem>>, vector<1x16xf32>,
        %get3A_76 = vector.shape_cast %get3A_75 : vector<1x16xf32> to vector<16xf32>
        %mul3A_77 = arith.mulf %get3A_72, %get3A_76 : vector<16xf32>
        %swap3A = arith.index_cast %add3A_68 : i32 to index
        %swap3A_78 = arith.constant 0 : index
        %swap3A_79 = tpu.vector_load %arg15[%swap3A, %swap3A_78] {strides = array<i32>} : memref<128x128xf32, #tpu.memory_space<vmem>>, vector<1x16xf32>,
        %swap3A_80 = vector.shape_cast %swap3A_79 : vector<1x16xf32> to vector<16xf32>
        %swap3A_81 = vector.shape_cast %mul3A_77 : vector<16xf32> to vector<1x16xf32>
        tpu.vector_store %arg15[%swap3A, %swap3A_78], %swap3A_81 {strides = array<i32>} : memref<128x128xf32, #tpu.memory_space<vmem>>, vector<1x16xf32>,
        %get3A_82 = arith.index_cast %add3A_68 : i32 to index
        %get3A_83 = arith.constant 16 : index
        %get3A_84 = tpu.vector_load %arg15[%get3A_82, %get3A_83] {strides = array<i32>} : memref<128x128xf32, #tpu.memory_space<vmem>>, vector<1x16xf32>,
        %get3A_85 = vector.shape_cast %get3A_84 : vector<1x16xf32> to vector<16xf32>
        %get3A_86 = arith.index_cast %squeeze3A : i32 to index
        %get3A_87 = arith.constant 16 : index
        %get3A_88 = tpu.vector_load %arg11[%get3A_86, %get3A_87] {strides = array<i32>} : memref<32x128xf32, #tpu.memory_space<vmem>>, vector<1x16xf32>,
        %get3A_89 = vector.shape_cast %get3A_88 : vector<1x16xf32> to vector<16xf32>
        %mul3A_90 = arith.mulf %get3A_85, %get3A_89 : vector<16xf32>
        %swap3A_91 = arith.index_cast %add3A_68 : i32 to index
        %swap3A_92 = arith.constant 16 : index
        %swap3A_93 = tpu.vector_load %arg15[%swap3A_91, %swap3A_92] {strides = array<i32>} : memref<128x128xf32, #tpu.memory_space<vmem>>, vector<1x16xf32>,
        %swap3A_94 = vector.shape_cast %swap3A_93 : vector<1x16xf32> to vector<16xf32>
        %swap3A_95 = vector.shape_cast %mul3A_90 : vector<16xf32> to vector<1x16xf32>
        tpu.vector_store %arg15[%swap3A_91, %swap3A_92], %swap3A_95 {strides = array<i32>} : memref<128x128xf32, #tpu.memory_space<vmem>>, vector<1x16xf32>,
        %get3A_96 = arith.index_cast %add3A_68 : i32 to index
        %get3A_97 = arith.constant 32 : index
        %get3A_98 = tpu.vector_load %arg15[%get3A_96, %get3A_97] {strides = array<i32>} : memref<128x128xf32, #tpu.memory_space<vmem>>, vector<1x16xf32>,
        %get3A_99 = vector.shape_cast %get3A_98 : vector<1x16xf32> to vector<16xf32>
        %get3A_100 = arith.index_cast %squeeze3A : i32 to index
        %get3A_101 = arith.constant 32 : index
        %get3A_102 = tpu.vector_load %arg11[%get3A_100, %get3A_101] {strides = array<i32>} : memref<32x128xf32, #tpu.memory_space<vmem>>, vector<1x16xf32>,
        %get3A_103 = vector.shape_cast %get3A_102 : vector<1x16xf32> to vector<16xf32>
        %mul3A_104 = arith.mulf %get3A_99, %get3A_103 : vector<16xf32>
        %swap3A_105 = arith.index_cast %add3A_68 : i32 to index
        %swap3A_106 = arith.constant 32 : index
        %swap3A_107 = tpu.vector_load %arg15[%swap3A_105, %swap3A_106] {strides = array<i32>} : memref<128x128xf32, #tpu.memory_space<vmem>>, vector<1x16xf32>,
        %swap3A_108 = vector.shape_cast %swap3A_107 : vector<1x16xf32> to vector<16xf32>
        %swap3A_109 = vector.shape_cast %mul3A_104 : vector<16xf32> to vector<1x16xf32>
        tpu.vector_store %arg15[%swap3A_105, %swap3A_106], %swap3A_109 {strides = array<i32>} : memref<128x128xf32, #tpu.memory_space<vmem>>, vector<1x16xf32>,
        %get3A_110 = arith.index_cast %add3A_68 : i32 to index
        %get3A_111 = arith.constant 48 : index
        %get3A_112 = tpu.vector_load %arg15[%get3A_110, %get3A_111] {strides = array<i32>} : memref<128x128xf32, #tpu.memory_space<vmem>>, vector<1x16xf32>,
        %get3A_113 = vector.shape_cast %get3A_112 : vector<1x16xf32> to vector<16xf32>
        %get3A_114 = arith.index_cast %squeeze3A : i32 to index
        %get3A_115 = arith.constant 48 : index
        %get3A_116 = tpu.vector_load %arg11[%get3A_114, %get3A_115] {strides = array<i32>} : memref<32x128xf32, #tpu.memory_space<vmem>>, vector<1x16xf32>,
        %get3A_117 = vector.shape_cast %get3A_116 : vector<1x16xf32> to vector<16xf32>
        %mul3A_118 = arith.mulf %get3A_113, %get3A_117 : vector<16xf32>
        %swap3A_119 = arith.index_cast %add3A_68 : i32 to index
        %swap3A_120 = arith.constant 48 : index
        %swap3A_121 = tpu.vector_load %arg15[%swap3A_119, %swap3A_120] {strides = array<i32>} : memref<128x128xf32, #tpu.memory_space<vmem>>, vector<1x16xf32>,
        %swap3A_122 = vector.shape_cast %swap3A_121 : vector<1x16xf32> to vector<16xf32>
        %swap3A_123 = vector.shape_cast %mul3A_118 : vector<16xf32> to vector<1x16xf32>
        tpu.vector_store %arg15[%swap3A_119, %swap3A_120], %swap3A_123 {strides = array<i32>} : memref<128x128xf32, #tpu.memory_space<vmem>>, vector<1x16xf32>,
        %get3A_124 = arith.index_cast %add3A_68 : i32 to index
        %get3A_125 = arith.constant 64 : index
        %get3A_126 = tpu.vector_load %arg15[%get3A_124, %get3A_125] {strides = array<i32>} : memref<128x128xf32, #tpu.memory_space<vmem>>, vector<1x16xf32>,
        %get3A_127 = vector.shape_cast %get3A_126 : vector<1x16xf32> to vector<16xf32>
        %get3A_128 = arith.index_cast %squeeze3A : i32 to index
        %get3A_129 = arith.constant 64 : index
        %get3A_130 = tpu.vector_load %arg11[%get3A_128, %get3A_129] {strides = array<i32>} : memref<32x128xf32, #tpu.memory_space<vmem>>, vector<1x16xf32>,
        %get3A_131 = vector.shape_cast %get3A_130 : vector<1x16xf32> to vector<16xf32>
        %mul3A_132 = arith.mulf %get3A_127, %get3A_131 : vector<16xf32>
        %swap3A_133 = arith.index_cast %add3A_68 : i32 to index
        %swap3A_134 = arith.constant 64 : index
        %swap3A_135 = tpu.vector_load %arg15[%swap3A_133, %swap3A_134] {strides = array<i32>} : memref<128x128xf32, #tpu.memory_space<vmem>>, vector<1x16xf32>,
        %swap3A_136 = vector.shape_cast %swap3A_135 : vector<1x16xf32> to vector<16xf32>
        %swap3A_137 = vector.shape_cast %mul3A_132 : vector<16xf32> to vector<1x16xf32>
        tpu.vector_store %arg15[%swap3A_133, %swap3A_134], %swap3A_137 {strides = array<i32>} : memref<128x128xf32, #tpu.memory_space<vmem>>, vector<1x16xf32>,
        %get3A_138 = arith.index_cast %add3A_68 : i32 to index
        %get3A_139 = arith.constant 80 : index
        %get3A_140 = tpu.vector_load %arg15[%get3A_138, %get3A_139] {strides = array<i32>} : memref<128x128xf32, #tpu.memory_space<vmem>>, vector<1x16xf32>,
        %get3A_141 = vector.shape_cast %get3A_140 : vector<1x16xf32> to vector<16xf32>
        %get3A_142 = arith.index_cast %squeeze3A : i32 to index
        %get3A_143 = arith.constant 80 : index
        %get3A_144 = tpu.vector_load %arg11[%get3A_142, %get3A_143] {strides = array<i32>} : memref<32x128xf32, #tpu.memory_space<vmem>>, vector<1x16xf32>,
        %get3A_145 = vector.shape_cast %get3A_144 : vector<1x16xf32> to vector<16xf32>
        %mul3A_146 = arith.mulf %get3A_141, %get3A_145 : vector<16xf32>
        %swap3A_147 = arith.index_cast %add3A_68 : i32 to index
        %swap3A_148 = arith.constant 80 : index
        %swap3A_149 = tpu.vector_load %arg15[%swap3A_147, %swap3A_148] {strides = array<i32>} : memref<128x128xf32, #tpu.memory_space<vmem>>, vector<1x16xf32>,
        %swap3A_150 = vector.shape_cast %swap3A_149 : vector<1x16xf32> to vector<16xf32>
        %swap3A_151 = vector.shape_cast %mul3A_146 : vector<16xf32> to vector<1x16xf32>
        tpu.vector_store %arg15[%swap3A_147, %swap3A_148], %swap3A_151 {strides = array<i32>} : memref<128x128xf32, #tpu.memory_space<vmem>>, vector<1x16xf32>,
        %get3A_152 = arith.index_cast %add3A_68 : i32 to index
        %get3A_153 = arith.constant 96 : index
        %get3A_154 = tpu.vector_load %arg15[%get3A_152, %get3A_153] {strides = array<i32>} : memref<128x128xf32, #tpu.memory_space<vmem>>, vector<1x16xf32>,
        %get3A_155 = vector.shape_cast %get3A_154 : vector<1x16xf32> to vector<16xf32>
        %get3A_156 = arith.index_cast %squeeze3A : i32 to index
        %get3A_157 = arith.constant 96 : index
        %get3A_158 = tpu.vector_load %arg11[%get3A_156, %get3A_157] {strides = array<i32>} : memref<32x128xf32, #tpu.memory_space<vmem>>, vector<1x16xf32>,
        %get3A_159 = vector.shape_cast %get3A_158 : vector<1x16xf32> to vector<16xf32>
        %mul3A_160 = arith.mulf %get3A_155, %get3A_159 : vector<16xf32>
        %swap3A_161 = arith.index_cast %add3A_68 : i32 to index
        %swap3A_162 = arith.constant 96 : index
        %swap3A_163 = tpu.vector_load %arg15[%swap3A_161, %swap3A_162] {strides = array<i32>} : memref<128x128xf32, #tpu.memory_space<vmem>>, vector<1x16xf32>,
        %swap3A_164 = vector.shape_cast %swap3A_163 : vector<1x16xf32> to vector<16xf32>
        %swap3A_165 = vector.shape_cast %mul3A_160 : vector<16xf32> to vector<1x16xf32>
        tpu.vector_store %arg15[%swap3A_161, %swap3A_162], %swap3A_165 {strides = array<i32>} : memref<128x128xf32, #tpu.memory_space<vmem>>, vector<1x16xf32>,
        %get3A_166 = arith.index_cast %add3A_68 : i32 to index
        %get3A_167 = arith.constant 112 : index
        %get3A_168 = tpu.vector_load %arg15[%get3A_166, %get3A_167] {strides = array<i32>} : memref<128x128xf32, #tpu.memory_space<vmem>>, vector<1x16xf32>,
        %get3A_169 = vector.shape_cast %get3A_168 : vector<1x16xf32> to vector<16xf32>
        %get3A_170 = arith.index_cast %squeeze3A : i32 to index
        %get3A_171 = arith.constant 112 : index
        %get3A_172 = tpu.vector_load %arg11[%get3A_170, %get3A_171] {strides = array<i32>} : memref<32x128xf32, #tpu.memory_space<vmem>>, vector<1x16xf32>,
        %get3A_173 = vector.shape_cast %get3A_172 : vector<1x16xf32> to vector<16xf32>
        %mul3A_174 = arith.mulf %get3A_169, %get3A_173 : vector<16xf32>
        %swap3A_175 = arith.index_cast %add3A_68 : i32 to index
        %swap3A_176 = arith.constant 112 : index
        %swap3A_177 = tpu.vector_load %arg15[%swap3A_175, %swap3A_176] {strides = array<i32>} : memref<128x128xf32, #tpu.memory_space<vmem>>, vector<1x16xf32>,
        %swap3A_178 = vector.shape_cast %swap3A_177 : vector<1x16xf32> to vector<16xf32>
        %swap3A_179 = vector.shape_cast %mul3A_174 : vector<16xf32> to vector<1x16xf32>
        tpu.vector_store %arg15[%swap3A_175, %swap3A_176], %swap3A_179 {strides = array<i32>} : memref<128x128xf32, #tpu.memory_space<vmem>>, vector<1x16xf32>,
        %slice3A_180 = vector.extract_strided_slice %get3A_64 {offsets = [1], sizes = [1], strides = [1]} : vector<16xi32> to vector<1xi32>
        %squeeze3A_181 = vector.extract %slice3A_180[0] : i32 from vector<1xi32>
        %mul3A_182 = arith.constant 16 : i32
        %mul3A_183 = arith.muli %scan3A_60, %mul3A_182 : i32
        %add3A_184 = arith.constant 1 : i32
        %add3A_185 = arith.addi %mul3A_183, %add3A_184 : i32
        %get3A_186 = arith.index_cast %add3A_185 : i32 to index
        %get3A_187 = arith.constant 0 : index
        %get3A_188 = tpu.vector_load %arg15[%get3A_186, %get3A_187] {strides = array<i32>} : memref<128x128xf32, #tpu.memory_space<vmem>>, vector<1x16xf32>,
        %get3A_189 = vector.shape_cast %get3A_188 : vector<1x16xf32> to vector<16xf32>
        %get3A_190 = arith.index_cast %squeeze3A_181 : i32 to index
        %get3A_191 = arith.constant 0 : index
        %get3A_192 = tpu.vector_load %arg11[%get3A_190, %get3A_191] {strides = array<i32>} : memref<32x128xf32, #tpu.memory_space<vmem>>, vector<1x16xf32>,
        %get3A_193 = vector.shape_cast %get3A_192 : vector<1x16xf32> to vector<16xf32>
        %mul3A_194 = arith.mulf %get3A_189, %get3A_193 : vector<16xf32>
        %swap3A_195 = arith.index_cast %add3A_185 : i32 to index
        %swap3A_196 = arith.constant 0 : index
        %swap3A_197 = tpu.vector_load %arg15[%swap3A_195, %swap3A_196] {strides = array<i32>} : memref<128x128xf32, #tpu.memory_space<vmem>>, vector<1x16xf32>,
        %swap3A_198 = vector.shape_cast %swap3A_197 : vector<1x16xf32> to vector<16xf32>
        %swap3A_199 = vector.shape_cast %mul3A_194 : vector<16xf32> to vector<1x16xf32>
        tpu.vector_store %arg15[%swap3A_195, %swap3A_196], %swap3A_199 {strides = array<i32>} : memref<128x128xf32, #tpu.memory_space<vmem>>, vector<1x16xf32>,
        %get3A_200 = arith.index_cast %add3A_185 : i32 to index
        %get3A_201 = arith.constant 16 : index
        %get3A_202 = tpu.vector_load %arg15[%get3A_200, %get3A_201] {strides = array<i32>} : memref<128x128xf32, #tpu.memory_space<vmem>>, vector<1x16xf32>,
        %get3A_203 = vector.shape_cast %get3A_202 : vector<1x16xf32> to vector<16xf32>
        %get3A_204 = arith.index_cast %squeeze3A_181 : i32 to index
        %get3A_205 = arith.constant 16 : index
        %get3A_206 = tpu.vector_load %arg11[%get3A_204, %get3A_205] {strides = array<i32>} : memref<32x128xf32, #tpu.memory_space<vmem>>, vector<1x16xf32>,
        %get3A_207 = vector.shape_cast %get3A_206 : vector<1x16xf32> to vector<16xf32>
        %mul3A_208 = arith.mulf %get3A_203, %get3A_207 : vector<16xf32>
        %swap3A_209 = arith.index_cast %add3A_185 : i32 to index
        %swap3A_210 = arith.constant 16 : index
        %swap3A_211 = tpu.vector_load %arg15[%swap3A_209, %swap3A_210] {strides = array<i32>} : memref<128x128xf32, #tpu.memory_space<vmem>>, vector<1x16xf32>,
        %swap3A_212 = vector.shape_cast %swap3A_211 : vector<1x16xf32> to vector<16xf32>
        %swap3A_213 = vector.shape_cast %mul3A_208 : vector<16xf32> to vector<1x16xf32>
        tpu.vector_store %arg15[%swap3A_209, %swap3A_210], %swap3A_213 {strides = array<i32>} : memref<128x128xf32, #tpu.memory_space<vmem>>, vector<1x16xf32>,
        %get3A_214 = arith.index_cast %add3A_185 : i32 to index
        %get3A_215 = arith.constant 32 : index
        %get3A_216 = tpu.vector_load %arg15[%get3A_214, %get3A_215] {strides = array<i32>} : memref<128x128xf32, #tpu.memory_space<vmem>>, vector<1x16xf32>,
        %get3A_217 = vector.shape_cast %get3A_216 : vector<1x16xf32> to vector<16xf32>
        %get3A_218 = arith.index_cast %squeeze3A_181 : i32 to index
        %get3A_219 = arith.constant 32 : index
        %get3A_220 = tpu.vector_load %arg11[%get3A_218, %get3A_219] {strides = array<i32>} : memref<32x128xf32, #tpu.memory_space<vmem>>, vector<1x16xf32>,
        %get3A_221 = vector.shape_cast %get3A_220 : vector<1x16xf32> to vector<16xf32>
        %mul3A_222 = arith.mulf %get3A_217, %get3A_221 : vector<16xf32>
        %swap3A_223 = arith.index_cast %add3A_185 : i32 to index
        %swap3A_224 = arith.constant 32 : index
        %swap3A_225 = tpu.vector_load %arg15[%swap3A_223, %swap3A_224] {strides = array<i32>} : memref<128x128xf32, #tpu.memory_space<vmem>>, vector<1x16xf32>,
        %swap3A_226 = vector.shape_cast %swap3A_225 : vector<1x16xf32> to vector<16xf32>
        %swap3A_227 = vector.shape_cast %mul3A_222 : vector<16xf32> to vector<1x16xf32>
        tpu.vector_store %arg15[%swap3A_223, %swap3A_224], %swap3A_227 {strides = array<i32>} : memref<128x128xf32, #tpu.memory_space<vmem>>, vector<1x16xf32>,
        %get3A_228 = arith.index_cast %add3A_185 : i32 to index
        %get3A_229 = arith.constant 48 : index
        %get3A_230 = tpu.vector_load %arg15[%get3A_228, %get3A_229] {strides = array<i32>} : memref<128x128xf32, #tpu.memory_space<vmem>>, vector<1x16xf32>,
        %get3A_231 = vector.shape_cast %get3A_230 : vector<1x16xf32> to vector<16xf32>
        %get3A_232 = arith.index_cast %squeeze3A_181 : i32 to index
        %get3A_233 = arith.constant 48 : index
        %get3A_234 = tpu.vector_load %arg11[%get3A_232, %get3A_233] {strides = array<i32>} : memref<32x128xf32, #tpu.memory_space<vmem>>, vector<1x16xf32>,
        %get3A_235 = vector.shape_cast %get3A_234 : vector<1x16xf32> to vector<16xf32>
        %mul3A_236 = arith.mulf %get3A_231, %get3A_235 : vector<16xf32>
        %swap3A_237 = arith.index_cast %add3A_185 : i32 to index
        %swap3A_238 = arith.constant 48 : index
        %swap3A_239 = tpu.vector_load %arg15[%swap3A_237, %swap3A_238] {strides = array<i32>} : memref<128x128xf32, #tpu.memory_space<vmem>>, vector<1x16xf32>,
        %swap3A_240 = vector.shape_cast %swap3A_239 : vector<1x16xf32> to vector<16xf32>
        %swap3A_241 = vector.shape_cast %mul3A_236 : vector<16xf32> to vector<1x16xf32>
        tpu.vector_store %arg15[%swap3A_237, %swap3A_238], %swap3A_241 {strides = array<i32>} : memref<128x128xf32, #tpu.memory_space<vmem>>, vector<1x16xf32>,
        %get3A_242 = arith.index_cast %add3A_185 : i32 to index
        %get3A_243 = arith.constant 64 : index
        %get3A_244 = tpu.vector_load %arg15[%get3A_242, %get3A_243] {strides = array<i32>} : memref<128x128xf32, #tpu.memory_space<vmem>>, vector<1x16xf32>,
        %get3A_245 = vector.shape_cast %get3A_244 : vector<1x16xf32> to vector<16xf32>
        %get3A_246 = arith.index_cast %squeeze3A_181 : i32 to index
        %get3A_247 = arith.constant 64 : index
        %get3A_248 = tpu.vector_load %arg11[%get3A_246, %get3A_247] {strides = array<i32>} : memref<32x128xf32, #tpu.memory_space<vmem>>, vector<1x16xf32>,
        %get3A_249 = vector.shape_cast %get3A_248 : vector<1x16xf32> to vector<16xf32>
        %mul3A_250 = arith.mulf %get3A_245, %get3A_249 : vector<16xf32>
        %swap3A_251 = arith.index_cast %add3A_185 : i32 to index
        %swap3A_252 = arith.constant 64 : index
        %swap3A_253 = tpu.vector_load %arg15[%swap3A_251, %swap3A_252] {strides = array<i32>} : memref<128x128xf32, #tpu.memory_space<vmem>>, vector<1x16xf32>,
        %swap3A_254 = vector.shape_cast %swap3A_253 : vector<1x16xf32> to vector<16xf32>
        %swap3A_255 = vector.shape_cast %mul3A_250 : vector<16xf32> to vector<1x16xf32>
        tpu.vector_store %arg15[%swap3A_251, %swap3A_252], %swap3A_255 {strides = array<i32>} : memref<128x128xf32, #tpu.memory_space<vmem>>, vector<1x16xf32>,
        %get3A_256 = arith.index_cast %add3A_185 : i32 to index
        %get3A_257 = arith.constant 80 : index
        %get3A_258 = tpu.vector_load %arg15[%get3A_256, %get3A_257] {strides = array<i32>} : memref<128x128xf32, #tpu.memory_space<vmem>>, vector<1x16xf32>,
        %get3A_259 = vector.shape_cast %get3A_258 : vector<1x16xf32> to vector<16xf32>
        %get3A_260 = arith.index_cast %squeeze3A_181 : i32 to index
        %get3A_261 = arith.constant 80 : index
        %get3A_262 = tpu.vector_load %arg11[%get3A_260, %get3A_261] {strides = array<i32>} : memref<32x128xf32, #tpu.memory_space<vmem>>, vector<1x16xf32>,
        %get3A_263 = vector.shape_cast %get3A_262 : vector<1x16xf32> to vector<16xf32>
        %mul3A_264 = arith.mulf %get3A_259, %get3A_263 : vector<16xf32>
        %swap3A_265 = arith.index_cast %add3A_185 : i32 to index
        %swap3A_266 = arith.constant 80 : index
        %swap3A_267 = tpu.vector_load %arg15[%swap3A_265, %swap3A_266] {strides = array<i32>} : memref<128x128xf32, #tpu.memory_space<vmem>>, vector<1x16xf32>,
        %swap3A_268 = vector.shape_cast %swap3A_267 : vector<1x16xf32> to vector<16xf32>
        %swap3A_269 = vector.shape_cast %mul3A_264 : vector<16xf32> to vector<1x16xf32>
        tpu.vector_store %arg15[%swap3A_265, %swap3A_266], %swap3A_269 {strides = array<i32>} : memref<128x128xf32, #tpu.memory_space<vmem>>, vector<1x16xf32>,
        %get3A_270 = arith.index_cast %add3A_185 : i32 to index
        %get3A_271 = arith.constant 96 : index
        %get3A_272 = tpu.vector_load %arg15[%get3A_270, %get3A_271] {strides = array<i32>} : memref<128x128xf32, #tpu.memory_space<vmem>>, vector<1x16xf32>,
        %get3A_273 = vector.shape_cast %get3A_272 : vector<1x16xf32> to vector<16xf32>
        %get3A_274 = arith.index_cast %squeeze3A_181 : i32 to index
        %get3A_275 = arith.constant 96 : index
        %get3A_276 = tpu.vector_load %arg11[%get3A_274, %get3A_275] {strides = array<i32>} : memref<32x128xf32, #tpu.memory_space<vmem>>, vector<1x16xf32>,
        %get3A_277 = vector.shape_cast %get3A_276 : vector<1x16xf32> to vector<16xf32>
        %mul3A_278 = arith.mulf %get3A_273, %get3A_277 : vector<16xf32>
        %swap3A_279 = arith.index_cast %add3A_185 : i32 to index
        %swap3A_280 = arith.constant 96 : index
        %swap3A_281 = tpu.vector_load %arg15[%swap3A_279, %swap3A_280] {strides = array<i32>} : memref<128x128xf32, #tpu.memory_space<vmem>>, vector<1x16xf32>,
        %swap3A_282 = vector.shape_cast %swap3A_281 : vector<1x16xf32> to vector<16xf32>
        %swap3A_283 = vector.shape_cast %mul3A_278 : vector<16xf32> to vector<1x16xf32>
        tpu.vector_store %arg15[%swap3A_279, %swap3A_280], %swap3A_283 {strides = array<i32>} : memref<128x128xf32, #tpu.memory_space<vmem>>, vector<1x16xf32>,
        %get3A_284 = arith.index_cast %add3A_185 : i32 to index
        %get3A_285 = arith.constant 112 : index
        %get3A_286 = tpu.vector_load %arg15[%get3A_284, %get3A_285] {strides = array<i32>} : memref<128x128xf32, #tpu.memory_space<vmem>>, vector<1x16xf32>,
        %get3A_287 = vector.shape_cast %get3A_286 : vector<1x16xf32> to vector<16xf32>
        %get3A_288 = arith.index_cast %squeeze3A_181 : i32 to index
        %get3A_289 = arith.constant 112 : index
        %get3A_290 = tpu.vector_load %arg11[%get3A_288, %get3A_289] {strides = array<i32>} : memref<32x128xf32, #tpu.memory_space<vmem>>, vector<1x16xf32>,
        %get3A_291 = vector.shape_cast %get3A_290 : vector<1x16xf32> to vector<16xf32>
        %mul3A_292 = arith.mulf %get3A_287, %get3A_291 : vector<16xf32>
        %swap3A_293 = arith.index_cast %add3A_185 : i32 to index
        %swap3A_294 = arith.constant 112 : index
        %swap3A_295 = tpu.vector_load %arg15[%swap3A_293, %swap3A_294] {strides = array<i32>} : memref<128x128xf32, #tpu.memory_space<vmem>>, vector<1x16xf32>,
        %swap3A_296 = vector.shape_cast %swap3A_295 : vector<1x16xf32> to vector<16xf32>
        %swap3A_297 = vector.shape_cast %mul3A_292 : vector<16xf32> to vector<1x16xf32>
        tpu.vector_store %arg15[%swap3A_293, %swap3A_294], %swap3A_297 {strides = array<i32>} : memref<128x128xf32, #tpu.memory_space<vmem>>, vector<1x16xf32>,
        %slice3A_298 = vector.extract_strided_slice %get3A_64 {offsets = [2], sizes = [1], strides = [1]} : vector<16xi32> to vector<1xi32>
        %squeeze3A_299 = vector.extract %slice3A_298[0] : i32 from vector<1xi32>
        %mul3A_300 = arith.constant 16 : i32
        %mul3A_301 = arith.muli %scan3A_60, %mul3A_300 : i32
        %add3A_302 = arith.constant 2 : i32
        %add3A_303 = arith.addi %mul3A_301, %add3A_302 : i32
        %get3A_304 = arith.index_cast %add3A_303 : i32 to index
        %get3A_305 = arith.constant 0 : index
        %get3A_306 = tpu.vector_load %arg15[%get3A_304, %get3A_305] {strides = array<i32>} : memref<128x128xf32, #tpu.memory_space<vmem>>, vector<1x16xf32>,
        %get3A_307 = vector.shape_cast %get3A_306 : vector<1x16xf32> to vector<16xf32>
        %get3A_308 = arith.index_cast %squeeze3A_299 : i32 to index
        %get3A_309 = arith.constant 0 : index
        %get3A_310 = tpu.vector_load %arg11[%get3A_308, %get3A_309] {strides = array<i32>} : memref<32x128xf32, #tpu.memory_space<vmem>>, vector<1x16xf32>,
        %get3A_311 = vector.shape_cast %get3A_310 : vector<1x16xf32> to vector<16xf32>
        %mul3A_312 = arith.mulf %get3A_307, %get3A_311 : vector<16xf32>
        %swap3A_313 = arith.index_cast %add3A_303 : i32 to index
        %swap3A_314 = arith.constant 0 : index
        %swap3A_315 = tpu.vector_load %arg15[%swap3A_313, %swap3A_314] {strides = array<i32>} : memref<128x128xf32, #tpu.memory_space<vmem>>, vector<1x16xf32>,
        %swap3A_316 = vector.shape_cast %swap3A_315 : vector<1x16xf32> to vector<16xf32>
        %swap3A_317 = vector.shape_cast %mul3A_312 : vector<16xf32> to vector<1x16xf32>
        tpu.vector_store %arg15[%swap3A_313, %swap3A_314], %swap3A_317 {strides = array<i32>} : memref<128x128xf32, #tpu.memory_space<vmem>>, vector<1x16xf32>,
        %get3A_318 = arith.index_cast %add3A_303 : i32 to index
        %get3A_319 = arith.constant 16 : index
        %get3A_320 = tpu.vector_load %arg15[%get3A_318, %get3A_319] {strides = array<i32>} : memref<128x128xf32, #tpu.memory_space<vmem>>, vector<1x16xf32>,
        %get3A_321 = vector.shape_cast %get3A_320 : vector<1x16xf32> to vector<16xf32>
        %get3A_322 = arith.index_cast %squeeze3A_299 : i32 to index
        %get3A_323 = arith.constant 16 : index
        %get3A_324 = tpu.vector_load %arg11[%get3A_322, %get3A_323] {strides = array<i32>} : memref<32x128xf32, #tpu.memory_space<vmem>>, vector<1x16xf32>,
        %get3A_325 = vector.shape_cast %get3A_324 : vector<1x16xf32> to vector<16xf32>
        %mul3A_326 = arith.mulf %get3A_321, %get3A_325 : vector<16xf32>
        %swap3A_327 = arith.index_cast %add3A_303 : i32 to index
        %swap3A_328 = arith.constant 16 : index
        %swap3A_329 = tpu.vector_load %arg15[%swap3A_327, %swap3A_328] {strides = array<i32>} : memref<128x128xf32, #tpu.memory_space<vmem>>, vector<1x16xf32>,
        %swap3A_330 = vector.shape_cast %swap3A_329 : vector<1x16xf32> to vector<16xf32>
        %swap3A_331 = vector.shape_cast %mul3A_326 : vector<16xf32> to vector<1x16xf32>
        tpu.vector_store %arg15[%swap3A_327, %swap3A_328], %swap3A_331 {strides = array<i32>} : memref<128x128xf32, #tpu.memory_space<vmem>>, vector<1x16xf32>,
        %get3A_332 = arith.index_cast %add3A_303 : i32 to index
        %get3A_333 = arith.constant 32 : index
        %get3A_334 = tpu.vector_load %arg15[%get3A_332, %get3A_333] {strides = array<i32>} : memref<128x128xf32, #tpu.memory_space<vmem>>, vector<1x16xf32>,
        %get3A_335 = vector.shape_cast %get3A_334 : vector<1x16xf32> to vector<16xf32>
        %get3A_336 = arith.index_cast %squeeze3A_299 : i32 to index
        %get3A_337 = arith.constant 32 : index
        %get3A_338 = tpu.vector_load %arg11[%get3A_336, %get3A_337] {strides = array<i32>} : memref<32x128xf32, #tpu.memory_space<vmem>>, vector<1x16xf32>,
        %get3A_339 = vector.shape_cast %get3A_338 : vector<1x16xf32> to vector<16xf32>
        %mul3A_340 = arith.mulf %get3A_335, %get3A_339 : vector<16xf32>
        %swap3A_341 = arith.index_cast %add3A_303 : i32 to index
        %swap3A_342 = arith.constant 32 : index
        %swap3A_343 = tpu.vector_load %arg15[%swap3A_341, %swap3A_342] {strides = array<i32>} : memref<128x128xf32, #tpu.memory_space<vmem>>, vector<1x16xf32>,
        %swap3A_344 = vector.shape_cast %swap3A_343 : vector<1x16xf32> to vector<16xf32>
        %swap3A_345 = vector.shape_cast %mul3A_340 : vector<16xf32> to vector<1x16xf32>
        tpu.vector_store %arg15[%swap3A_341, %swap3A_342], %swap3A_345 {strides = array<i32>} : memref<128x128xf32, #tpu.memory_space<vmem>>, vector<1x16xf32>,
        %get3A_346 = arith.index_cast %add3A_303 : i32 to index
        %get3A_347 = arith.constant 48 : index
        %get3A_348 = tpu.vector_load %arg15[%get3A_346, %get3A_347] {strides = array<i32>} : memref<128x128xf32, #tpu.memory_space<vmem>>, vector<1x16xf32>,
        %get3A_349 = vector.shape_cast %get3A_348 : vector<1x16xf32> to vector<16xf32>
        %get3A_350 = arith.index_cast %squeeze3A_299 : i32 to index
        %get3A_351 = arith.constant 48 : index
        %get3A_352 = tpu.vector_load %arg11[%get3A_350, %get3A_351] {strides = array<i32>} : memref<32x128xf32, #tpu.memory_space<vmem>>, vector<1x16xf32>,
        %get3A_353 = vector.shape_cast %get3A_352 : vector<1x16xf32> to vector<16xf32>
        %mul3A_354 = arith.mulf %get3A_349, %get3A_353 : vector<16xf32>
        %swap3A_355 = arith.index_cast %add3A_303 : i32 to index
        %swap3A_356 = arith.constant 48 : index
        %swap3A_357 = tpu.vector_load %arg15[%swap3A_355, %swap3A_356] {strides = array<i32>} : memref<128x128xf32, #tpu.memory_space<vmem>>, vector<1x16xf32>,
        %swap3A_358 = vector.shape_cast %swap3A_357 : vector<1x16xf32> to vector<16xf32>
        %swap3A_359 = vector.shape_cast %mul3A_354 : vector<16xf32> to vector<1x16xf32>
        tpu.vector_store %arg15[%swap3A_355, %swap3A_356], %swap3A_359 {strides = array<i32>} : memref<128x128xf32, #tpu.memory_space<vmem>>, vector<1x16xf32>,
        %get3A_360 = arith.index_cast %add3A_303 : i32 to index
        %get3A_361 = arith.constant 64 : index
        %get3A_362 = tpu.vector_load %arg15[%get3A_360, %get3A_361] {strides = array<i32>} : memref<128x128xf32, #tpu.memory_space<vmem>>, vector<1x16xf32>,
        %get3A_363 = vector.shape_cast %get3A_362 : vector<1x16xf32> to vector<16xf32>
        %get3A_364 = arith.index_cast %squeeze3A_299 : i32 to index
        %get3A_365 = arith.constant 64 : index
        %get3A_366 = tpu.vector_load %arg11[%get3A_364, %get3A_365] {strides = array<i32>} : memref<32x128xf32, #tpu.memory_space<vmem>>, vector<1x16xf32>,
        %get3A_367 = vector.shape_cast %get3A_366 : vector<1x16xf32> to vector<16xf32>
        %mul3A_368 = arith.mulf %get3A_363, %get3A_367 : vector<16xf32>
        %swap3A_369 = arith.index_cast %add3A_303 : i32 to index
        %swap3A_370 = arith.constant 64 : index
        %swap3A_371 = tpu.vector_load %arg15[%swap3A_369, %swap3A_370] {strides = array<i32>} : memref<128x128xf32, #tpu.memory_space<vmem>>, vector<1x16xf32>,
        %swap3A_372 = vector.shape_cast %swap3A_371 : vector<1x16xf32> to vector<16xf32>
        %swap3A_373 = vector.shape_cast %mul3A_368 : vector<16xf32> to vector<1x16xf32>
        tpu.vector_store %arg15[%swap3A_369, %swap3A_370], %swap3A_373 {strides = array<i32>} : memref<128x128xf32, #tpu.memory_space<vmem>>, vector<1x16xf32>,
        %get3A_374 = arith.index_cast %add3A_303 : i32 to index
        %get3A_375 = arith.constant 80 : index
        %get3A_376 = tpu.vector_load %arg15[%get3A_374, %get3A_375] {strides = array<i32>} : memref<128x128xf32, #tpu.memory_space<vmem>>, vector<1x16xf32>,
        %get3A_377 = vector.shape_cast %get3A_376 : vector<1x16xf32> to vector<16xf32>
        %get3A_378 = arith.index_cast %squeeze3A_299 : i32 to index
        %get3A_379 = arith.constant 80 : index
        %get3A_380 = tpu.vector_load %arg11[%get3A_378, %get3A_379] {strides = array<i32>} : memref<32x128xf32, #tpu.memory_space<vmem>>, vector<1x16xf32>,
        %get3A_381 = vector.shape_cast %get3A_380 : vector<1x16xf32> to vector<16xf32>
        %mul3A_382 = arith.mulf %get3A_377, %get3A_381 : vector<16xf32>
        %swap3A_383 = arith.index_cast %add3A_303 : i32 to index
        %swap3A_384 = arith.constant 80 : index
        %swap3A_385 = tpu.vector_load %arg15[%swap3A_383, %swap3A_384] {strides = array<i32>} : memref<128x128xf32, #tpu.memory_space<vmem>>, vector<1x16xf32>,
        %swap3A_386 = vector.shape_cast %swap3A_385 : vector<1x16xf32> to vector<16xf32>
        %swap3A_387 = vector.shape_cast %mul3A_382 : vector<16xf32> to vector<1x16xf32>
        tpu.vector_store %arg15[%swap3A_383, %swap3A_384], %swap3A_387 {strides = array<i32>} : memref<128x128xf32, #tpu.memory_space<vmem>>, vector<1x16xf32>,
        %get3A_388 = arith.index_cast %add3A_303 : i32 to index
        %get3A_389 = arith.constant 96 : index
        %get3A_390 = tpu.vector_load %arg15[%get3A_388, %get3A_389] {strides = array<i32>} : memref<128x128xf32, #tpu.memory_space<vmem>>, vector<1x16xf32>,
        %get3A_391 = vector.shape_cast %get3A_390 : vector<1x16xf32> to vector<16xf32>
        %get3A_392 = arith.index_cast %squeeze3A_299 : i32 to index
        %get3A_393 = arith.constant 96 : index
        %get3A_394 = tpu.vector_load %arg11[%get3A_392, %get3A_393] {strides = array<i32>} : memref<32x128xf32, #tpu.memory_space<vmem>>, vector<1x16xf32>,
        %get3A_395 = vector.shape_cast %get3A_394 : vector<1x16xf32> to vector<16xf32>
        %mul3A_396 = arith.mulf %get3A_391, %get3A_395 : vector<16xf32>
        %swap3A_397 = arith.index_cast %add3A_303 : i32 to index
        %swap3A_398 = arith.constant 96 : index
        %swap3A_399 = tpu.vector_load %arg15[%swap3A_397, %swap3A_398] {strides = array<i32>} : memref<128x128xf32, #tpu.memory_space<vmem>>, vector<1x16xf32>,
        %swap3A_400 = vector.shape_cast %swap3A_399 : vector<1x16xf32> to vector<16xf32>
        %swap3A_401 = vector.shape_cast %mul3A_396 : vector<16xf32> to vector<1x16xf32>
        tpu.vector_store %arg15[%swap3A_397, %swap3A_398], %swap3A_401 {strides = array<i32>} : memref<128x128xf32, #tpu.memory_space<vmem>>, vector<1x16xf32>,
        %get3A_402 = arith.index_cast %add3A_303 : i32 to index
        %get3A_403 = arith.constant 112 : index
        %get3A_404 = tpu.vector_load %arg15[%get3A_402, %get3A_403] {strides = array<i32>} : memref<128x128xf32, #tpu.memory_space<vmem>>, vector<1x16xf32>,
        %get3A_405 = vector.shape_cast %get3A_404 : vector<1x16xf32> to vector<16xf32>
        %get3A_406 = arith.index_cast %squeeze3A_299 : i32 to index
        %get3A_407 = arith.constant 112 : index
        %get3A_408 = tpu.vector_load %arg11[%get3A_406, %get3A_407] {strides = array<i32>} : memref<32x128xf32, #tpu.memory_space<vmem>>, vector<1x16xf32>,
        %get3A_409 = vector.shape_cast %get3A_408 : vector<1x16xf32> to vector<16xf32>
        %mul3A_410 = arith.mulf %get3A_405, %get3A_409 : vector<16xf32>
        %swap3A_411 = arith.index_cast %add3A_303 : i32 to index
        %swap3A_412 = arith.constant 112 : index
        %swap3A_413 = tpu.vector_load %arg15[%swap3A_411, %swap3A_412] {strides = array<i32>} : memref<128x128xf32, #tpu.memory_space<vmem>>, vector<1x16xf32>,
        %swap3A_414 = vector.shape_cast %swap3A_413 : vector<1x16xf32> to vector<16xf32>
        %swap3A_415 = vector.shape_cast %mul3A_410 : vector<16xf32> to vector<1x16xf32>
        tpu.vector_store %arg15[%swap3A_411, %swap3A_412], %swap3A_415 {strides = array<i32>} : memref<128x128xf32, #tpu.memory_space<vmem>>, vector<1x16xf32>,
        %slice3A_416 = vector.extract_strided_slice %get3A_64 {offsets = [3], sizes = [1], strides = [1]} : vector<16xi32> to vector<1xi32>
        %squeeze3A_417 = vector.extract %slice3A_416[0] : i32 from vector<1xi32>
        %mul3A_418 = arith.constant 16 : i32
        %mul3A_419 = arith.muli %scan3A_60, %mul3A_418 : i32
        %add3A_420 = arith.constant 3 : i32
        %add3A_421 = arith.addi %mul3A_419, %add3A_420 : i32
        %get3A_422 = arith.index_cast %add3A_421 : i32 to index
        %get3A_423 = arith.constant 0 : index
        %get3A_424 = tpu.vector_load %arg15[%get3A_422, %get3A_423] {strides = array<i32>} : memref<128x128xf32, #tpu.memory_space<vmem>>, vector<1x16xf32>,
        %get3A_425 = vector.shape_cast %get3A_424 : vector<1x16xf32> to vector<16xf32>
        %get3A_426 = arith.index_cast %squeeze3A_417 : i32 to index
        %get3A_427 = arith.constant 0 : index
        %get3A_428 = tpu.vector_load %arg11[%get3A_426, %get3A_427] {strides = array<i32>} : memref<32x128xf32, #tpu.memory_space<vmem>>, vector<1x16xf32>,
        %get3A_429 = vector.shape_cast %get3A_428 : vector<1x16xf32> to vector<16xf32>
        %mul3A_430 = arith.mulf %get3A_425, %get3A_429 : vector<16xf32>
        %swap3A_431 = arith.index_cast %add3A_421 : i32 to index
        %swap3A_432 = arith.constant 0 : index
        %swap3A_433 = tpu.vector_load %arg15[%swap3A_431, %swap3A_432] {strides = array<i32>} : memref<128x128xf32, #tpu.memory_space<vmem>>, vector<1x16xf32>,
        %swap3A_434 = vector.shape_cast %swap3A_433 : vector<1x16xf32> to vector<16xf32>
        %swap3A_435 = vector.shape_cast %mul3A_430 : vector<16xf32> to vector<1x16xf32>
        tpu.vector_store %arg15[%swap3A_431, %swap3A_432], %swap3A_435 {strides = array<i32>} : memref<128x128xf32, #tpu.memory_space<vmem>>, vector<1x16xf32>,
        %get3A_436 = arith.index_cast %add3A_421 : i32 to index
        %get3A_437 = arith.constant 16 : index
        %get3A_438 = tpu.vector_load %arg15[%get3A_436, %get3A_437] {strides = array<i32>} : memref<128x128xf32, #tpu.memory_space<vmem>>, vector<1x16xf32>,
        %get3A_439 = vector.shape_cast %get3A_438 : vector<1x16xf32> to vector<16xf32>
        %get3A_440 = arith.index_cast %squeeze3A_417 : i32 to index
        %get3A_441 = arith.constant 16 : index
        %get3A_442 = tpu.vector_load %arg11[%get3A_440, %get3A_441] {strides = array<i32>} : memref<32x128xf32, #tpu.memory_space<vmem>>, vector<1x16xf32>,
        %get3A_443 = vector.shape_cast %get3A_442 : vector<1x16xf32> to vector<16xf32>
        %mul3A_444 = arith.mulf %get3A_439, %get3A_443 : vector<16xf32>
        %swap3A_445 = arith.index_cast %add3A_421 : i32 to index
        %swap3A_446 = arith.constant 16 : index
        %swap3A_447 = tpu.vector_load %arg15[%swap3A_445, %swap3A_446] {strides = array<i32>} : memref<128x128xf32, #tpu.memory_space<vmem>>, vector<1x16xf32>,
        %swap3A_448 = vector.shape_cast %swap3A_447 : vector<1x16xf32> to vector<16xf32>
        %swap3A_449 = vector.shape_cast %mul3A_444 : vector<16xf32> to vector<1x16xf32>
        tpu.vector_store %arg15[%swap3A_445, %swap3A_446], %swap3A_449 {strides = array<i32>} : memref<128x128xf32, #tpu.memory_space<vmem>>, vector<1x16xf32>,
        %get3A_450 = arith.index_cast %add3A_421 : i32 to index
        %get3A_451 = arith.constant 32 : index
        %get3A_452 = tpu.vector_load %arg15[%get3A_450, %get3A_451] {strides = array<i32>} : memref<128x128xf32, #tpu.memory_space<vmem>>, vector<1x16xf32>,
        %get3A_453 = vector.shape_cast %get3A_452 : vector<1x16xf32> to vector<16xf32>
        %get3A_454 = arith.index_cast %squeeze3A_417 : i32 to index
        %get3A_455 = arith.constant 32 : index
        %get3A_456 = tpu.vector_load %arg11[%get3A_454, %get3A_455] {strides = array<i32>} : memref<32x128xf32, #tpu.memory_space<vmem>>, vector<1x16xf32>,
        %get3A_457 = vector.shape_cast %get3A_456 : vector<1x16xf32> to vector<16xf32>
        %mul3A_458 = arith.mulf %get3A_453, %get3A_457 : vector<16xf32>
        %swap3A_459 = arith.index_cast %add3A_421 : i32 to index
        %swap3A_460 = arith.constant 32 : index
        %swap3A_461 = tpu.vector_load %arg15[%swap3A_459, %swap3A_460] {strides = array<i32>} : memref<128x128xf32, #tpu.memory_space<vmem>>, vector<1x16xf32>,
        %swap3A_462 = vector.shape_cast %swap3A_461 : vector<1x16xf32> to vector<16xf32>
        %swap3A_463 = vector.shape_cast %mul3A_458 : vector<16xf32> to vector<1x16xf32>
        tpu.vector_store %arg15[%swap3A_459, %swap3A_460], %swap3A_463 {strides = array<i32>} : memref<128x128xf32, #tpu.memory_space<vmem>>, vector<1x16xf32>,
        %get3A_464 = arith.index_cast %add3A_421 : i32 to index
        %get3A_465 = arith.constant 48 : index
        %get3A_466 = tpu.vector_load %arg15[%get3A_464, %get3A_465] {strides = array<i32>} : memref<128x128xf32, #tpu.memory_space<vmem>>, vector<1x16xf32>,
        %get3A_467 = vector.shape_cast %get3A_466 : vector<1x16xf32> to vector<16xf32>
        %get3A_468 = arith.index_cast %squeeze3A_417 : i32 to index
        %get3A_469 = arith.constant 48 : index
        %get3A_470 = tpu.vector_load %arg11[%get3A_468, %get3A_469] {strides = array<i32>} : memref<32x128xf32, #tpu.memory_space<vmem>>, vector<1x16xf32>,
        %get3A_471 = vector.shape_cast %get3A_470 : vector<1x16xf32> to vector<16xf32>
        %mul3A_472 = arith.mulf %get3A_467, %get3A_471 : vector<16xf32>
        %swap3A_473 = arith.index_cast %add3A_421 : i32 to index
        %swap3A_474 = arith.constant 48 : index
        %swap3A_475 = tpu.vector_load %arg15[%swap3A_473, %swap3A_474] {strides = array<i32>} : memref<128x128xf32, #tpu.memory_space<vmem>>, vector<1x16xf32>,
        %swap3A_476 = vector.shape_cast %swap3A_475 : vector<1x16xf32> to vector<16xf32>
        %swap3A_477 = vector.shape_cast %mul3A_472 : vector<16xf32> to vector<1x16xf32>
        tpu.vector_store %arg15[%swap3A_473, %swap3A_474], %swap3A_477 {strides = array<i32>} : memref<128x128xf32, #tpu.memory_space<vmem>>, vector<1x16xf32>,
        %get3A_478 = arith.index_cast %add3A_421 : i32 to index
        %get3A_479 = arith.constant 64 : index
        %get3A_480 = tpu.vector_load %arg15[%get3A_478, %get3A_479] {strides = array<i32>} : memref<128x128xf32, #tpu.memory_space<vmem>>, vector<1x16xf32>,
        %get3A_481 = vector.shape_cast %get3A_480 : vector<1x16xf32> to vector<16xf32>
        %get3A_482 = arith.index_cast %squeeze3A_417 : i32 to index
        %get3A_483 = arith.constant 64 : index
        %get3A_484 = tpu.vector_load %arg11[%get3A_482, %get3A_483] {strides = array<i32>} : memref<32x128xf32, #tpu.memory_space<vmem>>, vector<1x16xf32>,
        %get3A_485 = vector.shape_cast %get3A_484 : vector<1x16xf32> to vector<16xf32>
        %mul3A_486 = arith.mulf %get3A_481, %get3A_485 : vector<16xf32>
        %swap3A_487 = arith.index_cast %add3A_421 : i32 to index
        %swap3A_488 = arith.constant 64 : index
        %swap3A_489 = tpu.vector_load %arg15[%swap3A_487, %swap3A_488] {strides = array<i32>} : memref<128x128xf32, #tpu.memory_space<vmem>>, vector<1x16xf32>,
        %swap3A_490 = vector.shape_cast %swap3A_489 : vector<1x16xf32> to vector<16xf32>
        %swap3A_491 = vector.shape_cast %mul3A_486 : vector<16xf32> to vector<1x16xf32>
        tpu.vector_store %arg15[%swap3A_487, %swap3A_488], %swap3A_491 {strides = array<i32>} : memref<128x128xf32, #tpu.memory_space<vmem>>, vector<1x16xf32>,
        %get3A_492 = arith.index_cast %add3A_421 : i32 to index
        %get3A_493 = arith.constant 80 : index
        %get3A_494 = tpu.vector_load %arg15[%get3A_492, %get3A_493] {strides = array<i32>} : memref<128x128xf32, #tpu.memory_space<vmem>>, vector<1x16xf32>,
        %get3A_495 = vector.shape_cast %get3A_494 : vector<1x16xf32> to vector<16xf32>
        %get3A_496 = arith.index_cast %squeeze3A_417 : i32 to index
        %get3A_497 = arith.constant 80 : index
        %get3A_498 = tpu.vector_load %arg11[%get3A_496, %get3A_497] {strides = array<i32>} : memref<32x128xf32, #tpu.memory_space<vmem>>, vector<1x16xf32>,
        %get3A_499 = vector.shape_cast %get3A_498 : vector<1x16xf32> to vector<16xf32>
        %mul3A_500 = arith.mulf %get3A_495, %get3A_499 : vector<16xf32>
        %swap3A_501 = arith.index_cast %add3A_421 : i32 to index
        %swap3A_502 = arith.constant 80 : index
        %swap3A_503 = tpu.vector_load %arg15[%swap3A_501, %swap3A_502] {strides = array<i32>} : memref<128x128xf32, #tpu.memory_space<vmem>>, vector<1x16xf32>,
        %swap3A_504 = vector.shape_cast %swap3A_503 : vector<1x16xf32> to vector<16xf32>
        %swap3A_505 = vector.shape_cast %mul3A_500 : vector<16xf32> to vector<1x16xf32>
        tpu.vector_store %arg15[%swap3A_501, %swap3A_502], %swap3A_505 {strides = array<i32>} : memref<128x128xf32, #tpu.memory_space<vmem>>, vector<1x16xf32>,
        %get3A_506 = arith.index_cast %add3A_421 : i32 to index
        %get3A_507 = arith.constant 96 : index
        %get3A_508 = tpu.vector_load %arg15[%get3A_506, %get3A_507] {strides = array<i32>} : memref<128x128xf32, #tpu.memory_space<vmem>>, vector<1x16xf32>,
        %get3A_509 = vector.shape_cast %get3A_508 : vector<1x16xf32> to vector<16xf32>
        %get3A_510 = arith.index_cast %squeeze3A_417 : i32 to index
        %get3A_511 = arith.constant 96 : index
        %get3A_512 = tpu.vector_load %arg11[%get3A_510, %get3A_511] {strides = array<i32>} : memref<32x128xf32, #tpu.memory_space<vmem>>, vector<1x16xf32>,
        %get3A_513 = vector.shape_cast %get3A_512 : vector<1x16xf32> to vector<16xf32>
        %mul3A_514 = arith.mulf %get3A_509, %get3A_513 : vector<16xf32>
        %swap3A_515 = arith.index_cast %add3A_421 : i32 to index
        %swap3A_516 = arith.constant 96 : index
        %swap3A_517 = tpu.vector_load %arg15[%swap3A_515, %swap3A_516] {strides = array<i32>} : memref<128x128xf32, #tpu.memory_space<vmem>>, vector<1x16xf32>,
        %swap3A_518 = vector.shape_cast %swap3A_517 : vector<1x16xf32> to vector<16xf32>
        %swap3A_519 = vector.shape_cast %mul3A_514 : vector<16xf32> to vector<1x16xf32>
        tpu.vector_store %arg15[%swap3A_515, %swap3A_516], %swap3A_519 {strides = array<i32>} : memref<128x128xf32, #tpu.memory_space<vmem>>, vector<1x16xf32>,
        %get3A_520 = arith.index_cast %add3A_421 : i32 to index
        %get3A_521 = arith.constant 112 : index
        %get3A_522 = tpu.vector_load %arg15[%get3A_520, %get3A_521] {strides = array<i32>} : memref<128x128xf32, #tpu.memory_space<vmem>>, vector<1x16xf32>,
        %get3A_523 = vector.shape_cast %get3A_522 : vector<1x16xf32> to vector<16xf32>
        %get3A_524 = arith.index_cast %squeeze3A_417 : i32 to index
        %get3A_525 = arith.constant 112 : index
        %get3A_526 = tpu.vector_load %arg11[%get3A_524, %get3A_525] {strides = array<i32>} : memref<32x128xf32, #tpu.memory_space<vmem>>, vector<1x16xf32>,
        %get3A_527 = vector.shape_cast %get3A_526 : vector<1x16xf32> to vector<16xf32>
        %mul3A_528 = arith.mulf %get3A_523, %get3A_527 : vector<16xf32>
        %swap3A_529 = arith.index_cast %add3A_421 : i32 to index
        %swap3A_530 = arith.constant 112 : index
        %swap3A_531 = tpu.vector_load %arg15[%swap3A_529, %swap3A_530] {strides = array<i32>} : memref<128x128xf32, #tpu.memory_space<vmem>>, vector<1x16xf32>,
        %swap3A_532 = vector.shape_cast %swap3A_531 : vector<1x16xf32> to vector<16xf32>
        %swap3A_533 = vector.shape_cast %mul3A_528 : vector<16xf32> to vector<1x16xf32>
        tpu.vector_store %arg15[%swap3A_529, %swap3A_530], %swap3A_533 {strides = array<i32>} : memref<128x128xf32, #tpu.memory_space<vmem>>, vector<1x16xf32>,
        %slice3A_534 = vector.extract_strided_slice %get3A_64 {offsets = [4], sizes = [1], strides = [1]} : vector<16xi32> to vector<1xi32>
        %squeeze3A_535 = vector.extract %slice3A_534[0] : i32 from vector<1xi32>
        %mul3A_536 = arith.constant 16 : i32
        %mul3A_537 = arith.muli %scan3A_60, %mul3A_536 : i32
        %add3A_538 = arith.constant 4 : i32
        %add3A_539 = arith.addi %mul3A_537, %add3A_538 : i32
        %get3A_540 = arith.index_cast %add3A_539 : i32 to index
        %get3A_541 = arith.constant 0 : index
        %get3A_542 = tpu.vector_load %arg15[%get3A_540, %get3A_541] {strides = array<i32>} : memref<128x128xf32, #tpu.memory_space<vmem>>, vector<1x16xf32>,
        %get3A_543 = vector.shape_cast %get3A_542 : vector<1x16xf32> to vector<16xf32>
        %get3A_544 = arith.index_cast %squeeze3A_535 : i32 to index
        %get3A_545 = arith.constant 0 : index
        %get3A_546 = tpu.vector_load %arg11[%get3A_544, %get3A_545] {strides = array<i32>} : memref<32x128xf32, #tpu.memory_space<vmem>>, vector<1x16xf32>,
        %get3A_547 = vector.shape_cast %get3A_546 : vector<1x16xf32> to vector<16xf32>
        %mul3A_548 = arith.mulf %get3A_543, %get3A_547 : vector<16xf32>
        %swap3A_549 = arith.index_cast %add3A_539 : i32 to index
        %swap3A_550 = arith.constant 0 : index
        %swap3A_551 = tpu.vector_load %arg15[%swap3A_549, %swap3A_550] {strides = array<i32>} : memref<128x128xf32, #tpu.memory_space<vmem>>, vector<1x16xf32>,
        %swap3A_552 = vector.shape_cast %swap3A_551 : vector<1x16xf32> to vector<16xf32>
        %swap3A_553 = vector.shape_cast %mul3A_548 : vector<16xf32> to vector<1x16xf32>
        tpu.vector_store %arg15[%swap3A_549, %swap3A_550], %swap3A_553 {strides = array<i32>} : memref<128x128xf32, #tpu.memory_space<vmem>>, vector<1x16xf32>,
        %get3A_554 = arith.index_cast %add3A_539 : i32 to index
        %get3A_555 = arith.constant 16 : index
        %get3A_556 = tpu.vector_load %arg15[%get3A_554, %get3A_555] {strides = array<i32>} : memref<128x128xf32, #tpu.memory_space<vmem>>, vector<1x16xf32>,
        %get3A_557 = vector.shape_cast %get3A_556 : vector<1x16xf32> to vector<16xf32>
        %get3A_558 = arith.index_cast %squeeze3A_535 : i32 to index
        %get3A_559 = arith.constant 16 : index
        %get3A_560 = tpu.vector_load %arg11[%get3A_558, %get3A_559] {strides = array<i32>} : memref<32x128xf32, #tpu.memory_space<vmem>>, vector<1x16xf32>,
        %get3A_561 = vector.shape_cast %get3A_560 : vector<1x16xf32> to vector<16xf32>
        %mul3A_562 = arith.mulf %get3A_557, %get3A_561 : vector<16xf32>
        %swap3A_563 = arith.index_cast %add3A_539 : i32 to index
        %swap3A_564 = arith.constant 16 : index
        %swap3A_565 = tpu.vector_load %arg15[%swap3A_563, %swap3A_564] {strides = array<i32>} : memref<128x128xf32, #tpu.memory_space<vmem>>, vector<1x16xf32>,
        %swap3A_566 = vector.shape_cast %swap3A_565 : vector<1x16xf32> to vector<16xf32>
        %swap3A_567 = vector.shape_cast %mul3A_562 : vector<16xf32> to vector<1x16xf32>
        tpu.vector_store %arg15[%swap3A_563, %swap3A_564], %swap3A_567 {strides = array<i32>} : memref<128x128xf32, #tpu.memory_space<vmem>>, vector<1x16xf32>,
        %get3A_568 = arith.index_cast %add3A_539 : i32 to index
        %get3A_569 = arith.constant 32 : index
        %get3A_570 = tpu.vector_load %arg15[%get3A_568, %get3A_569] {strides = array<i32>} : memref<128x128xf32, #tpu.memory_space<vmem>>, vector<1x16xf32>,
        %get3A_571 = vector.shape_cast %get3A_570 : vector<1x16xf32> to vector<16xf32>
        %get3A_572 = arith.index_cast %squeeze3A_535 : i32 to index
        %get3A_573 = arith.constant 32 : index
        %get3A_574 = tpu.vector_load %arg11[%get3A_572, %get3A_573] {strides = array<i32>} : memref<32x128xf32, #tpu.memory_space<vmem>>, vector<1x16xf32>,
        %get3A_575 = vector.shape_cast %get3A_574 : vector<1x16xf32> to vector<16xf32>
        %mul3A_576 = arith.mulf %get3A_571, %get3A_575 : vector<16xf32>
        %swap3A_577 = arith.index_cast %add3A_539 : i32 to index
        %swap3A_578 = arith.constant 32 : index
        %swap3A_579 = tpu.vector_load %arg15[%swap3A_577, %swap3A_578] {strides = array<i32>} : memref<128x128xf32, #tpu.memory_space<vmem>>, vector<1x16xf32>,
        %swap3A_580 = vector.shape_cast %swap3A_579 : vector<1x16xf32> to vector<16xf32>
        %swap3A_581 = vector.shape_cast %mul3A_576 : vector<16xf32> to vector<1x16xf32>
        tpu.vector_store %arg15[%swap3A_577, %swap3A_578], %swap3A_581 {strides = array<i32>} : memref<128x128xf32, #tpu.memory_space<vmem>>, vector<1x16xf32>,
        %get3A_582 = arith.index_cast %add3A_539 : i32 to index
        %get3A_583 = arith.constant 48 : index
        %get3A_584 = tpu.vector_load %arg15[%get3A_582, %get3A_583] {strides = array<i32>} : memref<128x128xf32, #tpu.memory_space<vmem>>, vector<1x16xf32>,
        %get3A_585 = vector.shape_cast %get3A_584 : vector<1x16xf32> to vector<16xf32>
        %get3A_586 = arith.index_cast %squeeze3A_535 : i32 to index
        %get3A_587 = arith.constant 48 : index
        %get3A_588 = tpu.vector_load %arg11[%get3A_586, %get3A_587] {strides = array<i32>} : memref<32x128xf32, #tpu.memory_space<vmem>>, vector<1x16xf32>,
        %get3A_589 = vector.shape_cast %get3A_588 : vector<1x16xf32> to vector<16xf32>
        %mul3A_590 = arith.mulf %get3A_585, %get3A_589 : vector<16xf32>
        %swap3A_591 = arith.index_cast %add3A_539 : i32 to index
        %swap3A_592 = arith.constant 48 : index
        %swap3A_593 = tpu.vector_load %arg15[%swap3A_591, %swap3A_592] {strides = array<i32>} : memref<128x128xf32, #tpu.memory_space<vmem>>, vector<1x16xf32>,
        %swap3A_594 = vector.shape_cast %swap3A_593 : vector<1x16xf32> to vector<16xf32>
        %swap3A_595 = vector.shape_cast %mul3A_590 : vector<16xf32> to vector<1x16xf32>
        tpu.vector_store %arg15[%swap3A_591, %swap3A_592], %swap3A_595 {strides = array<i32>} : memref<128x128xf32, #tpu.memory_space<vmem>>, vector<1x16xf32>,
        %get3A_596 = arith.index_cast %add3A_539 : i32 to index
        %get3A_597 = arith.constant 64 : index
        %get3A_598 = tpu.vector_load %arg15[%get3A_596, %get3A_597] {strides = array<i32>} : memref<128x128xf32, #tpu.memory_space<vmem>>, vector<1x16xf32>,
        %get3A_599 = vector.shape_cast %get3A_598 : vector<1x16xf32> to vector<16xf32>
        %get3A_600 = arith.index_cast %squeeze3A_535 : i32 to index
        %get3A_601 = arith.constant 64 : index
        %get3A_602 = tpu.vector_load %arg11[%get3A_600, %get3A_601] {strides = array<i32>} : memref<32x128xf32, #tpu.memory_space<vmem>>, vector<1x16xf32>,
        %get3A_603 = vector.shape_cast %get3A_602 : vector<1x16xf32> to vector<16xf32>
        %mul3A_604 = arith.mulf %get3A_599, %get3A_603 : vector<16xf32>
        %swap3A_605 = arith.index_cast %add3A_539 : i32 to index
        %swap3A_606 = arith.constant 64 : index
        %swap3A_607 = tpu.vector_load %arg15[%swap3A_605, %swap3A_606] {strides = array<i32>} : memref<128x128xf32, #tpu.memory_space<vmem>>, vector<1x16xf32>,
        %swap3A_608 = vector.shape_cast %swap3A_607 : vector<1x16xf32> to vector<16xf32>
        %swap3A_609 = vector.shape_cast %mul3A_604 : vector<16xf32> to vector<1x16xf32>
        tpu.vector_store %arg15[%swap3A_605, %swap3A_606], %swap3A_609 {strides = array<i32>} : memref<128x128xf32, #tpu.memory_space<vmem>>, vector<1x16xf32>,
        %get3A_610 = arith.index_cast %add3A_539 : i32 to index
        %get3A_611 = arith.constant 80 : index
        %get3A_612 = tpu.vector_load %arg15[%get3A_610, %get3A_611] {strides = array<i32>} : memref<128x128xf32, #tpu.memory_space<vmem>>, vector<1x16xf32>,
        %get3A_613 = vector.shape_cast %get3A_612 : vector<1x16xf32> to vector<16xf32>
        %get3A_614 = arith.index_cast %squeeze3A_535 : i32 to index
        %get3A_615 = arith.constant 80 : index
        %get3A_616 = tpu.vector_load %arg11[%get3A_614, %get3A_615] {strides = array<i32>} : memref<32x128xf32, #tpu.memory_space<vmem>>, vector<1x16xf32>,
        %get3A_617 = vector.shape_cast %get3A_616 : vector<1x16xf32> to vector<16xf32>
        %mul3A_618 = arith.mulf %get3A_613, %get3A_617 : vector<16xf32>
        %swap3A_619 = arith.index_cast %add3A_539 : i32 to index
        %swap3A_620 = arith.constant 80 : index
        %swap3A_621 = tpu.vector_load %arg15[%swap3A_619, %swap3A_620] {strides = array<i32>} : memref<128x128xf32, #tpu.memory_space<vmem>>, vector<1x16xf32>,
        %swap3A_622 = vector.shape_cast %swap3A_621 : vector<1x16xf32> to vector<16xf32>
        %swap3A_623 = vector.shape_cast %mul3A_618 : vector<16xf32> to vector<1x16xf32>
        tpu.vector_store %arg15[%swap3A_619, %swap3A_620], %swap3A_623 {strides = array<i32>} : memref<128x128xf32, #tpu.memory_space<vmem>>, vector<1x16xf32>,
        %get3A_624 = arith.index_cast %add3A_539 : i32 to index
        %get3A_625 = arith.constant 96 : index
        %get3A_626 = tpu.vector_load %arg15[%get3A_624, %get3A_625] {strides = array<i32>} : memref<128x128xf32, #tpu.memory_space<vmem>>, vector<1x16xf32>,
        %get3A_627 = vector.shape_cast %get3A_626 : vector<1x16xf32> to vector<16xf32>
        %get3A_628 = arith.index_cast %squeeze3A_535 : i32 to index
        %get3A_629 = arith.constant 96 : index
        %get3A_630 = tpu.vector_load %arg11[%get3A_628, %get3A_629] {strides = array<i32>} : memref<32x128xf32, #tpu.memory_space<vmem>>, vector<1x16xf32>,
        %get3A_631 = vector.shape_cast %get3A_630 : vector<1x16xf32> to vector<16xf32>
        %mul3A_632 = arith.mulf %get3A_627, %get3A_631 : vector<16xf32>
        %swap3A_633 = arith.index_cast %add3A_539 : i32 to index
        %swap3A_634 = arith.constant 96 : index
        %swap3A_635 = tpu.vector_load %arg15[%swap3A_633, %swap3A_634] {strides = array<i32>} : memref<128x128xf32, #tpu.memory_space<vmem>>, vector<1x16xf32>,
        %swap3A_636 = vector.shape_cast %swap3A_635 : vector<1x16xf32> to vector<16xf32>
        %swap3A_637 = vector.shape_cast %mul3A_632 : vector<16xf32> to vector<1x16xf32>
        tpu.vector_store %arg15[%swap3A_633, %swap3A_634], %swap3A_637 {strides = array<i32>} : memref<128x128xf32, #tpu.memory_space<vmem>>, vector<1x16xf32>,
        %get3A_638 = arith.index_cast %add3A_539 : i32 to index
        %get3A_639 = arith.constant 112 : index
        %get3A_640 = tpu.vector_load %arg15[%get3A_638, %get3A_639] {strides = array<i32>} : memref<128x128xf32, #tpu.memory_space<vmem>>, vector<1x16xf32>,
        %get3A_641 = vector.shape_cast %get3A_640 : vector<1x16xf32> to vector<16xf32>
        %get3A_642 = arith.index_cast %squeeze3A_535 : i32 to index
        %get3A_643 = arith.constant 112 : index
        %get3A_644 = tpu.vector_load %arg11[%get3A_642, %get3A_643] {strides = array<i32>} : memref<32x128xf32, #tpu.memory_space<vmem>>, vector<1x16xf32>,
        %get3A_645 = vector.shape_cast %get3A_644 : vector<1x16xf32> to vector<16xf32>
        %mul3A_646 = arith.mulf %get3A_641, %get3A_645 : vector<16xf32>
        %swap3A_647 = arith.index_cast %add3A_539 : i32 to index
        %swap3A_648 = arith.constant 112 : index
        %swap3A_649 = tpu.vector_load %arg15[%swap3A_647, %swap3A_648] {strides = array<i32>} : memref<128x128xf32, #tpu.memory_space<vmem>>, vector<1x16xf32>,
        %swap3A_650 = vector.shape_cast %swap3A_649 : vector<1x16xf32> to vector<16xf32>
        %swap3A_651 = vector.shape_cast %mul3A_646 : vector<16xf32> to vector<1x16xf32>
        tpu.vector_store %arg15[%swap3A_647, %swap3A_648], %swap3A_651 {strides = array<i32>} : memref<128x128xf32, #tpu.memory_space<vmem>>, vector<1x16xf32>,
        %slice3A_652 = vector.extract_strided_slice %get3A_64 {offsets = [5], sizes = [1], strides = [1]} : vector<16xi32> to vector<1xi32>
        %squeeze3A_653 = vector.extract %slice3A_652[0] : i32 from vector<1xi32>
        %mul3A_654 = arith.constant 16 : i32
        %mul3A_655 = arith.muli %scan3A_60, %mul3A_654 : i32
        %add3A_656 = arith.constant 5 : i32
        %add3A_657 = arith.addi %mul3A_655, %add3A_656 : i32
        %get3A_658 = arith.index_cast %add3A_657 : i32 to index
        %get3A_659 = arith.constant 0 : index
        %get3A_660 = tpu.vector_load %arg15[%get3A_658, %get3A_659] {strides = array<i32>} : memref<128x128xf32, #tpu.memory_space<vmem>>, vector<1x16xf32>,
        %get3A_661 = vector.shape_cast %get3A_660 : vector<1x16xf32> to vector<16xf32>
        %get3A_662 = arith.index_cast %squeeze3A_653 : i32 to index
        %get3A_663 = arith.constant 0 : index
        %get3A_664 = tpu.vector_load %arg11[%get3A_662, %get3A_663] {strides = array<i32>} : memref<32x128xf32, #tpu.memory_space<vmem>>, vector<1x16xf32>,
        %get3A_665 = vector.shape_cast %get3A_664 : vector<1x16xf32> to vector<16xf32>
        %mul3A_666 = arith.mulf %get3A_661, %get3A_665 : vector<16xf32>
        %swap3A_667 = arith.index_cast %add3A_657 : i32 to index
        %swap3A_668 = arith.constant 0 : index
        %swap3A_669 = tpu.vector_load %arg15[%swap3A_667, %swap3A_668] {strides = array<i32>} : memref<128x128xf32, #tpu.memory_space<vmem>>, vector<1x16xf32>,
        %swap3A_670 = vector.shape_cast %swap3A_669 : vector<1x16xf32> to vector<16xf32>
        %swap3A_671 = vector.shape_cast %mul3A_666 : vector<16xf32> to vector<1x16xf32>
        tpu.vector_store %arg15[%swap3A_667, %swap3A_668], %swap3A_671 {strides = array<i32>} : memref<128x128xf32, #tpu.memory_space<vmem>>, vector<1x16xf32>,
        %get3A_672 = arith.index_cast %add3A_657 : i32 to index
        %get3A_673 = arith.constant 16 : index
        %get3A_674 = tpu.vector_load %arg15[%get3A_672, %get3A_673] {strides = array<i32>} : memref<128x128xf32, #tpu.memory_space<vmem>>, vector<1x16xf32>,
        %get3A_675 = vector.shape_cast %get3A_674 : vector<1x16xf32> to vector<16xf32>
        %get3A_676 = arith.index_cast %squeeze3A_653 : i32 to index
        %get3A_677 = arith.constant 16 : index
        %get3A_678 = tpu.vector_load %arg11[%get3A_676, %get3A_677] {strides = array<i32>} : memref<32x128xf32, #tpu.memory_space<vmem>>, vector<1x16xf32>,
        %get3A_679 = vector.shape_cast %get3A_678 : vector<1x16xf32> to vector<16xf32>
        %mul3A_680 = arith.mulf %get3A_675, %get3A_679 : vector<16xf32>
        %swap3A_681 = arith.index_cast %add3A_657 : i32 to index
        %swap3A_682 = arith.constant 16 : index
        %swap3A_683 = tpu.vector_load %arg15[%swap3A_681, %swap3A_682] {strides = array<i32>} : memref<128x128xf32, #tpu.memory_space<vmem>>, vector<1x16xf32>,
        %swap3A_684 = vector.shape_cast %swap3A_683 : vector<1x16xf32> to vector<16xf32>
        %swap3A_685 = vector.shape_cast %mul3A_680 : vector<16xf32> to vector<1x16xf32>
        tpu.vector_store %arg15[%swap3A_681, %swap3A_682], %swap3A_685 {strides = array<i32>} : memref<128x128xf32, #tpu.memory_space<vmem>>, vector<1x16xf32>,
        %get3A_686 = arith.index_cast %add3A_657 : i32 to index
        %get3A_687 = arith.constant 32 : index
        %get3A_688 = tpu.vector_load %arg15[%get3A_686, %get3A_687] {strides = array<i32>} : memref<128x128xf32, #tpu.memory_space<vmem>>, vector<1x16xf32>,
        %get3A_689 = vector.shape_cast %get3A_688 : vector<1x16xf32> to vector<16xf32>
        %get3A_690 = arith.index_cast %squeeze3A_653 : i32 to index
        %get3A_691 = arith.constant 32 : index
        %get3A_692 = tpu.vector_load %arg11[%get3A_690, %get3A_691] {strides = array<i32>} : memref<32x128xf32, #tpu.memory_space<vmem>>, vector<1x16xf32>,
        %get3A_693 = vector.shape_cast %get3A_692 : vector<1x16xf32> to vector<16xf32>
        %mul3A_694 = arith.mulf %get3A_689, %get3A_693 : vector<16xf32>
        %swap3A_695 = arith.index_cast %add3A_657 : i32 to index
        %swap3A_696 = arith.constant 32 : index
        %swap3A_697 = tpu.vector_load %arg15[%swap3A_695, %swap3A_696] {strides = array<i32>} : memref<128x128xf32, #tpu.memory_space<vmem>>, vector<1x16xf32>,
        %swap3A_698 = vector.shape_cast %swap3A_697 : vector<1x16xf32> to vector<16xf32>
        %swap3A_699 = vector.shape_cast %mul3A_694 : vector<16xf32> to vector<1x16xf32>
        tpu.vector_store %arg15[%swap3A_695, %swap3A_696], %swap3A_699 {strides = array<i32>} : memref<128x128xf32, #tpu.memory_space<vmem>>, vector<1x16xf32>,
        %get3A_700 = arith.index_cast %add3A_657 : i32 to index
        %get3A_701 = arith.constant 48 : index
        %get3A_702 = tpu.vector_load %arg15[%get3A_700, %get3A_701] {strides = array<i32>} : memref<128x128xf32, #tpu.memory_space<vmem>>, vector<1x16xf32>,
        %get3A_703 = vector.shape_cast %get3A_702 : vector<1x16xf32> to vector<16xf32>
        %get3A_704 = arith.index_cast %squeeze3A_653 : i32 to index
        %get3A_705 = arith.constant 48 : index
        %get3A_706 = tpu.vector_load %arg11[%get3A_704, %get3A_705] {strides = array<i32>} : memref<32x128xf32, #tpu.memory_space<vmem>>, vector<1x16xf32>,
        %get3A_707 = vector.shape_cast %get3A_706 : vector<1x16xf32> to vector<16xf32>
        %mul3A_708 = arith.mulf %get3A_703, %get3A_707 : vector<16xf32>
        %swap3A_709 = arith.index_cast %add3A_657 : i32 to index
        %swap3A_710 = arith.constant 48 : index
        %swap3A_711 = tpu.vector_load %arg15[%swap3A_709, %swap3A_710] {strides = array<i32>} : memref<128x128xf32, #tpu.memory_space<vmem>>, vector<1x16xf32>,
        %swap3A_712 = vector.shape_cast %swap3A_711 : vector<1x16xf32> to vector<16xf32>
        %swap3A_713 = vector.shape_cast %mul3A_708 : vector<16xf32> to vector<1x16xf32>
        tpu.vector_store %arg15[%swap3A_709, %swap3A_710], %swap3A_713 {strides = array<i32>} : memref<128x128xf32, #tpu.memory_space<vmem>>, vector<1x16xf32>,
        %get3A_714 = arith.index_cast %add3A_657 : i32 to index
        %get3A_715 = arith.constant 64 : index
        %get3A_716 = tpu.vector_load %arg15[%get3A_714, %get3A_715] {strides = array<i32>} : memref<128x128xf32, #tpu.memory_space<vmem>>, vector<1x16xf32>,
        %get3A_717 = vector.shape_cast %get3A_716 : vector<1x16xf32> to vector<16xf32>
        %get3A_718 = arith.index_cast %squeeze3A_653 : i32 to index
        %get3A_719 = arith.constant 64 : index
        %get3A_720 = tpu.vector_load %arg11[%get3A_718, %get3A_719] {strides = array<i32>} : memref<32x128xf32, #tpu.memory_space<vmem>>, vector<1x16xf32>,
        %get3A_721 = vector.shape_cast %get3A_720 : vector<1x16xf32> to vector<16xf32>
        %mul3A_722 = arith.mulf %get3A_717, %get3A_721 : vector<16xf32>
        %swap3A_723 = arith.index_cast %add3A_657 : i32 to index
        %swap3A_724 = arith.constant 64 : index
        %swap3A_725 = tpu.vector_load %arg15[%swap3A_723, %swap3A_724] {strides = array<i32>} : memref<128x128xf32, #tpu.memory_space<vmem>>, vector<1x16xf32>,
        %swap3A_726 = vector.shape_cast %swap3A_725 : vector<1x16xf32> to vector<16xf32>
        %swap3A_727 = vector.shape_cast %mul3A_722 : vector<16xf32> to vector<1x16xf32>
        tpu.vector_store %arg15[%swap3A_723, %swap3A_724], %swap3A_727 {strides = array<i32>} : memref<128x128xf32, #tpu.memory_space<vmem>>, vector<1x16xf32>,
        %get3A_728 = arith.index_cast %add3A_657 : i32 to index
        %get3A_729 = arith.constant 80 : index
        %get3A_730 = tpu.vector_load %arg15[%get3A_728, %get3A_729] {strides = array<i32>} : memref<128x128xf32, #tpu.memory_space<vmem>>, vector<1x16xf32>,
        %get3A_731 = vector.shape_cast %get3A_730 : vector<1x16xf32> to vector<16xf32>
        %get3A_732 = arith.index_cast %squeeze3A_653 : i32 to index
        %get3A_733 = arith.constant 80 : index
        %get3A_734 = tpu.vector_load %arg11[%get3A_732, %get3A_733] {strides = array<i32>} : memref<32x128xf32, #tpu.memory_space<vmem>>, vector<1x16xf32>,
        %get3A_735 = vector.shape_cast %get3A_734 : vector<1x16xf32> to vector<16xf32>
        %mul3A_736 = arith.mulf %get3A_731, %get3A_735 : vector<16xf32>
        %swap3A_737 = arith.index_cast %add3A_657 : i32 to index
        %swap3A_738 = arith.constant 80 : index
        %swap3A_739 = tpu.vector_load %arg15[%swap3A_737, %swap3A_738] {strides = array<i32>} : memref<128x128xf32, #tpu.memory_space<vmem>>, vector<1x16xf32>,
        %swap3A_740 = vector.shape_cast %swap3A_739 : vector<1x16xf32> to vector<16xf32>
        %swap3A_741 = vector.shape_cast %mul3A_736 : vector<16xf32> to vector<1x16xf32>
        tpu.vector_store %arg15[%swap3A_737, %swap3A_738], %swap3A_741 {strides = array<i32>} : memref<128x128xf32, #tpu.memory_space<vmem>>, vector<1x16xf32>,
        %get3A_742 = arith.index_cast %add3A_657 : i32 to index
        %get3A_743 = arith.constant 96 : index
        %get3A_744 = tpu.vector_load %arg15[%get3A_742, %get3A_743] {strides = array<i32>} : memref<128x128xf32, #tpu.memory_space<vmem>>, vector<1x16xf32>,
        %get3A_745 = vector.shape_cast %get3A_744 : vector<1x16xf32> to vector<16xf32>
        %get3A_746 = arith.index_cast %squeeze3A_653 : i32 to index
        %get3A_747 = arith.constant 96 : index
        %get3A_748 = tpu.vector_load %arg11[%get3A_746, %get3A_747] {strides = array<i32>} : memref<32x128xf32, #tpu.memory_space<vmem>>, vector<1x16xf32>,
        %get3A_749 = vector.shape_cast %get3A_748 : vector<1x16xf32> to vector<16xf32>
        %mul3A_750 = arith.mulf %get3A_745, %get3A_749 : vector<16xf32>
        %swap3A_751 = arith.index_cast %add3A_657 : i32 to index
        %swap3A_752 = arith.constant 96 : index
        %swap3A_753 = tpu.vector_load %arg15[%swap3A_751, %swap3A_752] {strides = array<i32>} : memref<128x128xf32, #tpu.memory_space<vmem>>, vector<1x16xf32>,
        %swap3A_754 = vector.shape_cast %swap3A_753 : vector<1x16xf32> to vector<16xf32>
        %swap3A_755 = vector.shape_cast %mul3A_750 : vector<16xf32> to vector<1x16xf32>
        tpu.vector_store %arg15[%swap3A_751, %swap3A_752], %swap3A_755 {strides = array<i32>} : memref<128x128xf32, #tpu.memory_space<vmem>>, vector<1x16xf32>,
        %get3A_756 = arith.index_cast %add3A_657 : i32 to index
        %get3A_757 = arith.constant 112 : index
        %get3A_758 = tpu.vector_load %arg15[%get3A_756, %get3A_757] {strides = array<i32>} : memref<128x128xf32, #tpu.memory_space<vmem>>, vector<1x16xf32>,
        %get3A_759 = vector.shape_cast %get3A_758 : vector<1x16xf32> to vector<16xf32>
        %get3A_760 = arith.index_cast %squeeze3A_653 : i32 to index
        %get3A_761 = arith.constant 112 : index
        %get3A_762 = tpu.vector_load %arg11[%get3A_760, %get3A_761] {strides = array<i32>} : memref<32x128xf32, #tpu.memory_space<vmem>>, vector<1x16xf32>,
        %get3A_763 = vector.shape_cast %get3A_762 : vector<1x16xf32> to vector<16xf32>
        %mul3A_764 = arith.mulf %get3A_759, %get3A_763 : vector<16xf32>
        %swap3A_765 = arith.index_cast %add3A_657 : i32 to index
        %swap3A_766 = arith.constant 112 : index
        %swap3A_767 = tpu.vector_load %arg15[%swap3A_765, %swap3A_766] {strides = array<i32>} : memref<128x128xf32, #tpu.memory_space<vmem>>, vector<1x16xf32>,
        %swap3A_768 = vector.shape_cast %swap3A_767 : vector<1x16xf32> to vector<16xf32>
        %swap3A_769 = vector.shape_cast %mul3A_764 : vector<16xf32> to vector<1x16xf32>
        tpu.vector_store %arg15[%swap3A_765, %swap3A_766], %swap3A_769 {strides = array<i32>} : memref<128x128xf32, #tpu.memory_space<vmem>>, vector<1x16xf32>,
        %slice3A_770 = vector.extract_strided_slice %get3A_64 {offsets = [6], sizes = [1], strides = [1]} : vector<16xi32> to vector<1xi32>
        %squeeze3A_771 = vector.extract %slice3A_770[0] : i32 from vector<1xi32>
        %mul3A_772 = arith.constant 16 : i32
        %mul3A_773 = arith.muli %scan3A_60, %mul3A_772 : i32
        %add3A_774 = arith.constant 6 : i32
        %add3A_775 = arith.addi %mul3A_773, %add3A_774 : i32
        %get3A_776 = arith.index_cast %add3A_775 : i32 to index
        %get3A_777 = arith.constant 0 : index
        %get3A_778 = tpu.vector_load %arg15[%get3A_776, %get3A_777] {strides = array<i32>} : memref<128x128xf32, #tpu.memory_space<vmem>>, vector<1x16xf32>,
        %get3A_779 = vector.shape_cast %get3A_778 : vector<1x16xf32> to vector<16xf32>
        %get3A_780 = arith.index_cast %squeeze3A_771 : i32 to index
        %get3A_781 = arith.constant 0 : index
        %get3A_782 = tpu.vector_load %arg11[%get3A_780, %get3A_781] {strides = array<i32>} : memref<32x128xf32, #tpu.memory_space<vmem>>, vector<1x16xf32>,
        %get3A_783 = vector.shape_cast %get3A_782 : vector<1x16xf32> to vector<16xf32>
        %mul3A_784 = arith.mulf %get3A_779, %get3A_783 : vector<16xf32>
        %swap3A_785 = arith.index_cast %add3A_775 : i32 to index
        %swap3A_786 = arith.constant 0 : index
        %swap3A_787 = tpu.vector_load %arg15[%swap3A_785, %swap3A_786] {strides = array<i32>} : memref<128x128xf32, #tpu.memory_space<vmem>>, vector<1x16xf32>,
        %swap3A_788 = vector.shape_cast %swap3A_787 : vector<1x16xf32> to vector<16xf32>
        %swap3A_789 = vector.shape_cast %mul3A_784 : vector<16xf32> to vector<1x16xf32>
        tpu.vector_store %arg15[%swap3A_785, %swap3A_786], %swap3A_789 {strides = array<i32>} : memref<128x128xf32, #tpu.memory_space<vmem>>, vector<1x16xf32>,
        %get3A_790 = arith.index_cast %add3A_775 : i32 to index
        %get3A_791 = arith.constant 16 : index
        %get3A_792 = tpu.vector_load %arg15[%get3A_790, %get3A_791] {strides = array<i32>} : memref<128x128xf32, #tpu.memory_space<vmem>>, vector<1x16xf32>,
        %get3A_793 = vector.shape_cast %get3A_792 : vector<1x16xf32> to vector<16xf32>
        %get3A_794 = arith.index_cast %squeeze3A_771 : i32 to index
        %get3A_795 = arith.constant 16 : index
        %get3A_796 = tpu.vector_load %arg11[%get3A_794, %get3A_795] {strides = array<i32>} : memref<32x128xf32, #tpu.memory_space<vmem>>, vector<1x16xf32>,
        %get3A_797 = vector.shape_cast %get3A_796 : vector<1x16xf32> to vector<16xf32>
        %mul3A_798 = arith.mulf %get3A_793, %get3A_797 : vector<16xf32>
        %swap3A_799 = arith.index_cast %add3A_775 : i32 to index
        %swap3A_800 = arith.constant 16 : index
        %swap3A_801 = tpu.vector_load %arg15[%swap3A_799, %swap3A_800] {strides = array<i32>} : memref<128x128xf32, #tpu.memory_space<vmem>>, vector<1x16xf32>,
        %swap3A_802 = vector.shape_cast %swap3A_801 : vector<1x16xf32> to vector<16xf32>
        %swap3A_803 = vector.shape_cast %mul3A_798 : vector<16xf32> to vector<1x16xf32>
        tpu.vector_store %arg15[%swap3A_799, %swap3A_800], %swap3A_803 {strides = array<i32>} : memref<128x128xf32, #tpu.memory_space<vmem>>, vector<1x16xf32>,
        %get3A_804 = arith.index_cast %add3A_775 : i32 to index
        %get3A_805 = arith.constant 32 : index
        %get3A_806 = tpu.vector_load %arg15[%get3A_804, %get3A_805] {strides = array<i32>} : memref<128x128xf32, #tpu.memory_space<vmem>>, vector<1x16xf32>,
        %get3A_807 = vector.shape_cast %get3A_806 : vector<1x16xf32> to vector<16xf32>
        %get3A_808 = arith.index_cast %squeeze3A_771 : i32 to index
        %get3A_809 = arith.constant 32 : index
        %get3A_810 = tpu.vector_load %arg11[%get3A_808, %get3A_809] {strides = array<i32>} : memref<32x128xf32, #tpu.memory_space<vmem>>, vector<1x16xf32>,
        %get3A_811 = vector.shape_cast %get3A_810 : vector<1x16xf32> to vector<16xf32>
        %mul3A_812 = arith.mulf %get3A_807, %get3A_811 : vector<16xf32>
        %swap3A_813 = arith.index_cast %add3A_775 : i32 to index
        %swap3A_814 = arith.constant 32 : index
        %swap3A_815 = tpu.vector_load %arg15[%swap3A_813, %swap3A_814] {strides = array<i32>} : memref<128x128xf32, #tpu.memory_space<vmem>>, vector<1x16xf32>,
        %swap3A_816 = vector.shape_cast %swap3A_815 : vector<1x16xf32> to vector<16xf32>
        %swap3A_817 = vector.shape_cast %mul3A_812 : vector<16xf32> to vector<1x16xf32>
        tpu.vector_store %arg15[%swap3A_813, %swap3A_814], %swap3A_817 {strides = array<i32>} : memref<128x128xf32, #tpu.memory_space<vmem>>, vector<1x16xf32>,
        %get3A_818 = arith.index_cast %add3A_775 : i32 to index
        %get3A_819 = arith.constant 48 : index
        %get3A_820 = tpu.vector_load %arg15[%get3A_818, %get3A_819] {strides = array<i32>} : memref<128x128xf32, #tpu.memory_space<vmem>>, vector<1x16xf32>,
        %get3A_821 = vector.shape_cast %get3A_820 : vector<1x16xf32> to vector<16xf32>
        %get3A_822 = arith.index_cast %squeeze3A_771 : i32 to index
        %get3A_823 = arith.constant 48 : index
        %get3A_824 = tpu.vector_load %arg11[%get3A_822, %get3A_823] {strides = array<i32>} : memref<32x128xf32, #tpu.memory_space<vmem>>, vector<1x16xf32>,
        %get3A_825 = vector.shape_cast %get3A_824 : vector<1x16xf32> to vector<16xf32>
        %mul3A_826 = arith.mulf %get3A_821, %get3A_825 : vector<16xf32>
        %swap3A_827 = arith.index_cast %add3A_775 : i32 to index
        %swap3A_828 = arith.constant 48 : index
        %swap3A_829 = tpu.vector_load %arg15[%swap3A_827, %swap3A_828] {strides = array<i32>} : memref<128x128xf32, #tpu.memory_space<vmem>>, vector<1x16xf32>,
        %swap3A_830 = vector.shape_cast %swap3A_829 : vector<1x16xf32> to vector<16xf32>
        %swap3A_831 = vector.shape_cast %mul3A_826 : vector<16xf32> to vector<1x16xf32>
        tpu.vector_store %arg15[%swap3A_827, %swap3A_828], %swap3A_831 {strides = array<i32>} : memref<128x128xf32, #tpu.memory_space<vmem>>, vector<1x16xf32>,
        %get3A_832 = arith.index_cast %add3A_775 : i32 to index
        %get3A_833 = arith.constant 64 : index
        %get3A_834 = tpu.vector_load %arg15[%get3A_832, %get3A_833] {strides = array<i32>} : memref<128x128xf32, #tpu.memory_space<vmem>>, vector<1x16xf32>,
        %get3A_835 = vector.shape_cast %get3A_834 : vector<1x16xf32> to vector<16xf32>
        %get3A_836 = arith.index_cast %squeeze3A_771 : i32 to index
        %get3A_837 = arith.constant 64 : index
        %get3A_838 = tpu.vector_load %arg11[%get3A_836, %get3A_837] {strides = array<i32>} : memref<32x128xf32, #tpu.memory_space<vmem>>, vector<1x16xf32>,
        %get3A_839 = vector.shape_cast %get3A_838 : vector<1x16xf32> to vector<16xf32>
        %mul3A_840 = arith.mulf %get3A_835, %get3A_839 : vector<16xf32>
        %swap3A_841 = arith.index_cast %add3A_775 : i32 to index
        %swap3A_842 = arith.constant 64 : index
        %swap3A_843 = tpu.vector_load %arg15[%swap3A_841, %swap3A_842] {strides = array<i32>} : memref<128x128xf32, #tpu.memory_space<vmem>>, vector<1x16xf32>,
        %swap3A_844 = vector.shape_cast %swap3A_843 : vector<1x16xf32> to vector<16xf32>
        %swap3A_845 = vector.shape_cast %mul3A_840 : vector<16xf32> to vector<1x16xf32>
        tpu.vector_store %arg15[%swap3A_841, %swap3A_842], %swap3A_845 {strides = array<i32>} : memref<128x128xf32, #tpu.memory_space<vmem>>, vector<1x16xf32>,
        %get3A_846 = arith.index_cast %add3A_775 : i32 to index
        %get3A_847 = arith.constant 80 : index
        %get3A_848 = tpu.vector_load %arg15[%get3A_846, %get3A_847] {strides = array<i32>} : memref<128x128xf32, #tpu.memory_space<vmem>>, vector<1x16xf32>,
        %get3A_849 = vector.shape_cast %get3A_848 : vector<1x16xf32> to vector<16xf32>
        %get3A_850 = arith.index_cast %squeeze3A_771 : i32 to index
        %get3A_851 = arith.constant 80 : index
        %get3A_852 = tpu.vector_load %arg11[%get3A_850, %get3A_851] {strides = array<i32>} : memref<32x128xf32, #tpu.memory_space<vmem>>, vector<1x16xf32>,
        %get3A_853 = vector.shape_cast %get3A_852 : vector<1x16xf32> to vector<16xf32>
        %mul3A_854 = arith.mulf %get3A_849, %get3A_853 : vector<16xf32>
        %swap3A_855 = arith.index_cast %add3A_775 : i32 to index
        %swap3A_856 = arith.constant 80 : index
        %swap3A_857 = tpu.vector_load %arg15[%swap3A_855, %swap3A_856] {strides = array<i32>} : memref<128x128xf32, #tpu.memory_space<vmem>>, vector<1x16xf32>,
        %swap3A_858 = vector.shape_cast %swap3A_857 : vector<1x16xf32> to vector<16xf32>
        %swap3A_859 = vector.shape_cast %mul3A_854 : vector<16xf32> to vector<1x16xf32>
        tpu.vector_store %arg15[%swap3A_855, %swap3A_856], %swap3A_859 {strides = array<i32>} : memref<128x128xf32, #tpu.memory_space<vmem>>, vector<1x16xf32>,
        %get3A_860 = arith.index_cast %add3A_775 : i32 to index
        %get3A_861 = arith.constant 96 : index
        %get3A_862 = tpu.vector_load %arg15[%get3A_860, %get3A_861] {strides = array<i32>} : memref<128x128xf32, #tpu.memory_space<vmem>>, vector<1x16xf32>,
        %get3A_863 = vector.shape_cast %get3A_862 : vector<1x16xf32> to vector<16xf32>
        %get3A_864 = arith.index_cast %squeeze3A_771 : i32 to index
        %get3A_865 = arith.constant 96 : index
        %get3A_866 = tpu.vector_load %arg11[%get3A_864, %get3A_865] {strides = array<i32>} : memref<32x128xf32, #tpu.memory_space<vmem>>, vector<1x16xf32>,
        %get3A_867 = vector.shape_cast %get3A_866 : vector<1x16xf32> to vector<16xf32>
        %mul3A_868 = arith.mulf %get3A_863, %get3A_867 : vector<16xf32>
        %swap3A_869 = arith.index_cast %add3A_775 : i32 to index
        %swap3A_870 = arith.constant 96 : index
        %swap3A_871 = tpu.vector_load %arg15[%swap3A_869, %swap3A_870] {strides = array<i32>} : memref<128x128xf32, #tpu.memory_space<vmem>>, vector<1x16xf32>,
        %swap3A_872 = vector.shape_cast %swap3A_871 : vector<1x16xf32> to vector<16xf32>
        %swap3A_873 = vector.shape_cast %mul3A_868 : vector<16xf32> to vector<1x16xf32>
        tpu.vector_store %arg15[%swap3A_869, %swap3A_870], %swap3A_873 {strides = array<i32>} : memref<128x128xf32, #tpu.memory_space<vmem>>, vector<1x16xf32>,
        %get3A_874 = arith.index_cast %add3A_775 : i32 to index
        %get3A_875 = arith.constant 112 : index
        %get3A_876 = tpu.vector_load %arg15[%get3A_874, %get3A_875] {strides = array<i32>} : memref<128x128xf32, #tpu.memory_space<vmem>>, vector<1x16xf32>,
        %get3A_877 = vector.shape_cast %get3A_876 : vector<1x16xf32> to vector<16xf32>
        %get3A_878 = arith.index_cast %squeeze3A_771 : i32 to index
        %get3A_879 = arith.constant 112 : index
        %get3A_880 = tpu.vector_load %arg11[%get3A_878, %get3A_879] {strides = array<i32>} : memref<32x128xf32, #tpu.memory_space<vmem>>, vector<1x16xf32>,
        %get3A_881 = vector.shape_cast %get3A_880 : vector<1x16xf32> to vector<16xf32>
        %mul3A_882 = arith.mulf %get3A_877, %get3A_881 : vector<16xf32>
        %swap3A_883 = arith.index_cast %add3A_775 : i32 to index
        %swap3A_884 = arith.constant 112 : index
        %swap3A_885 = tpu.vector_load %arg15[%swap3A_883, %swap3A_884] {strides = array<i32>} : memref<128x128xf32, #tpu.memory_space<vmem>>, vector<1x16xf32>,
        %swap3A_886 = vector.shape_cast %swap3A_885 : vector<1x16xf32> to vector<16xf32>
        %swap3A_887 = vector.shape_cast %mul3A_882 : vector<16xf32> to vector<1x16xf32>
        tpu.vector_store %arg15[%swap3A_883, %swap3A_884], %swap3A_887 {strides = array<i32>} : memref<128x128xf32, #tpu.memory_space<vmem>>, vector<1x16xf32>,
        %slice3A_888 = vector.extract_strided_slice %get3A_64 {offsets = [7], sizes = [1], strides = [1]} : vector<16xi32> to vector<1xi32>
        %squeeze3A_889 = vector.extract %slice3A_888[0] : i32 from vector<1xi32>
        %mul3A_890 = arith.constant 16 : i32
        %mul3A_891 = arith.muli %scan3A_60, %mul3A_890 : i32
        %add3A_892 = arith.constant 7 : i32
        %add3A_893 = arith.addi %mul3A_891, %add3A_892 : i32
        %get3A_894 = arith.index_cast %add3A_893 : i32 to index
        %get3A_895 = arith.constant 0 : index
        %get3A_896 = tpu.vector_load %arg15[%get3A_894, %get3A_895] {strides = array<i32>} : memref<128x128xf32, #tpu.memory_space<vmem>>, vector<1x16xf32>,
        %get3A_897 = vector.shape_cast %get3A_896 : vector<1x16xf32> to vector<16xf32>
        %get3A_898 = arith.index_cast %squeeze3A_889 : i32 to index
        %get3A_899 = arith.constant 0 : index
        %get3A_900 = tpu.vector_load %arg11[%get3A_898, %get3A_899] {strides = array<i32>} : memref<32x128xf32, #tpu.memory_space<vmem>>, vector<1x16xf32>,
        %get3A_901 = vector.shape_cast %get3A_900 : vector<1x16xf32> to vector<16xf32>
        %mul3A_902 = arith.mulf %get3A_897, %get3A_901 : vector<16xf32>
        %swap3A_903 = arith.index_cast %add3A_893 : i32 to index
        %swap3A_904 = arith.constant 0 : index
        %swap3A_905 = tpu.vector_load %arg15[%swap3A_903, %swap3A_904] {strides = array<i32>} : memref<128x128xf32, #tpu.memory_space<vmem>>, vector<1x16xf32>,
        %swap3A_906 = vector.shape_cast %swap3A_905 : vector<1x16xf32> to vector<16xf32>
        %swap3A_907 = vector.shape_cast %mul3A_902 : vector<16xf32> to vector<1x16xf32>
        tpu.vector_store %arg15[%swap3A_903, %swap3A_904], %swap3A_907 {strides = array<i32>} : memref<128x128xf32, #tpu.memory_space<vmem>>, vector<1x16xf32>,
        %get3A_908 = arith.index_cast %add3A_893 : i32 to index
        %get3A_909 = arith.constant 16 : index
        %get3A_910 = tpu.vector_load %arg15[%get3A_908, %get3A_909] {strides = array<i32>} : memref<128x128xf32, #tpu.memory_space<vmem>>, vector<1x16xf32>,
        %get3A_911 = vector.shape_cast %get3A_910 : vector<1x16xf32> to vector<16xf32>
        %get3A_912 = arith.index_cast %squeeze3A_889 : i32 to index
        %get3A_913 = arith.constant 16 : index
        %get3A_914 = tpu.vector_load %arg11[%get3A_912, %get3A_913] {strides = array<i32>} : memref<32x128xf32, #tpu.memory_space<vmem>>, vector<1x16xf32>,
        %get3A_915 = vector.shape_cast %get3A_914 : vector<1x16xf32> to vector<16xf32>
        %mul3A_916 = arith.mulf %get3A_911, %get3A_915 : vector<16xf32>
        %swap3A_917 = arith.index_cast %add3A_893 : i32 to index
        %swap3A_918 = arith.constant 16 : index
        %swap3A_919 = tpu.vector_load %arg15[%swap3A_917, %swap3A_918] {strides = array<i32>} : memref<128x128xf32, #tpu.memory_space<vmem>>, vector<1x16xf32>,
        %swap3A_920 = vector.shape_cast %swap3A_919 : vector<1x16xf32> to vector<16xf32>
        %swap3A_921 = vector.shape_cast %mul3A_916 : vector<16xf32> to vector<1x16xf32>
        tpu.vector_store %arg15[%swap3A_917, %swap3A_918], %swap3A_921 {strides = array<i32>} : memref<128x128xf32, #tpu.memory_space<vmem>>, vector<1x16xf32>,
        %get3A_922 = arith.index_cast %add3A_893 : i32 to index
        %get3A_923 = arith.constant 32 : index
        %get3A_924 = tpu.vector_load %arg15[%get3A_922, %get3A_923] {strides = array<i32>} : memref<128x128xf32, #tpu.memory_space<vmem>>, vector<1x16xf32>,
        %get3A_925 = vector.shape_cast %get3A_924 : vector<1x16xf32> to vector<16xf32>
        %get3A_926 = arith.index_cast %squeeze3A_889 : i32 to index
        %get3A_927 = arith.constant 32 : index
        %get3A_928 = tpu.vector_load %arg11[%get3A_926, %get3A_927] {strides = array<i32>} : memref<32x128xf32, #tpu.memory_space<vmem>>, vector<1x16xf32>,
        %get3A_929 = vector.shape_cast %get3A_928 : vector<1x16xf32> to vector<16xf32>
        %mul3A_930 = arith.mulf %get3A_925, %get3A_929 : vector<16xf32>
        %swap3A_931 = arith.index_cast %add3A_893 : i32 to index
        %swap3A_932 = arith.constant 32 : index
        %swap3A_933 = tpu.vector_load %arg15[%swap3A_931, %swap3A_932] {strides = array<i32>} : memref<128x128xf32, #tpu.memory_space<vmem>>, vector<1x16xf32>,
        %swap3A_934 = vector.shape_cast %swap3A_933 : vector<1x16xf32> to vector<16xf32>
        %swap3A_935 = vector.shape_cast %mul3A_930 : vector<16xf32> to vector<1x16xf32>
        tpu.vector_store %arg15[%swap3A_931, %swap3A_932], %swap3A_935 {strides = array<i32>} : memref<128x128xf32, #tpu.memory_space<vmem>>, vector<1x16xf32>,
        %get3A_936 = arith.index_cast %add3A_893 : i32 to index
        %get3A_937 = arith.constant 48 : index
        %get3A_938 = tpu.vector_load %arg15[%get3A_936, %get3A_937] {strides = array<i32>} : memref<128x128xf32, #tpu.memory_space<vmem>>, vector<1x16xf32>,
        %get3A_939 = vector.shape_cast %get3A_938 : vector<1x16xf32> to vector<16xf32>
        %get3A_940 = arith.index_cast %squeeze3A_889 : i32 to index
        %get3A_941 = arith.constant 48 : index
        %get3A_942 = tpu.vector_load %arg11[%get3A_940, %get3A_941] {strides = array<i32>} : memref<32x128xf32, #tpu.memory_space<vmem>>, vector<1x16xf32>,
        %get3A_943 = vector.shape_cast %get3A_942 : vector<1x16xf32> to vector<16xf32>
        %mul3A_944 = arith.mulf %get3A_939, %get3A_943 : vector<16xf32>
        %swap3A_945 = arith.index_cast %add3A_893 : i32 to index
        %swap3A_946 = arith.constant 48 : index
        %swap3A_947 = tpu.vector_load %arg15[%swap3A_945, %swap3A_946] {strides = array<i32>} : memref<128x128xf32, #tpu.memory_space<vmem>>, vector<1x16xf32>,
        %swap3A_948 = vector.shape_cast %swap3A_947 : vector<1x16xf32> to vector<16xf32>
        %swap3A_949 = vector.shape_cast %mul3A_944 : vector<16xf32> to vector<1x16xf32>
        tpu.vector_store %arg15[%swap3A_945, %swap3A_946], %swap3A_949 {strides = array<i32>} : memref<128x128xf32, #tpu.memory_space<vmem>>, vector<1x16xf32>,
        %get3A_950 = arith.index_cast %add3A_893 : i32 to index
        %get3A_951 = arith.constant 64 : index
        %get3A_952 = tpu.vector_load %arg15[%get3A_950, %get3A_951] {strides = array<i32>} : memref<128x128xf32, #tpu.memory_space<vmem>>, vector<1x16xf32>,
        %get3A_953 = vector.shape_cast %get3A_952 : vector<1x16xf32> to vector<16xf32>
        %get3A_954 = arith.index_cast %squeeze3A_889 : i32 to index
        %get3A_955 = arith.constant 64 : index
        %get3A_956 = tpu.vector_load %arg11[%get3A_954, %get3A_955] {strides = array<i32>} : memref<32x128xf32, #tpu.memory_space<vmem>>, vector<1x16xf32>,
        %get3A_957 = vector.shape_cast %get3A_956 : vector<1x16xf32> to vector<16xf32>
        %mul3A_958 = arith.mulf %get3A_953, %get3A_957 : vector<16xf32>
        %swap3A_959 = arith.index_cast %add3A_893 : i32 to index
        %swap3A_960 = arith.constant 64 : index
        %swap3A_961 = tpu.vector_load %arg15[%swap3A_959, %swap3A_960] {strides = array<i32>} : memref<128x128xf32, #tpu.memory_space<vmem>>, vector<1x16xf32>,
        %swap3A_962 = vector.shape_cast %swap3A_961 : vector<1x16xf32> to vector<16xf32>
        %swap3A_963 = vector.shape_cast %mul3A_958 : vector<16xf32> to vector<1x16xf32>
        tpu.vector_store %arg15[%swap3A_959, %swap3A_960], %swap3A_963 {strides = array<i32>} : memref<128x128xf32, #tpu.memory_space<vmem>>, vector<1x16xf32>,
        %get3A_964 = arith.index_cast %add3A_893 : i32 to index
        %get3A_965 = arith.constant 80 : index
        %get3A_966 = tpu.vector_load %arg15[%get3A_964, %get3A_965] {strides = array<i32>} : memref<128x128xf32, #tpu.memory_space<vmem>>, vector<1x16xf32>,
        %get3A_967 = vector.shape_cast %get3A_966 : vector<1x16xf32> to vector<16xf32>
        %get3A_968 = arith.index_cast %squeeze3A_889 : i32 to index
        %get3A_969 = arith.constant 80 : index
        %get3A_970 = tpu.vector_load %arg11[%get3A_968, %get3A_969] {strides = array<i32>} : memref<32x128xf32, #tpu.memory_space<vmem>>, vector<1x16xf32>,
        %get3A_971 = vector.shape_cast %get3A_970 : vector<1x16xf32> to vector<16xf32>
        %mul3A_972 = arith.mulf %get3A_967, %get3A_971 : vector<16xf32>
        %swap3A_973 = arith.index_cast %add3A_893 : i32 to index
        %swap3A_974 = arith.constant 80 : index
        %swap3A_975 = tpu.vector_load %arg15[%swap3A_973, %swap3A_974] {strides = array<i32>} : memref<128x128xf32, #tpu.memory_space<vmem>>, vector<1x16xf32>,
        %swap3A_976 = vector.shape_cast %swap3A_975 : vector<1x16xf32> to vector<16xf32>
        %swap3A_977 = vector.shape_cast %mul3A_972 : vector<16xf32> to vector<1x16xf32>
        tpu.vector_store %arg15[%swap3A_973, %swap3A_974], %swap3A_977 {strides = array<i32>} : memref<128x128xf32, #tpu.memory_space<vmem>>, vector<1x16xf32>,
        %get3A_978 = arith.index_cast %add3A_893 : i32 to index
        %get3A_979 = arith.constant 96 : index
        %get3A_980 = tpu.vector_load %arg15[%get3A_978, %get3A_979] {strides = array<i32>} : memref<128x128xf32, #tpu.memory_space<vmem>>, vector<1x16xf32>,
        %get3A_981 = vector.shape_cast %get3A_980 : vector<1x16xf32> to vector<16xf32>
        %get3A_982 = arith.index_cast %squeeze3A_889 : i32 to index
        %get3A_983 = arith.constant 96 : index
        %get3A_984 = tpu.vector_load %arg11[%get3A_982, %get3A_983] {strides = array<i32>} : memref<32x128xf32, #tpu.memory_space<vmem>>, vector<1x16xf32>,
        %get3A_985 = vector.shape_cast %get3A_984 : vector<1x16xf32> to vector<16xf32>
        %mul3A_986 = arith.mulf %get3A_981, %get3A_985 : vector<16xf32>
        %swap3A_987 = arith.index_cast %add3A_893 : i32 to index
        %swap3A_988 = arith.constant 96 : index
        %swap3A_989 = tpu.vector_load %arg15[%swap3A_987, %swap3A_988] {strides = array<i32>} : memref<128x128xf32, #tpu.memory_space<vmem>>, vector<1x16xf32>,
        %swap3A_990 = vector.shape_cast %swap3A_989 : vector<1x16xf32> to vector<16xf32>
        %swap3A_991 = vector.shape_cast %mul3A_986 : vector<16xf32> to vector<1x16xf32>
        tpu.vector_store %arg15[%swap3A_987, %swap3A_988], %swap3A_991 {strides = array<i32>} : memref<128x128xf32, #tpu.memory_space<vmem>>, vector<1x16xf32>,
        %get3A_992 = arith.index_cast %add3A_893 : i32 to index
        %get3A_993 = arith.constant 112 : index
        %get3A_994 = tpu.vector_load %arg15[%get3A_992, %get3A_993] {strides = array<i32>} : memref<128x128xf32, #tpu.memory_space<vmem>>, vector<1x16xf32>,
        %get3A_995 = vector.shape_cast %get3A_994 : vector<1x16xf32> to vector<16xf32>
        %get3A_996 = arith.index_cast %squeeze3A_889 : i32 to index
        %get3A_997 = arith.constant 112 : index
        %get3A_998 = tpu.vector_load %arg11[%get3A_996, %get3A_997] {strides = array<i32>} : memref<32x128xf32, #tpu.memory_space<vmem>>, vector<1x16xf32>,
        %get3A_999 = vector.shape_cast %get3A_998 : vector<1x16xf32> to vector<16xf32>
        %mul3A_1000 = arith.mulf %get3A_995, %get3A_999 : vector<16xf32>
        %swap3A_1001 = arith.index_cast %add3A_893 : i32 to index
        %swap3A_1002 = arith.constant 112 : index
        %swap3A_1003 = tpu.vector_load %arg15[%swap3A_1001, %swap3A_1002] {strides = array<i32>} : memref<128x128xf32, #tpu.memory_space<vmem>>, vector<1x16xf32>,
        %swap3A_1004 = vector.shape_cast %swap3A_1003 : vector<1x16xf32> to vector<16xf32>
        %swap3A_1005 = vector.shape_cast %mul3A_1000 : vector<16xf32> to vector<1x16xf32>
        tpu.vector_store %arg15[%swap3A_1001, %swap3A_1002], %swap3A_1005 {strides = array<i32>} : memref<128x128xf32, #tpu.memory_space<vmem>>, vector<1x16xf32>,
        %slice3A_1006 = vector.extract_strided_slice %get3A_64 {offsets = [8], sizes = [1], strides = [1]} : vector<16xi32> to vector<1xi32>
        %squeeze3A_1007 = vector.extract %slice3A_1006[0] : i32 from vector<1xi32>
        %mul3A_1008 = arith.constant 16 : i32
        %mul3A_1009 = arith.muli %scan3A_60, %mul3A_1008 : i32
        %add3A_1010 = arith.constant 8 : i32
        %add3A_1011 = arith.addi %mul3A_1009, %add3A_1010 : i32
        %get3A_1012 = arith.index_cast %add3A_1011 : i32 to index
        %get3A_1013 = arith.constant 0 : index
        %get3A_1014 = tpu.vector_load %arg15[%get3A_1012, %get3A_1013] {strides = array<i32>} : memref<128x128xf32, #tpu.memory_space<vmem>>, vector<1x16xf32>,
        %get3A_1015 = vector.shape_cast %get3A_1014 : vector<1x16xf32> to vector<16xf32>
        %get3A_1016 = arith.index_cast %squeeze3A_1007 : i32 to index
        %get3A_1017 = arith.constant 0 : index
        %get3A_1018 = tpu.vector_load %arg11[%get3A_1016, %get3A_1017] {strides = array<i32>} : memref<32x128xf32, #tpu.memory_space<vmem>>, vector<1x16xf32>,
        %get3A_1019 = vector.shape_cast %get3A_1018 : vector<1x16xf32> to vector<16xf32>
        %mul3A_1020 = arith.mulf %get3A_1015, %get3A_1019 : vector<16xf32>
        %swap3A_1021 = arith.index_cast %add3A_1011 : i32 to index
        %swap3A_1022 = arith.constant 0 : index
        %swap3A_1023 = tpu.vector_load %arg15[%swap3A_1021, %swap3A_1022] {strides = array<i32>} : memref<128x128xf32, #tpu.memory_space<vmem>>, vector<1x16xf32>,
        %swap3A_1024 = vector.shape_cast %swap3A_1023 : vector<1x16xf32> to vector<16xf32>
        %swap3A_1025 = vector.shape_cast %mul3A_1020 : vector<16xf32> to vector<1x16xf32>
        tpu.vector_store %arg15[%swap3A_1021, %swap3A_1022], %swap3A_1025 {strides = array<i32>} : memref<128x128xf32, #tpu.memory_space<vmem>>, vector<1x16xf32>,
        %get3A_1026 = arith.index_cast %add3A_1011 : i32 to index
        %get3A_1027 = arith.constant 16 : index
        %get3A_1028 = tpu.vector_load %arg15[%get3A_1026, %get3A_1027] {strides = array<i32>} : memref<128x128xf32, #tpu.memory_space<vmem>>, vector<1x16xf32>,
        %get3A_1029 = vector.shape_cast %get3A_1028 : vector<1x16xf32> to vector<16xf32>
        %get3A_1030 = arith.index_cast %squeeze3A_1007 : i32 to index
        %get3A_1031 = arith.constant 16 : index
        %get3A_1032 = tpu.vector_load %arg11[%get3A_1030, %get3A_1031] {strides = array<i32>} : memref<32x128xf32, #tpu.memory_space<vmem>>, vector<1x16xf32>,
        %get3A_1033 = vector.shape_cast %get3A_1032 : vector<1x16xf32> to vector<16xf32>
        %mul3A_1034 = arith.mulf %get3A_1029, %get3A_1033 : vector<16xf32>
        %swap3A_1035 = arith.index_cast %add3A_1011 : i32 to index
        %swap3A_1036 = arith.constant 16 : index
        %swap3A_1037 = tpu.vector_load %arg15[%swap3A_1035, %swap3A_1036] {strides = array<i32>} : memref<128x128xf32, #tpu.memory_space<vmem>>, vector<1x16xf32>,
        %swap3A_1038 = vector.shape_cast %swap3A_1037 : vector<1x16xf32> to vector<16xf32>
        %swap3A_1039 = vector.shape_cast %mul3A_1034 : vector<16xf32> to vector<1x16xf32>
        tpu.vector_store %arg15[%swap3A_1035, %swap3A_1036], %swap3A_1039 {strides = array<i32>} : memref<128x128xf32, #tpu.memory_space<vmem>>, vector<1x16xf32>,
        %get3A_1040 = arith.index_cast %add3A_1011 : i32 to index
        %get3A_1041 = arith.constant 32 : index
        %get3A_1042 = tpu.vector_load %arg15[%get3A_1040, %get3A_1041] {strides = array<i32>} : memref<128x128xf32, #tpu.memory_space<vmem>>, vector<1x16xf32>,
        %get3A_1043 = vector.shape_cast %get3A_1042 : vector<1x16xf32> to vector<16xf32>
        %get3A_1044 = arith.index_cast %squeeze3A_1007 : i32 to index
        %get3A_1045 = arith.constant 32 : index
        %get3A_1046 = tpu.vector_load %arg11[%get3A_1044, %get3A_1045] {strides = array<i32>} : memref<32x128xf32, #tpu.memory_space<vmem>>, vector<1x16xf32>,
        %get3A_1047 = vector.shape_cast %get3A_1046 : vector<1x16xf32> to vector<16xf32>
        %mul3A_1048 = arith.mulf %get3A_1043, %get3A_1047 : vector<16xf32>
        %swap3A_1049 = arith.index_cast %add3A_1011 : i32 to index
        %swap3A_1050 = arith.constant 32 : index
        %swap3A_1051 = tpu.vector_load %arg15[%swap3A_1049, %swap3A_1050] {strides = array<i32>} : memref<128x128xf32, #tpu.memory_space<vmem>>, vector<1x16xf32>,
        %swap3A_1052 = vector.shape_cast %swap3A_1051 : vector<1x16xf32> to vector<16xf32>
        %swap3A_1053 = vector.shape_cast %mul3A_1048 : vector<16xf32> to vector<1x16xf32>
        tpu.vector_store %arg15[%swap3A_1049, %swap3A_1050], %swap3A_1053 {strides = array<i32>} : memref<128x128xf32, #tpu.memory_space<vmem>>, vector<1x16xf32>,
        %get3A_1054 = arith.index_cast %add3A_1011 : i32 to index
        %get3A_1055 = arith.constant 48 : index
        %get3A_1056 = tpu.vector_load %arg15[%get3A_1054, %get3A_1055] {strides = array<i32>} : memref<128x128xf32, #tpu.memory_space<vmem>>, vector<1x16xf32>,
        %get3A_1057 = vector.shape_cast %get3A_1056 : vector<1x16xf32> to vector<16xf32>
        %get3A_1058 = arith.index_cast %squeeze3A_1007 : i32 to index
        %get3A_1059 = arith.constant 48 : index
        %get3A_1060 = tpu.vector_load %arg11[%get3A_1058, %get3A_1059] {strides = array<i32>} : memref<32x128xf32, #tpu.memory_space<vmem>>, vector<1x16xf32>,
        %get3A_1061 = vector.shape_cast %get3A_1060 : vector<1x16xf32> to vector<16xf32>
        %mul3A_1062 = arith.mulf %get3A_1057, %get3A_1061 : vector<16xf32>
        %swap3A_1063 = arith.index_cast %add3A_1011 : i32 to index
        %swap3A_1064 = arith.constant 48 : index
        %swap3A_1065 = tpu.vector_load %arg15[%swap3A_1063, %swap3A_1064] {strides = array<i32>} : memref<128x128xf32, #tpu.memory_space<vmem>>, vector<1x16xf32>,
        %swap3A_1066 = vector.shape_cast %swap3A_1065 : vector<1x16xf32> to vector<16xf32>
        %swap3A_1067 = vector.shape_cast %mul3A_1062 : vector<16xf32> to vector<1x16xf32>
        tpu.vector_store %arg15[%swap3A_1063, %swap3A_1064], %swap3A_1067 {strides = array<i32>} : memref<128x128xf32, #tpu.memory_space<vmem>>, vector<1x16xf32>,
        %get3A_1068 = arith.index_cast %add3A_1011 : i32 to index
        %get3A_1069 = arith.constant 64 : index
        %get3A_1070 = tpu.vector_load %arg15[%get3A_1068, %get3A_1069] {strides = array<i32>} : memref<128x128xf32, #tpu.memory_space<vmem>>, vector<1x16xf32>,
        %get3A_1071 = vector.shape_cast %get3A_1070 : vector<1x16xf32> to vector<16xf32>
        %get3A_1072 = arith.index_cast %squeeze3A_1007 : i32 to index
        %get3A_1073 = arith.constant 64 : index
        %get3A_1074 = tpu.vector_load %arg11[%get3A_1072, %get3A_1073] {strides = array<i32>} : memref<32x128xf32, #tpu.memory_space<vmem>>, vector<1x16xf32>,
        %get3A_1075 = vector.shape_cast %get3A_1074 : vector<1x16xf32> to vector<16xf32>
        %mul3A_1076 = arith.mulf %get3A_1071, %get3A_1075 : vector<16xf32>
        %swap3A_1077 = arith.index_cast %add3A_1011 : i32 to index
        %swap3A_1078 = arith.constant 64 : index
        %swap3A_1079 = tpu.vector_load %arg15[%swap3A_1077, %swap3A_1078] {strides = array<i32>} : memref<128x128xf32, #tpu.memory_space<vmem>>, vector<1x16xf32>,
        %swap3A_1080 = vector.shape_cast %swap3A_1079 : vector<1x16xf32> to vector<16xf32>
        %swap3A_1081 = vector.shape_cast %mul3A_1076 : vector<16xf32> to vector<1x16xf32>
        tpu.vector_store %arg15[%swap3A_1077, %swap3A_1078], %swap3A_1081 {strides = array<i32>} : memref<128x128xf32, #tpu.memory_space<vmem>>, vector<1x16xf32>,
        %get3A_1082 = arith.index_cast %add3A_1011 : i32 to index
        %get3A_1083 = arith.constant 80 : index
        %get3A_1084 = tpu.vector_load %arg15[%get3A_1082, %get3A_1083] {strides = array<i32>} : memref<128x128xf32, #tpu.memory_space<vmem>>, vector<1x16xf32>,
        %get3A_1085 = vector.shape_cast %get3A_1084 : vector<1x16xf32> to vector<16xf32>
        %get3A_1086 = arith.index_cast %squeeze3A_1007 : i32 to index
        %get3A_1087 = arith.constant 80 : index
        %get3A_1088 = tpu.vector_load %arg11[%get3A_1086, %get3A_1087] {strides = array<i32>} : memref<32x128xf32, #tpu.memory_space<vmem>>, vector<1x16xf32>,
        %get3A_1089 = vector.shape_cast %get3A_1088 : vector<1x16xf32> to vector<16xf32>
        %mul3A_1090 = arith.mulf %get3A_1085, %get3A_1089 : vector<16xf32>
        %swap3A_1091 = arith.index_cast %add3A_1011 : i32 to index
        %swap3A_1092 = arith.constant 80 : index
        %swap3A_1093 = tpu.vector_load %arg15[%swap3A_1091, %swap3A_1092] {strides = array<i32>} : memref<128x128xf32, #tpu.memory_space<vmem>>, vector<1x16xf32>,
        %swap3A_1094 = vector.shape_cast %swap3A_1093 : vector<1x16xf32> to vector<16xf32>
        %swap3A_1095 = vector.shape_cast %mul3A_1090 : vector<16xf32> to vector<1x16xf32>
        tpu.vector_store %arg15[%swap3A_1091, %swap3A_1092], %swap3A_1095 {strides = array<i32>} : memref<128x128xf32, #tpu.memory_space<vmem>>, vector<1x16xf32>,
        %get3A_1096 = arith.index_cast %add3A_1011 : i32 to index
        %get3A_1097 = arith.constant 96 : index
        %get3A_1098 = tpu.vector_load %arg15[%get3A_1096, %get3A_1097] {strides = array<i32>} : memref<128x128xf32, #tpu.memory_space<vmem>>, vector<1x16xf32>,
        %get3A_1099 = vector.shape_cast %get3A_1098 : vector<1x16xf32> to vector<16xf32>
        %get3A_1100 = arith.index_cast %squeeze3A_1007 : i32 to index
        %get3A_1101 = arith.constant 96 : index
        %get3A_1102 = tpu.vector_load %arg11[%get3A_1100, %get3A_1101] {strides = array<i32>} : memref<32x128xf32, #tpu.memory_space<vmem>>, vector<1x16xf32>,
        %get3A_1103 = vector.shape_cast %get3A_1102 : vector<1x16xf32> to vector<16xf32>
        %mul3A_1104 = arith.mulf %get3A_1099, %get3A_1103 : vector<16xf32>
        %swap3A_1105 = arith.index_cast %add3A_1011 : i32 to index
        %swap3A_1106 = arith.constant 96 : index
        %swap3A_1107 = tpu.vector_load %arg15[%swap3A_1105, %swap3A_1106] {strides = array<i32>} : memref<128x128xf32, #tpu.memory_space<vmem>>, vector<1x16xf32>,
        %swap3A_1108 = vector.shape_cast %swap3A_1107 : vector<1x16xf32> to vector<16xf32>
        %swap3A_1109 = vector.shape_cast %mul3A_1104 : vector<16xf32> to vector<1x16xf32>
        tpu.vector_store %arg15[%swap3A_1105, %swap3A_1106], %swap3A_1109 {strides = array<i32>} : memref<128x128xf32, #tpu.memory_space<vmem>>, vector<1x16xf32>,
        %get3A_1110 = arith.index_cast %add3A_1011 : i32 to index
        %get3A_1111 = arith.constant 112 : index
        %get3A_1112 = tpu.vector_load %arg15[%get3A_1110, %get3A_1111] {strides = array<i32>} : memref<128x128xf32, #tpu.memory_space<vmem>>, vector<1x16xf32>,
        %get3A_1113 = vector.shape_cast %get3A_1112 : vector<1x16xf32> to vector<16xf32>
        %get3A_1114 = arith.index_cast %squeeze3A_1007 : i32 to index
        %get3A_1115 = arith.constant 112 : index
        %get3A_1116 = tpu.vector_load %arg11[%get3A_1114, %get3A_1115] {strides = array<i32>} : memref<32x128xf32, #tpu.memory_space<vmem>>, vector<1x16xf32>,
        %get3A_1117 = vector.shape_cast %get3A_1116 : vector<1x16xf32> to vector<16xf32>
        %mul3A_1118 = arith.mulf %get3A_1113, %get3A_1117 : vector<16xf32>
        %swap3A_1119 = arith.index_cast %add3A_1011 : i32 to index
        %swap3A_1120 = arith.constant 112 : index
        %swap3A_1121 = tpu.vector_load %arg15[%swap3A_1119, %swap3A_1120] {strides = array<i32>} : memref<128x128xf32, #tpu.memory_space<vmem>>, vector<1x16xf32>,
        %swap3A_1122 = vector.shape_cast %swap3A_1121 : vector<1x16xf32> to vector<16xf32>
        %swap3A_1123 = vector.shape_cast %mul3A_1118 : vector<16xf32> to vector<1x16xf32>
        tpu.vector_store %arg15[%swap3A_1119, %swap3A_1120], %swap3A_1123 {strides = array<i32>} : memref<128x128xf32, #tpu.memory_space<vmem>>, vector<1x16xf32>,
        %slice3A_1124 = vector.extract_strided_slice %get3A_64 {offsets = [9], sizes = [1], strides = [1]} : vector<16xi32> to vector<1xi32>
        %squeeze3A_1125 = vector.extract %slice3A_1124[0] : i32 from vector<1xi32>
        %mul3A_1126 = arith.constant 16 : i32
        %mul3A_1127 = arith.muli %scan3A_60, %mul3A_1126 : i32
        %add3A_1128 = arith.constant 9 : i32
        %add3A_1129 = arith.addi %mul3A_1127, %add3A_1128 : i32
        %get3A_1130 = arith.index_cast %add3A_1129 : i32 to index
        %get3A_1131 = arith.constant 0 : index
        %get3A_1132 = tpu.vector_load %arg15[%get3A_1130, %get3A_1131] {strides = array<i32>} : memref<128x128xf32, #tpu.memory_space<vmem>>, vector<1x16xf32>,
        %get3A_1133 = vector.shape_cast %get3A_1132 : vector<1x16xf32> to vector<16xf32>
        %get3A_1134 = arith.index_cast %squeeze3A_1125 : i32 to index
        %get3A_1135 = arith.constant 0 : index
        %get3A_1136 = tpu.vector_load %arg11[%get3A_1134, %get3A_1135] {strides = array<i32>} : memref<32x128xf32, #tpu.memory_space<vmem>>, vector<1x16xf32>,
        %get3A_1137 = vector.shape_cast %get3A_1136 : vector<1x16xf32> to vector<16xf32>
        %mul3A_1138 = arith.mulf %get3A_1133, %get3A_1137 : vector<16xf32>
        %swap3A_1139 = arith.index_cast %add3A_1129 : i32 to index
        %swap3A_1140 = arith.constant 0 : index
        %swap3A_1141 = tpu.vector_load %arg15[%swap3A_1139, %swap3A_1140] {strides = array<i32>} : memref<128x128xf32, #tpu.memory_space<vmem>>, vector<1x16xf32>,
        %swap3A_1142 = vector.shape_cast %swap3A_1141 : vector<1x16xf32> to vector<16xf32>
        %swap3A_1143 = vector.shape_cast %mul3A_1138 : vector<16xf32> to vector<1x16xf32>
        tpu.vector_store %arg15[%swap3A_1139, %swap3A_1140], %swap3A_1143 {strides = array<i32>} : memref<128x128xf32, #tpu.memory_space<vmem>>, vector<1x16xf32>,
        %get3A_1144 = arith.index_cast %add3A_1129 : i32 to index
        %get3A_1145 = arith.constant 16 : index
        %get3A_1146 = tpu.vector_load %arg15[%get3A_1144, %get3A_1145] {strides = array<i32>} : memref<128x128xf32, #tpu.memory_space<vmem>>, vector<1x16xf32>,
        %get3A_1147 = vector.shape_cast %get3A_1146 : vector<1x16xf32> to vector<16xf32>
        %get3A_1148 = arith.index_cast %squeeze3A_1125 : i32 to index
        %get3A_1149 = arith.constant 16 : index
        %get3A_1150 = tpu.vector_load %arg11[%get3A_1148, %get3A_1149] {strides = array<i32>} : memref<32x128xf32, #tpu.memory_space<vmem>>, vector<1x16xf32>,
        %get3A_1151 = vector.shape_cast %get3A_1150 : vector<1x16xf32> to vector<16xf32>
        %mul3A_1152 = arith.mulf %get3A_1147, %get3A_1151 : vector<16xf32>
        %swap3A_1153 = arith.index_cast %add3A_1129 : i32 to index
        %swap3A_1154 = arith.constant 16 : index
        %swap3A_1155 = tpu.vector_load %arg15[%swap3A_1153, %swap3A_1154] {strides = array<i32>} : memref<128x128xf32, #tpu.memory_space<vmem>>, vector<1x16xf32>,
        %swap3A_1156 = vector.shape_cast %swap3A_1155 : vector<1x16xf32> to vector<16xf32>
        %swap3A_1157 = vector.shape_cast %mul3A_1152 : vector<16xf32> to vector<1x16xf32>
        tpu.vector_store %arg15[%swap3A_1153, %swap3A_1154], %swap3A_1157 {strides = array<i32>} : memref<128x128xf32, #tpu.memory_space<vmem>>, vector<1x16xf32>,
        %get3A_1158 = arith.index_cast %add3A_1129 : i32 to index
        %get3A_1159 = arith.constant 32 : index
        %get3A_1160 = tpu.vector_load %arg15[%get3A_1158, %get3A_1159] {strides = array<i32>} : memref<128x128xf32, #tpu.memory_space<vmem>>, vector<1x16xf32>,
        %get3A_1161 = vector.shape_cast %get3A_1160 : vector<1x16xf32> to vector<16xf32>
        %get3A_1162 = arith.index_cast %squeeze3A_1125 : i32 to index
        %get3A_1163 = arith.constant 32 : index
        %get3A_1164 = tpu.vector_load %arg11[%get3A_1162, %get3A_1163] {strides = array<i32>} : memref<32x128xf32, #tpu.memory_space<vmem>>, vector<1x16xf32>,
        %get3A_1165 = vector.shape_cast %get3A_1164 : vector<1x16xf32> to vector<16xf32>
        %mul3A_1166 = arith.mulf %get3A_1161, %get3A_1165 : vector<16xf32>
        %swap3A_1167 = arith.index_cast %add3A_1129 : i32 to index
        %swap3A_1168 = arith.constant 32 : index
        %swap3A_1169 = tpu.vector_load %arg15[%swap3A_1167, %swap3A_1168] {strides = array<i32>} : memref<128x128xf32, #tpu.memory_space<vmem>>, vector<1x16xf32>,
        %swap3A_1170 = vector.shape_cast %swap3A_1169 : vector<1x16xf32> to vector<16xf32>
        %swap3A_1171 = vector.shape_cast %mul3A_1166 : vector<16xf32> to vector<1x16xf32>
        tpu.vector_store %arg15[%swap3A_1167, %swap3A_1168], %swap3A_1171 {strides = array<i32>} : memref<128x128xf32, #tpu.memory_space<vmem>>, vector<1x16xf32>,
        %get3A_1172 = arith.index_cast %add3A_1129 : i32 to index
        %get3A_1173 = arith.constant 48 : index
        %get3A_1174 = tpu.vector_load %arg15[%get3A_1172, %get3A_1173] {strides = array<i32>} : memref<128x128xf32, #tpu.memory_space<vmem>>, vector<1x16xf32>,
        %get3A_1175 = vector.shape_cast %get3A_1174 : vector<1x16xf32> to vector<16xf32>
        %get3A_1176 = arith.index_cast %squeeze3A_1125 : i32 to index
        %get3A_1177 = arith.constant 48 : index
        %get3A_1178 = tpu.vector_load %arg11[%get3A_1176, %get3A_1177] {strides = array<i32>} : memref<32x128xf32, #tpu.memory_space<vmem>>, vector<1x16xf32>,
        %get3A_1179 = vector.shape_cast %get3A_1178 : vector<1x16xf32> to vector<16xf32>
        %mul3A_1180 = arith.mulf %get3A_1175, %get3A_1179 : vector<16xf32>
        %swap3A_1181 = arith.index_cast %add3A_1129 : i32 to index
        %swap3A_1182 = arith.constant 48 : index
        %swap3A_1183 = tpu.vector_load %arg15[%swap3A_1181, %swap3A_1182] {strides = array<i32>} : memref<128x128xf32, #tpu.memory_space<vmem>>, vector<1x16xf32>,
        %swap3A_1184 = vector.shape_cast %swap3A_1183 : vector<1x16xf32> to vector<16xf32>
        %swap3A_1185 = vector.shape_cast %mul3A_1180 : vector<16xf32> to vector<1x16xf32>
        tpu.vector_store %arg15[%swap3A_1181, %swap3A_1182], %swap3A_1185 {strides = array<i32>} : memref<128x128xf32, #tpu.memory_space<vmem>>, vector<1x16xf32>,
        %get3A_1186 = arith.index_cast %add3A_1129 : i32 to index
        %get3A_1187 = arith.constant 64 : index
        %get3A_1188 = tpu.vector_load %arg15[%get3A_1186, %get3A_1187] {strides = array<i32>} : memref<128x128xf32, #tpu.memory_space<vmem>>, vector<1x16xf32>,
        %get3A_1189 = vector.shape_cast %get3A_1188 : vector<1x16xf32> to vector<16xf32>
        %get3A_1190 = arith.index_cast %squeeze3A_1125 : i32 to index
        %get3A_1191 = arith.constant 64 : index
        %get3A_1192 = tpu.vector_load %arg11[%get3A_1190, %get3A_1191] {strides = array<i32>} : memref<32x128xf32, #tpu.memory_space<vmem>>, vector<1x16xf32>,
        %get3A_1193 = vector.shape_cast %get3A_1192 : vector<1x16xf32> to vector<16xf32>
        %mul3A_1194 = arith.mulf %get3A_1189, %get3A_1193 : vector<16xf32>
        %swap3A_1195 = arith.index_cast %add3A_1129 : i32 to index
        %swap3A_1196 = arith.constant 64 : index
        %swap3A_1197 = tpu.vector_load %arg15[%swap3A_1195, %swap3A_1196] {strides = array<i32>} : memref<128x128xf32, #tpu.memory_space<vmem>>, vector<1x16xf32>,
        %swap3A_1198 = vector.shape_cast %swap3A_1197 : vector<1x16xf32> to vector<16xf32>
        %swap3A_1199 = vector.shape_cast %mul3A_1194 : vector<16xf32> to vector<1x16xf32>
        tpu.vector_store %arg15[%swap3A_1195, %swap3A_1196], %swap3A_1199 {strides = array<i32>} : memref<128x128xf32, #tpu.memory_space<vmem>>, vector<1x16xf32>,
        %get3A_1200 = arith.index_cast %add3A_1129 : i32 to index
        %get3A_1201 = arith.constant 80 : index
        %get3A_1202 = tpu.vector_load %arg15[%get3A_1200, %get3A_1201] {strides = array<i32>} : memref<128x128xf32, #tpu.memory_space<vmem>>, vector<1x16xf32>,
        %get3A_1203 = vector.shape_cast %get3A_1202 : vector<1x16xf32> to vector<16xf32>
        %get3A_1204 = arith.index_cast %squeeze3A_1125 : i32 to index
        %get3A_1205 = arith.constant 80 : index
        %get3A_1206 = tpu.vector_load %arg11[%get3A_1204, %get3A_1205] {strides = array<i32>} : memref<32x128xf32, #tpu.memory_space<vmem>>, vector<1x16xf32>,
        %get3A_1207 = vector.shape_cast %get3A_1206 : vector<1x16xf32> to vector<16xf32>
        %mul3A_1208 = arith.mulf %get3A_1203, %get3A_1207 : vector<16xf32>
        %swap3A_1209 = arith.index_cast %add3A_1129 : i32 to index
        %swap3A_1210 = arith.constant 80 : index
        %swap3A_1211 = tpu.vector_load %arg15[%swap3A_1209, %swap3A_1210] {strides = array<i32>} : memref<128x128xf32, #tpu.memory_space<vmem>>, vector<1x16xf32>,
        %swap3A_1212 = vector.shape_cast %swap3A_1211 : vector<1x16xf32> to vector<16xf32>
        %swap3A_1213 = vector.shape_cast %mul3A_1208 : vector<16xf32> to vector<1x16xf32>
        tpu.vector_store %arg15[%swap3A_1209, %swap3A_1210], %swap3A_1213 {strides = array<i32>} : memref<128x128xf32, #tpu.memory_space<vmem>>, vector<1x16xf32>,
        %get3A_1214 = arith.index_cast %add3A_1129 : i32 to index
        %get3A_1215 = arith.constant 96 : index
        %get3A_1216 = tpu.vector_load %arg15[%get3A_1214, %get3A_1215] {strides = array<i32>} : memref<128x128xf32, #tpu.memory_space<vmem>>, vector<1x16xf32>,
        %get3A_1217 = vector.shape_cast %get3A_1216 : vector<1x16xf32> to vector<16xf32>
        %get3A_1218 = arith.index_cast %squeeze3A_1125 : i32 to index
        %get3A_1219 = arith.constant 96 : index
        %get3A_1220 = tpu.vector_load %arg11[%get3A_1218, %get3A_1219] {strides = array<i32>} : memref<32x128xf32, #tpu.memory_space<vmem>>, vector<1x16xf32>,
        %get3A_1221 = vector.shape_cast %get3A_1220 : vector<1x16xf32> to vector<16xf32>
        %mul3A_1222 = arith.mulf %get3A_1217, %get3A_1221 : vector<16xf32>
        %swap3A_1223 = arith.index_cast %add3A_1129 : i32 to index
        %swap3A_1224 = arith.constant 96 : index
        %swap3A_1225 = tpu.vector_load %arg15[%swap3A_1223, %swap3A_1224] {strides = array<i32>} : memref<128x128xf32, #tpu.memory_space<vmem>>, vector<1x16xf32>,
        %swap3A_1226 = vector.shape_cast %swap3A_1225 : vector<1x16xf32> to vector<16xf32>
        %swap3A_1227 = vector.shape_cast %mul3A_1222 : vector<16xf32> to vector<1x16xf32>
        tpu.vector_store %arg15[%swap3A_1223, %swap3A_1224], %swap3A_1227 {strides = array<i32>} : memref<128x128xf32, #tpu.memory_space<vmem>>, vector<1x16xf32>,
        %get3A_1228 = arith.index_cast %add3A_1129 : i32 to index
        %get3A_1229 = arith.constant 112 : index
        %get3A_1230 = tpu.vector_load %arg15[%get3A_1228, %get3A_1229] {strides = array<i32>} : memref<128x128xf32, #tpu.memory_space<vmem>>, vector<1x16xf32>,
        %get3A_1231 = vector.shape_cast %get3A_1230 : vector<1x16xf32> to vector<16xf32>
        %get3A_1232 = arith.index_cast %squeeze3A_1125 : i32 to index
        %get3A_1233 = arith.constant 112 : index
        %get3A_1234 = tpu.vector_load %arg11[%get3A_1232, %get3A_1233] {strides = array<i32>} : memref<32x128xf32, #tpu.memory_space<vmem>>, vector<1x16xf32>,
        %get3A_1235 = vector.shape_cast %get3A_1234 : vector<1x16xf32> to vector<16xf32>
        %mul3A_1236 = arith.mulf %get3A_1231, %get3A_1235 : vector<16xf32>
        %swap3A_1237 = arith.index_cast %add3A_1129 : i32 to index
        %swap3A_1238 = arith.constant 112 : index
        %swap3A_1239 = tpu.vector_load %arg15[%swap3A_1237, %swap3A_1238] {strides = array<i32>} : memref<128x128xf32, #tpu.memory_space<vmem>>, vector<1x16xf32>,
        %swap3A_1240 = vector.shape_cast %swap3A_1239 : vector<1x16xf32> to vector<16xf32>
        %swap3A_1241 = vector.shape_cast %mul3A_1236 : vector<16xf32> to vector<1x16xf32>
        tpu.vector_store %arg15[%swap3A_1237, %swap3A_1238], %swap3A_1241 {strides = array<i32>} : memref<128x128xf32, #tpu.memory_space<vmem>>, vector<1x16xf32>,
        %slice3A_1242 = vector.extract_strided_slice %get3A_64 {offsets = [10], sizes = [1], strides = [1]} : vector<16xi32> to vector<1xi32>
        %squeeze3A_1243 = vector.extract %slice3A_1242[0] : i32 from vector<1xi32>
        %mul3A_1244 = arith.constant 16 : i32
        %mul3A_1245 = arith.muli %scan3A_60, %mul3A_1244 : i32
        %add3A_1246 = arith.constant 10 : i32
        %add3A_1247 = arith.addi %mul3A_1245, %add3A_1246 : i32
        %get3A_1248 = arith.index_cast %add3A_1247 : i32 to index
        %get3A_1249 = arith.constant 0 : index
        %get3A_1250 = tpu.vector_load %arg15[%get3A_1248, %get3A_1249] {strides = array<i32>} : memref<128x128xf32, #tpu.memory_space<vmem>>, vector<1x16xf32>,
        %get3A_1251 = vector.shape_cast %get3A_1250 : vector<1x16xf32> to vector<16xf32>
        %get3A_1252 = arith.index_cast %squeeze3A_1243 : i32 to index
        %get3A_1253 = arith.constant 0 : index
        %get3A_1254 = tpu.vector_load %arg11[%get3A_1252, %get3A_1253] {strides = array<i32>} : memref<32x128xf32, #tpu.memory_space<vmem>>, vector<1x16xf32>,
        %get3A_1255 = vector.shape_cast %get3A_1254 : vector<1x16xf32> to vector<16xf32>
        %mul3A_1256 = arith.mulf %get3A_1251, %get3A_1255 : vector<16xf32>
        %swap3A_1257 = arith.index_cast %add3A_1247 : i32 to index
        %swap3A_1258 = arith.constant 0 : index
        %swap3A_1259 = tpu.vector_load %arg15[%swap3A_1257, %swap3A_1258] {strides = array<i32>} : memref<128x128xf32, #tpu.memory_space<vmem>>, vector<1x16xf32>,
        %swap3A_1260 = vector.shape_cast %swap3A_1259 : vector<1x16xf32> to vector<16xf32>
        %swap3A_1261 = vector.shape_cast %mul3A_1256 : vector<16xf32> to vector<1x16xf32>
        tpu.vector_store %arg15[%swap3A_1257, %swap3A_1258], %swap3A_1261 {strides = array<i32>} : memref<128x128xf32, #tpu.memory_space<vmem>>, vector<1x16xf32>,
        %get3A_1262 = arith.index_cast %add3A_1247 : i32 to index
        %get3A_1263 = arith.constant 16 : index
        %get3A_1264 = tpu.vector_load %arg15[%get3A_1262, %get3A_1263] {strides = array<i32>} : memref<128x128xf32, #tpu.memory_space<vmem>>, vector<1x16xf32>,
        %get3A_1265 = vector.shape_cast %get3A_1264 : vector<1x16xf32> to vector<16xf32>
        %get3A_1266 = arith.index_cast %squeeze3A_1243 : i32 to index
        %get3A_1267 = arith.constant 16 : index
        %get3A_1268 = tpu.vector_load %arg11[%get3A_1266, %get3A_1267] {strides = array<i32>} : memref<32x128xf32, #tpu.memory_space<vmem>>, vector<1x16xf32>,
        %get3A_1269 = vector.shape_cast %get3A_1268 : vector<1x16xf32> to vector<16xf32>
        %mul3A_1270 = arith.mulf %get3A_1265, %get3A_1269 : vector<16xf32>
        %swap3A_1271 = arith.index_cast %add3A_1247 : i32 to index
        %swap3A_1272 = arith.constant 16 : index
        %swap3A_1273 = tpu.vector_load %arg15[%swap3A_1271, %swap3A_1272] {strides = array<i32>} : memref<128x128xf32, #tpu.memory_space<vmem>>, vector<1x16xf32>,
        %swap3A_1274 = vector.shape_cast %swap3A_1273 : vector<1x16xf32> to vector<16xf32>
        %swap3A_1275 = vector.shape_cast %mul3A_1270 : vector<16xf32> to vector<1x16xf32>
        tpu.vector_store %arg15[%swap3A_1271, %swap3A_1272], %swap3A_1275 {strides = array<i32>} : memref<128x128xf32, #tpu.memory_space<vmem>>, vector<1x16xf32>,
        %get3A_1276 = arith.index_cast %add3A_1247 : i32 to index
        %get3A_1277 = arith.constant 32 : index
        %get3A_1278 = tpu.vector_load %arg15[%get3A_1276, %get3A_1277] {strides = array<i32>} : memref<128x128xf32, #tpu.memory_space<vmem>>, vector<1x16xf32>,
        %get3A_1279 = vector.shape_cast %get3A_1278 : vector<1x16xf32> to vector<16xf32>
        %get3A_1280 = arith.index_cast %squeeze3A_1243 : i32 to index
        %get3A_1281 = arith.constant 32 : index
        %get3A_1282 = tpu.vector_load %arg11[%get3A_1280, %get3A_1281] {strides = array<i32>} : memref<32x128xf32, #tpu.memory_space<vmem>>, vector<1x16xf32>,
        %get3A_1283 = vector.shape_cast %get3A_1282 : vector<1x16xf32> to vector<16xf32>
        %mul3A_1284 = arith.mulf %get3A_1279, %get3A_1283 : vector<16xf32>
        %swap3A_1285 = arith.index_cast %add3A_1247 : i32 to index
        %swap3A_1286 = arith.constant 32 : index
        %swap3A_1287 = tpu.vector_load %arg15[%swap3A_1285, %swap3A_1286] {strides = array<i32>} : memref<128x128xf32, #tpu.memory_space<vmem>>, vector<1x16xf32>,
        %swap3A_1288 = vector.shape_cast %swap3A_1287 : vector<1x16xf32> to vector<16xf32>
        %swap3A_1289 = vector.shape_cast %mul3A_1284 : vector<16xf32> to vector<1x16xf32>
        tpu.vector_store %arg15[%swap3A_1285, %swap3A_1286], %swap3A_1289 {strides = array<i32>} : memref<128x128xf32, #tpu.memory_space<vmem>>, vector<1x16xf32>,
        %get3A_1290 = arith.index_cast %add3A_1247 : i32 to index
        %get3A_1291 = arith.constant 48 : index
        %get3A_1292 = tpu.vector_load %arg15[%get3A_1290, %get3A_1291] {strides = array<i32>} : memref<128x128xf32, #tpu.memory_space<vmem>>, vector<1x16xf32>,
        %get3A_1293 = vector.shape_cast %get3A_1292 : vector<1x16xf32> to vector<16xf32>
        %get3A_1294 = arith.index_cast %squeeze3A_1243 : i32 to index
        %get3A_1295 = arith.constant 48 : index
        %get3A_1296 = tpu.vector_load %arg11[%get3A_1294, %get3A_1295] {strides = array<i32>} : memref<32x128xf32, #tpu.memory_space<vmem>>, vector<1x16xf32>,
        %get3A_1297 = vector.shape_cast %get3A_1296 : vector<1x16xf32> to vector<16xf32>
        %mul3A_1298 = arith.mulf %get3A_1293, %get3A_1297 : vector<16xf32>
        %swap3A_1299 = arith.index_cast %add3A_1247 : i32 to index
        %swap3A_1300 = arith.constant 48 : index
        %swap3A_1301 = tpu.vector_load %arg15[%swap3A_1299, %swap3A_1300] {strides = array<i32>} : memref<128x128xf32, #tpu.memory_space<vmem>>, vector<1x16xf32>,
        %swap3A_1302 = vector.shape_cast %swap3A_1301 : vector<1x16xf32> to vector<16xf32>
        %swap3A_1303 = vector.shape_cast %mul3A_1298 : vector<16xf32> to vector<1x16xf32>
        tpu.vector_store %arg15[%swap3A_1299, %swap3A_1300], %swap3A_1303 {strides = array<i32>} : memref<128x128xf32, #tpu.memory_space<vmem>>, vector<1x16xf32>,
        %get3A_1304 = arith.index_cast %add3A_1247 : i32 to index
        %get3A_1305 = arith.constant 64 : index
        %get3A_1306 = tpu.vector_load %arg15[%get3A_1304, %get3A_1305] {strides = array<i32>} : memref<128x128xf32, #tpu.memory_space<vmem>>, vector<1x16xf32>,
        %get3A_1307 = vector.shape_cast %get3A_1306 : vector<1x16xf32> to vector<16xf32>
        %get3A_1308 = arith.index_cast %squeeze3A_1243 : i32 to index
        %get3A_1309 = arith.constant 64 : index
        %get3A_1310 = tpu.vector_load %arg11[%get3A_1308, %get3A_1309] {strides = array<i32>} : memref<32x128xf32, #tpu.memory_space<vmem>>, vector<1x16xf32>,
        %get3A_1311 = vector.shape_cast %get3A_1310 : vector<1x16xf32> to vector<16xf32>
        %mul3A_1312 = arith.mulf %get3A_1307, %get3A_1311 : vector<16xf32>
        %swap3A_1313 = arith.index_cast %add3A_1247 : i32 to index
        %swap3A_1314 = arith.constant 64 : index
        %swap3A_1315 = tpu.vector_load %arg15[%swap3A_1313, %swap3A_1314] {strides = array<i32>} : memref<128x128xf32, #tpu.memory_space<vmem>>, vector<1x16xf32>,
        %swap3A_1316 = vector.shape_cast %swap3A_1315 : vector<1x16xf32> to vector<16xf32>
        %swap3A_1317 = vector.shape_cast %mul3A_1312 : vector<16xf32> to vector<1x16xf32>
        tpu.vector_store %arg15[%swap3A_1313, %swap3A_1314], %swap3A_1317 {strides = array<i32>} : memref<128x128xf32, #tpu.memory_space<vmem>>, vector<1x16xf32>,
        %get3A_1318 = arith.index_cast %add3A_1247 : i32 to index
        %get3A_1319 = arith.constant 80 : index
        %get3A_1320 = tpu.vector_load %arg15[%get3A_1318, %get3A_1319] {strides = array<i32>} : memref<128x128xf32, #tpu.memory_space<vmem>>, vector<1x16xf32>,
        %get3A_1321 = vector.shape_cast %get3A_1320 : vector<1x16xf32> to vector<16xf32>
        %get3A_1322 = arith.index_cast %squeeze3A_1243 : i32 to index
        %get3A_1323 = arith.constant 80 : index
        %get3A_1324 = tpu.vector_load %arg11[%get3A_1322, %get3A_1323] {strides = array<i32>} : memref<32x128xf32, #tpu.memory_space<vmem>>, vector<1x16xf32>,
        %get3A_1325 = vector.shape_cast %get3A_1324 : vector<1x16xf32> to vector<16xf32>
        %mul3A_1326 = arith.mulf %get3A_1321, %get3A_1325 : vector<16xf32>
        %swap3A_1327 = arith.index_cast %add3A_1247 : i32 to index
        %swap3A_1328 = arith.constant 80 : index
        %swap3A_1329 = tpu.vector_load %arg15[%swap3A_1327, %swap3A_1328] {strides = array<i32>} : memref<128x128xf32, #tpu.memory_space<vmem>>, vector<1x16xf32>,
        %swap3A_1330 = vector.shape_cast %swap3A_1329 : vector<1x16xf32> to vector<16xf32>
        %swap3A_1331 = vector.shape_cast %mul3A_1326 : vector<16xf32> to vector<1x16xf32>
        tpu.vector_store %arg15[%swap3A_1327, %swap3A_1328], %swap3A_1331 {strides = array<i32>} : memref<128x128xf32, #tpu.memory_space<vmem>>, vector<1x16xf32>,
        %get3A_1332 = arith.index_cast %add3A_1247 : i32 to index
        %get3A_1333 = arith.constant 96 : index
        %get3A_1334 = tpu.vector_load %arg15[%get3A_1332, %get3A_1333] {strides = array<i32>} : memref<128x128xf32, #tpu.memory_space<vmem>>, vector<1x16xf32>,
        %get3A_1335 = vector.shape_cast %get3A_1334 : vector<1x16xf32> to vector<16xf32>
        %get3A_1336 = arith.index_cast %squeeze3A_1243 : i32 to index
        %get3A_1337 = arith.constant 96 : index
        %get3A_1338 = tpu.vector_load %arg11[%get3A_1336, %get3A_1337] {strides = array<i32>} : memref<32x128xf32, #tpu.memory_space<vmem>>, vector<1x16xf32>,
        %get3A_1339 = vector.shape_cast %get3A_1338 : vector<1x16xf32> to vector<16xf32>
        %mul3A_1340 = arith.mulf %get3A_1335, %get3A_1339 : vector<16xf32>
        %swap3A_1341 = arith.index_cast %add3A_1247 : i32 to index
        %swap3A_1342 = arith.constant 96 : index
        %swap3A_1343 = tpu.vector_load %arg15[%swap3A_1341, %swap3A_1342] {strides = array<i32>} : memref<128x128xf32, #tpu.memory_space<vmem>>, vector<1x16xf32>,
        %swap3A_1344 = vector.shape_cast %swap3A_1343 : vector<1x16xf32> to vector<16xf32>
        %swap3A_1345 = vector.shape_cast %mul3A_1340 : vector<16xf32> to vector<1x16xf32>
        tpu.vector_store %arg15[%swap3A_1341, %swap3A_1342], %swap3A_1345 {strides = array<i32>} : memref<128x128xf32, #tpu.memory_space<vmem>>, vector<1x16xf32>,
        %get3A_1346 = arith.index_cast %add3A_1247 : i32 to index
        %get3A_1347 = arith.constant 112 : index
        %get3A_1348 = tpu.vector_load %arg15[%get3A_1346, %get3A_1347] {strides = array<i32>} : memref<128x128xf32, #tpu.memory_space<vmem>>, vector<1x16xf32>,
        %get3A_1349 = vector.shape_cast %get3A_1348 : vector<1x16xf32> to vector<16xf32>
        %get3A_1350 = arith.index_cast %squeeze3A_1243 : i32 to index
        %get3A_1351 = arith.constant 112 : index
        %get3A_1352 = tpu.vector_load %arg11[%get3A_1350, %get3A_1351] {strides = array<i32>} : memref<32x128xf32, #tpu.memory_space<vmem>>, vector<1x16xf32>,
        %get3A_1353 = vector.shape_cast %get3A_1352 : vector<1x16xf32> to vector<16xf32>
        %mul3A_1354 = arith.mulf %get3A_1349, %get3A_1353 : vector<16xf32>
        %swap3A_1355 = arith.index_cast %add3A_1247 : i32 to index
        %swap3A_1356 = arith.constant 112 : index
        %swap3A_1357 = tpu.vector_load %arg15[%swap3A_1355, %swap3A_1356] {strides = array<i32>} : memref<128x128xf32, #tpu.memory_space<vmem>>, vector<1x16xf32>,
        %swap3A_1358 = vector.shape_cast %swap3A_1357 : vector<1x16xf32> to vector<16xf32>
        %swap3A_1359 = vector.shape_cast %mul3A_1354 : vector<16xf32> to vector<1x16xf32>
        tpu.vector_store %arg15[%swap3A_1355, %swap3A_1356], %swap3A_1359 {strides = array<i32>} : memref<128x128xf32, #tpu.memory_space<vmem>>, vector<1x16xf32>,
        %slice3A_1360 = vector.extract_strided_slice %get3A_64 {offsets = [11], sizes = [1], strides = [1]} : vector<16xi32> to vector<1xi32>
        %squeeze3A_1361 = vector.extract %slice3A_1360[0] : i32 from vector<1xi32>
        %mul3A_1362 = arith.constant 16 : i32
        %mul3A_1363 = arith.muli %scan3A_60, %mul3A_1362 : i32
        %add3A_1364 = arith.constant 11 : i32
        %add3A_1365 = arith.addi %mul3A_1363, %add3A_1364 : i32
        %get3A_1366 = arith.index_cast %add3A_1365 : i32 to index
        %get3A_1367 = arith.constant 0 : index
        %get3A_1368 = tpu.vector_load %arg15[%get3A_1366, %get3A_1367] {strides = array<i32>} : memref<128x128xf32, #tpu.memory_space<vmem>>, vector<1x16xf32>,
        %get3A_1369 = vector.shape_cast %get3A_1368 : vector<1x16xf32> to vector<16xf32>
        %get3A_1370 = arith.index_cast %squeeze3A_1361 : i32 to index
        %get3A_1371 = arith.constant 0 : index
        %get3A_1372 = tpu.vector_load %arg11[%get3A_1370, %get3A_1371] {strides = array<i32>} : memref<32x128xf32, #tpu.memory_space<vmem>>, vector<1x16xf32>,
        %get3A_1373 = vector.shape_cast %get3A_1372 : vector<1x16xf32> to vector<16xf32>
        %mul3A_1374 = arith.mulf %get3A_1369, %get3A_1373 : vector<16xf32>
        %swap3A_1375 = arith.index_cast %add3A_1365 : i32 to index
        %swap3A_1376 = arith.constant 0 : index
        %swap3A_1377 = tpu.vector_load %arg15[%swap3A_1375, %swap3A_1376] {strides = array<i32>} : memref<128x128xf32, #tpu.memory_space<vmem>>, vector<1x16xf32>,
        %swap3A_1378 = vector.shape_cast %swap3A_1377 : vector<1x16xf32> to vector<16xf32>
        %swap3A_1379 = vector.shape_cast %mul3A_1374 : vector<16xf32> to vector<1x16xf32>
        tpu.vector_store %arg15[%swap3A_1375, %swap3A_1376], %swap3A_1379 {strides = array<i32>} : memref<128x128xf32, #tpu.memory_space<vmem>>, vector<1x16xf32>,
        %get3A_1380 = arith.index_cast %add3A_1365 : i32 to index
        %get3A_1381 = arith.constant 16 : index
        %get3A_1382 = tpu.vector_load %arg15[%get3A_1380, %get3A_1381] {strides = array<i32>} : memref<128x128xf32, #tpu.memory_space<vmem>>, vector<1x16xf32>,
        %get3A_1383 = vector.shape_cast %get3A_1382 : vector<1x16xf32> to vector<16xf32>
        %get3A_1384 = arith.index_cast %squeeze3A_1361 : i32 to index
        %get3A_1385 = arith.constant 16 : index
        %get3A_1386 = tpu.vector_load %arg11[%get3A_1384, %get3A_1385] {strides = array<i32>} : memref<32x128xf32, #tpu.memory_space<vmem>>, vector<1x16xf32>,
        %get3A_1387 = vector.shape_cast %get3A_1386 : vector<1x16xf32> to vector<16xf32>
        %mul3A_1388 = arith.mulf %get3A_1383, %get3A_1387 : vector<16xf32>
        %swap3A_1389 = arith.index_cast %add3A_1365 : i32 to index
        %swap3A_1390 = arith.constant 16 : index
        %swap3A_1391 = tpu.vector_load %arg15[%swap3A_1389, %swap3A_1390] {strides = array<i32>} : memref<128x128xf32, #tpu.memory_space<vmem>>, vector<1x16xf32>,
        %swap3A_1392 = vector.shape_cast %swap3A_1391 : vector<1x16xf32> to vector<16xf32>
        %swap3A_1393 = vector.shape_cast %mul3A_1388 : vector<16xf32> to vector<1x16xf32>
        tpu.vector_store %arg15[%swap3A_1389, %swap3A_1390], %swap3A_1393 {strides = array<i32>} : memref<128x128xf32, #tpu.memory_space<vmem>>, vector<1x16xf32>,
        %get3A_1394 = arith.index_cast %add3A_1365 : i32 to index
        %get3A_1395 = arith.constant 32 : index
        %get3A_1396 = tpu.vector_load %arg15[%get3A_1394, %get3A_1395] {strides = array<i32>} : memref<128x128xf32, #tpu.memory_space<vmem>>, vector<1x16xf32>,
        %get3A_1397 = vector.shape_cast %get3A_1396 : vector<1x16xf32> to vector<16xf32>
        %get3A_1398 = arith.index_cast %squeeze3A_1361 : i32 to index
        %get3A_1399 = arith.constant 32 : index
        %get3A_1400 = tpu.vector_load %arg11[%get3A_1398, %get3A_1399] {strides = array<i32>} : memref<32x128xf32, #tpu.memory_space<vmem>>, vector<1x16xf32>,
        %get3A_1401 = vector.shape_cast %get3A_1400 : vector<1x16xf32> to vector<16xf32>
        %mul3A_1402 = arith.mulf %get3A_1397, %get3A_1401 : vector<16xf32>
        %swap3A_1403 = arith.index_cast %add3A_1365 : i32 to index
        %swap3A_1404 = arith.constant 32 : index
        %swap3A_1405 = tpu.vector_load %arg15[%swap3A_1403, %swap3A_1404] {strides = array<i32>} : memref<128x128xf32, #tpu.memory_space<vmem>>, vector<1x16xf32>,
        %swap3A_1406 = vector.shape_cast %swap3A_1405 : vector<1x16xf32> to vector<16xf32>
        %swap3A_1407 = vector.shape_cast %mul3A_1402 : vector<16xf32> to vector<1x16xf32>
        tpu.vector_store %arg15[%swap3A_1403, %swap3A_1404], %swap3A_1407 {strides = array<i32>} : memref<128x128xf32, #tpu.memory_space<vmem>>, vector<1x16xf32>,
        %get3A_1408 = arith.index_cast %add3A_1365 : i32 to index
        %get3A_1409 = arith.constant 48 : index
        %get3A_1410 = tpu.vector_load %arg15[%get3A_1408, %get3A_1409] {strides = array<i32>} : memref<128x128xf32, #tpu.memory_space<vmem>>, vector<1x16xf32>,
        %get3A_1411 = vector.shape_cast %get3A_1410 : vector<1x16xf32> to vector<16xf32>
        %get3A_1412 = arith.index_cast %squeeze3A_1361 : i32 to index
        %get3A_1413 = arith.constant 48 : index
        %get3A_1414 = tpu.vector_load %arg11[%get3A_1412, %get3A_1413] {strides = array<i32>} : memref<32x128xf32, #tpu.memory_space<vmem>>, vector<1x16xf32>,
        %get3A_1415 = vector.shape_cast %get3A_1414 : vector<1x16xf32> to vector<16xf32>
        %mul3A_1416 = arith.mulf %get3A_1411, %get3A_1415 : vector<16xf32>
        %swap3A_1417 = arith.index_cast %add3A_1365 : i32 to index
        %swap3A_1418 = arith.constant 48 : index
        %swap3A_1419 = tpu.vector_load %arg15[%swap3A_1417, %swap3A_1418] {strides = array<i32>} : memref<128x128xf32, #tpu.memory_space<vmem>>, vector<1x16xf32>,
        %swap3A_1420 = vector.shape_cast %swap3A_1419 : vector<1x16xf32> to vector<16xf32>
        %swap3A_1421 = vector.shape_cast %mul3A_1416 : vector<16xf32> to vector<1x16xf32>
        tpu.vector_store %arg15[%swap3A_1417, %swap3A_1418], %swap3A_1421 {strides = array<i32>} : memref<128x128xf32, #tpu.memory_space<vmem>>, vector<1x16xf32>,
        %get3A_1422 = arith.index_cast %add3A_1365 : i32 to index
        %get3A_1423 = arith.constant 64 : index
        %get3A_1424 = tpu.vector_load %arg15[%get3A_1422, %get3A_1423] {strides = array<i32>} : memref<128x128xf32, #tpu.memory_space<vmem>>, vector<1x16xf32>,
        %get3A_1425 = vector.shape_cast %get3A_1424 : vector<1x16xf32> to vector<16xf32>
        %get3A_1426 = arith.index_cast %squeeze3A_1361 : i32 to index
        %get3A_1427 = arith.constant 64 : index
        %get3A_1428 = tpu.vector_load %arg11[%get3A_1426, %get3A_1427] {strides = array<i32>} : memref<32x128xf32, #tpu.memory_space<vmem>>, vector<1x16xf32>,
        %get3A_1429 = vector.shape_cast %get3A_1428 : vector<1x16xf32> to vector<16xf32>
        %mul3A_1430 = arith.mulf %get3A_1425, %get3A_1429 : vector<16xf32>
        %swap3A_1431 = arith.index_cast %add3A_1365 : i32 to index
        %swap3A_1432 = arith.constant 64 : index
        %swap3A_1433 = tpu.vector_load %arg15[%swap3A_1431, %swap3A_1432] {strides = array<i32>} : memref<128x128xf32, #tpu.memory_space<vmem>>, vector<1x16xf32>,
        %swap3A_1434 = vector.shape_cast %swap3A_1433 : vector<1x16xf32> to vector<16xf32>
        %swap3A_1435 = vector.shape_cast %mul3A_1430 : vector<16xf32> to vector<1x16xf32>
        tpu.vector_store %arg15[%swap3A_1431, %swap3A_1432], %swap3A_1435 {strides = array<i32>} : memref<128x128xf32, #tpu.memory_space<vmem>>, vector<1x16xf32>,
        %get3A_1436 = arith.index_cast %add3A_1365 : i32 to index
        %get3A_1437 = arith.constant 80 : index
        %get3A_1438 = tpu.vector_load %arg15[%get3A_1436, %get3A_1437] {strides = array<i32>} : memref<128x128xf32, #tpu.memory_space<vmem>>, vector<1x16xf32>,
        %get3A_1439 = vector.shape_cast %get3A_1438 : vector<1x16xf32> to vector<16xf32>
        %get3A_1440 = arith.index_cast %squeeze3A_1361 : i32 to index
        %get3A_1441 = arith.constant 80 : index
        %get3A_1442 = tpu.vector_load %arg11[%get3A_1440, %get3A_1441] {strides = array<i32>} : memref<32x128xf32, #tpu.memory_space<vmem>>, vector<1x16xf32>,
        %get3A_1443 = vector.shape_cast %get3A_1442 : vector<1x16xf32> to vector<16xf32>
        %mul3A_1444 = arith.mulf %get3A_1439, %get3A_1443 : vector<16xf32>
        %swap3A_1445 = arith.index_cast %add3A_1365 : i32 to index
        %swap3A_1446 = arith.constant 80 : index
        %swap3A_1447 = tpu.vector_load %arg15[%swap3A_1445, %swap3A_1446] {strides = array<i32>} : memref<128x128xf32, #tpu.memory_space<vmem>>, vector<1x16xf32>,
        %swap3A_1448 = vector.shape_cast %swap3A_1447 : vector<1x16xf32> to vector<16xf32>
        %swap3A_1449 = vector.shape_cast %mul3A_1444 : vector<16xf32> to vector<1x16xf32>
        tpu.vector_store %arg15[%swap3A_1445, %swap3A_1446], %swap3A_1449 {strides = array<i32>} : memref<128x128xf32, #tpu.memory_space<vmem>>, vector<1x16xf32>,
        %get3A_1450 = arith.index_cast %add3A_1365 : i32 to index
        %get3A_1451 = arith.constant 96 : index
        %get3A_1452 = tpu.vector_load %arg15[%get3A_1450, %get3A_1451] {strides = array<i32>} : memref<128x128xf32, #tpu.memory_space<vmem>>, vector<1x16xf32>,
        %get3A_1453 = vector.shape_cast %get3A_1452 : vector<1x16xf32> to vector<16xf32>
        %get3A_1454 = arith.index_cast %squeeze3A_1361 : i32 to index
        %get3A_1455 = arith.constant 96 : index
        %get3A_1456 = tpu.vector_load %arg11[%get3A_1454, %get3A_1455] {strides = array<i32>} : memref<32x128xf32, #tpu.memory_space<vmem>>, vector<1x16xf32>,
        %get3A_1457 = vector.shape_cast %get3A_1456 : vector<1x16xf32> to vector<16xf32>
        %mul3A_1458 = arith.mulf %get3A_1453, %get3A_1457 : vector<16xf32>
        %swap3A_1459 = arith.index_cast %add3A_1365 : i32 to index
        %swap3A_1460 = arith.constant 96 : index
        %swap3A_1461 = tpu.vector_load %arg15[%swap3A_1459, %swap3A_1460] {strides = array<i32>} : memref<128x128xf32, #tpu.memory_space<vmem>>, vector<1x16xf32>,
        %swap3A_1462 = vector.shape_cast %swap3A_1461 : vector<1x16xf32> to vector<16xf32>
        %swap3A_1463 = vector.shape_cast %mul3A_1458 : vector<16xf32> to vector<1x16xf32>
        tpu.vector_store %arg15[%swap3A_1459, %swap3A_1460], %swap3A_1463 {strides = array<i32>} : memref<128x128xf32, #tpu.memory_space<vmem>>, vector<1x16xf32>,
        %get3A_1464 = arith.index_cast %add3A_1365 : i32 to index
        %get3A_1465 = arith.constant 112 : index
        %get3A_1466 = tpu.vector_load %arg15[%get3A_1464, %get3A_1465] {strides = array<i32>} : memref<128x128xf32, #tpu.memory_space<vmem>>, vector<1x16xf32>,
        %get3A_1467 = vector.shape_cast %get3A_1466 : vector<1x16xf32> to vector<16xf32>
        %get3A_1468 = arith.index_cast %squeeze3A_1361 : i32 to index
        %get3A_1469 = arith.constant 112 : index
        %get3A_1470 = tpu.vector_load %arg11[%get3A_1468, %get3A_1469] {strides = array<i32>} : memref<32x128xf32, #tpu.memory_space<vmem>>, vector<1x16xf32>,
        %get3A_1471 = vector.shape_cast %get3A_1470 : vector<1x16xf32> to vector<16xf32>
        %mul3A_1472 = arith.mulf %get3A_1467, %get3A_1471 : vector<16xf32>
        %swap3A_1473 = arith.index_cast %add3A_1365 : i32 to index
        %swap3A_1474 = arith.constant 112 : index
        %swap3A_1475 = tpu.vector_load %arg15[%swap3A_1473, %swap3A_1474] {strides = array<i32>} : memref<128x128xf32, #tpu.memory_space<vmem>>, vector<1x16xf32>,
        %swap3A_1476 = vector.shape_cast %swap3A_1475 : vector<1x16xf32> to vector<16xf32>
        %swap3A_1477 = vector.shape_cast %mul3A_1472 : vector<16xf32> to vector<1x16xf32>
        tpu.vector_store %arg15[%swap3A_1473, %swap3A_1474], %swap3A_1477 {strides = array<i32>} : memref<128x128xf32, #tpu.memory_space<vmem>>, vector<1x16xf32>,
        %slice3A_1478 = vector.extract_strided_slice %get3A_64 {offsets = [12], sizes = [1], strides = [1]} : vector<16xi32> to vector<1xi32>
        %squeeze3A_1479 = vector.extract %slice3A_1478[0] : i32 from vector<1xi32>
        %mul3A_1480 = arith.constant 16 : i32
        %mul3A_1481 = arith.muli %scan3A_60, %mul3A_1480 : i32
        %add3A_1482 = arith.constant 12 : i32
        %add3A_1483 = arith.addi %mul3A_1481, %add3A_1482 : i32
        %get3A_1484 = arith.index_cast %add3A_1483 : i32 to index
        %get3A_1485 = arith.constant 0 : index
        %get3A_1486 = tpu.vector_load %arg15[%get3A_1484, %get3A_1485] {strides = array<i32>} : memref<128x128xf32, #tpu.memory_space<vmem>>, vector<1x16xf32>,
        %get3A_1487 = vector.shape_cast %get3A_1486 : vector<1x16xf32> to vector<16xf32>
        %get3A_1488 = arith.index_cast %squeeze3A_1479 : i32 to index
        %get3A_1489 = arith.constant 0 : index
        %get3A_1490 = tpu.vector_load %arg11[%get3A_1488, %get3A_1489] {strides = array<i32>} : memref<32x128xf32, #tpu.memory_space<vmem>>, vector<1x16xf32>,
        %get3A_1491 = vector.shape_cast %get3A_1490 : vector<1x16xf32> to vector<16xf32>
        %mul3A_1492 = arith.mulf %get3A_1487, %get3A_1491 : vector<16xf32>
        %swap3A_1493 = arith.index_cast %add3A_1483 : i32 to index
        %swap3A_1494 = arith.constant 0 : index
        %swap3A_1495 = tpu.vector_load %arg15[%swap3A_1493, %swap3A_1494] {strides = array<i32>} : memref<128x128xf32, #tpu.memory_space<vmem>>, vector<1x16xf32>,
        %swap3A_1496 = vector.shape_cast %swap3A_1495 : vector<1x16xf32> to vector<16xf32>
        %swap3A_1497 = vector.shape_cast %mul3A_1492 : vector<16xf32> to vector<1x16xf32>
        tpu.vector_store %arg15[%swap3A_1493, %swap3A_1494], %swap3A_1497 {strides = array<i32>} : memref<128x128xf32, #tpu.memory_space<vmem>>, vector<1x16xf32>,
        %get3A_1498 = arith.index_cast %add3A_1483 : i32 to index
        %get3A_1499 = arith.constant 16 : index
        %get3A_1500 = tpu.vector_load %arg15[%get3A_1498, %get3A_1499] {strides = array<i32>} : memref<128x128xf32, #tpu.memory_space<vmem>>, vector<1x16xf32>,
        %get3A_1501 = vector.shape_cast %get3A_1500 : vector<1x16xf32> to vector<16xf32>
        %get3A_1502 = arith.index_cast %squeeze3A_1479 : i32 to index
        %get3A_1503 = arith.constant 16 : index
        %get3A_1504 = tpu.vector_load %arg11[%get3A_1502, %get3A_1503] {strides = array<i32>} : memref<32x128xf32, #tpu.memory_space<vmem>>, vector<1x16xf32>,
        %get3A_1505 = vector.shape_cast %get3A_1504 : vector<1x16xf32> to vector<16xf32>
        %mul3A_1506 = arith.mulf %get3A_1501, %get3A_1505 : vector<16xf32>
        %swap3A_1507 = arith.index_cast %add3A_1483 : i32 to index
        %swap3A_1508 = arith.constant 16 : index
        %swap3A_1509 = tpu.vector_load %arg15[%swap3A_1507, %swap3A_1508] {strides = array<i32>} : memref<128x128xf32, #tpu.memory_space<vmem>>, vector<1x16xf32>,
        %swap3A_1510 = vector.shape_cast %swap3A_1509 : vector<1x16xf32> to vector<16xf32>
        %swap3A_1511 = vector.shape_cast %mul3A_1506 : vector<16xf32> to vector<1x16xf32>
        tpu.vector_store %arg15[%swap3A_1507, %swap3A_1508], %swap3A_1511 {strides = array<i32>} : memref<128x128xf32, #tpu.memory_space<vmem>>, vector<1x16xf32>,
        %get3A_1512 = arith.index_cast %add3A_1483 : i32 to index
        %get3A_1513 = arith.constant 32 : index
        %get3A_1514 = tpu.vector_load %arg15[%get3A_1512, %get3A_1513] {strides = array<i32>} : memref<128x128xf32, #tpu.memory_space<vmem>>, vector<1x16xf32>,
        %get3A_1515 = vector.shape_cast %get3A_1514 : vector<1x16xf32> to vector<16xf32>
        %get3A_1516 = arith.index_cast %squeeze3A_1479 : i32 to index
        %get3A_1517 = arith.constant 32 : index
        %get3A_1518 = tpu.vector_load %arg11[%get3A_1516, %get3A_1517] {strides = array<i32>} : memref<32x128xf32, #tpu.memory_space<vmem>>, vector<1x16xf32>,
        %get3A_1519 = vector.shape_cast %get3A_1518 : vector<1x16xf32> to vector<16xf32>
        %mul3A_1520 = arith.mulf %get3A_1515, %get3A_1519 : vector<16xf32>
        %swap3A_1521 = arith.index_cast %add3A_1483 : i32 to index
        %swap3A_1522 = arith.constant 32 : index
        %swap3A_1523 = tpu.vector_load %arg15[%swap3A_1521, %swap3A_1522] {strides = array<i32>} : memref<128x128xf32, #tpu.memory_space<vmem>>, vector<1x16xf32>,
        %swap3A_1524 = vector.shape_cast %swap3A_1523 : vector<1x16xf32> to vector<16xf32>
        %swap3A_1525 = vector.shape_cast %mul3A_1520 : vector<16xf32> to vector<1x16xf32>
        tpu.vector_store %arg15[%swap3A_1521, %swap3A_1522], %swap3A_1525 {strides = array<i32>} : memref<128x128xf32, #tpu.memory_space<vmem>>, vector<1x16xf32>,
        %get3A_1526 = arith.index_cast %add3A_1483 : i32 to index
        %get3A_1527 = arith.constant 48 : index
        %get3A_1528 = tpu.vector_load %arg15[%get3A_1526, %get3A_1527] {strides = array<i32>} : memref<128x128xf32, #tpu.memory_space<vmem>>, vector<1x16xf32>,
        %get3A_1529 = vector.shape_cast %get3A_1528 : vector<1x16xf32> to vector<16xf32>
        %get3A_1530 = arith.index_cast %squeeze3A_1479 : i32 to index
        %get3A_1531 = arith.constant 48 : index
        %get3A_1532 = tpu.vector_load %arg11[%get3A_1530, %get3A_1531] {strides = array<i32>} : memref<32x128xf32, #tpu.memory_space<vmem>>, vector<1x16xf32>,
        %get3A_1533 = vector.shape_cast %get3A_1532 : vector<1x16xf32> to vector<16xf32>
        %mul3A_1534 = arith.mulf %get3A_1529, %get3A_1533 : vector<16xf32>
        %swap3A_1535 = arith.index_cast %add3A_1483 : i32 to index
        %swap3A_1536 = arith.constant 48 : index
        %swap3A_1537 = tpu.vector_load %arg15[%swap3A_1535, %swap3A_1536] {strides = array<i32>} : memref<128x128xf32, #tpu.memory_space<vmem>>, vector<1x16xf32>,
        %swap3A_1538 = vector.shape_cast %swap3A_1537 : vector<1x16xf32> to vector<16xf32>
        %swap3A_1539 = vector.shape_cast %mul3A_1534 : vector<16xf32> to vector<1x16xf32>
        tpu.vector_store %arg15[%swap3A_1535, %swap3A_1536], %swap3A_1539 {strides = array<i32>} : memref<128x128xf32, #tpu.memory_space<vmem>>, vector<1x16xf32>,
        %get3A_1540 = arith.index_cast %add3A_1483 : i32 to index
        %get3A_1541 = arith.constant 64 : index
        %get3A_1542 = tpu.vector_load %arg15[%get3A_1540, %get3A_1541] {strides = array<i32>} : memref<128x128xf32, #tpu.memory_space<vmem>>, vector<1x16xf32>,
        %get3A_1543 = vector.shape_cast %get3A_1542 : vector<1x16xf32> to vector<16xf32>
        %get3A_1544 = arith.index_cast %squeeze3A_1479 : i32 to index
        %get3A_1545 = arith.constant 64 : index
        %get3A_1546 = tpu.vector_load %arg11[%get3A_1544, %get3A_1545] {strides = array<i32>} : memref<32x128xf32, #tpu.memory_space<vmem>>, vector<1x16xf32>,
        %get3A_1547 = vector.shape_cast %get3A_1546 : vector<1x16xf32> to vector<16xf32>
        %mul3A_1548 = arith.mulf %get3A_1543, %get3A_1547 : vector<16xf32>
        %swap3A_1549 = arith.index_cast %add3A_1483 : i32 to index
        %swap3A_1550 = arith.constant 64 : index
        %swap3A_1551 = tpu.vector_load %arg15[%swap3A_1549, %swap3A_1550] {strides = array<i32>} : memref<128x128xf32, #tpu.memory_space<vmem>>, vector<1x16xf32>,
        %swap3A_1552 = vector.shape_cast %swap3A_1551 : vector<1x16xf32> to vector<16xf32>
        %swap3A_1553 = vector.shape_cast %mul3A_1548 : vector<16xf32> to vector<1x16xf32>
        tpu.vector_store %arg15[%swap3A_1549, %swap3A_1550], %swap3A_1553 {strides = array<i32>} : memref<128x128xf32, #tpu.memory_space<vmem>>, vector<1x16xf32>,
        %get3A_1554 = arith.index_cast %add3A_1483 : i32 to index
        %get3A_1555 = arith.constant 80 : index
        %get3A_1556 = tpu.vector_load %arg15[%get3A_1554, %get3A_1555] {strides = array<i32>} : memref<128x128xf32, #tpu.memory_space<vmem>>, vector<1x16xf32>,
        %get3A_1557 = vector.shape_cast %get3A_1556 : vector<1x16xf32> to vector<16xf32>
        %get3A_1558 = arith.index_cast %squeeze3A_1479 : i32 to index
        %get3A_1559 = arith.constant 80 : index
        %get3A_1560 = tpu.vector_load %arg11[%get3A_1558, %get3A_1559] {strides = array<i32>} : memref<32x128xf32, #tpu.memory_space<vmem>>, vector<1x16xf32>,
        %get3A_1561 = vector.shape_cast %get3A_1560 : vector<1x16xf32> to vector<16xf32>
        %mul3A_1562 = arith.mulf %get3A_1557, %get3A_1561 : vector<16xf32>
        %swap3A_1563 = arith.index_cast %add3A_1483 : i32 to index
        %swap3A_1564 = arith.constant 80 : index
        %swap3A_1565 = tpu.vector_load %arg15[%swap3A_1563, %swap3A_1564] {strides = array<i32>} : memref<128x128xf32, #tpu.memory_space<vmem>>, vector<1x16xf32>,
        %swap3A_1566 = vector.shape_cast %swap3A_1565 : vector<1x16xf32> to vector<16xf32>
        %swap3A_1567 = vector.shape_cast %mul3A_1562 : vector<16xf32> to vector<1x16xf32>
        tpu.vector_store %arg15[%swap3A_1563, %swap3A_1564], %swap3A_1567 {strides = array<i32>} : memref<128x128xf32, #tpu.memory_space<vmem>>, vector<1x16xf32>,
        %get3A_1568 = arith.index_cast %add3A_1483 : i32 to index
        %get3A_1569 = arith.constant 96 : index
        %get3A_1570 = tpu.vector_load %arg15[%get3A_1568, %get3A_1569] {strides = array<i32>} : memref<128x128xf32, #tpu.memory_space<vmem>>, vector<1x16xf32>,
        %get3A_1571 = vector.shape_cast %get3A_1570 : vector<1x16xf32> to vector<16xf32>
        %get3A_1572 = arith.index_cast %squeeze3A_1479 : i32 to index
        %get3A_1573 = arith.constant 96 : index
        %get3A_1574 = tpu.vector_load %arg11[%get3A_1572, %get3A_1573] {strides = array<i32>} : memref<32x128xf32, #tpu.memory_space<vmem>>, vector<1x16xf32>,
        %get3A_1575 = vector.shape_cast %get3A_1574 : vector<1x16xf32> to vector<16xf32>
        %mul3A_1576 = arith.mulf %get3A_1571, %get3A_1575 : vector<16xf32>
        %swap3A_1577 = arith.index_cast %add3A_1483 : i32 to index
        %swap3A_1578 = arith.constant 96 : index
        %swap3A_1579 = tpu.vector_load %arg15[%swap3A_1577, %swap3A_1578] {strides = array<i32>} : memref<128x128xf32, #tpu.memory_space<vmem>>, vector<1x16xf32>,
        %swap3A_1580 = vector.shape_cast %swap3A_1579 : vector<1x16xf32> to vector<16xf32>
        %swap3A_1581 = vector.shape_cast %mul3A_1576 : vector<16xf32> to vector<1x16xf32>
        tpu.vector_store %arg15[%swap3A_1577, %swap3A_1578], %swap3A_1581 {strides = array<i32>} : memref<128x128xf32, #tpu.memory_space<vmem>>, vector<1x16xf32>,
        %get3A_1582 = arith.index_cast %add3A_1483 : i32 to index
        %get3A_1583 = arith.constant 112 : index
        %get3A_1584 = tpu.vector_load %arg15[%get3A_1582, %get3A_1583] {strides = array<i32>} : memref<128x128xf32, #tpu.memory_space<vmem>>, vector<1x16xf32>,
        %get3A_1585 = vector.shape_cast %get3A_1584 : vector<1x16xf32> to vector<16xf32>
        %get3A_1586 = arith.index_cast %squeeze3A_1479 : i32 to index
        %get3A_1587 = arith.constant 112 : index
        %get3A_1588 = tpu.vector_load %arg11[%get3A_1586, %get3A_1587] {strides = array<i32>} : memref<32x128xf32, #tpu.memory_space<vmem>>, vector<1x16xf32>,
        %get3A_1589 = vector.shape_cast %get3A_1588 : vector<1x16xf32> to vector<16xf32>
        %mul3A_1590 = arith.mulf %get3A_1585, %get3A_1589 : vector<16xf32>
        %swap3A_1591 = arith.index_cast %add3A_1483 : i32 to index
        %swap3A_1592 = arith.constant 112 : index
        %swap3A_1593 = tpu.vector_load %arg15[%swap3A_1591, %swap3A_1592] {strides = array<i32>} : memref<128x128xf32, #tpu.memory_space<vmem>>, vector<1x16xf32>,
        %swap3A_1594 = vector.shape_cast %swap3A_1593 : vector<1x16xf32> to vector<16xf32>
        %swap3A_1595 = vector.shape_cast %mul3A_1590 : vector<16xf32> to vector<1x16xf32>
        tpu.vector_store %arg15[%swap3A_1591, %swap3A_1592], %swap3A_1595 {strides = array<i32>} : memref<128x128xf32, #tpu.memory_space<vmem>>, vector<1x16xf32>,
        %slice3A_1596 = vector.extract_strided_slice %get3A_64 {offsets = [13], sizes = [1], strides = [1]} : vector<16xi32> to vector<1xi32>
        %squeeze3A_1597 = vector.extract %slice3A_1596[0] : i32 from vector<1xi32>
        %mul3A_1598 = arith.constant 16 : i32
        %mul3A_1599 = arith.muli %scan3A_60, %mul3A_1598 : i32
        %add3A_1600 = arith.constant 13 : i32
        %add3A_1601 = arith.addi %mul3A_1599, %add3A_1600 : i32
        %get3A_1602 = arith.index_cast %add3A_1601 : i32 to index
        %get3A_1603 = arith.constant 0 : index
        %get3A_1604 = tpu.vector_load %arg15[%get3A_1602, %get3A_1603] {strides = array<i32>} : memref<128x128xf32, #tpu.memory_space<vmem>>, vector<1x16xf32>,
        %get3A_1605 = vector.shape_cast %get3A_1604 : vector<1x16xf32> to vector<16xf32>
        %get3A_1606 = arith.index_cast %squeeze3A_1597 : i32 to index
        %get3A_1607 = arith.constant 0 : index
        %get3A_1608 = tpu.vector_load %arg11[%get3A_1606, %get3A_1607] {strides = array<i32>} : memref<32x128xf32, #tpu.memory_space<vmem>>, vector<1x16xf32>,
        %get3A_1609 = vector.shape_cast %get3A_1608 : vector<1x16xf32> to vector<16xf32>
        %mul3A_1610 = arith.mulf %get3A_1605, %get3A_1609 : vector<16xf32>
        %swap3A_1611 = arith.index_cast %add3A_1601 : i32 to index
        %swap3A_1612 = arith.constant 0 : index
        %swap3A_1613 = tpu.vector_load %arg15[%swap3A_1611, %swap3A_1612] {strides = array<i32>} : memref<128x128xf32, #tpu.memory_space<vmem>>, vector<1x16xf32>,
        %swap3A_1614 = vector.shape_cast %swap3A_1613 : vector<1x16xf32> to vector<16xf32>
        %swap3A_1615 = vector.shape_cast %mul3A_1610 : vector<16xf32> to vector<1x16xf32>
        tpu.vector_store %arg15[%swap3A_1611, %swap3A_1612], %swap3A_1615 {strides = array<i32>} : memref<128x128xf32, #tpu.memory_space<vmem>>, vector<1x16xf32>,
        %get3A_1616 = arith.index_cast %add3A_1601 : i32 to index
        %get3A_1617 = arith.constant 16 : index
        %get3A_1618 = tpu.vector_load %arg15[%get3A_1616, %get3A_1617] {strides = array<i32>} : memref<128x128xf32, #tpu.memory_space<vmem>>, vector<1x16xf32>,
        %get3A_1619 = vector.shape_cast %get3A_1618 : vector<1x16xf32> to vector<16xf32>
        %get3A_1620 = arith.index_cast %squeeze3A_1597 : i32 to index
        %get3A_1621 = arith.constant 16 : index
        %get3A_1622 = tpu.vector_load %arg11[%get3A_1620, %get3A_1621] {strides = array<i32>} : memref<32x128xf32, #tpu.memory_space<vmem>>, vector<1x16xf32>,
        %get3A_1623 = vector.shape_cast %get3A_1622 : vector<1x16xf32> to vector<16xf32>
        %mul3A_1624 = arith.mulf %get3A_1619, %get3A_1623 : vector<16xf32>
        %swap3A_1625 = arith.index_cast %add3A_1601 : i32 to index
        %swap3A_1626 = arith.constant 16 : index
        %swap3A_1627 = tpu.vector_load %arg15[%swap3A_1625, %swap3A_1626] {strides = array<i32>} : memref<128x128xf32, #tpu.memory_space<vmem>>, vector<1x16xf32>,
        %swap3A_1628 = vector.shape_cast %swap3A_1627 : vector<1x16xf32> to vector<16xf32>
        %swap3A_1629 = vector.shape_cast %mul3A_1624 : vector<16xf32> to vector<1x16xf32>
        tpu.vector_store %arg15[%swap3A_1625, %swap3A_1626], %swap3A_1629 {strides = array<i32>} : memref<128x128xf32, #tpu.memory_space<vmem>>, vector<1x16xf32>,
        %get3A_1630 = arith.index_cast %add3A_1601 : i32 to index
        %get3A_1631 = arith.constant 32 : index
        %get3A_1632 = tpu.vector_load %arg15[%get3A_1630, %get3A_1631] {strides = array<i32>} : memref<128x128xf32, #tpu.memory_space<vmem>>, vector<1x16xf32>,
        %get3A_1633 = vector.shape_cast %get3A_1632 : vector<1x16xf32> to vector<16xf32>
        %get3A_1634 = arith.index_cast %squeeze3A_1597 : i32 to index
        %get3A_1635 = arith.constant 32 : index
        %get3A_1636 = tpu.vector_load %arg11[%get3A_1634, %get3A_1635] {strides = array<i32>} : memref<32x128xf32, #tpu.memory_space<vmem>>, vector<1x16xf32>,
        %get3A_1637 = vector.shape_cast %get3A_1636 : vector<1x16xf32> to vector<16xf32>
        %mul3A_1638 = arith.mulf %get3A_1633, %get3A_1637 : vector<16xf32>
        %swap3A_1639 = arith.index_cast %add3A_1601 : i32 to index
        %swap3A_1640 = arith.constant 32 : index
        %swap3A_1641 = tpu.vector_load %arg15[%swap3A_1639, %swap3A_1640] {strides = array<i32>} : memref<128x128xf32, #tpu.memory_space<vmem>>, vector<1x16xf32>,
        %swap3A_1642 = vector.shape_cast %swap3A_1641 : vector<1x16xf32> to vector<16xf32>
        %swap3A_1643 = vector.shape_cast %mul3A_1638 : vector<16xf32> to vector<1x16xf32>
        tpu.vector_store %arg15[%swap3A_1639, %swap3A_1640], %swap3A_1643 {strides = array<i32>} : memref<128x128xf32, #tpu.memory_space<vmem>>, vector<1x16xf32>,
        %get3A_1644 = arith.index_cast %add3A_1601 : i32 to index
        %get3A_1645 = arith.constant 48 : index
        %get3A_1646 = tpu.vector_load %arg15[%get3A_1644, %get3A_1645] {strides = array<i32>} : memref<128x128xf32, #tpu.memory_space<vmem>>, vector<1x16xf32>,
        %get3A_1647 = vector.shape_cast %get3A_1646 : vector<1x16xf32> to vector<16xf32>
        %get3A_1648 = arith.index_cast %squeeze3A_1597 : i32 to index
        %get3A_1649 = arith.constant 48 : index
        %get3A_1650 = tpu.vector_load %arg11[%get3A_1648, %get3A_1649] {strides = array<i32>} : memref<32x128xf32, #tpu.memory_space<vmem>>, vector<1x16xf32>,
        %get3A_1651 = vector.shape_cast %get3A_1650 : vector<1x16xf32> to vector<16xf32>
        %mul3A_1652 = arith.mulf %get3A_1647, %get3A_1651 : vector<16xf32>
        %swap3A_1653 = arith.index_cast %add3A_1601 : i32 to index
        %swap3A_1654 = arith.constant 48 : index
        %swap3A_1655 = tpu.vector_load %arg15[%swap3A_1653, %swap3A_1654] {strides = array<i32>} : memref<128x128xf32, #tpu.memory_space<vmem>>, vector<1x16xf32>,
        %swap3A_1656 = vector.shape_cast %swap3A_1655 : vector<1x16xf32> to vector<16xf32>
        %swap3A_1657 = vector.shape_cast %mul3A_1652 : vector<16xf32> to vector<1x16xf32>
        tpu.vector_store %arg15[%swap3A_1653, %swap3A_1654], %swap3A_1657 {strides = array<i32>} : memref<128x128xf32, #tpu.memory_space<vmem>>, vector<1x16xf32>,
        %get3A_1658 = arith.index_cast %add3A_1601 : i32 to index
        %get3A_1659 = arith.constant 64 : index
        %get3A_1660 = tpu.vector_load %arg15[%get3A_1658, %get3A_1659] {strides = array<i32>} : memref<128x128xf32, #tpu.memory_space<vmem>>, vector<1x16xf32>,
        %get3A_1661 = vector.shape_cast %get3A_1660 : vector<1x16xf32> to vector<16xf32>
        %get3A_1662 = arith.index_cast %squeeze3A_1597 : i32 to index
        %get3A_1663 = arith.constant 64 : index
        %get3A_1664 = tpu.vector_load %arg11[%get3A_1662, %get3A_1663] {strides = array<i32>} : memref<32x128xf32, #tpu.memory_space<vmem>>, vector<1x16xf32>,
        %get3A_1665 = vector.shape_cast %get3A_1664 : vector<1x16xf32> to vector<16xf32>
        %mul3A_1666 = arith.mulf %get3A_1661, %get3A_1665 : vector<16xf32>
        %swap3A_1667 = arith.index_cast %add3A_1601 : i32 to index
        %swap3A_1668 = arith.constant 64 : index
        %swap3A_1669 = tpu.vector_load %arg15[%swap3A_1667, %swap3A_1668] {strides = array<i32>} : memref<128x128xf32, #tpu.memory_space<vmem>>, vector<1x16xf32>,
        %swap3A_1670 = vector.shape_cast %swap3A_1669 : vector<1x16xf32> to vector<16xf32>
        %swap3A_1671 = vector.shape_cast %mul3A_1666 : vector<16xf32> to vector<1x16xf32>
        tpu.vector_store %arg15[%swap3A_1667, %swap3A_1668], %swap3A_1671 {strides = array<i32>} : memref<128x128xf32, #tpu.memory_space<vmem>>, vector<1x16xf32>,
        %get3A_1672 = arith.index_cast %add3A_1601 : i32 to index
        %get3A_1673 = arith.constant 80 : index
        %get3A_1674 = tpu.vector_load %arg15[%get3A_1672, %get3A_1673] {strides = array<i32>} : memref<128x128xf32, #tpu.memory_space<vmem>>, vector<1x16xf32>,
        %get3A_1675 = vector.shape_cast %get3A_1674 : vector<1x16xf32> to vector<16xf32>
        %get3A_1676 = arith.index_cast %squeeze3A_1597 : i32 to index
        %get3A_1677 = arith.constant 80 : index
        %get3A_1678 = tpu.vector_load %arg11[%get3A_1676, %get3A_1677] {strides = array<i32>} : memref<32x128xf32, #tpu.memory_space<vmem>>, vector<1x16xf32>,
        %get3A_1679 = vector.shape_cast %get3A_1678 : vector<1x16xf32> to vector<16xf32>
        %mul3A_1680 = arith.mulf %get3A_1675, %get3A_1679 : vector<16xf32>
        %swap3A_1681 = arith.index_cast %add3A_1601 : i32 to index
        %swap3A_1682 = arith.constant 80 : index
        %swap3A_1683 = tpu.vector_load %arg15[%swap3A_1681, %swap3A_1682] {strides = array<i32>} : memref<128x128xf32, #tpu.memory_space<vmem>>, vector<1x16xf32>,
        %swap3A_1684 = vector.shape_cast %swap3A_1683 : vector<1x16xf32> to vector<16xf32>
        %swap3A_1685 = vector.shape_cast %mul3A_1680 : vector<16xf32> to vector<1x16xf32>
        tpu.vector_store %arg15[%swap3A_1681, %swap3A_1682], %swap3A_1685 {strides = array<i32>} : memref<128x128xf32, #tpu.memory_space<vmem>>, vector<1x16xf32>,
        %get3A_1686 = arith.index_cast %add3A_1601 : i32 to index
        %get3A_1687 = arith.constant 96 : index
        %get3A_1688 = tpu.vector_load %arg15[%get3A_1686, %get3A_1687] {strides = array<i32>} : memref<128x128xf32, #tpu.memory_space<vmem>>, vector<1x16xf32>,
        %get3A_1689 = vector.shape_cast %get3A_1688 : vector<1x16xf32> to vector<16xf32>
        %get3A_1690 = arith.index_cast %squeeze3A_1597 : i32 to index
        %get3A_1691 = arith.constant 96 : index
        %get3A_1692 = tpu.vector_load %arg11[%get3A_1690, %get3A_1691] {strides = array<i32>} : memref<32x128xf32, #tpu.memory_space<vmem>>, vector<1x16xf32>,
        %get3A_1693 = vector.shape_cast %get3A_1692 : vector<1x16xf32> to vector<16xf32>
        %mul3A_1694 = arith.mulf %get3A_1689, %get3A_1693 : vector<16xf32>
        %swap3A_1695 = arith.index_cast %add3A_1601 : i32 to index
        %swap3A_1696 = arith.constant 96 : index
        %swap3A_1697 = tpu.vector_load %arg15[%swap3A_1695, %swap3A_1696] {strides = array<i32>} : memref<128x128xf32, #tpu.memory_space<vmem>>, vector<1x16xf32>,
        %swap3A_1698 = vector.shape_cast %swap3A_1697 : vector<1x16xf32> to vector<16xf32>
        %swap3A_1699 = vector.shape_cast %mul3A_1694 : vector<16xf32> to vector<1x16xf32>
        tpu.vector_store %arg15[%swap3A_1695, %swap3A_1696], %swap3A_1699 {strides = array<i32>} : memref<128x128xf32, #tpu.memory_space<vmem>>, vector<1x16xf32>,
        %get3A_1700 = arith.index_cast %add3A_1601 : i32 to index
        %get3A_1701 = arith.constant 112 : index
        %get3A_1702 = tpu.vector_load %arg15[%get3A_1700, %get3A_1701] {strides = array<i32>} : memref<128x128xf32, #tpu.memory_space<vmem>>, vector<1x16xf32>,
        %get3A_1703 = vector.shape_cast %get3A_1702 : vector<1x16xf32> to vector<16xf32>
        %get3A_1704 = arith.index_cast %squeeze3A_1597 : i32 to index
        %get3A_1705 = arith.constant 112 : index
        %get3A_1706 = tpu.vector_load %arg11[%get3A_1704, %get3A_1705] {strides = array<i32>} : memref<32x128xf32, #tpu.memory_space<vmem>>, vector<1x16xf32>,
        %get3A_1707 = vector.shape_cast %get3A_1706 : vector<1x16xf32> to vector<16xf32>
        %mul3A_1708 = arith.mulf %get3A_1703, %get3A_1707 : vector<16xf32>
        %swap3A_1709 = arith.index_cast %add3A_1601 : i32 to index
        %swap3A_1710 = arith.constant 112 : index
        %swap3A_1711 = tpu.vector_load %arg15[%swap3A_1709, %swap3A_1710] {strides = array<i32>} : memref<128x128xf32, #tpu.memory_space<vmem>>, vector<1x16xf32>,
        %swap3A_1712 = vector.shape_cast %swap3A_1711 : vector<1x16xf32> to vector<16xf32>
        %swap3A_1713 = vector.shape_cast %mul3A_1708 : vector<16xf32> to vector<1x16xf32>
        tpu.vector_store %arg15[%swap3A_1709, %swap3A_1710], %swap3A_1713 {strides = array<i32>} : memref<128x128xf32, #tpu.memory_space<vmem>>, vector<1x16xf32>,
        %slice3A_1714 = vector.extract_strided_slice %get3A_64 {offsets = [14], sizes = [1], strides = [1]} : vector<16xi32> to vector<1xi32>
        %squeeze3A_1715 = vector.extract %slice3A_1714[0] : i32 from vector<1xi32>
        %mul3A_1716 = arith.constant 16 : i32
        %mul3A_1717 = arith.muli %scan3A_60, %mul3A_1716 : i32
        %add3A_1718 = arith.constant 14 : i32
        %add3A_1719 = arith.addi %mul3A_1717, %add3A_1718 : i32
        %get3A_1720 = arith.index_cast %add3A_1719 : i32 to index
        %get3A_1721 = arith.constant 0 : index
        %get3A_1722 = tpu.vector_load %arg15[%get3A_1720, %get3A_1721] {strides = array<i32>} : memref<128x128xf32, #tpu.memory_space<vmem>>, vector<1x16xf32>,
        %get3A_1723 = vector.shape_cast %get3A_1722 : vector<1x16xf32> to vector<16xf32>
        %get3A_1724 = arith.index_cast %squeeze3A_1715 : i32 to index
        %get3A_1725 = arith.constant 0 : index
        %get3A_1726 = tpu.vector_load %arg11[%get3A_1724, %get3A_1725] {strides = array<i32>} : memref<32x128xf32, #tpu.memory_space<vmem>>, vector<1x16xf32>,
        %get3A_1727 = vector.shape_cast %get3A_1726 : vector<1x16xf32> to vector<16xf32>
        %mul3A_1728 = arith.mulf %get3A_1723, %get3A_1727 : vector<16xf32>
        %swap3A_1729 = arith.index_cast %add3A_1719 : i32 to index
        %swap3A_1730 = arith.constant 0 : index
        %swap3A_1731 = tpu.vector_load %arg15[%swap3A_1729, %swap3A_1730] {strides = array<i32>} : memref<128x128xf32, #tpu.memory_space<vmem>>, vector<1x16xf32>,
        %swap3A_1732 = vector.shape_cast %swap3A_1731 : vector<1x16xf32> to vector<16xf32>
        %swap3A_1733 = vector.shape_cast %mul3A_1728 : vector<16xf32> to vector<1x16xf32>
        tpu.vector_store %arg15[%swap3A_1729, %swap3A_1730], %swap3A_1733 {strides = array<i32>} : memref<128x128xf32, #tpu.memory_space<vmem>>, vector<1x16xf32>,
        %get3A_1734 = arith.index_cast %add3A_1719 : i32 to index
        %get3A_1735 = arith.constant 16 : index
        %get3A_1736 = tpu.vector_load %arg15[%get3A_1734, %get3A_1735] {strides = array<i32>} : memref<128x128xf32, #tpu.memory_space<vmem>>, vector<1x16xf32>,
        %get3A_1737 = vector.shape_cast %get3A_1736 : vector<1x16xf32> to vector<16xf32>
        %get3A_1738 = arith.index_cast %squeeze3A_1715 : i32 to index
        %get3A_1739 = arith.constant 16 : index
        %get3A_1740 = tpu.vector_load %arg11[%get3A_1738, %get3A_1739] {strides = array<i32>} : memref<32x128xf32, #tpu.memory_space<vmem>>, vector<1x16xf32>,
        %get3A_1741 = vector.shape_cast %get3A_1740 : vector<1x16xf32> to vector<16xf32>
        %mul3A_1742 = arith.mulf %get3A_1737, %get3A_1741 : vector<16xf32>
        %swap3A_1743 = arith.index_cast %add3A_1719 : i32 to index
        %swap3A_1744 = arith.constant 16 : index
        %swap3A_1745 = tpu.vector_load %arg15[%swap3A_1743, %swap3A_1744] {strides = array<i32>} : memref<128x128xf32, #tpu.memory_space<vmem>>, vector<1x16xf32>,
        %swap3A_1746 = vector.shape_cast %swap3A_1745 : vector<1x16xf32> to vector<16xf32>
        %swap3A_1747 = vector.shape_cast %mul3A_1742 : vector<16xf32> to vector<1x16xf32>
        tpu.vector_store %arg15[%swap3A_1743, %swap3A_1744], %swap3A_1747 {strides = array<i32>} : memref<128x128xf32, #tpu.memory_space<vmem>>, vector<1x16xf32>,
        %get3A_1748 = arith.index_cast %add3A_1719 : i32 to index
        %get3A_1749 = arith.constant 32 : index
        %get3A_1750 = tpu.vector_load %arg15[%get3A_1748, %get3A_1749] {strides = array<i32>} : memref<128x128xf32, #tpu.memory_space<vmem>>, vector<1x16xf32>,
        %get3A_1751 = vector.shape_cast %get3A_1750 : vector<1x16xf32> to vector<16xf32>
        %get3A_1752 = arith.index_cast %squeeze3A_1715 : i32 to index
        %get3A_1753 = arith.constant 32 : index
        %get3A_1754 = tpu.vector_load %arg11[%get3A_1752, %get3A_1753] {strides = array<i32>} : memref<32x128xf32, #tpu.memory_space<vmem>>, vector<1x16xf32>,
        %get3A_1755 = vector.shape_cast %get3A_1754 : vector<1x16xf32> to vector<16xf32>
        %mul3A_1756 = arith.mulf %get3A_1751, %get3A_1755 : vector<16xf32>
        %swap3A_1757 = arith.index_cast %add3A_1719 : i32 to index
        %swap3A_1758 = arith.constant 32 : index
        %swap3A_1759 = tpu.vector_load %arg15[%swap3A_1757, %swap3A_1758] {strides = array<i32>} : memref<128x128xf32, #tpu.memory_space<vmem>>, vector<1x16xf32>,
        %swap3A_1760 = vector.shape_cast %swap3A_1759 : vector<1x16xf32> to vector<16xf32>
        %swap3A_1761 = vector.shape_cast %mul3A_1756 : vector<16xf32> to vector<1x16xf32>
        tpu.vector_store %arg15[%swap3A_1757, %swap3A_1758], %swap3A_1761 {strides = array<i32>} : memref<128x128xf32, #tpu.memory_space<vmem>>, vector<1x16xf32>,
        %get3A_1762 = arith.index_cast %add3A_1719 : i32 to index
        %get3A_1763 = arith.constant 48 : index
        %get3A_1764 = tpu.vector_load %arg15[%get3A_1762, %get3A_1763] {strides = array<i32>} : memref<128x128xf32, #tpu.memory_space<vmem>>, vector<1x16xf32>,
        %get3A_1765 = vector.shape_cast %get3A_1764 : vector<1x16xf32> to vector<16xf32>
        %get3A_1766 = arith.index_cast %squeeze3A_1715 : i32 to index
        %get3A_1767 = arith.constant 48 : index
        %get3A_1768 = tpu.vector_load %arg11[%get3A_1766, %get3A_1767] {strides = array<i32>} : memref<32x128xf32, #tpu.memory_space<vmem>>, vector<1x16xf32>,
        %get3A_1769 = vector.shape_cast %get3A_1768 : vector<1x16xf32> to vector<16xf32>
        %mul3A_1770 = arith.mulf %get3A_1765, %get3A_1769 : vector<16xf32>
        %swap3A_1771 = arith.index_cast %add3A_1719 : i32 to index
        %swap3A_1772 = arith.constant 48 : index
        %swap3A_1773 = tpu.vector_load %arg15[%swap3A_1771, %swap3A_1772] {strides = array<i32>} : memref<128x128xf32, #tpu.memory_space<vmem>>, vector<1x16xf32>,
        %swap3A_1774 = vector.shape_cast %swap3A_1773 : vector<1x16xf32> to vector<16xf32>
        %swap3A_1775 = vector.shape_cast %mul3A_1770 : vector<16xf32> to vector<1x16xf32>
        tpu.vector_store %arg15[%swap3A_1771, %swap3A_1772], %swap3A_1775 {strides = array<i32>} : memref<128x128xf32, #tpu.memory_space<vmem>>, vector<1x16xf32>,
        %get3A_1776 = arith.index_cast %add3A_1719 : i32 to index
        %get3A_1777 = arith.constant 64 : index
        %get3A_1778 = tpu.vector_load %arg15[%get3A_1776, %get3A_1777] {strides = array<i32>} : memref<128x128xf32, #tpu.memory_space<vmem>>, vector<1x16xf32>,
        %get3A_1779 = vector.shape_cast %get3A_1778 : vector<1x16xf32> to vector<16xf32>
        %get3A_1780 = arith.index_cast %squeeze3A_1715 : i32 to index
        %get3A_1781 = arith.constant 64 : index
        %get3A_1782 = tpu.vector_load %arg11[%get3A_1780, %get3A_1781] {strides = array<i32>} : memref<32x128xf32, #tpu.memory_space<vmem>>, vector<1x16xf32>,
        %get3A_1783 = vector.shape_cast %get3A_1782 : vector<1x16xf32> to vector<16xf32>
        %mul3A_1784 = arith.mulf %get3A_1779, %get3A_1783 : vector<16xf32>
        %swap3A_1785 = arith.index_cast %add3A_1719 : i32 to index
        %swap3A_1786 = arith.constant 64 : index
        %swap3A_1787 = tpu.vector_load %arg15[%swap3A_1785, %swap3A_1786] {strides = array<i32>} : memref<128x128xf32, #tpu.memory_space<vmem>>, vector<1x16xf32>,
        %swap3A_1788 = vector.shape_cast %swap3A_1787 : vector<1x16xf32> to vector<16xf32>
        %swap3A_1789 = vector.shape_cast %mul3A_1784 : vector<16xf32> to vector<1x16xf32>
        tpu.vector_store %arg15[%swap3A_1785, %swap3A_1786], %swap3A_1789 {strides = array<i32>} : memref<128x128xf32, #tpu.memory_space<vmem>>, vector<1x16xf32>,
        %get3A_1790 = arith.index_cast %add3A_1719 : i32 to index
        %get3A_1791 = arith.constant 80 : index
        %get3A_1792 = tpu.vector_load %arg15[%get3A_1790, %get3A_1791] {strides = array<i32>} : memref<128x128xf32, #tpu.memory_space<vmem>>, vector<1x16xf32>,
        %get3A_1793 = vector.shape_cast %get3A_1792 : vector<1x16xf32> to vector<16xf32>
        %get3A_1794 = arith.index_cast %squeeze3A_1715 : i32 to index
        %get3A_1795 = arith.constant 80 : index
        %get3A_1796 = tpu.vector_load %arg11[%get3A_1794, %get3A_1795] {strides = array<i32>} : memref<32x128xf32, #tpu.memory_space<vmem>>, vector<1x16xf32>,
        %get3A_1797 = vector.shape_cast %get3A_1796 : vector<1x16xf32> to vector<16xf32>
        %mul3A_1798 = arith.mulf %get3A_1793, %get3A_1797 : vector<16xf32>
        %swap3A_1799 = arith.index_cast %add3A_1719 : i32 to index
        %swap3A_1800 = arith.constant 80 : index
        %swap3A_1801 = tpu.vector_load %arg15[%swap3A_1799, %swap3A_1800] {strides = array<i32>} : memref<128x128xf32, #tpu.memory_space<vmem>>, vector<1x16xf32>,
        %swap3A_1802 = vector.shape_cast %swap3A_1801 : vector<1x16xf32> to vector<16xf32>
        %swap3A_1803 = vector.shape_cast %mul3A_1798 : vector<16xf32> to vector<1x16xf32>
        tpu.vector_store %arg15[%swap3A_1799, %swap3A_1800], %swap3A_1803 {strides = array<i32>} : memref<128x128xf32, #tpu.memory_space<vmem>>, vector<1x16xf32>,
        %get3A_1804 = arith.index_cast %add3A_1719 : i32 to index
        %get3A_1805 = arith.constant 96 : index
        %get3A_1806 = tpu.vector_load %arg15[%get3A_1804, %get3A_1805] {strides = array<i32>} : memref<128x128xf32, #tpu.memory_space<vmem>>, vector<1x16xf32>,
        %get3A_1807 = vector.shape_cast %get3A_1806 : vector<1x16xf32> to vector<16xf32>
        %get3A_1808 = arith.index_cast %squeeze3A_1715 : i32 to index
        %get3A_1809 = arith.constant 96 : index
        %get3A_1810 = tpu.vector_load %arg11[%get3A_1808, %get3A_1809] {strides = array<i32>} : memref<32x128xf32, #tpu.memory_space<vmem>>, vector<1x16xf32>,
        %get3A_1811 = vector.shape_cast %get3A_1810 : vector<1x16xf32> to vector<16xf32>
        %mul3A_1812 = arith.mulf %get3A_1807, %get3A_1811 : vector<16xf32>
        %swap3A_1813 = arith.index_cast %add3A_1719 : i32 to index
        %swap3A_1814 = arith.constant 96 : index
        %swap3A_1815 = tpu.vector_load %arg15[%swap3A_1813, %swap3A_1814] {strides = array<i32>} : memref<128x128xf32, #tpu.memory_space<vmem>>, vector<1x16xf32>,
        %swap3A_1816 = vector.shape_cast %swap3A_1815 : vector<1x16xf32> to vector<16xf32>
        %swap3A_1817 = vector.shape_cast %mul3A_1812 : vector<16xf32> to vector<1x16xf32>
        tpu.vector_store %arg15[%swap3A_1813, %swap3A_1814], %swap3A_1817 {strides = array<i32>} : memref<128x128xf32, #tpu.memory_space<vmem>>, vector<1x16xf32>,
        %get3A_1818 = arith.index_cast %add3A_1719 : i32 to index
        %get3A_1819 = arith.constant 112 : index
        %get3A_1820 = tpu.vector_load %arg15[%get3A_1818, %get3A_1819] {strides = array<i32>} : memref<128x128xf32, #tpu.memory_space<vmem>>, vector<1x16xf32>,
        %get3A_1821 = vector.shape_cast %get3A_1820 : vector<1x16xf32> to vector<16xf32>
        %get3A_1822 = arith.index_cast %squeeze3A_1715 : i32 to index
        %get3A_1823 = arith.constant 112 : index
        %get3A_1824 = tpu.vector_load %arg11[%get3A_1822, %get3A_1823] {strides = array<i32>} : memref<32x128xf32, #tpu.memory_space<vmem>>, vector<1x16xf32>,
        %get3A_1825 = vector.shape_cast %get3A_1824 : vector<1x16xf32> to vector<16xf32>
        %mul3A_1826 = arith.mulf %get3A_1821, %get3A_1825 : vector<16xf32>
        %swap3A_1827 = arith.index_cast %add3A_1719 : i32 to index
        %swap3A_1828 = arith.constant 112 : index
        %swap3A_1829 = tpu.vector_load %arg15[%swap3A_1827, %swap3A_1828] {strides = array<i32>} : memref<128x128xf32, #tpu.memory_space<vmem>>, vector<1x16xf32>,
        %swap3A_1830 = vector.shape_cast %swap3A_1829 : vector<1x16xf32> to vector<16xf32>
        %swap3A_1831 = vector.shape_cast %mul3A_1826 : vector<16xf32> to vector<1x16xf32>
        tpu.vector_store %arg15[%swap3A_1827, %swap3A_1828], %swap3A_1831 {strides = array<i32>} : memref<128x128xf32, #tpu.memory_space<vmem>>, vector<1x16xf32>,
        %slice3A_1832 = vector.extract_strided_slice %get3A_64 {offsets = [15], sizes = [1], strides = [1]} : vector<16xi32> to vector<1xi32>
        %squeeze3A_1833 = vector.extract %slice3A_1832[0] : i32 from vector<1xi32>
        %mul3A_1834 = arith.constant 16 : i32
        %mul3A_1835 = arith.muli %scan3A_60, %mul3A_1834 : i32
        %add3A_1836 = arith.constant 15 : i32
        %add3A_1837 = arith.addi %mul3A_1835, %add3A_1836 : i32
        %get3A_1838 = arith.index_cast %add3A_1837 : i32 to index
        %get3A_1839 = arith.constant 0 : index
        %get3A_1840 = tpu.vector_load %arg15[%get3A_1838, %get3A_1839] {strides = array<i32>} : memref<128x128xf32, #tpu.memory_space<vmem>>, vector<1x16xf32>,
        %get3A_1841 = vector.shape_cast %get3A_1840 : vector<1x16xf32> to vector<16xf32>
        %get3A_1842 = arith.index_cast %squeeze3A_1833 : i32 to index
        %get3A_1843 = arith.constant 0 : index
        %get3A_1844 = tpu.vector_load %arg11[%get3A_1842, %get3A_1843] {strides = array<i32>} : memref<32x128xf32, #tpu.memory_space<vmem>>, vector<1x16xf32>,
        %get3A_1845 = vector.shape_cast %get3A_1844 : vector<1x16xf32> to vector<16xf32>
        %mul3A_1846 = arith.mulf %get3A_1841, %get3A_1845 : vector<16xf32>
        %swap3A_1847 = arith.index_cast %add3A_1837 : i32 to index
        %swap3A_1848 = arith.constant 0 : index
        %swap3A_1849 = tpu.vector_load %arg15[%swap3A_1847, %swap3A_1848] {strides = array<i32>} : memref<128x128xf32, #tpu.memory_space<vmem>>, vector<1x16xf32>,
        %swap3A_1850 = vector.shape_cast %swap3A_1849 : vector<1x16xf32> to vector<16xf32>
        %swap3A_1851 = vector.shape_cast %mul3A_1846 : vector<16xf32> to vector<1x16xf32>
        tpu.vector_store %arg15[%swap3A_1847, %swap3A_1848], %swap3A_1851 {strides = array<i32>} : memref<128x128xf32, #tpu.memory_space<vmem>>, vector<1x16xf32>,
        %get3A_1852 = arith.index_cast %add3A_1837 : i32 to index
        %get3A_1853 = arith.constant 16 : index
        %get3A_1854 = tpu.vector_load %arg15[%get3A_1852, %get3A_1853] {strides = array<i32>} : memref<128x128xf32, #tpu.memory_space<vmem>>, vector<1x16xf32>,
        %get3A_1855 = vector.shape_cast %get3A_1854 : vector<1x16xf32> to vector<16xf32>
        %get3A_1856 = arith.index_cast %squeeze3A_1833 : i32 to index
        %get3A_1857 = arith.constant 16 : index
        %get3A_1858 = tpu.vector_load %arg11[%get3A_1856, %get3A_1857] {strides = array<i32>} : memref<32x128xf32, #tpu.memory_space<vmem>>, vector<1x16xf32>,
        %get3A_1859 = vector.shape_cast %get3A_1858 : vector<1x16xf32> to vector<16xf32>
        %mul3A_1860 = arith.mulf %get3A_1855, %get3A_1859 : vector<16xf32>
        %swap3A_1861 = arith.index_cast %add3A_1837 : i32 to index
        %swap3A_1862 = arith.constant 16 : index
        %swap3A_1863 = tpu.vector_load %arg15[%swap3A_1861, %swap3A_1862] {strides = array<i32>} : memref<128x128xf32, #tpu.memory_space<vmem>>, vector<1x16xf32>,
        %swap3A_1864 = vector.shape_cast %swap3A_1863 : vector<1x16xf32> to vector<16xf32>
        %swap3A_1865 = vector.shape_cast %mul3A_1860 : vector<16xf32> to vector<1x16xf32>
        tpu.vector_store %arg15[%swap3A_1861, %swap3A_1862], %swap3A_1865 {strides = array<i32>} : memref<128x128xf32, #tpu.memory_space<vmem>>, vector<1x16xf32>,
        %get3A_1866 = arith.index_cast %add3A_1837 : i32 to index
        %get3A_1867 = arith.constant 32 : index
        %get3A_1868 = tpu.vector_load %arg15[%get3A_1866, %get3A_1867] {strides = array<i32>} : memref<128x128xf32, #tpu.memory_space<vmem>>, vector<1x16xf32>,
        %get3A_1869 = vector.shape_cast %get3A_1868 : vector<1x16xf32> to vector<16xf32>
        %get3A_1870 = arith.index_cast %squeeze3A_1833 : i32 to index
        %get3A_1871 = arith.constant 32 : index
        %get3A_1872 = tpu.vector_load %arg11[%get3A_1870, %get3A_1871] {strides = array<i32>} : memref<32x128xf32, #tpu.memory_space<vmem>>, vector<1x16xf32>,
        %get3A_1873 = vector.shape_cast %get3A_1872 : vector<1x16xf32> to vector<16xf32>
        %mul3A_1874 = arith.mulf %get3A_1869, %get3A_1873 : vector<16xf32>
        %swap3A_1875 = arith.index_cast %add3A_1837 : i32 to index
        %swap3A_1876 = arith.constant 32 : index
        %swap3A_1877 = tpu.vector_load %arg15[%swap3A_1875, %swap3A_1876] {strides = array<i32>} : memref<128x128xf32, #tpu.memory_space<vmem>>, vector<1x16xf32>,
        %swap3A_1878 = vector.shape_cast %swap3A_1877 : vector<1x16xf32> to vector<16xf32>
        %swap3A_1879 = vector.shape_cast %mul3A_1874 : vector<16xf32> to vector<1x16xf32>
        tpu.vector_store %arg15[%swap3A_1875, %swap3A_1876], %swap3A_1879 {strides = array<i32>} : memref<128x128xf32, #tpu.memory_space<vmem>>, vector<1x16xf32>,
        %get3A_1880 = arith.index_cast %add3A_1837 : i32 to index
        %get3A_1881 = arith.constant 48 : index
        %get3A_1882 = tpu.vector_load %arg15[%get3A_1880, %get3A_1881] {strides = array<i32>} : memref<128x128xf32, #tpu.memory_space<vmem>>, vector<1x16xf32>,
        %get3A_1883 = vector.shape_cast %get3A_1882 : vector<1x16xf32> to vector<16xf32>
        %get3A_1884 = arith.index_cast %squeeze3A_1833 : i32 to index
        %get3A_1885 = arith.constant 48 : index
        %get3A_1886 = tpu.vector_load %arg11[%get3A_1884, %get3A_1885] {strides = array<i32>} : memref<32x128xf32, #tpu.memory_space<vmem>>, vector<1x16xf32>,
        %get3A_1887 = vector.shape_cast %get3A_1886 : vector<1x16xf32> to vector<16xf32>
        %mul3A_1888 = arith.mulf %get3A_1883, %get3A_1887 : vector<16xf32>
        %swap3A_1889 = arith.index_cast %add3A_1837 : i32 to index
        %swap3A_1890 = arith.constant 48 : index
        %swap3A_1891 = tpu.vector_load %arg15[%swap3A_1889, %swap3A_1890] {strides = array<i32>} : memref<128x128xf32, #tpu.memory_space<vmem>>, vector<1x16xf32>,
        %swap3A_1892 = vector.shape_cast %swap3A_1891 : vector<1x16xf32> to vector<16xf32>
        %swap3A_1893 = vector.shape_cast %mul3A_1888 : vector<16xf32> to vector<1x16xf32>
        tpu.vector_store %arg15[%swap3A_1889, %swap3A_1890], %swap3A_1893 {strides = array<i32>} : memref<128x128xf32, #tpu.memory_space<vmem>>, vector<1x16xf32>,
        %get3A_1894 = arith.index_cast %add3A_1837 : i32 to index
        %get3A_1895 = arith.constant 64 : index
        %get3A_1896 = tpu.vector_load %arg15[%get3A_1894, %get3A_1895] {strides = array<i32>} : memref<128x128xf32, #tpu.memory_space<vmem>>, vector<1x16xf32>,
        %get3A_1897 = vector.shape_cast %get3A_1896 : vector<1x16xf32> to vector<16xf32>
        %get3A_1898 = arith.index_cast %squeeze3A_1833 : i32 to index
        %get3A_1899 = arith.constant 64 : index
        %get3A_1900 = tpu.vector_load %arg11[%get3A_1898, %get3A_1899] {strides = array<i32>} : memref<32x128xf32, #tpu.memory_space<vmem>>, vector<1x16xf32>,
        %get3A_1901 = vector.shape_cast %get3A_1900 : vector<1x16xf32> to vector<16xf32>
        %mul3A_1902 = arith.mulf %get3A_1897, %get3A_1901 : vector<16xf32>
        %swap3A_1903 = arith.index_cast %add3A_1837 : i32 to index
        %swap3A_1904 = arith.constant 64 : index
        %swap3A_1905 = tpu.vector_load %arg15[%swap3A_1903, %swap3A_1904] {strides = array<i32>} : memref<128x128xf32, #tpu.memory_space<vmem>>, vector<1x16xf32>,
        %swap3A_1906 = vector.shape_cast %swap3A_1905 : vector<1x16xf32> to vector<16xf32>
        %swap3A_1907 = vector.shape_cast %mul3A_1902 : vector<16xf32> to vector<1x16xf32>
        tpu.vector_store %arg15[%swap3A_1903, %swap3A_1904], %swap3A_1907 {strides = array<i32>} : memref<128x128xf32, #tpu.memory_space<vmem>>, vector<1x16xf32>,
        %get3A_1908 = arith.index_cast %add3A_1837 : i32 to index
        %get3A_1909 = arith.constant 80 : index
        %get3A_1910 = tpu.vector_load %arg15[%get3A_1908, %get3A_1909] {strides = array<i32>} : memref<128x128xf32, #tpu.memory_space<vmem>>, vector<1x16xf32>,
        %get3A_1911 = vector.shape_cast %get3A_1910 : vector<1x16xf32> to vector<16xf32>
        %get3A_1912 = arith.index_cast %squeeze3A_1833 : i32 to index
        %get3A_1913 = arith.constant 80 : index
        %get3A_1914 = tpu.vector_load %arg11[%get3A_1912, %get3A_1913] {strides = array<i32>} : memref<32x128xf32, #tpu.memory_space<vmem>>, vector<1x16xf32>,
        %get3A_1915 = vector.shape_cast %get3A_1914 : vector<1x16xf32> to vector<16xf32>
        %mul3A_1916 = arith.mulf %get3A_1911, %get3A_1915 : vector<16xf32>
        %swap3A_1917 = arith.index_cast %add3A_1837 : i32 to index
        %swap3A_1918 = arith.constant 80 : index
        %swap3A_1919 = tpu.vector_load %arg15[%swap3A_1917, %swap3A_1918] {strides = array<i32>} : memref<128x128xf32, #tpu.memory_space<vmem>>, vector<1x16xf32>,
        %swap3A_1920 = vector.shape_cast %swap3A_1919 : vector<1x16xf32> to vector<16xf32>
        %swap3A_1921 = vector.shape_cast %mul3A_1916 : vector<16xf32> to vector<1x16xf32>
        tpu.vector_store %arg15[%swap3A_1917, %swap3A_1918], %swap3A_1921 {strides = array<i32>} : memref<128x128xf32, #tpu.memory_space<vmem>>, vector<1x16xf32>,
        %get3A_1922 = arith.index_cast %add3A_1837 : i32 to index
        %get3A_1923 = arith.constant 96 : index
        %get3A_1924 = tpu.vector_load %arg15[%get3A_1922, %get3A_1923] {strides = array<i32>} : memref<128x128xf32, #tpu.memory_space<vmem>>, vector<1x16xf32>,
        %get3A_1925 = vector.shape_cast %get3A_1924 : vector<1x16xf32> to vector<16xf32>
        %get3A_1926 = arith.index_cast %squeeze3A_1833 : i32 to index
        %get3A_1927 = arith.constant 96 : index
        %get3A_1928 = tpu.vector_load %arg11[%get3A_1926, %get3A_1927] {strides = array<i32>} : memref<32x128xf32, #tpu.memory_space<vmem>>, vector<1x16xf32>,
        %get3A_1929 = vector.shape_cast %get3A_1928 : vector<1x16xf32> to vector<16xf32>
        %mul3A_1930 = arith.mulf %get3A_1925, %get3A_1929 : vector<16xf32>
        %swap3A_1931 = arith.index_cast %add3A_1837 : i32 to index
        %swap3A_1932 = arith.constant 96 : index
        %swap3A_1933 = tpu.vector_load %arg15[%swap3A_1931, %swap3A_1932] {strides = array<i32>} : memref<128x128xf32, #tpu.memory_space<vmem>>, vector<1x16xf32>,
        %swap3A_1934 = vector.shape_cast %swap3A_1933 : vector<1x16xf32> to vector<16xf32>
        %swap3A_1935 = vector.shape_cast %mul3A_1930 : vector<16xf32> to vector<1x16xf32>
        tpu.vector_store %arg15[%swap3A_1931, %swap3A_1932], %swap3A_1935 {strides = array<i32>} : memref<128x128xf32, #tpu.memory_space<vmem>>, vector<1x16xf32>,
        %get3A_1936 = arith.index_cast %add3A_1837 : i32 to index
        %get3A_1937 = arith.constant 112 : index
        %get3A_1938 = tpu.vector_load %arg15[%get3A_1936, %get3A_1937] {strides = array<i32>} : memref<128x128xf32, #tpu.memory_space<vmem>>, vector<1x16xf32>,
        %get3A_1939 = vector.shape_cast %get3A_1938 : vector<1x16xf32> to vector<16xf32>
        %get3A_1940 = arith.index_cast %squeeze3A_1833 : i32 to index
        %get3A_1941 = arith.constant 112 : index
        %get3A_1942 = tpu.vector_load %arg11[%get3A_1940, %get3A_1941] {strides = array<i32>} : memref<32x128xf32, #tpu.memory_space<vmem>>, vector<1x16xf32>,
        %get3A_1943 = vector.shape_cast %get3A_1942 : vector<1x16xf32> to vector<16xf32>
        %mul3A_1944 = arith.mulf %get3A_1939, %get3A_1943 : vector<16xf32>
        %swap3A_1945 = arith.index_cast %add3A_1837 : i32 to index
        %swap3A_1946 = arith.constant 112 : index
        %swap3A_1947 = tpu.vector_load %arg15[%swap3A_1945, %swap3A_1946] {strides = array<i32>} : memref<128x128xf32, #tpu.memory_space<vmem>>, vector<1x16xf32>,
        %swap3A_1948 = vector.shape_cast %swap3A_1947 : vector<1x16xf32> to vector<16xf32>
        %swap3A_1949 = vector.shape_cast %mul3A_1944 : vector<16xf32> to vector<1x16xf32>
        tpu.vector_store %arg15[%swap3A_1945, %swap3A_1946], %swap3A_1949 {strides = array<i32>} : memref<128x128xf32, #tpu.memory_space<vmem>>, vector<1x16xf32>,
      }
      %scan3A_59 = arith.constant 8 : i32
      "tpu.region"() ({
        %run_scoped3A = tpu.sem_alloc : memref<!tpu.dma_semaphore, #tpu.memory_space<semaphore_mem>>
        %dma_start3A_60 = arith.constant 0 : i32
        %dma_start3A_61 = arith.constant 0 : i32
        %dma_start3A_62 = tpu.memref_slice %arg9[%dma_start3A_60, %dma_start3A_61] : memref<10240x128xf32, #tpu.memory_space<vmem_shared>> -> memref<10240x128xf32, #tpu.memory_space<vmem_shared>>
        tpu.enqueue_indirect_dma source(%arg15 : memref<128x128xf32, #tpu.memory_space<vmem>>) target(%dma_start3A_62 : memref<10240x128xf32, #tpu.memory_space<vmem_shared>>) offsets(%arg13 : memref<128xi32, #tpu.memory_space<vmem>>) semaphore(%run_scoped3A : memref<!tpu.dma_semaphore, #tpu.memory_space<semaphore_mem>>) {add = true}
        %dma_wait3A_63 = arith.constant 0 : i32
        %dma_wait3A_64 = arith.constant 0 : i32
        %dma_wait3A_65 = tpu.memref_slice %arg9[%dma_wait3A_63, %dma_wait3A_64] : memref<10240x128xf32, #tpu.memory_space<vmem_shared>> -> memref<10240x128xf32, #tpu.memory_space<vmem_shared>>
        tpu.wait_indirect_dma semaphore(%run_scoped3A : memref<!tpu.dma_semaphore, #tpu.memory_space<semaphore_mem>>) src(%arg15 : memref<128x128xf32, #tpu.memory_space<vmem>>) dst(%dma_wait3A_65 : memref<10240x128xf32, #tpu.memory_space<vmem_shared>>)
        tpu.yield
      }) : () -> ()
      "tpu.region"() ({
        %run_scoped3A = tpu.sem_alloc : memref<!tpu.dma_semaphore, #tpu.memory_space<semaphore_mem>>
        %dma_start3A_60 = arith.constant 0 : i32
        %dma_start3A_61 = tpu.memref_slice %arg10[%dma_start3A_60] : memref<10240xf32, #tpu.memory_space<vmem_shared>> -> memref<10240xf32, #tpu.memory_space<vmem_shared>>
        tpu.enqueue_indirect_dma source(%arg16 : memref<128xf32, #tpu.memory_space<vmem>>) target(%dma_start3A_61 : memref<10240xf32, #tpu.memory_space<vmem_shared>>) offsets(%arg13 : memref<128xi32, #tpu.memory_space<vmem>>) semaphore(%run_scoped3A : memref<!tpu.dma_semaphore, #tpu.memory_space<semaphore_mem>>) {add = true}
        %dma_wait3A_62 = arith.constant 0 : i32
        %dma_wait3A_63 = tpu.memref_slice %arg10[%dma_wait3A_62] : memref<10240xf32, #tpu.memory_space<vmem_shared>> -> memref<10240xf32, #tpu.memory_space<vmem_shared>>
        tpu.wait_indirect_dma semaphore(%run_scoped3A : memref<!tpu.dma_semaphore, #tpu.memory_space<semaphore_mem>>) src(%arg16 : memref<128xf32, #tpu.memory_space<vmem>>) dst(%dma_wait3A_63 : memref<10240xf32, #tpu.memory_space<vmem_shared>>)
        tpu.yield
      }) : () -> ()
    }
    %barrier3A_43 = arith.constant 0 : index
    tpu.barrier barrier_id(%barrier3A_43)
    "tpu.region"() ({
      %run_scoped3A = tpu.sem_alloc : memref<!tpu.dma_semaphore, #tpu.memory_space<semaphore_mem>>
      %dma_start3A = arith.constant 0 : i32
      %dma_start3A_44 = tpu.memref_slice %arg7[%arg0, %mul3A_19, %dma_start3A] : memref<2x10240x128xf32, #tpu.memory_space<hbm>> -> memref<1x640x128xf32, #tpu.memory_space<hbm>>
      %dma_start3A_45 = tpu.memref_squeeze %dma_start3A_44 : memref<1x640x128xf32, #tpu.memory_space<hbm>> -> memref<640x128xf32, #tpu.memory_space<hbm>>
      %dma_start3A_46 = arith.constant 0 : i32
      %dma_start3A_47 = tpu.memref_slice %arg9[%mul3A_19, %dma_start3A_46] : memref<10240x128xf32, #tpu.memory_space<vmem_shared>> -> memref<640x128xf32, #tpu.memory_space<vmem_shared>>
      tpu.enqueue_dma source(%dma_start3A_47 : memref<640x128xf32, #tpu.memory_space<vmem_shared>>) target(%dma_start3A_45 : memref<640x128xf32, #tpu.memory_space<hbm>>) target_semaphore(%run_scoped3A : memref<!tpu.dma_semaphore, #tpu.memory_space<semaphore_mem>>)
      %dma_wait3A = arith.constant 0 : i32
      %dma_wait3A_48 = tpu.memref_slice %arg7[%arg0, %mul3A_19, %dma_wait3A] : memref<2x10240x128xf32, #tpu.memory_space<hbm>> -> memref<1x640x128xf32, #tpu.memory_space<hbm>>
      %dma_wait3A_49 = tpu.memref_squeeze %dma_wait3A_48 : memref<1x640x128xf32, #tpu.memory_space<hbm>> -> memref<640x128xf32, #tpu.memory_space<hbm>>
      %dma_wait3A_50 = arith.constant 0 : i32
      %dma_wait3A_51 = tpu.memref_slice %arg9[%mul3A_19, %dma_wait3A_50] : memref<10240x128xf32, #tpu.memory_space<vmem_shared>> -> memref<640x128xf32, #tpu.memory_space<vmem_shared>>
      tpu.wait_dma2 semaphore(%run_scoped3A : memref<!tpu.dma_semaphore, #tpu.memory_space<semaphore_mem>>) src(%dma_wait3A_51 : memref<640x128xf32, #tpu.memory_space<vmem_shared>>) dst(%dma_wait3A_49 : memref<640x128xf32, #tpu.memory_space<hbm>>)
      tpu.yield
    }) : () -> ()
    "tpu.region"() ({
      %run_scoped3A = tpu.sem_alloc : memref<!tpu.dma_semaphore, #tpu.memory_space<semaphore_mem>>
      %dma_start3A = tpu.memref_slice %arg8[%arg0, %mul3A_19] : memref<2x10240xf32, #tpu.memory_space<hbm>> -> memref<1x640xf32, #tpu.memory_space<hbm>>
      %dma_start3A_44 = tpu.memref_squeeze %dma_start3A : memref<1x640xf32, #tpu.memory_space<hbm>> -> memref<640xf32, #tpu.memory_space<hbm>>
      %dma_start3A_45 = tpu.memref_slice %arg10[%mul3A_19] : memref<10240xf32, #tpu.memory_space<vmem_shared>> -> memref<640xf32, #tpu.memory_space<vmem_shared>>
      tpu.enqueue_dma source(%dma_start3A_45 : memref<640xf32, #tpu.memory_space<vmem_shared>>) target(%dma_start3A_44 : memref<640xf32, #tpu.memory_space<hbm>>) target_semaphore(%run_scoped3A : memref<!tpu.dma_semaphore, #tpu.memory_space<semaphore_mem>>)
      %dma_wait3A = tpu.memref_slice %arg8[%arg0, %mul3A_19] : memref<2x10240xf32, #tpu.memory_space<hbm>> -> memref<1x640xf32, #tpu.memory_space<hbm>>
      %dma_wait3A_46 = tpu.memref_squeeze %dma_wait3A : memref<1x640xf32, #tpu.memory_space<hbm>> -> memref<640xf32, #tpu.memory_space<hbm>>
      %dma_wait3A_47 = tpu.memref_slice %arg10[%mul3A_19] : memref<10240xf32, #tpu.memory_space<vmem_shared>> -> memref<640xf32, #tpu.memory_space<vmem_shared>>
      tpu.wait_dma2 semaphore(%run_scoped3A : memref<!tpu.dma_semaphore, #tpu.memory_space<semaphore_mem>>) src(%dma_wait3A_47 : memref<640xf32, #tpu.memory_space<vmem_shared>>) dst(%dma_wait3A_46 : memref<640xf32, #tpu.memory_space<hbm>>)
      tpu.yield
    }) : () -> ()
    return
  }
}

module attributes {stable_mosaic.version = 14 : i64} {
  func.func @_combine_kernel(%arg0: i32, %arg1: memref<2x128x128xf32, #tpu.memory_space<vmem>>, %arg2: memref<2x128x1xf32, #tpu.memory_space<vmem>>, %arg3: memref<128x128xf32, #tpu.memory_space<vmem>>) attributes {dimension_semantics = [#tpu.dimension_semantics<arbitrary>], iteration_bounds = array<i64: 80>, scalar_prefetch = 0 : i64, scratch_operands = 0 : i64, tpu.core_type = #tpu.core_type<tc>, window_params = [{transform_indices = @transform_0, window_bounds = array<i64: 2, 128, 128>}, {transform_indices = @transform_1, window_bounds = array<i64: 2, 128, 1>}, {transform_indices = @transform_2, window_bounds = array<i64: 128, 128>}]} {
    %get3A = arith.constant 0 : index
    %get3A_0 = arith.constant 0 : index
    %get3A_1 = arith.constant 0 : index
    %get3A_2 = vector.load %arg1[%get3A, %get3A_0, %get3A_1] : memref<2x128x128xf32, #tpu.memory_space<vmem>>, vector<1x128x128xf32>
    %get3A_3 = vector.shape_cast %get3A_2 : vector<1x128x128xf32> to vector<128x128xf32>
    %get3A_4 = arith.constant 1 : index
    %get3A_5 = arith.constant 0 : index
    %get3A_6 = arith.constant 0 : index
    %get3A_7 = vector.load %arg1[%get3A_4, %get3A_5, %get3A_6] : memref<2x128x128xf32, #tpu.memory_space<vmem>>, vector<1x128x128xf32>
    %get3A_8 = vector.shape_cast %get3A_7 : vector<1x128x128xf32> to vector<128x128xf32>
    %add3A = arith.addf %get3A_3, %get3A_8 : vector<128x128xf32>
    %get3A_9 = arith.constant 0 : index
    %get3A_10 = arith.constant 0 : index
    %get3A_11 = arith.constant 0 : index
    %get3A_12 = vector.load %arg2[%get3A_9, %get3A_10, %get3A_11] : memref<2x128x1xf32, #tpu.memory_space<vmem>>, vector<1x128x1xf32>
    %get3A_13 = vector.shape_cast %get3A_12 : vector<1x128x1xf32> to vector<128x1xf32>
    %get3A_14 = arith.constant 1 : index
    %get3A_15 = arith.constant 0 : index
    %get3A_16 = arith.constant 0 : index
    %get3A_17 = vector.load %arg2[%get3A_14, %get3A_15, %get3A_16] : memref<2x128x1xf32, #tpu.memory_space<vmem>>, vector<1x128x1xf32>
    %get3A_18 = vector.shape_cast %get3A_17 : vector<1x128x1xf32> to vector<128x1xf32>
    %add3A_19 = arith.addf %get3A_13, %get3A_18 : vector<128x1xf32>
    %max3A = arith.constant 1.000000e+00 : f32
    %max3A_20 = vector.broadcast %max3A : f32 to vector<128x1xf32>
    %max3A_21 = arith.maximumf %add3A_19, %max3A_20 : vector<128x1xf32>
    %div3A = vector.broadcast %max3A_21 : vector<128x1xf32> to vector<128x128xf32>
    %div3A_22 = arith.divf %add3A, %div3A : vector<128x128xf32>
    %swap3A = arith.constant 0 : index
    %swap3A_23 = arith.constant 0 : index
    %swap3A_24 = vector.load %arg3[%swap3A, %swap3A_23] : memref<128x128xf32, #tpu.memory_space<vmem>>, vector<128x128xf32>
    tpu.vector_store %arg3[%swap3A, %swap3A_23], %div3A_22 {strides = array<i32>} : memref<128x128xf32, #tpu.memory_space<vmem>>, vector<128x128xf32>,
    return
  }
  func.func @transform_0(%arg0: i32) -> (i32, i32, i32) {
    %c0_i32 = arith.constant 0 : i32
    %c0_i32_0 = arith.constant 0 : i32
    %c0_i32_1 = arith.constant 0 : i32
    return %c0_i32, %arg0, %c0_i32_0 : i32, i32, i32
  }
  func.func @transform_1(%arg0: i32) -> (i32, i32, i32) {
    %c0_i32 = arith.constant 0 : i32
    %c0_i32_0 = arith.constant 0 : i32
    %c0_i32_1 = arith.constant 0 : i32
    return %c0_i32, %arg0, %c0_i32_0 : i32, i32, i32
  }
  func.func @transform_2(%arg0: i32) -> (i32, i32) {
    %c0_i32 = arith.constant 0 : i32
    %c0_i32_0 = arith.constant 0 : i32
    return %arg0, %c0_i32 : i32, i32
  }
}

</mosaic_0001>

<sc_bundles>
// kernel: kernel.4.cloned.1.call-start
scs
__scs_entry_jumppad:
0x0: {  	(pc) =	sbr.rel $0x88, $3  }
0x1: {  	(tag) =	ssettag $0x0;
	lr =	simm.s32 $0x1  }
0x2: {  	[smem:$0x3F9D] =	sst lr;
	_ =	strace $0xD0000000  }
0x3: {  	_ = 	snop  }
0x4: {  	_ = 	snop  }
0x5: {  	_ = 	snop  }
0x6: {  	_ = 	snop  }
0x7: {  	_ = 	snop  }
__scs_overlays_trampoline_lowered:
0x8: {  	[smem:$0x3FAC] =	sst s0  }
0x9: {  	[smem:$0x3FAD] =	sst s1  }
0xa: {  	[smem:$0x3FAE] =	sst s2  }
0xb: {  	[smem:$0x3FAF] =	sst s3  }
0xc: {  	[smem:$0x3FB0] =	sst s4  }
0xd: {  	[smem:$0x3FB1] =	sst s5  }
0xe: {  	[smem:$0x3FB2] =	sst s6  }
0xf: {  	[smem:$0x3FB3] =	sst s7  }
0x10: {  	[smem:$0x3FB4] =	sst s8  }
0x11: {  	[smem:$0x3FB5] =	sst s9;
	s0 =	simm.s32 @!p0 $0x0  }
0x12: {  	s1 =	sld [smem:$0x3F9B];
	s0 =	simm.s32 @p0 $0x1  }
0x13: {  	[smem:$0x3FB6] =	sst s0;
	s0 =	simm.s32 @!p1 $0x0  }
0x14: {  	s2 =	sld [smem:$0x3F9A];
	s0 =	simm.s32 @p1 $0x1  }
0x15: {  	[smem:$0x3FB7] =	sst s0;
	s0 =	simm.s32 @!p2 $0x0  }
0x16: {  	s3 =	sld [smem:$0x3FDB];
	s0 =	simm.s32 @p2 $0x1  }
0x17: {  	s4 =	simm.s32 $0x1BF5;
	[smem:$0x3FB9] =	sst s0  }
0x18: {  	s0 =	sld [smem:$0x3F9C];
	_ =	swait.ge [sflag:s4], $0x0  }
0x19: {  	s7 =	sld [smem:$0x3F9D]  }
0x1a: {  	s8 =	sadd.s32 $0xFFFFE003, lr  }
0x1b: {  	s9 =	sadd.s32 $0xFFFFFEF7, lr;
	s5 =	simm.s32 $0xFFFFFFFF;
	p2 =	slt.u32 s8, $0xFFFFF086  }
0x1c: {  	p1 =	slt.u32 s9, $0xF7A;
	s5 =	simm.s32 @!p2 $0x0  }
0x1d: {  	s5 =	simm.s32 @p1 $0x1;
	p0 =	seq.s32 s7, s2  }
0x1e: {  	s7 =	smul.u32 @!p0 $0xF7A, s2;
	p2 =	seq.s32 @!p0 s5, $0x0  }
0x1f: {  	s9 =	smul.u32 $0xF7A, s1;
	s8 =	simm.s32 @!p0 $0x1BF5;
	p2 =	por !p2, p0  }
0x20: {  	[sflag:s8] =	ssyncset.s32 @!p0 $0xFFFFF086;
	s6 =	sadd.s32 @!p0 s3, s7;
	s7 =	simm.s32 @!p0 $0x108  }
0x21: {  	s3 =	sadd.s32 s3, s9;
	s6 =	sadd.s32 @!p0 $0x88, s6;
	s7 =	simm.s32 @p2 $0x1082  }
0x22: {  	[simem:s7], [sflag:s8] =	dma.local @!p0 [hbm:s6], $0xF7A  }
0x23: {  	s9 =	sor.u32 $0xD0000000, s2;
	s6 =	simm.s32 $0x108;
	_ =	swait.ge @!p0 [sflag:s8], $0x0  }
0x24: {  	s3 =	sadd.s32 $0x88, s3;
	s6 =	simm.s32 @!p1 $0x1082;
	[sflag:s4] =	ssyncset.s32 $0xFFFFF086  }
0x25: {  	[simem:s6], [sflag:s4] =	dma.local [hbm:s3], $0xF7A  }
0x26: {  	[smem:$0x3F9D] =	sst s1;
	(tag) =	ssettag s2;
	_ =	strace s9  }
0x27: {  	s1 =	sld [smem:$0x3FAD]  }
0x28: {  	s2 =	sld [smem:$0x3FAE]  }
0x29: {  	s4 =	sld [smem:$0x3FB0]  }
0x2a: {  	p0 =	seq.s32 s5, $0x0;
	s5 =	sld [smem:$0x3FB1]  }
0x2b: {  	s6 =	sld [smem:$0x3FB2]  }
0x2c: {  	s7 =	sld [smem:$0x3FB3]  }
0x2d: {  	s3 =	simm.s32 $0x108;
	s8 =	sld [smem:$0x3FB4]  }
0x2e: {  	s3 =	simm.s32 @!p0 $0x1082;
	s9 =	sld [smem:$0x3FB5]  }
0x2f: {  	lr =	sadd.s32 s0, s3;
	s0 =	sld [smem:$0x3FAC]  }
0x30: {  	s3 =	sld [smem:$0x3FAF]  }
0x31: {  	[smem:$0x3FB8] =	sst s10  }
0x32: {  	s10 =	sld [smem:$0x3FB6];
	_ =	sdelay $0x3  }
0x33: {  	p0 =	seq.s32 s10, $0x1;
	s10 =	sld [smem:$0x3FB8];
	_ =	sdelay $0x3  }
0x34: {  	[smem:$0x3FB8] =	sst s10  }
0x35: {  	s10 =	sld [smem:$0x3FB7];
	_ =	sdelay $0x3  }
0x36: {  	p1 =	seq.s32 s10, $0x1;
	s10 =	sld [smem:$0x3FB8];
	_ =	sdelay $0x3  }
0x37: {  	[smem:$0x3FB8] =	sst s10  }
0x38: {  	s10 =	sld [smem:$0x3FB9]  }
0x39: {  	_ = 	snop;
	(pc) =	sbr.ind lr, $3  }
0x3a: {  	_ = 	snop  }
0x3b: {  	_ = 	snop  }
0x3c: {  	p2 =	seq.s32 s10, $0x1;
	s10 =	sld [smem:$0x3FB8]  }
0x3d: {  	_ =	shalt  }
0x3e: {  	_ =	shalt  }
0x3f: {  	_ =	shalt  }
0x40: {  	_ =	shalt  }
0x41: {  	_ =	shalt  }
0x42: {  	_ =	shalt  }
0x43: {  	_ =	shalt  }
0x44: {  	_ =	shalt  }
0x45: {  	_ =	shalt  }
0x46: {  	_ =	shalt  }
0x47: {  	_ =	shalt  }
0x48: {  	_ =	shalt  }
0x49: {  	_ =	shalt  }
0x4a: {  	_ =	shalt  }
0x4b: {  	_ =	shalt  }
0x4c: {  	_ =	shalt  }
0x4d: {  	_ =	shalt  }
0x4e: {  	_ =	shalt  }
0x4f: {  	_ =	shalt  }
0x50: {  	_ =	shalt  }
0x51: {  	_ =	shalt  }
0x52: {  	_ =	shalt  }
0x53: {  	_ =	shalt  }
0x54: {  	_ =	shalt  }
0x55: {  	_ =	shalt  }
0x56: {  	_ =	shalt  }
0x57: {  	_ =	shalt  }
0x58: {  	_ =	shalt  }
0x59: {  	_ =	shalt  }
0x5a: {  	_ =	shalt  }
0x5b: {  	_ =	shalt  }
0x5c: {  	_ =	shalt  }
0x5d: {  	_ =	shalt  }
0x5e: {  	_ =	shalt  }
0x5f: {  	_ =	shalt  }
0x60: {  	_ =	shalt  }
0x61: {  	_ =	shalt  }
0x62: {  	_ =	shalt  }
0x63: {  	_ =	shalt  }
0x64: {  	_ =	shalt  }
0x65: {  	_ =	shalt  }
0x66: {  	_ =	shalt  }
0x67: {  	_ =	shalt  }
0x68: {  	_ =	shalt  }
0x69: {  	_ =	shalt  }
0x6a: {  	_ =	shalt  }
0x6b: {  	_ =	shalt  }
0x6c: {  	_ =	shalt  }
0x6d: {  	_ =	shalt  }
0x6e: {  	_ =	shalt  }
0x6f: {  	_ =	shalt  }
0x70: {  	_ =	shalt  }
0x71: {  	_ =	shalt  }
0x72: {  	_ =	shalt  }
0x73: {  	_ =	shalt  }
0x74: {  	_ =	shalt  }
0x75: {  	_ =	shalt  }
0x76: {  	_ =	shalt  }
0x77: {  	_ =	shalt  }
0x78: {  	_ =	shalt  }
0x79: {  	_ =	shalt  }
0x7a: {  	_ =	shalt  }
0x7b: {  	_ =	shalt  }
0x7c: {  	_ =	shalt  }
0x7d: {  	_ =	shalt  }
0x7e: {  	_ =	shalt  }
0x7f: {  	_ =	shalt  }
0x80: {  	_ =	shalt  }
0x81: {  	_ =	shalt  }
0x82: {  	_ =	shalt  }
0x83: {  	_ =	shalt  }
0x84: {  	_ =	shalt  }
0x85: {  	_ =	shalt  }
0x86: {  	_ =	shalt  }
0x87: {  	_ =	shalt  }
.Lfunc_end0:
.L_simem_size_0:
called_computation_lowered:
.L_overlay_start_0:
0x88: {  	s2 =	sld [smem:$0x3FD9]  }
0x89: {  	s3 =	sld [smem:$0x3FFE];
	_ =	sdelay $0x1  }
0x8a: {  	s1 =	srdreg.scid  }
0x8b: {  	s0 =	sand.u32 $0x1, s1  }
0x8c: {  	s17 =	sshll.u32 s0, $0xA;
	s2 =	sadd.s32 s3, s2  }
0x8d: {  	s2 =	sadd.s32 s2, s17  }
0x8e: {  	[smem:$0x3FC4] =	sst s2  }
0x8f: {  	_ = 	snop  }
0x90: {  	s2 =	sld [smem:$0x3FC9]  }
0x91: {  	s18 =	sld [smem:$0x3FC7]  }
0x92: {  	s4 =	sld [smem:$0x3FC6]  }
0x93: {  	s5 =	sld [smem:$0x3FD0];
	(tm) =	ssettm $0x1  }
0x94: {  	s6 =	sld [smem:$0x3FFB];
	_ =	sdelay $0x3  }
0x95: {  	_ =	strace s6  }
0x96: {  	s6 =	sld [smem:$0x3FFC];
	_ =	sdelay $0x3  }
0x97: {  	_ =	strace s6  }
0x98: {  	s6 =	sld [smem:$0x3FFD];
	_ =	sdelay $0x3  }
0x99: {  	_ =	strace s6  }
0x9a: {  	_ =	strace $0x8FFFFFFF  }
0x9b: {  	s19 =	sld [smem:$0x3FDB];
	_ =	sdelay $0x1  }
0x9c: {  	s7 =	simm.s32 $_scs_section_size  }
0x9d: {  	s8 =	simm.s32 $_size__tile_overlayer_lowered;
	s9 =	simm.s32 $_tile_overlayer_lowered  }
0x9e: {  	s22 =	simm.s32 $0x1BFF;
	s21 =	sshll.u32 s9, $0x1;
	s6 =	sadd.s32 s7, s19  }
0x9f: {  	s10 =	simm.s32 $0x0;
	s20 =	sshll.u32 s8, $0x1;
	s8 =	sadd.s32 s21, s6  }
0xa0: {  	[timem:s10], [sflag:s22] =	dma.local [hbm:s8], s20  }
0xa1: {  	_ =	swait.ge [sflag:s22], s20  }
0xa2: {  	s7 =	ssub.s32 $0x0, s20;
	[sflag:s22] =	ssyncset.done $0x0  }
0xa3: {  	[sflag:s22] =	ssyncadd.s32 s7;
	_ =	sdelay $0x1  }
0xa4: {  	s23 =	simm.s32 $0x1B8B  }
0xa5: {  	_ =	swait.ge [sflag:s23], $0x1  }
0xa6: {  	[sflag:s23] =	ssyncset.done $0x0  }
0xa7: {  	s25 =	simm.s32 $0x1B8E;
	s24 =	sld [smem:$0x3FFE];
	[sflag:s23] =	ssyncadd.s32 $0xFFFFFFFF  }
0xa8: {  	s26 =	simm.s32 $execute0_lowered;
	[smem:$0x3FD2] =	sst s25  }
0xa9: {  	s8 =	sshll.u32 s26, $0x1;
	_ =	strace $0x80000046;
	[dreg:$0x1] =	wrdreg $0xFFFFFFFF  }
0xaa: {  	s28 =	simm.s32 $_size_execute0_lowered;
	s6 =	sadd.s32 s6, s8;
	[dreg:$0x0] =	wrdreg $0x0  }
0xab: {  	s8 =	sshll.u32 s28, $0x1;
	[dreg:$0x2] =	wrdreg s6  }
0xac: {  	[dreg:$0x3] =	wrdreg s8  }
0xad: {  	[dreg:$0x4] =	wrdreg $0xC0  }
0xae: {  	_ =	task [dreg:s10], $0x5FFFF  }
0xaf: {  	[dreg:$0x1] =	wrdreg $0xFFFFFFFF  }
0xb0: {  	[dreg:$0x0] =	wrdreg $0x60  }
0xb1: {  	[dreg:$0x2] =	wrdreg s2  }
0xb2: {  	[dreg:$0x3] =	wrdreg s24  }
0xb3: {  	[dreg:$0x4] =	wrdreg s5  }
0xb4: {  	[dreg:$0x5] =	wrdreg s18  }
0xb5: {  	[dreg:$0x6] =	wrdreg s4  }
0xb6: {  	[dreg:$0x7] =	wrdreg $0x0  }
0xb7: {  	[dreg:$0x8] =	wrdreg $0x140000  }
0xb8: {  	[dreg:$0x9] =	wrdreg $0x9  }
0xb9: {  	_ =	task.clear_ibuf [dreg:s10], $0xAFFFF;
	_ =	strace $0x90000046  }
0xba: {  	s29 =	simm.s32 $0x9;
	_ =	strace $0x80000048  }
0xbb: {  	_ =	swait.ge [sflag:s29], $0x1  }
0xbc: {  	[sflag:s29] =	ssyncadd.s32 $0xFFFFFFFF  }
0xbd: {  	_ =	strace $0x90000048  }
0xbe: {  	_ =	sfence  }
0xbf: {  	s30 =	sld [smem:$0x0];
	_ =	sdelay $0x2  }
0xc0: {  	s31 =	sshll.u32 s1, $0xD;
	s1 =	sshrl.u32 s1, $0x2  }
0xc1: {  	s3 =	sand.u32 $0x4000, s31;
	s1 =	sadd.s32 s1, s30  }
0xc2: {  	s0 =	sor.u32 s3, s0;
	s1 =	sshll.u32 s1, $0x11  }
0xc3: {  	s0 =	sor.u32 s1, s0  }
0xc4: {  	s0 =	sadd.s32 $0x8F2B, s0  }
0xc5: {  	[sflag:s0] =	ssyncadd.remote.s32 $0x1  }
0xc6: {  	_ =	sfence.sel $0xFFFF  }
0xc7: {  	[dreg:$0x0] =	wrdreg $0xFFFFFFFF;
	(pc) =	sbr.abs _section_cstart, $3  }
0xc8: {  	[dreg:$0x1] =	wrdreg $0xFFFFFFFF  }
0xc9: {  	_ =	task.clear_ibuf [dreg:s10], $0x2FFFF;
	_ =	strace $0x9FFFFFFF  }
0xca: {  	(tm) =	ssettm $0x7FFFFFFF  }
0xcb: {  	_ =	shalt  }
tec
execute0_lowered:
.L_overlay_start_1:
0x0: {  	(tag) =	ssettag $0x1  }
0x1: {  	s0 =	rddreg [dreg:$0x1]  }
0x2: {  	s6 =	rddreg [dreg:$0x5];
	s1 =	srdreg.scid  }
0x3: {  	s7 =	rddreg [dreg:$0x6];
	s5 =	stileid.u32  }
0x4: {  	s8 =	simm.s32 $0x0;
	s16 =	simm.s32 $0x4F;
	s3 =	smul.u32 $0x14000, s5  }
0x5: {  	s28 =	simm.s32 $0x15300;
	s30 =	simm.s32 $0x80;
	s21 =	smul.u32 $0x500, s5  }
0x6: {  	s31 =	simm.s32 $0x1;
	s1 =	sand.u32 $0x1, s1;
	s4 =	smul.u32 $0x50000, s5  }
0x7: {  	[smem:$0x7FF] =	sst s8;
	s10 =	sadd.s32 $0x200, s0;
	s24 =	smul.u32 $0xA00, s5  }
0x8: {  	p0 =	slt.u32 s5, $0x2;
	s18 =	sshll.u32 s5, $0x8;
	s2 =	smul.u32 $0x140000, s1  }
0x9: {  	_ =	strace $0x80000047;
	s9 =	sshll.u32 s1, $0x7;
	s1 =	ssub.s32 $0x2, s1  }
0xa: {  	s16 =	simm.s32 @!p0 $0x4E;
	s4 =	sshrl.u32 s4, $0x2;
	s22 =	sshrl.u32 s1, $0x1  }
0xb: {  	s2 =	sadd.s32 s3, s2;
	s3 =	sor.u32 s9, s21;
	s4 =	sadd.s32 s4, s6  }
0xc: {  	s1 =	ssub.s32 s1, s22;
	s23 =	sadd.s32 $0x4000, s4;
	[dreg:$0x9] =	wrdreg s4  }
0xd: {  	s2 =	sshrl.u32 s2, $0x3;
	s6 =	sadd.s32 $0x8000, s4;
	[dreg:$0xa] =	wrdreg s23  }
0xe: {  	s3 =	sshrl.u32 s3, $0x3;
	s25 =	sadd.s32 $0xC000, s4;
	[dreg:$0xb] =	wrdreg s6  }
0xf: {  	s26 =	sadd.s32 $0x10000, s4;
	s29 =	smax.u32 s1, $0x1;
	[dreg:$0xc] =	wrdreg s25  }
0x10: {  	s2 =	sadd.s32 s2, s0;
	s0 =	sadd.s32 s3, s0;
	[dreg:$0xd] =	wrdreg s26  }
0x11: {  	s3 =	sshrl.u32 s24, $0x2;
	[dreg:$0x11] =	wrdreg s29;
	s2 =	sadd.s32 $0xAA00, s2  }
0x12: {  	s23 =	simm.s32 $0x2;
	s0 =	sadd.s32 $0xA000, s0;
	[dreg:$0xf] =	wrdreg s2  }
0x13: {  	s24 =	simm.s32 $0x15400;
	s3 =	sadd.s32 s3, s7;
	[dreg:$0x10] =	wrdreg s0  }
0x14: {  	v0 =	vimm.f32 $0.0e+00;
	v1 =	vimm.f32 $1.000000000e+00;
	s26 =	simm.s32 $0x15280;
	s25 =	simm.s32 $0x0;
	[dreg:$0xe] =	wrdreg s3  }
.LBB2_1:
0x15: {  	[dreg:$0x8] =	wrdreg s8;
	s0 =	simm.s32 $0x0;
	s1 =	simm.s32 $0x200  }
.LBB2_2:
0x16: {  	p0 =	sne.s32 s1, $0xFE00;
	[tilespmem:s0+$0x15470] =	vst v0  }
0x17: {  	[tilespmem:s0+$0x15400] =	vst v0  }
0x18: {  	[tilespmem:s0+$0x15410] =	vst v0  }
.Ltmp0:
0x19: {  	[tilespmem:s0+$0x15420] =	vst v0;
	(pc) =	sbr.rel @p0 .LBB2_2-.Ltmp0, $4  }
0x1a: {  	[tilespmem:s0+$0x15430] =	vst v0  }
0x1b: {  	[tilespmem:s0+$0x15440] =	vst v0  }
0x1c: {  	[tilespmem:s0+$0x15450] =	vst v0  }
0x1d: {  	[tilespmem:s0+$0x15460] =	vst v0;
	s0 =	sshra.s32 s1, $0x2;
	s1 =	sadd.s32 $0x200, s1  }
0x1e: {  	[tilespmem:s0+$0x15470] =	vst v0  }
0x1f: {  	[tilespmem:s0+$0x15400] =	vst v0  }
0x20: {  	[tilespmem:s0+$0x15410] =	vst v0  }
0x21: {  	[tilespmem:s0+$0x15420] =	vst v0  }
0x22: {  	[tilespmem:s0+$0x15430] =	vst v0  }
0x23: {  	[tilespmem:s0+$0x15440] =	vst v0  }
0x24: {  	[tilespmem:s0+$0x15450] =	vst v0  }
0x25: {  	[tilespmem:s0+$0x15460] =	vst v0  }
0x26: {  	[tilespmem:$0x19400] =	vst v1  }
0x27: {  	[tilespmem:$0x19410] =	vst v1  }
0x28: {  	[tilespmem:$0x19420] =	vst v1  }
0x29: {  	[tilespmem:$0x19430] =	vst v1  }
0x2a: {  	[tilespmem:$0x19440] =	vst v1  }
0x2b: {  	[tilespmem:$0x19450] =	vst v1  }
0x2c: {  	[tilespmem:$0x19460] =	vst v1  }
0x2d: {  	[tilespmem:$0x19470] =	vst v1  }
0x2e: {  	[tilespmem:$0x19480] =	vst v0  }
0x2f: {  	[tilespmem:$0x19490] =	vst v0  }
0x30: {  	[tilespmem:$0x194A0] =	vst v0  }
0x31: {  	[tilespmem:$0x194B0] =	vst v0  }
0x32: {  	[tilespmem:$0x194C0] =	vst v0  }
0x33: {  	[tilespmem:$0x194D0] =	vst v0  }
0x34: {  	[tilespmem:$0x194E0] =	vst v0  }
0x35: {  	[tilespmem:$0x194F0] =	vst v0  }
0x36: {  	[tilespmem:$0x19500] =	vst v0  }
0x37: {  	[tilespmem:$0x19510] =	vst v0  }
0x38: {  	[tilespmem:$0x19520] =	vst v0  }
0x39: {  	[tilespmem:$0x19530] =	vst v0  }
0x3a: {  	[tilespmem:$0x19540] =	vst v0  }
0x3b: {  	[tilespmem:$0x19550] =	vst v0  }
0x3c: {  	[tilespmem:$0x19560] =	vst v0  }
0x3d: {  	[tilespmem:$0x19570] =	vst v0  }
0x3e: {  	[tilespmem:$0x19580] =	vst v0  }
0x3f: {  	[tilespmem:$0x19590] =	vst v0  }
0x40: {  	[tilespmem:$0x195A0] =	vst v0  }
0x41: {  	[tilespmem:$0x195B0] =	vst v0  }
0x42: {  	[tilespmem:$0x195C0] =	vst v0  }
0x43: {  	[tilespmem:$0x195D0] =	vst v0  }
0x44: {  	[tilespmem:$0x195E0] =	vst v0  }
0x45: {  	[tilespmem:$0x195F0] =	vst v0  }
0x46: {  	[tilespmem:$0x19600] =	vst v0  }
0x47: {  	[tilespmem:$0x19610] =	vst v0  }
0x48: {  	[tilespmem:$0x19620] =	vst v0  }
0x49: {  	[tilespmem:$0x19630] =	vst v0  }
0x4a: {  	[tilespmem:$0x19640] =	vst v0  }
0x4b: {  	[tilespmem:$0x19650] =	vst v0  }
0x4c: {  	[tilespmem:$0x19660] =	vst v0  }
0x4d: {  	[tilespmem:$0x19670] =	vst v0  }
0x4e: {  	[tilespmem:$0x19680] =	vst v0  }
0x4f: {  	[tilespmem:$0x19690] =	vst v0  }
0x50: {  	[tilespmem:$0x196A0] =	vst v0  }
0x51: {  	[tilespmem:$0x196B0] =	vst v0  }
0x52: {  	[tilespmem:$0x196C0] =	vst v0  }
0x53: {  	[tilespmem:$0x196D0] =	vst v0  }
0x54: {  	[tilespmem:$0x196E0] =	vst v0  }
0x55: {  	s17 =	rddreg [dreg:$0x4];
	s1 =	simm.s32 $0x14280;
	[tilespmem:$0x196F0] =	vst v0  }
0x56: {  	[tilespmem:s1], [sflag:$0x2] =	stream.linear.gather [hbm4b:s17+s25], $0x1000, $0x38;
	[tilespmem:$0x19700] =	vst v63  }
0x57: {  	_ =	swait.ge [sflag:s23], $0x1000  }
0x58: {  	[sflag:s23] =	ssyncset.done $0x0  }
0x59: {  	[sflag:s23] =	ssyncadd.s32 $0xFFFFF000  }
0x5a: {  	[spmem:s4] =	stream.linear.scatter [tilespmem:s24], [sflag:$0x2], $0x4000, $0x38;
	[tilespmem:$0x19700] =	vst v63  }
0x5b: {  	_ =	swait.ge [sflag:s23], $0x4000  }
0x5c: {  	[sflag:s23] =	ssyncset.done $0x0  }
0x5d: {  	s19 =	rddreg [dreg:$0xa];
	[sflag:s23] =	ssyncadd.s32 $0xFFFFC000  }
0x5e: {  	[spmem:s19] =	stream.linear.scatter [tilespmem:s24], [sflag:$0x2], $0x4000, $0x38;
	[tilespmem:$0x19700] =	vst v63  }
0x5f: {  	_ =	swait.ge [sflag:s23], $0x4000  }
0x60: {  	[sflag:s23] =	ssyncset.done $0x0  }
0x61: {  	s20 =	rddreg [dreg:$0xb];
	[sflag:s23] =	ssyncadd.s32 $0xFFFFC000  }
0x62: {  	[spmem:s20] =	stream.linear.scatter [tilespmem:s24], [sflag:$0x2], $0x4000, $0x38;
	[tilespmem:$0x19700] =	vst v63  }
0x63: {  	_ =	swait.ge [sflag:s23], $0x4000  }
0x64: {  	[sflag:s23] =	ssyncset.done $0x0  }
0x65: {  	s21 =	rddreg [dreg:$0xc];
	[sflag:s23] =	ssyncadd.s32 $0xFFFFC000  }
0x66: {  	[spmem:s21] =	stream.linear.scatter [tilespmem:s24], [sflag:$0x2], $0x4000, $0x38;
	[tilespmem:$0x19700] =	vst v63  }
0x67: {  	_ =	swait.ge [sflag:s23], $0x4000  }
0x68: {  	[sflag:s23] =	ssyncset.done $0x0  }
0x69: {  	s22 =	rddreg [dreg:$0xd];
	[sflag:s23] =	ssyncadd.s32 $0xFFFFC000  }
0x6a: {  	[spmem:s22] =	stream.linear.scatter [tilespmem:s24], [sflag:$0x2], $0x4000, $0x38;
	[tilespmem:$0x19700] =	vst v63  }
0x6b: {  	_ =	swait.ge [sflag:s23], $0x4000  }
0x6c: {  	[sflag:s23] =	ssyncset.done $0x0  }
0x6d: {  	s29 =	simm.s32 $0x19480;
	[sflag:s23] =	ssyncadd.s32 $0xFFFFC000  }
0x6e: {  	[spmem:s3] =	stream.linear.scatter [tilespmem:s29], [sflag:$0x2], $0x280, $0x38;
	[tilespmem:$0x19700] =	vst v63  }
0x6f: {  	_ =	swait.ge [sflag:s23], $0x280  }
0x70: {  	[sflag:s23] =	ssyncset.done $0x0  }
0x71: {  	[sflag:s23] =	ssyncadd.s32 $0xFFFFFD80  }
0x72: {  	s3 =	simm.s32 $0x0;
	[bflag:$0x0] =	sbarrier.arrive $0xFFFF  }
.LBB2_4:
0x73: {  	s0 =	sshll.u32 s3, $0xC  }
0x74: {  	s0 =	sor.u32 s0, s18  }
0x75: {  	s0 =	sor.u32 s9, s0  }
0x76: {  	s1 =	rddreg [dreg:$0x2];
	s0 =	sshrl.u32 s0, $0x3  }
0x77: {  	s1 =	sadd.s32 s1, s0  }
0x78: {  	[tilespmem:s26], [sflag:$0x2] =	stream.linear.gather [hbm4b:s1+s25], $0x80, $0x38;
	[tilespmem:$0x19700] =	vst v63  }
0x79: {  	_ =	swait.ge [sflag:s23], $0x80  }
0x7a: {  	[sflag:s23] =	ssyncset.done $0x0  }
0x7b: {  	s19 =	sadd.s32 s10, s0;
	[sflag:s23] =	ssyncadd.s32 $0xFFFFFF80  }
0x7c: {  	[tilespmem:s28], [sflag:$0x2] =	stream.linear.gather [hbm4b:s19+s25], $0x80, $0x38;
	[tilespmem:$0x19700] =	vst v63  }
0x7d: {  	_ =	swait.ge [sflag:s23], $0x80  }
0x7e: {  	[sflag:s23] =	ssyncset.done $0x0  }
0x7f: {  	[sflag:s23] =	ssyncadd.s32 $0xFFFFFF80  }
0x80: {  	s20 =	rddreg [dreg:$0x3]  }
0x81: {  	s21 =	simm.s32 $0x15380;
	s0 =	sadd.s32 s20, s0  }
0x82: {  	[tilespmem:s21], [sflag:$0x2] =	stream.linear.gather [hbm4b:s0+s25], $0x80, $0x38;
	[tilespmem:$0x19700] =	vst v63  }
0x83: {  	_ =	swait.ge [sflag:s23], $0x80  }
0x84: {  	[sflag:s23] =	ssyncset.done $0x0  }
0x85: {  	[sflag:s23] =	ssyncadd.s32 $0xFFFFFF80  }
0x86: {  	s22 =	rddreg [dreg:$0x0]  }
0x87: {  	[tilespmem:s24], [sflag:$0x1] =	stream.indirect.gather [hbm4b:s22+s30], $0x80, s26, s30, $0xb8;
	[tilespmem:$0x19700] =	vst v63  }
0x88: {  	_ =	swait.ge [sflag:s31], $0x4000  }
0x89: {  	s29 =	simm.s32 $0x0;
	[sflag:s31] =	ssyncset.done $0x0  }
0x8a: {  	s0 =	sand.u32 $0x3FFFFFF0, s29;
	[sflag:s31] =	ssyncadd.s32 $0xFFFFC000  }
0x8b: {  	v2 =	vld [tilespmem:s0+$0x15380];
	_ =	sdelay $0x4  }
0x8c: {  	v2 =	vshll.u32 v2, $0x9  }
0x8d: {  	v2 =	vshra.s32 v2, $0x2  }
0x8e: {  	(v2sf) =	vpush v2, $0x0;
	_ =	sdelay $0xc  }
0x8f: {  	s1 =	simm.s32 $0x0  }
0x90: {  	s22 =	sand.u32 $0x3FFFF800, s1  }
0x91: {  	v3 =	vld [tilespmem:s22+$0x15400];
	s2 =	spop (v2sf)  }
0x92: {  	v4 =	vld [tilespmem:s2+$0x14280];
	_ =	sdelay $0x4  }
0x93: {  	v3 =	vmul.f32 v4, v3;
	_ =	sdelay $0x1  }
0x94: {  	[tilespmem:s22+$0x15400] =	vst v3;
	v3 =	vld [tilespmem:s22+$0x15410]  }
0x95: {  	v58 =	vld [tilespmem:s2+$0x14290];
	_ =	sdelay $0x4  }
0x96: {  	v3 =	vmul.f32 v58, v3;
	_ =	sdelay $0x1  }
0x97: {  	[tilespmem:s22+$0x15410] =	vst v3;
	v3 =	vld [tilespmem:s22+$0x15420]  }
0x98: {  	v59 =	vld [tilespmem:s2+$0x142A0];
	_ =	sdelay $0x4  }
0x99: {  	v3 =	vmul.f32 v59, v3;
	_ =	sdelay $0x1  }
0x9a: {  	[tilespmem:s22+$0x15420] =	vst v3;
	v3 =	vld [tilespmem:s22+$0x15430]  }
0x9b: {  	v60 =	vld [tilespmem:s2+$0x142B0];
	_ =	sdelay $0x4  }
0x9c: {  	v3 =	vmul.f32 v60, v3;
	_ =	sdelay $0x1  }
0x9d: {  	[tilespmem:s22+$0x15430] =	vst v3;
	v3 =	vld [tilespmem:s22+$0x15440]  }
0x9e: {  	v61 =	vld [tilespmem:s2+$0x142C0];
	_ =	sdelay $0x4  }
0x9f: {  	v3 =	vmul.f32 v61, v3;
	_ =	sdelay $0x1  }
0xa0: {  	[tilespmem:s22+$0x15440] =	vst v3;
	v3 =	vld [tilespmem:s22+$0x15450]  }
0xa1: {  	v62 =	vld [tilespmem:s2+$0x142D0];
	_ =	sdelay $0x4  }
0xa2: {  	v3 =	vmul.f32 v62, v3;
	_ =	sdelay $0x1  }
0xa3: {  	[tilespmem:s22+$0x15450] =	vst v3;
	v3 =	vld [tilespmem:s22+$0x15460]  }
0xa4: {  	(v2sf) =	vpush v2, $0x1;
	v63 =	vld [tilespmem:s2+$0x142E0];
	_ =	sdelay $0x4  }
0xa5: {  	v3 =	vmul.f32 v63, v3;
	_ =	sdelay $0x1  }
0xa6: {  	[tilespmem:s22+$0x15460] =	vst v3;
	v3 =	vld [tilespmem:s22+$0x15470]  }
0xa7: {  	v8 =	vld [tilespmem:s2+$0x142F0];
	_ =	sdelay $0x4  }
0xa8: {  	v3 =	vmul.f32 v8, v3;
	_ =	sdelay $0x1  }
0xa9: {  	s4 =	spop (v2sf);
	[tilespmem:s22+$0x15470] =	vst v3;
	v3 =	vld [tilespmem:s22+$0x15480]  }
0xaa: {  	v9 =	vld [tilespmem:s4+$0x14280];
	_ =	sdelay $0x4  }
0xab: {  	v3 =	vmul.f32 v9, v3;
	_ =	sdelay $0x1  }
0xac: {  	[tilespmem:s22+$0x15480] =	vst v3;
	v3 =	vld [tilespmem:s22+$0x15490]  }
0xad: {  	v10 =	vld [tilespmem:s4+$0x14290];
	_ =	sdelay $0x4  }
0xae: {  	v3 =	vmul.f32 v10, v3;
	_ =	sdelay $0x1  }
0xaf: {  	[tilespmem:s22+$0x15490] =	vst v3;
	v3 =	vld [tilespmem:s22+$0x154A0]  }
0xb0: {  	v11 =	vld [tilespmem:s4+$0x142A0];
	_ =	sdelay $0x4  }
0xb1: {  	v3 =	vmul.f32 v11, v3;
	_ =	sdelay $0x1  }
0xb2: {  	[tilespmem:s22+$0x154A0] =	vst v3;
	v3 =	vld [tilespmem:s22+$0x154B0]  }
0xb3: {  	v12 =	vld [tilespmem:s4+$0x142B0];
	_ =	sdelay $0x4  }
0xb4: {  	v3 =	vmul.f32 v12, v3;
	_ =	sdelay $0x1  }
0xb5: {  	[tilespmem:s22+$0x154B0] =	vst v3;
	v3 =	vld [tilespmem:s22+$0x154C0]  }
0xb6: {  	v13 =	vld [tilespmem:s4+$0x142C0];
	_ =	sdelay $0x4  }
0xb7: {  	v3 =	vmul.f32 v13, v3;
	_ =	sdelay $0x1  }
0xb8: {  	[tilespmem:s22+$0x154C0] =	vst v3;
	v3 =	vld [tilespmem:s22+$0x154D0]  }
0xb9: {  	v14 =	vld [tilespmem:s4+$0x142D0];
	_ =	sdelay $0x4  }
0xba: {  	v3 =	vmul.f32 v14, v3;
	_ =	sdelay $0x1  }
0xbb: {  	[tilespmem:s22+$0x154D0] =	vst v3;
	v3 =	vld [tilespmem:s22+$0x154E0]  }
0xbc: {  	(v2sf) =	vpush v2, $0x2;
	v15 =	vld [tilespmem:s4+$0x142E0];
	_ =	sdelay $0x4  }
0xbd: {  	v3 =	vmul.f32 v15, v3;
	_ =	sdelay $0x1  }
0xbe: {  	[tilespmem:s22+$0x154E0] =	vst v3;
	v3 =	vld [tilespmem:s22+$0x154F0]  }
0xbf: {  	v16 =	vld [tilespmem:s4+$0x142F0];
	_ =	sdelay $0x4  }
0xc0: {  	v3 =	vmul.f32 v16, v3;
	_ =	sdelay $0x1  }
0xc1: {  	s5 =	spop (v2sf);
	[tilespmem:s22+$0x154F0] =	vst v3;
	v3 =	vld [tilespmem:s22+$0x15500]  }
0xc2: {  	v17 =	vld [tilespmem:s5+$0x14280];
	_ =	sdelay $0x4  }
0xc3: {  	v3 =	vmul.f32 v17, v3;
	_ =	sdelay $0x1  }
0xc4: {  	[tilespmem:s22+$0x15500] =	vst v3;
	v3 =	vld [tilespmem:s22+$0x15510]  }
0xc5: {  	v18 =	vld [tilespmem:s5+$0x14290];
	_ =	sdelay $0x4  }
0xc6: {  	v3 =	vmul.f32 v18, v3;
	_ =	sdelay $0x1  }
0xc7: {  	[tilespmem:s22+$0x15510] =	vst v3;
	v3 =	vld [tilespmem:s22+$0x15520]  }
0xc8: {  	v19 =	vld [tilespmem:s5+$0x142A0];
	_ =	sdelay $0x4  }
0xc9: {  	v3 =	vmul.f32 v19, v3;
	_ =	sdelay $0x1  }
0xca: {  	[tilespmem:s22+$0x15520] =	vst v3;
	v3 =	vld [tilespmem:s22+$0x15530]  }
0xcb: {  	v20 =	vld [tilespmem:s5+$0x142B0];
	_ =	sdelay $0x4  }
0xcc: {  	v3 =	vmul.f32 v20, v3;
	_ =	sdelay $0x1  }
0xcd: {  	[tilespmem:s22+$0x15530] =	vst v3;
	v3 =	vld [tilespmem:s22+$0x15540]  }
0xce: {  	v21 =	vld [tilespmem:s5+$0x142C0];
	_ =	sdelay $0x4  }
0xcf: {  	v3 =	vmul.f32 v21, v3;
	_ =	sdelay $0x1  }
0xd0: {  	[tilespmem:s22+$0x15540] =	vst v3;
	v3 =	vld [tilespmem:s22+$0x15550]  }
0xd1: {  	v22 =	vld [tilespmem:s5+$0x142D0];
	_ =	sdelay $0x4  }
0xd2: {  	v3 =	vmul.f32 v22, v3;
	_ =	sdelay $0x1  }
0xd3: {  	[tilespmem:s22+$0x15550] =	vst v3;
	v3 =	vld [tilespmem:s22+$0x15560]  }
0xd4: {  	(v2sf) =	vpush v2, $0x3;
	v23 =	vld [tilespmem:s5+$0x142E0];
	_ =	sdelay $0x4  }
0xd5: {  	v3 =	vmul.f32 v23, v3;
	_ =	sdelay $0x1  }
0xd6: {  	[tilespmem:s22+$0x15560] =	vst v3;
	v3 =	vld [tilespmem:s22+$0x15570]  }
0xd7: {  	v24 =	vld [tilespmem:s5+$0x142F0];
	_ =	sdelay $0x4  }
0xd8: {  	v3 =	vmul.f32 v24, v3;
	_ =	sdelay $0x1  }
0xd9: {  	s6 =	spop (v2sf);
	[tilespmem:s22+$0x15570] =	vst v3;
	v3 =	vld [tilespmem:s22+$0x15580]  }
0xda: {  	v25 =	vld [tilespmem:s6+$0x14280];
	_ =	sdelay $0x4  }
0xdb: {  	v3 =	vmul.f32 v25, v3;
	_ =	sdelay $0x1  }
0xdc: {  	[tilespmem:s22+$0x15580] =	vst v3;
	v3 =	vld [tilespmem:s22+$0x15590]  }
0xdd: {  	v26 =	vld [tilespmem:s6+$0x14290];
	_ =	sdelay $0x4  }
0xde: {  	v3 =	vmul.f32 v26, v3;
	_ =	sdelay $0x1  }
0xdf: {  	[tilespmem:s22+$0x15590] =	vst v3;
	v3 =	vld [tilespmem:s22+$0x155A0]  }
0xe0: {  	v27 =	vld [tilespmem:s6+$0x142A0];
	_ =	sdelay $0x4  }
0xe1: {  	v3 =	vmul.f32 v27, v3;
	_ =	sdelay $0x1  }
0xe2: {  	[tilespmem:s22+$0x155A0] =	vst v3;
	v3 =	vld [tilespmem:s22+$0x155B0]  }
0xe3: {  	v28 =	vld [tilespmem:s6+$0x142B0];
	_ =	sdelay $0x4  }
0xe4: {  	v3 =	vmul.f32 v28, v3;
	_ =	sdelay $0x1  }
0xe5: {  	[tilespmem:s22+$0x155B0] =	vst v3;
	v3 =	vld [tilespmem:s22+$0x155C0]  }
0xe6: {  	v29 =	vld [tilespmem:s6+$0x142C0];
	_ =	sdelay $0x4  }
0xe7: {  	v3 =	vmul.f32 v29, v3;
	_ =	sdelay $0x1  }
0xe8: {  	[tilespmem:s22+$0x155C0] =	vst v3;
	v3 =	vld [tilespmem:s22+$0x155D0]  }
0xe9: {  	v30 =	vld [tilespmem:s6+$0x142D0];
	_ =	sdelay $0x4  }
0xea: {  	v3 =	vmul.f32 v30, v3;
	_ =	sdelay $0x1  }
0xeb: {  	[tilespmem:s22+$0x155D0] =	vst v3;
	v3 =	vld [tilespmem:s22+$0x155E0]  }
0xec: {  	(v2sf) =	vpush v2, $0x4;
	v31 =	vld [tilespmem:s6+$0x142E0];
	_ =	sdelay $0x4  }
0xed: {  	v3 =	vmul.f32 v31, v3;
	_ =	sdelay $0x1  }
0xee: {  	[tilespmem:s22+$0x155E0] =	vst v3;
	v3 =	vld [tilespmem:s22+$0x155F0]  }
0xef: {  	v32 =	vld [tilespmem:s6+$0x142F0];
	_ =	sdelay $0x4  }
0xf0: {  	v3 =	vmul.f32 v32, v3;
	_ =	sdelay $0x1  }
0xf1: {  	s7 =	spop (v2sf);
	[tilespmem:s22+$0x155F0] =	vst v3;
	v3 =	vld [tilespmem:s22+$0x15600]  }
0xf2: {  	v33 =	vld [tilespmem:s7+$0x14280];
	_ =	sdelay $0x4  }
0xf3: {  	v3 =	vmul.f32 v33, v3;
	_ =	sdelay $0x1  }
0xf4: {  	[tilespmem:s22+$0x15600] =	vst v3;
	v3 =	vld [tilespmem:s22+$0x15610]  }
0xf5: {  	v34 =	vld [tilespmem:s7+$0x14290];
	_ =	sdelay $0x4  }
0xf6: {  	v3 =	vmul.f32 v34, v3;
	_ =	sdelay $0x1  }
0xf7: {  	[tilespmem:s22+$0x15610] =	vst v3;
	v3 =	vld [tilespmem:s22+$0x15620]  }
0xf8: {  	v35 =	vld [tilespmem:s7+$0x142A0];
	_ =	sdelay $0x4  }
0xf9: {  	v3 =	vmul.f32 v35, v3;
	_ =	sdelay $0x1  }
0xfa: {  	[tilespmem:s22+$0x15620] =	vst v3;
	v3 =	vld [tilespmem:s22+$0x15630]  }
0xfb: {  	v36 =	vld [tilespmem:s7+$0x142B0];
	_ =	sdelay $0x4  }
0xfc: {  	v3 =	vmul.f32 v36, v3;
	_ =	sdelay $0x1  }
0xfd: {  	[tilespmem:s22+$0x15630] =	vst v3;
	v3 =	vld [tilespmem:s22+$0x15640]  }
0xfe: {  	v37 =	vld [tilespmem:s7+$0x142C0];
	_ =	sdelay $0x4  }
0xff: {  	v3 =	vmul.f32 v37, v3;
	_ =	sdelay $0x1  }
0x100: {  	[tilespmem:s22+$0x15640] =	vst v3;
	v3 =	vld [tilespmem:s22+$0x15650]  }
0x101: {  	v38 =	vld [tilespmem:s7+$0x142D0];
	_ =	sdelay $0x4  }
0x102: {  	v3 =	vmul.f32 v38, v3;
	_ =	sdelay $0x1  }
0x103: {  	[tilespmem:s22+$0x15650] =	vst v3;
	v3 =	vld [tilespmem:s22+$0x15660]  }
0x104: {  	(v2sf) =	vpush v2, $0x5;
	v39 =	vld [tilespmem:s7+$0x142E0];
	_ =	sdelay $0x4  }
0x105: {  	v3 =	vmul.f32 v39, v3;
	_ =	sdelay $0x1  }
0x106: {  	[tilespmem:s22+$0x15660] =	vst v3;
	v3 =	vld [tilespmem:s22+$0x15670]  }
0x107: {  	v40 =	vld [tilespmem:s7+$0x142F0];
	_ =	sdelay $0x4  }
0x108: {  	v3 =	vmul.f32 v40, v3;
	_ =	sdelay $0x1  }
0x109: {  	s8 =	spop (v2sf);
	[tilespmem:s22+$0x15670] =	vst v3;
	v3 =	vld [tilespmem:s22+$0x15680]  }
0x10a: {  	v41 =	vld [tilespmem:s8+$0x14280];
	_ =	sdelay $0x4  }
0x10b: {  	v3 =	vmul.f32 v41, v3;
	_ =	sdelay $0x1  }
0x10c: {  	[tilespmem:s22+$0x15680] =	vst v3;
	v3 =	vld [tilespmem:s22+$0x15690]  }
0x10d: {  	v42 =	vld [tilespmem:s8+$0x14290];
	_ =	sdelay $0x4  }
0x10e: {  	v3 =	vmul.f32 v42, v3;
	_ =	sdelay $0x1  }
0x10f: {  	[tilespmem:s22+$0x15690] =	vst v3;
	v3 =	vld [tilespmem:s22+$0x156A0]  }
0x110: {  	v43 =	vld [tilespmem:s8+$0x142A0];
	_ =	sdelay $0x4  }
0x111: {  	v3 =	vmul.f32 v43, v3;
	_ =	sdelay $0x1  }
0x112: {  	[tilespmem:s22+$0x156A0] =	vst v3;
	v3 =	vld [tilespmem:s22+$0x156B0]  }
0x113: {  	v44 =	vld [tilespmem:s8+$0x142B0];
	_ =	sdelay $0x4  }
0x114: {  	v3 =	vmul.f32 v44, v3;
	_ =	sdelay $0x1  }
0x115: {  	[tilespmem:s22+$0x156B0] =	vst v3;
	v3 =	vld [tilespmem:s22+$0x156C0]  }
0x116: {  	v45 =	vld [tilespmem:s8+$0x142C0];
	_ =	sdelay $0x4  }
0x117: {  	v3 =	vmul.f32 v45, v3;
	_ =	sdelay $0x1  }
0x118: {  	[tilespmem:s22+$0x156C0] =	vst v3;
	v3 =	vld [tilespmem:s22+$0x156D0]  }
0x119: {  	v46 =	vld [tilespmem:s8+$0x142D0];
	_ =	sdelay $0x4  }
0x11a: {  	v3 =	vmul.f32 v46, v3;
	_ =	sdelay $0x1  }
0x11b: {  	[tilespmem:s22+$0x156D0] =	vst v3;
	v3 =	vld [tilespmem:s22+$0x156E0]  }
0x11c: {  	(v2sf) =	vpush v2, $0x6;
	v47 =	vld [tilespmem:s8+$0x142E0];
	_ =	sdelay $0x4  }
0x11d: {  	v3 =	vmul.f32 v47, v3;
	_ =	sdelay $0x1  }
0x11e: {  	[tilespmem:s22+$0x156E0] =	vst v3;
	v3 =	vld [tilespmem:s22+$0x156F0]  }
0x11f: {  	v48 =	vld [tilespmem:s8+$0x142F0];
	_ =	sdelay $0x4  }
0x120: {  	v3 =	vmul.f32 v48, v3;
	_ =	sdelay $0x1  }
0x121: {  	s11 =	spop (v2sf);
	[tilespmem:s22+$0x156F0] =	vst v3;
	v3 =	vld [tilespmem:s22+$0x15700]  }
0x122: {  	v49 =	vld [tilespmem:s11+$0x14280];
	_ =	sdelay $0x4  }
0x123: {  	v3 =	vmul.f32 v49, v3;
	_ =	sdelay $0x1  }
0x124: {  	[tilespmem:s22+$0x15700] =	vst v3;
	v3 =	vld [tilespmem:s22+$0x15710]  }
0x125: {  	v50 =	vld [tilespmem:s11+$0x14290];
	_ =	sdelay $0x4  }
0x126: {  	v3 =	vmul.f32 v50, v3;
	_ =	sdelay $0x1  }
0x127: {  	[tilespmem:s22+$0x15710] =	vst v3;
	v3 =	vld [tilespmem:s22+$0x15720]  }
0x128: {  	v51 =	vld [tilespmem:s11+$0x142A0];
	_ =	sdelay $0x4  }
0x129: {  	v3 =	vmul.f32 v51, v3;
	_ =	sdelay $0x1  }
0x12a: {  	[tilespmem:s22+$0x15720] =	vst v3;
	v3 =	vld [tilespmem:s22+$0x15730]  }
0x12b: {  	v52 =	vld [tilespmem:s11+$0x142B0];
	_ =	sdelay $0x4  }
0x12c: {  	v3 =	vmul.f32 v52, v3;
	_ =	sdelay $0x1  }
0x12d: {  	[tilespmem:s22+$0x15730] =	vst v3;
	v3 =	vld [tilespmem:s22+$0x15740]  }
0x12e: {  	v53 =	vld [tilespmem:s11+$0x142C0];
	_ =	sdelay $0x4  }
0x12f: {  	v3 =	vmul.f32 v53, v3;
	_ =	sdelay $0x1  }
0x130: {  	[tilespmem:s22+$0x15740] =	vst v3;
	v3 =	vld [tilespmem:s22+$0x15750]  }
0x131: {  	v54 =	vld [tilespmem:s11+$0x142D0];
	_ =	sdelay $0x4  }
0x132: {  	v3 =	vmul.f32 v54, v3;
	_ =	sdelay $0x1  }
0x133: {  	[tilespmem:s22+$0x15750] =	vst v3;
	v3 =	vld [tilespmem:s22+$0x15760]  }
0x134: {  	(v2sf) =	vpush v2, $0x7;
	v55 =	vld [tilespmem:s11+$0x142E0];
	_ =	sdelay $0x4  }
0x135: {  	v3 =	vmul.f32 v55, v3;
	_ =	sdelay $0x1  }
0x136: {  	[tilespmem:s22+$0x15760] =	vst v3;
	v3 =	vld [tilespmem:s22+$0x15770]  }
0x137: {  	v56 =	vld [tilespmem:s11+$0x142F0];
	_ =	sdelay $0x4  }
0x138: {  	v3 =	vmul.f32 v56, v3;
	_ =	sdelay $0x1  }
0x139: {  	s12 =	spop (v2sf);
	[tilespmem:s22+$0x15770] =	vst v3;
	v3 =	vld [tilespmem:s22+$0x15780]  }
0x13a: {  	v57 =	vld [tilespmem:s12+$0x14280];
	_ =	sdelay $0x4  }
0x13b: {  	v3 =	vmul.f32 v57, v3;
	_ =	sdelay $0x1  }
0x13c: {  	[tilespmem:s22+$0x15780] =	vst v3;
	v3 =	vld [tilespmem:s22+$0x15790]  }
0x13d: {  	v58 =	vld [tilespmem:s12+$0x14290];
	_ =	sdelay $0x4  }
0x13e: {  	v3 =	vmul.f32 v58, v3;
	_ =	sdelay $0x1  }
0x13f: {  	[tilespmem:s22+$0x15790] =	vst v3;
	v3 =	vld [tilespmem:s22+$0x157A0]  }
0x140: {  	v59 =	vld [tilespmem:s12+$0x142A0];
	_ =	sdelay $0x4  }
0x141: {  	v3 =	vmul.f32 v59, v3;
	_ =	sdelay $0x1  }
0x142: {  	[tilespmem:s22+$0x157A0] =	vst v3;
	v3 =	vld [tilespmem:s22+$0x157B0]  }
0x143: {  	v60 =	vld [tilespmem:s12+$0x142B0];
	_ =	sdelay $0x4  }
0x144: {  	v3 =	vmul.f32 v60, v3;
	_ =	sdelay $0x1  }
0x145: {  	[tilespmem:s22+$0x157B0] =	vst v3;
	v3 =	vld [tilespmem:s22+$0x157C0]  }
0x146: {  	v61 =	vld [tilespmem:s12+$0x142C0];
	_ =	sdelay $0x4  }
0x147: {  	v3 =	vmul.f32 v61, v3;
	_ =	sdelay $0x1  }
0x148: {  	[tilespmem:s22+$0x157C0] =	vst v3;
	v3 =	vld [tilespmem:s22+$0x157D0]  }
0x149: {  	v62 =	vld [tilespmem:s12+$0x142D0];
	_ =	sdelay $0x4  }
0x14a: {  	v3 =	vmul.f32 v62, v3;
	_ =	sdelay $0x1  }
0x14b: {  	[tilespmem:s22+$0x157D0] =	vst v3;
	v3 =	vld [tilespmem:s22+$0x157E0]  }
0x14c: {  	(v2sf) =	vpush v2, $0x8;
	v63 =	vld [tilespmem:s12+$0x142E0];
	_ =	sdelay $0x4  }
0x14d: {  	v3 =	vmul.f32 v63, v3;
	_ =	sdelay $0x1  }
0x14e: {  	[tilespmem:s22+$0x157E0] =	vst v3;
	v3 =	vld [tilespmem:s22+$0x157F0]  }
0x14f: {  	v8 =	vld [tilespmem:s12+$0x142F0];
	_ =	sdelay $0x4  }
0x150: {  	v3 =	vmul.f32 v8, v3;
	_ =	sdelay $0x1  }
0x151: {  	s13 =	spop (v2sf);
	[tilespmem:s22+$0x157F0] =	vst v3;
	v3 =	vld [tilespmem:s22+$0x15800]  }
0x152: {  	v9 =	vld [tilespmem:s13+$0x14280];
	_ =	sdelay $0x4  }
0x153: {  	v3 =	vmul.f32 v9, v3;
	_ =	sdelay $0x1  }
0x154: {  	[tilespmem:s22+$0x15800] =	vst v3;
	v3 =	vld [tilespmem:s22+$0x15810]  }
0x155: {  	v10 =	vld [tilespmem:s13+$0x14290];
	_ =	sdelay $0x4  }
0x156: {  	v3 =	vmul.f32 v10, v3;
	_ =	sdelay $0x1  }
0x157: {  	[tilespmem:s22+$0x15810] =	vst v3;
	v3 =	vld [tilespmem:s22+$0x15820]  }
0x158: {  	v11 =	vld [tilespmem:s13+$0x142A0];
	_ =	sdelay $0x4  }
0x159: {  	v3 =	vmul.f32 v11, v3;
	_ =	sdelay $0x1  }
0x15a: {  	[tilespmem:s22+$0x15820] =	vst v3;
	v3 =	vld [tilespmem:s22+$0x15830]  }
0x15b: {  	v12 =	vld [tilespmem:s13+$0x142B0];
	_ =	sdelay $0x4  }
0x15c: {  	v3 =	vmul.f32 v12, v3;
	_ =	sdelay $0x1  }
0x15d: {  	[tilespmem:s22+$0x15830] =	vst v3;
	v3 =	vld [tilespmem:s22+$0x15840]  }
0x15e: {  	v13 =	vld [tilespmem:s13+$0x142C0];
	_ =	sdelay $0x4  }
0x15f: {  	v3 =	vmul.f32 v13, v3;
	_ =	sdelay $0x1  }
0x160: {  	[tilespmem:s22+$0x15840] =	vst v3;
	v3 =	vld [tilespmem:s22+$0x15850]  }
0x161: {  	v14 =	vld [tilespmem:s13+$0x142D0];
	_ =	sdelay $0x4  }
0x162: {  	v3 =	vmul.f32 v14, v3;
	_ =	sdelay $0x1  }
0x163: {  	[tilespmem:s22+$0x15850] =	vst v3;
	v3 =	vld [tilespmem:s22+$0x15860]  }
0x164: {  	(v2sf) =	vpush v2, $0x9;
	v15 =	vld [tilespmem:s13+$0x142E0];
	_ =	sdelay $0x4  }
0x165: {  	v3 =	vmul.f32 v15, v3;
	_ =	sdelay $0x1  }
0x166: {  	[tilespmem:s22+$0x15860] =	vst v3;
	v3 =	vld [tilespmem:s22+$0x15870]  }
0x167: {  	v16 =	vld [tilespmem:s13+$0x142F0];
	_ =	sdelay $0x4  }
0x168: {  	v3 =	vmul.f32 v16, v3;
	_ =	sdelay $0x1  }
0x169: {  	s14 =	spop (v2sf);
	[tilespmem:s22+$0x15870] =	vst v3;
	v3 =	vld [tilespmem:s22+$0x15880]  }
0x16a: {  	v17 =	vld [tilespmem:s14+$0x14280];
	_ =	sdelay $0x4  }
0x16b: {  	v3 =	vmul.f32 v17, v3;
	_ =	sdelay $0x1  }
0x16c: {  	[tilespmem:s22+$0x15880] =	vst v3;
	v3 =	vld [tilespmem:s22+$0x15890]  }
0x16d: {  	v18 =	vld [tilespmem:s14+$0x14290];
	_ =	sdelay $0x4  }
0x16e: {  	v3 =	vmul.f32 v18, v3;
	_ =	sdelay $0x1  }
0x16f: {  	[tilespmem:s22+$0x15890] =	vst v3;
	v3 =	vld [tilespmem:s22+$0x158A0]  }
0x170: {  	v19 =	vld [tilespmem:s14+$0x142A0];
	_ =	sdelay $0x4  }
0x171: {  	v3 =	vmul.f32 v19, v3;
	_ =	sdelay $0x1  }
0x172: {  	[tilespmem:s22+$0x158A0] =	vst v3;
	v3 =	vld [tilespmem:s22+$0x158B0]  }
0x173: {  	v20 =	vld [tilespmem:s14+$0x142B0];
	_ =	sdelay $0x4  }
0x174: {  	v3 =	vmul.f32 v20, v3;
	_ =	sdelay $0x1  }
0x175: {  	[tilespmem:s22+$0x158B0] =	vst v3;
	v3 =	vld [tilespmem:s22+$0x158C0]  }
0x176: {  	v21 =	vld [tilespmem:s14+$0x142C0];
	_ =	sdelay $0x4  }
0x177: {  	v3 =	vmul.f32 v21, v3;
	_ =	sdelay $0x1  }
0x178: {  	[tilespmem:s22+$0x158C0] =	vst v3;
	v3 =	vld [tilespmem:s22+$0x158D0]  }
0x179: {  	v22 =	vld [tilespmem:s14+$0x142D0];
	_ =	sdelay $0x4  }
0x17a: {  	v3 =	vmul.f32 v22, v3;
	_ =	sdelay $0x1  }
0x17b: {  	[tilespmem:s22+$0x158D0] =	vst v3;
	v3 =	vld [tilespmem:s22+$0x158E0]  }
0x17c: {  	(v2sf) =	vpush v2, $0xA;
	v23 =	vld [tilespmem:s14+$0x142E0];
	_ =	sdelay $0x4  }
0x17d: {  	v3 =	vmul.f32 v23, v3;
	_ =	sdelay $0x1  }
0x17e: {  	[tilespmem:s22+$0x158E0] =	vst v3;
	v3 =	vld [tilespmem:s22+$0x158F0]  }
0x17f: {  	v24 =	vld [tilespmem:s14+$0x142F0];
	_ =	sdelay $0x4  }
0x180: {  	v3 =	vmul.f32 v24, v3;
	_ =	sdelay $0x1  }
0x181: {  	s15 =	spop (v2sf);
	[tilespmem:s22+$0x158F0] =	vst v3;
	v3 =	vld [tilespmem:s22+$0x15900]  }
0x182: {  	v25 =	vld [tilespmem:s15+$0x14280];
	_ =	sdelay $0x4  }
0x183: {  	v3 =	vmul.f32 v25, v3;
	_ =	sdelay $0x1  }
0x184: {  	[tilespmem:s22+$0x15900] =	vst v3;
	v3 =	vld [tilespmem:s22+$0x15910]  }
0x185: {  	v26 =	vld [tilespmem:s15+$0x14290];
	_ =	sdelay $0x4  }
0x186: {  	v3 =	vmul.f32 v26, v3;
	_ =	sdelay $0x1  }
0x187: {  	[tilespmem:s22+$0x15910] =	vst v3;
	v3 =	vld [tilespmem:s22+$0x15920]  }
0x188: {  	v27 =	vld [tilespmem:s15+$0x142A0];
	_ =	sdelay $0x4  }
0x189: {  	v3 =	vmul.f32 v27, v3;
	_ =	sdelay $0x1  }
0x18a: {  	[tilespmem:s22+$0x15920] =	vst v3;
	v3 =	vld [tilespmem:s22+$0x15930]  }
0x18b: {  	v28 =	vld [tilespmem:s15+$0x142B0];
	_ =	sdelay $0x4  }
0x18c: {  	v3 =	vmul.f32 v28, v3;
	_ =	sdelay $0x1  }
0x18d: {  	[tilespmem:s22+$0x15930] =	vst v3;
	v3 =	vld [tilespmem:s22+$0x15940]  }
0x18e: {  	v29 =	vld [tilespmem:s15+$0x142C0];
	_ =	sdelay $0x4  }
0x18f: {  	v3 =	vmul.f32 v29, v3;
	_ =	sdelay $0x1  }
0x190: {  	[tilespmem:s22+$0x15940] =	vst v3;
	v3 =	vld [tilespmem:s22+$0x15950]  }
0x191: {  	v30 =	vld [tilespmem:s15+$0x142D0];
	_ =	sdelay $0x4  }
0x192: {  	v3 =	vmul.f32 v30, v3;
	_ =	sdelay $0x1  }
0x193: {  	[tilespmem:s22+$0x15950] =	vst v3;
	v3 =	vld [tilespmem:s22+$0x15960]  }
0x194: {  	(v2sf) =	vpush v2, $0xB;
	v31 =	vld [tilespmem:s15+$0x142E0];
	_ =	sdelay $0x4  }
0x195: {  	v3 =	vmul.f32 v31, v3;
	_ =	sdelay $0x1  }
0x196: {  	[tilespmem:s22+$0x15960] =	vst v3;
	v3 =	vld [tilespmem:s22+$0x15970]  }
0x197: {  	v32 =	vld [tilespmem:s15+$0x142F0];
	_ =	sdelay $0x4  }
0x198: {  	v3 =	vmul.f32 v32, v3;
	_ =	sdelay $0x1  }
0x199: {  	s17 =	spop (v2sf);
	[tilespmem:s22+$0x15970] =	vst v3;
	v3 =	vld [tilespmem:s22+$0x15980]  }
0x19a: {  	v33 =	vld [tilespmem:s17+$0x14280];
	_ =	sdelay $0x4  }
0x19b: {  	v3 =	vmul.f32 v33, v3;
	_ =	sdelay $0x1  }
0x19c: {  	[tilespmem:s22+$0x15980] =	vst v3;
	v3 =	vld [tilespmem:s22+$0x15990]  }
0x19d: {  	v34 =	vld [tilespmem:s17+$0x14290];
	_ =	sdelay $0x4  }
0x19e: {  	v3 =	vmul.f32 v34, v3;
	_ =	sdelay $0x1  }
0x19f: {  	[tilespmem:s22+$0x15990] =	vst v3;
	v3 =	vld [tilespmem:s22+$0x159A0]  }
0x1a0: {  	v35 =	vld [tilespmem:s17+$0x142A0];
	_ =	sdelay $0x4  }
0x1a1: {  	v3 =	vmul.f32 v35, v3;
	_ =	sdelay $0x1  }
0x1a2: {  	[tilespmem:s22+$0x159A0] =	vst v3;
	v3 =	vld [tilespmem:s22+$0x159B0]  }
0x1a3: {  	v36 =	vld [tilespmem:s17+$0x142B0];
	_ =	sdelay $0x4  }
0x1a4: {  	v3 =	vmul.f32 v36, v3;
	_ =	sdelay $0x1  }
0x1a5: {  	[tilespmem:s22+$0x159B0] =	vst v3;
	v3 =	vld [tilespmem:s22+$0x159C0]  }
0x1a6: {  	v37 =	vld [tilespmem:s17+$0x142C0];
	_ =	sdelay $0x4  }
0x1a7: {  	v3 =	vmul.f32 v37, v3;
	_ =	sdelay $0x1  }
0x1a8: {  	[tilespmem:s22+$0x159C0] =	vst v3;
	v3 =	vld [tilespmem:s22+$0x159D0]  }
0x1a9: {  	v38 =	vld [tilespmem:s17+$0x142D0];
	_ =	sdelay $0x4  }
0x1aa: {  	v3 =	vmul.f32 v38, v3;
	_ =	sdelay $0x1  }
0x1ab: {  	[tilespmem:s22+$0x159D0] =	vst v3;
	v3 =	vld [tilespmem:s22+$0x159E0]  }
0x1ac: {  	(v2sf) =	vpush v2, $0xC;
	v39 =	vld [tilespmem:s17+$0x142E0];
	_ =	sdelay $0x4  }
0x1ad: {  	v3 =	vmul.f32 v39, v3;
	_ =	sdelay $0x1  }
0x1ae: {  	[tilespmem:s22+$0x159E0] =	vst v3;
	v3 =	vld [tilespmem:s22+$0x159F0]  }
0x1af: {  	v40 =	vld [tilespmem:s17+$0x142F0];
	_ =	sdelay $0x4  }
0x1b0: {  	v3 =	vmul.f32 v40, v3;
	_ =	sdelay $0x1  }
0x1b1: {  	s19 =	spop (v2sf);
	[tilespmem:s22+$0x159F0] =	vst v3;
	v3 =	vld [tilespmem:s22+$0x15A00]  }
0x1b2: {  	v41 =	vld [tilespmem:s19+$0x14280];
	_ =	sdelay $0x4  }
0x1b3: {  	v3 =	vmul.f32 v41, v3;
	_ =	sdelay $0x1  }
0x1b4: {  	[tilespmem:s22+$0x15A00] =	vst v3;
	v3 =	vld [tilespmem:s22+$0x15A10]  }
0x1b5: {  	v42 =	vld [tilespmem:s19+$0x14290];
	_ =	sdelay $0x4  }
0x1b6: {  	v3 =	vmul.f32 v42, v3;
	_ =	sdelay $0x1  }
0x1b7: {  	[tilespmem:s22+$0x15A10] =	vst v3;
	v3 =	vld [tilespmem:s22+$0x15A20]  }
0x1b8: {  	v43 =	vld [tilespmem:s19+$0x142A0];
	_ =	sdelay $0x4  }
0x1b9: {  	v3 =	vmul.f32 v43, v3;
	_ =	sdelay $0x1  }
0x1ba: {  	[tilespmem:s22+$0x15A20] =	vst v3;
	v3 =	vld [tilespmem:s22+$0x15A30]  }
0x1bb: {  	v44 =	vld [tilespmem:s19+$0x142B0];
	_ =	sdelay $0x4  }
0x1bc: {  	v3 =	vmul.f32 v44, v3;
	_ =	sdelay $0x1  }
0x1bd: {  	[tilespmem:s22+$0x15A30] =	vst v3;
	v3 =	vld [tilespmem:s22+$0x15A40]  }
0x1be: {  	v45 =	vld [tilespmem:s19+$0x142C0];
	_ =	sdelay $0x4  }
0x1bf: {  	v3 =	vmul.f32 v45, v3;
	_ =	sdelay $0x1  }
0x1c0: {  	[tilespmem:s22+$0x15A40] =	vst v3;
	v3 =	vld [tilespmem:s22+$0x15A50]  }
0x1c1: {  	v46 =	vld [tilespmem:s19+$0x142D0];
	_ =	sdelay $0x4  }
0x1c2: {  	v3 =	vmul.f32 v46, v3;
	_ =	sdelay $0x1  }
0x1c3: {  	[tilespmem:s22+$0x15A50] =	vst v3;
	v3 =	vld [tilespmem:s22+$0x15A60]  }
0x1c4: {  	(v2sf) =	vpush v2, $0xD;
	v47 =	vld [tilespmem:s19+$0x142E0];
	_ =	sdelay $0x4  }
0x1c5: {  	v3 =	vmul.f32 v47, v3;
	_ =	sdelay $0x1  }
0x1c6: {  	[tilespmem:s22+$0x15A60] =	vst v3;
	v3 =	vld [tilespmem:s22+$0x15A70]  }
0x1c7: {  	v48 =	vld [tilespmem:s19+$0x142F0];
	_ =	sdelay $0x4  }
0x1c8: {  	v3 =	vmul.f32 v48, v3;
	_ =	sdelay $0x1  }
0x1c9: {  	s20 =	spop (v2sf);
	[tilespmem:s22+$0x15A70] =	vst v3;
	v3 =	vld [tilespmem:s22+$0x15A80]  }
0x1ca: {  	v49 =	vld [tilespmem:s20+$0x14280];
	_ =	sdelay $0x4  }
0x1cb: {  	v3 =	vmul.f32 v49, v3;
	_ =	sdelay $0x1  }
0x1cc: {  	[tilespmem:s22+$0x15A80] =	vst v3;
	v3 =	vld [tilespmem:s22+$0x15A90]  }
0x1cd: {  	v50 =	vld [tilespmem:s20+$0x14290];
	_ =	sdelay $0x4  }
0x1ce: {  	v3 =	vmul.f32 v50, v3;
	_ =	sdelay $0x1  }
0x1cf: {  	[tilespmem:s22+$0x15A90] =	vst v3;
	v3 =	vld [tilespmem:s22+$0x15AA0]  }
0x1d0: {  	v51 =	vld [tilespmem:s20+$0x142A0];
	_ =	sdelay $0x4  }
0x1d1: {  	v3 =	vmul.f32 v51, v3;
	_ =	sdelay $0x1  }
0x1d2: {  	[tilespmem:s22+$0x15AA0] =	vst v3;
	v3 =	vld [tilespmem:s22+$0x15AB0]  }
0x1d3: {  	v52 =	vld [tilespmem:s20+$0x142B0];
	_ =	sdelay $0x4  }
0x1d4: {  	v3 =	vmul.f32 v52, v3;
	_ =	sdelay $0x1  }
0x1d5: {  	[tilespmem:s22+$0x15AB0] =	vst v3;
	v3 =	vld [tilespmem:s22+$0x15AC0]  }
0x1d6: {  	v53 =	vld [tilespmem:s20+$0x142C0];
	_ =	sdelay $0x4  }
0x1d7: {  	v3 =	vmul.f32 v53, v3;
	_ =	sdelay $0x1  }
0x1d8: {  	[tilespmem:s22+$0x15AC0] =	vst v3;
	v3 =	vld [tilespmem:s22+$0x15AD0]  }
0x1d9: {  	v54 =	vld [tilespmem:s20+$0x142D0];
	_ =	sdelay $0x4  }
0x1da: {  	v3 =	vmul.f32 v54, v3;
	_ =	sdelay $0x1  }
0x1db: {  	[tilespmem:s22+$0x15AD0] =	vst v3;
	v3 =	vld [tilespmem:s22+$0x15AE0]  }
0x1dc: {  	(v2sf) =	vpush v2, $0xE;
	v55 =	vld [tilespmem:s20+$0x142E0];
	_ =	sdelay $0x4  }
0x1dd: {  	v3 =	vmul.f32 v55, v3;
	_ =	sdelay $0x1  }
0x1de: {  	[tilespmem:s22+$0x15AE0] =	vst v3;
	v3 =	vld [tilespmem:s22+$0x15AF0]  }
0x1df: {  	v56 =	vld [tilespmem:s20+$0x142F0];
	_ =	sdelay $0x4  }
0x1e0: {  	v3 =	vmul.f32 v56, v3;
	_ =	sdelay $0x1  }
0x1e1: {  	s21 =	spop (v2sf);
	[tilespmem:s22+$0x15AF0] =	vst v3;
	v3 =	vld [tilespmem:s22+$0x15B00]  }
0x1e2: {  	v57 =	vld [tilespmem:s21+$0x14280];
	_ =	sdelay $0x4  }
0x1e3: {  	v3 =	vmul.f32 v57, v3;
	_ =	sdelay $0x1  }
0x1e4: {  	[tilespmem:s22+$0x15B00] =	vst v3;
	v3 =	vld [tilespmem:s22+$0x15B10]  }
0x1e5: {  	v58 =	vld [tilespmem:s21+$0x14290];
	_ =	sdelay $0x4  }
0x1e6: {  	v3 =	vmul.f32 v58, v3;
	_ =	sdelay $0x1  }
0x1e7: {  	[tilespmem:s22+$0x15B10] =	vst v3;
	v3 =	vld [tilespmem:s22+$0x15B20]  }
0x1e8: {  	v59 =	vld [tilespmem:s21+$0x142A0];
	_ =	sdelay $0x4  }
0x1e9: {  	v3 =	vmul.f32 v59, v3;
	_ =	sdelay $0x1  }
0x1ea: {  	[tilespmem:s22+$0x15B20] =	vst v3;
	v3 =	vld [tilespmem:s22+$0x15B30]  }
0x1eb: {  	v60 =	vld [tilespmem:s21+$0x142B0];
	_ =	sdelay $0x4  }
0x1ec: {  	v3 =	vmul.f32 v60, v3;
	_ =	sdelay $0x1  }
0x1ed: {  	[tilespmem:s22+$0x15B30] =	vst v3;
	v3 =	vld [tilespmem:s22+$0x15B40]  }
0x1ee: {  	v61 =	vld [tilespmem:s21+$0x142C0];
	_ =	sdelay $0x4  }
0x1ef: {  	v3 =	vmul.f32 v61, v3;
	_ =	sdelay $0x1  }
0x1f0: {  	[tilespmem:s22+$0x15B40] =	vst v3;
	v3 =	vld [tilespmem:s22+$0x15B50]  }
0x1f1: {  	v62 =	vld [tilespmem:s21+$0x142D0];
	_ =	sdelay $0x4  }
0x1f2: {  	v3 =	vmul.f32 v62, v3;
	_ =	sdelay $0x1  }
0x1f3: {  	[tilespmem:s22+$0x15B50] =	vst v3;
	v3 =	vld [tilespmem:s22+$0x15B60]  }
0x1f4: {  	(v2sf) =	vpush v2, $0xF;
	v63 =	vld [tilespmem:s21+$0x142E0];
	_ =	sdelay $0x4  }
0x1f5: {  	v2 =	vmul.f32 v63, v3;
	_ =	sdelay $0x1  }
0x1f6: {  	[tilespmem:s22+$0x15B60] =	vst v2;
	v2 =	vld [tilespmem:s22+$0x15B70]  }
0x1f7: {  	v3 =	vld [tilespmem:s21+$0x142F0];
	_ =	sdelay $0x4  }
0x1f8: {  	v2 =	vmul.f32 v3, v2;
	_ =	sdelay $0x1  }
0x1f9: {  	s29 =	spop (v2sf);
	[tilespmem:s22+$0x15B70] =	vst v2;
	v2 =	vld [tilespmem:s22+$0x15B80]  }
0x1fa: {  	v3 =	vld [tilespmem:s29+$0x14280];
	_ =	sdelay $0x4  }
0x1fb: {  	v2 =	vmul.f32 v3, v2;
	_ =	sdelay $0x1  }
0x1fc: {  	[tilespmem:s22+$0x15B80] =	vst v2;
	v2 =	vld [tilespmem:s22+$0x15B90]  }
0x1fd: {  	v3 =	vld [tilespmem:s29+$0x14290];
	_ =	sdelay $0x4  }
0x1fe: {  	v2 =	vmul.f32 v3, v2;
	_ =	sdelay $0x1  }
0x1ff: {  	[tilespmem:s22+$0x15B90] =	vst v2;
	v2 =	vld [tilespmem:s22+$0x15BA0]  }
0x200: {  	v3 =	vld [tilespmem:s29+$0x142A0];
	_ =	sdelay $0x4  }
0x201: {  	v2 =	vmul.f32 v3, v2;
	_ =	sdelay $0x1  }
0x202: {  	[tilespmem:s22+$0x15BA0] =	vst v2;
	v2 =	vld [tilespmem:s22+$0x15BB0]  }
0x203: {  	v3 =	vld [tilespmem:s29+$0x142B0];
	_ =	sdelay $0x4  }
0x204: {  	v2 =	vmul.f32 v3, v2;
	_ =	sdelay $0x1  }
0x205: {  	[tilespmem:s22+$0x15BB0] =	vst v2;
	v2 =	vld [tilespmem:s22+$0x15BC0]  }
0x206: {  	v3 =	vld [tilespmem:s29+$0x142C0];
	_ =	sdelay $0x4  }
0x207: {  	v2 =	vmul.f32 v3, v2;
	_ =	sdelay $0x1  }
0x208: {  	[tilespmem:s22+$0x15BC0] =	vst v2;
	v2 =	vld [tilespmem:s22+$0x15BD0]  }
0x209: {  	v3 =	vld [tilespmem:s29+$0x142D0];
	_ =	sdelay $0x4  }
0x20a: {  	v2 =	vmul.f32 v3, v2;
	_ =	sdelay $0x1  }
0x20b: {  	[tilespmem:s22+$0x15BD0] =	vst v2;
	v2 =	vld [tilespmem:s22+$0x15BE0]  }
0x20c: {  	v3 =	vld [tilespmem:s29+$0x142E0];
	_ =	sdelay $0x4  }
0x20d: {  	v2 =	vmul.f32 v3, v2;
	_ =	sdelay $0x1  }
0x20e: {  	[tilespmem:s22+$0x15BE0] =	vst v2;
	v2 =	vld [tilespmem:s22+$0x15BF0]  }
0x20f: {  	v3 =	vld [tilespmem:s29+$0x142F0];
	_ =	sdelay $0x4  }
0x210: {  	v2 =	vmul.f32 v3, v2  }
0x211: {  	s0 =	simm.s32 $0x10;
	s5 =	simm.s32 $0x1;
	s12 =	simm.s32 $0x2  }
.LBB2_5:
0x212: {  	p0 =	sne.s32 s12, $0x7;
	s0 =	sand.u32 $0x3FFFFFF0, s0;
	[tilespmem:s22+$0x15BF0] =	vst v2  }
0x213: {  	v2 =	vld [tilespmem:s0+$0x15380];
	_ =	sdelay $0x4  }
0x214: {  	v2 =	vshll.u32 v2, $0x9  }
0x215: {  	v2 =	vshra.s32 v2, $0x2  }
0x216: {  	(v2sf) =	vpush v2, $0x0  }
0x217: {  	(v2sf) =	vpush v2, $0x1  }
0x218: {  	(v2sf) =	vpush v2, $0x2  }
0x219: {  	(v2sf) =	vpush v2, $0x3  }
0x21a: {  	(v2sf) =	vpush v2, $0x4  }
0x21b: {  	(v2sf) =	vpush v2, $0x5  }
0x21c: {  	(v2sf) =	vpush v2, $0x6  }
0x21d: {  	(v2sf) =	vpush v2, $0x7  }
0x21e: {  	(v2sf) =	vpush v2, $0x8  }
0x21f: {  	(v2sf) =	vpush v2, $0x9  }
0x220: {  	(v2sf) =	vpush v2, $0xA  }
0x221: {  	(v2sf) =	vpush v2, $0xB  }
0x222: {  	(v2sf) =	vpush v2, $0xC  }
0x223: {  	s0 =	sshll.u32 s5, $0xB;
	s5 =	smov.u32 s12;
	(v2sf) =	vpush v2, $0xD  }
0x224: {  	s22 =	sand.u32 $0x3FFFF800, s0;
	(v2sf) =	vpush v2, $0xE  }
0x225: {  	v3 =	vld [tilespmem:s22+$0x15400];
	s4 =	spop (v2sf);
	(v2sf) =	vpush v2, $0xF  }
0x226: {  	v2 =	vld [tilespmem:s4+$0x14280];
	s29 =	spop (v2sf)  }
0x227: {  	s7 =	spop (v2sf)  }
0x228: {  	s6 =	spop (v2sf)  }
0x229: {  	s2 =	spop (v2sf)  }
0x22a: {  	s1 =	spop (v2sf)  }
0x22b: {  	v2 =	vmul.f32 v2, v3;
	s0 =	spop (v2sf)  }
0x22c: {  	s8 =	spop (v2sf)  }
0x22d: {  	[tilespmem:s22+$0x15400] =	vst v2;
	v2 =	vld [tilespmem:s22+$0x15410];
	s11 =	spop (v2sf)  }
0x22e: {  	v3 =	vld [tilespmem:s4+$0x14290];
	s17 =	spop (v2sf)  }
0x22f: {  	s21 =	spop (v2sf)  }
0x230: {  	s20 =	spop (v2sf)  }
0x231: {  	s19 =	spop (v2sf)  }
0x232: {  	s15 =	spop (v2sf)  }
0x233: {  	v2 =	vmul.f32 v3, v2;
	s14 =	spop (v2sf)  }
0x234: {  	s13 =	spop (v2sf)  }
0x235: {  	[tilespmem:s22+$0x15410] =	vst v2;
	v2 =	vld [tilespmem:s22+$0x15420]  }
0x236: {  	v3 =	vld [tilespmem:s4+$0x142A0];
	_ =	sdelay $0x4  }
0x237: {  	v2 =	vmul.f32 v3, v2;
	_ =	sdelay $0x1  }
0x238: {  	[tilespmem:s22+$0x15420] =	vst v2;
	v2 =	vld [tilespmem:s22+$0x15430]  }
0x239: {  	v3 =	vld [tilespmem:s4+$0x142B0];
	_ =	sdelay $0x4  }
0x23a: {  	v2 =	vmul.f32 v3, v2;
	_ =	sdelay $0x1  }
0x23b: {  	[tilespmem:s22+$0x15430] =	vst v2;
	v2 =	vld [tilespmem:s22+$0x15440]  }
0x23c: {  	v3 =	vld [tilespmem:s4+$0x142C0];
	_ =	sdelay $0x4  }
0x23d: {  	v2 =	vmul.f32 v3, v2;
	_ =	sdelay $0x1  }
0x23e: {  	[tilespmem:s22+$0x15440] =	vst v2;
	v2 =	vld [tilespmem:s22+$0x15450]  }
0x23f: {  	v3 =	vld [tilespmem:s4+$0x142D0];
	_ =	sdelay $0x4  }
0x240: {  	v2 =	vmul.f32 v3, v2;
	_ =	sdelay $0x1  }
0x241: {  	[tilespmem:s22+$0x15450] =	vst v2;
	v2 =	vld [tilespmem:s22+$0x15460]  }
0x242: {  	v3 =	vld [tilespmem:s4+$0x142E0];
	_ =	sdelay $0x4  }
0x243: {  	v2 =	vmul.f32 v3, v2;
	_ =	sdelay $0x1  }
0x244: {  	[tilespmem:s22+$0x15460] =	vst v2;
	v2 =	vld [tilespmem:s22+$0x15470]  }
0x245: {  	v3 =	vld [tilespmem:s4+$0x142F0];
	_ =	sdelay $0x4  }
0x246: {  	v2 =	vmul.f32 v3, v2;
	_ =	sdelay $0x1  }
0x247: {  	[tilespmem:s22+$0x15470] =	vst v2;
	v2 =	vld [tilespmem:s22+$0x15480]  }
0x248: {  	v3 =	vld [tilespmem:s29+$0x14280];
	_ =	sdelay $0x4  }
0x249: {  	v2 =	vmul.f32 v3, v2;
	_ =	sdelay $0x1  }
0x24a: {  	[tilespmem:s22+$0x15480] =	vst v2;
	v2 =	vld [tilespmem:s22+$0x15490]  }
0x24b: {  	v3 =	vld [tilespmem:s29+$0x14290];
	_ =	sdelay $0x4  }
0x24c: {  	v2 =	vmul.f32 v3, v2;
	_ =	sdelay $0x1  }
0x24d: {  	[tilespmem:s22+$0x15490] =	vst v2;
	v2 =	vld [tilespmem:s22+$0x154A0]  }
0x24e: {  	v3 =	vld [tilespmem:s29+$0x142A0];
	_ =	sdelay $0x4  }
0x24f: {  	v2 =	vmul.f32 v3, v2;
	_ =	sdelay $0x1  }
0x250: {  	[tilespmem:s22+$0x154A0] =	vst v2;
	v2 =	vld [tilespmem:s22+$0x154B0]  }
0x251: {  	v3 =	vld [tilespmem:s29+$0x142B0];
	_ =	sdelay $0x4  }
0x252: {  	v2 =	vmul.f32 v3, v2;
	_ =	sdelay $0x1  }
0x253: {  	[tilespmem:s22+$0x154B0] =	vst v2;
	v2 =	vld [tilespmem:s22+$0x154C0]  }
0x254: {  	v3 =	vld [tilespmem:s29+$0x142C0];
	_ =	sdelay $0x4  }
0x255: {  	v2 =	vmul.f32 v3, v2;
	_ =	sdelay $0x1  }
0x256: {  	[tilespmem:s22+$0x154C0] =	vst v2;
	v2 =	vld [tilespmem:s22+$0x154D0]  }
0x257: {  	v3 =	vld [tilespmem:s29+$0x142D0];
	_ =	sdelay $0x4  }
0x258: {  	v2 =	vmul.f32 v3, v2;
	_ =	sdelay $0x1  }
0x259: {  	[tilespmem:s22+$0x154D0] =	vst v2;
	v2 =	vld [tilespmem:s22+$0x154E0]  }
0x25a: {  	v3 =	vld [tilespmem:s29+$0x142E0];
	_ =	sdelay $0x4  }
0x25b: {  	v2 =	vmul.f32 v3, v2;
	_ =	sdelay $0x1  }
0x25c: {  	[tilespmem:s22+$0x154E0] =	vst v2;
	v2 =	vld [tilespmem:s22+$0x154F0]  }
0x25d: {  	v3 =	vld [tilespmem:s29+$0x142F0];
	_ =	sdelay $0x4  }
0x25e: {  	v2 =	vmul.f32 v3, v2;
	_ =	sdelay $0x1  }
0x25f: {  	[tilespmem:s22+$0x154F0] =	vst v2;
	v2 =	vld [tilespmem:s22+$0x15500]  }
0x260: {  	v3 =	vld [tilespmem:s7+$0x14280];
	_ =	sdelay $0x4  }
0x261: {  	v2 =	vmul.f32 v3, v2;
	_ =	sdelay $0x1  }
0x262: {  	[tilespmem:s22+$0x15500] =	vst v2;
	v2 =	vld [tilespmem:s22+$0x15510]  }
0x263: {  	v3 =	vld [tilespmem:s7+$0x14290];
	_ =	sdelay $0x4  }
0x264: {  	v2 =	vmul.f32 v3, v2;
	_ =	sdelay $0x1  }
0x265: {  	[tilespmem:s22+$0x15510] =	vst v2;
	v2 =	vld [tilespmem:s22+$0x15520]  }
0x266: {  	v3 =	vld [tilespmem:s7+$0x142A0];
	_ =	sdelay $0x4  }
0x267: {  	v2 =	vmul.f32 v3, v2;
	_ =	sdelay $0x1  }
0x268: {  	[tilespmem:s22+$0x15520] =	vst v2;
	v2 =	vld [tilespmem:s22+$0x15530]  }
0x269: {  	v3 =	vld [tilespmem:s7+$0x142B0];
	_ =	sdelay $0x4  }
0x26a: {  	v2 =	vmul.f32 v3, v2;
	_ =	sdelay $0x1  }
0x26b: {  	[tilespmem:s22+$0x15530] =	vst v2;
	v2 =	vld [tilespmem:s22+$0x15540]  }
0x26c: {  	v3 =	vld [tilespmem:s7+$0x142C0];
	_ =	sdelay $0x4  }
0x26d: {  	v2 =	vmul.f32 v3, v2;
	_ =	sdelay $0x1  }
0x26e: {  	[tilespmem:s22+$0x15540] =	vst v2;
	v2 =	vld [tilespmem:s22+$0x15550]  }
0x26f: {  	v3 =	vld [tilespmem:s7+$0x142D0];
	_ =	sdelay $0x4  }
0x270: {  	v2 =	vmul.f32 v3, v2;
	_ =	sdelay $0x1  }
0x271: {  	[tilespmem:s22+$0x15550] =	vst v2;
	v2 =	vld [tilespmem:s22+$0x15560]  }
0x272: {  	v3 =	vld [tilespmem:s7+$0x142E0];
	_ =	sdelay $0x4  }
0x273: {  	v2 =	vmul.f32 v3, v2;
	_ =	sdelay $0x1  }
0x274: {  	[tilespmem:s22+$0x15560] =	vst v2;
	v2 =	vld [tilespmem:s22+$0x15570]  }
0x275: {  	v3 =	vld [tilespmem:s7+$0x142F0];
	_ =	sdelay $0x4  }
0x276: {  	v2 =	vmul.f32 v3, v2;
	_ =	sdelay $0x1  }
0x277: {  	[tilespmem:s22+$0x15570] =	vst v2;
	v2 =	vld [tilespmem:s22+$0x15580]  }
0x278: {  	v3 =	vld [tilespmem:s6+$0x14280];
	_ =	sdelay $0x4  }
0x279: {  	v2 =	vmul.f32 v3, v2;
	_ =	sdelay $0x1  }
0x27a: {  	[tilespmem:s22+$0x15580] =	vst v2;
	v2 =	vld [tilespmem:s22+$0x15590]  }
0x27b: {  	v3 =	vld [tilespmem:s6+$0x14290];
	_ =	sdelay $0x4  }
0x27c: {  	v2 =	vmul.f32 v3, v2;
	_ =	sdelay $0x1  }
0x27d: {  	[tilespmem:s22+$0x15590] =	vst v2;
	v2 =	vld [tilespmem:s22+$0x155A0]  }
0x27e: {  	v3 =	vld [tilespmem:s6+$0x142A0];
	_ =	sdelay $0x4  }
0x27f: {  	v2 =	vmul.f32 v3, v2;
	_ =	sdelay $0x1  }
0x280: {  	[tilespmem:s22+$0x155A0] =	vst v2;
	v2 =	vld [tilespmem:s22+$0x155B0]  }
0x281: {  	v3 =	vld [tilespmem:s6+$0x142B0];
	_ =	sdelay $0x4  }
0x282: {  	v2 =	vmul.f32 v3, v2;
	_ =	sdelay $0x1  }
0x283: {  	[tilespmem:s22+$0x155B0] =	vst v2;
	v2 =	vld [tilespmem:s22+$0x155C0]  }
0x284: {  	v3 =	vld [tilespmem:s6+$0x142C0];
	_ =	sdelay $0x4  }
0x285: {  	v2 =	vmul.f32 v3, v2;
	_ =	sdelay $0x1  }
0x286: {  	[tilespmem:s22+$0x155C0] =	vst v2;
	v2 =	vld [tilespmem:s22+$0x155D0]  }
0x287: {  	v3 =	vld [tilespmem:s6+$0x142D0];
	_ =	sdelay $0x4  }
0x288: {  	v2 =	vmul.f32 v3, v2;
	_ =	sdelay $0x1  }
0x289: {  	[tilespmem:s22+$0x155D0] =	vst v2;
	v2 =	vld [tilespmem:s22+$0x155E0]  }
0x28a: {  	v3 =	vld [tilespmem:s6+$0x142E0];
	_ =	sdelay $0x4  }
0x28b: {  	v2 =	vmul.f32 v3, v2;
	_ =	sdelay $0x1  }
0x28c: {  	[tilespmem:s22+$0x155E0] =	vst v2;
	v2 =	vld [tilespmem:s22+$0x155F0]  }
0x28d: {  	v3 =	vld [tilespmem:s6+$0x142F0];
	_ =	sdelay $0x4  }
0x28e: {  	v2 =	vmul.f32 v3, v2;
	_ =	sdelay $0x1  }
0x28f: {  	[tilespmem:s22+$0x155F0] =	vst v2;
	v2 =	vld [tilespmem:s22+$0x15600]  }
0x290: {  	v3 =	vld [tilespmem:s2+$0x14280];
	_ =	sdelay $0x4  }
0x291: {  	v2 =	vmul.f32 v3, v2;
	_ =	sdelay $0x1  }
0x292: {  	[tilespmem:s22+$0x15600] =	vst v2;
	v2 =	vld [tilespmem:s22+$0x15610]  }
0x293: {  	v3 =	vld [tilespmem:s2+$0x14290];
	_ =	sdelay $0x4  }
0x294: {  	v2 =	vmul.f32 v3, v2;
	_ =	sdelay $0x1  }
0x295: {  	[tilespmem:s22+$0x15610] =	vst v2;
	v2 =	vld [tilespmem:s22+$0x15620]  }
0x296: {  	v3 =	vld [tilespmem:s2+$0x142A0];
	_ =	sdelay $0x4  }
0x297: {  	v2 =	vmul.f32 v3, v2;
	_ =	sdelay $0x1  }
0x298: {  	[tilespmem:s22+$0x15620] =	vst v2;
	v2 =	vld [tilespmem:s22+$0x15630]  }
0x299: {  	v3 =	vld [tilespmem:s2+$0x142B0];
	_ =	sdelay $0x4  }
0x29a: {  	v2 =	vmul.f32 v3, v2;
	_ =	sdelay $0x1  }
0x29b: {  	[tilespmem:s22+$0x15630] =	vst v2;
	v2 =	vld [tilespmem:s22+$0x15640]  }
0x29c: {  	v3 =	vld [tilespmem:s2+$0x142C0];
	_ =	sdelay $0x4  }
0x29d: {  	v2 =	vmul.f32 v3, v2;
	_ =	sdelay $0x1  }
0x29e: {  	[tilespmem:s22+$0x15640] =	vst v2;
	v2 =	vld [tilespmem:s22+$0x15650]  }
0x29f: {  	v3 =	vld [tilespmem:s2+$0x142D0];
	_ =	sdelay $0x4  }
0x2a0: {  	v2 =	vmul.f32 v3, v2;
	_ =	sdelay $0x1  }
0x2a1: {  	[tilespmem:s22+$0x15650] =	vst v2;
	v2 =	vld [tilespmem:s22+$0x15660]  }
0x2a2: {  	v3 =	vld [tilespmem:s2+$0x142E0];
	_ =	sdelay $0x4  }
0x2a3: {  	v2 =	vmul.f32 v3, v2;
	_ =	sdelay $0x1  }
0x2a4: {  	[tilespmem:s22+$0x15660] =	vst v2;
	v2 =	vld [tilespmem:s22+$0x15670]  }
0x2a5: {  	v3 =	vld [tilespmem:s2+$0x142F0];
	_ =	sdelay $0x4  }
0x2a6: {  	v2 =	vmul.f32 v3, v2;
	_ =	sdelay $0x1  }
0x2a7: {  	[tilespmem:s22+$0x15670] =	vst v2;
	v2 =	vld [tilespmem:s22+$0x15680]  }
0x2a8: {  	v3 =	vld [tilespmem:s1+$0x14280];
	_ =	sdelay $0x4  }
0x2a9: {  	v2 =	vmul.f32 v3, v2;
	_ =	sdelay $0x1  }
0x2aa: {  	[tilespmem:s22+$0x15680] =	vst v2;
	v2 =	vld [tilespmem:s22+$0x15690]  }
0x2ab: {  	v3 =	vld [tilespmem:s1+$0x14290];
	_ =	sdelay $0x4  }
0x2ac: {  	v2 =	vmul.f32 v3, v2;
	_ =	sdelay $0x1  }
0x2ad: {  	[tilespmem:s22+$0x15690] =	vst v2;
	v2 =	vld [tilespmem:s22+$0x156A0]  }
0x2ae: {  	v3 =	vld [tilespmem:s1+$0x142A0];
	_ =	sdelay $0x4  }
0x2af: {  	v2 =	vmul.f32 v3, v2;
	_ =	sdelay $0x1  }
0x2b0: {  	[tilespmem:s22+$0x156A0] =	vst v2;
	v2 =	vld [tilespmem:s22+$0x156B0]  }
0x2b1: {  	v3 =	vld [tilespmem:s1+$0x142B0];
	_ =	sdelay $0x4  }
0x2b2: {  	v2 =	vmul.f32 v3, v2;
	_ =	sdelay $0x1  }
0x2b3: {  	[tilespmem:s22+$0x156B0] =	vst v2;
	v2 =	vld [tilespmem:s22+$0x156C0]  }
0x2b4: {  	v3 =	vld [tilespmem:s1+$0x142C0];
	_ =	sdelay $0x4  }
0x2b5: {  	v2 =	vmul.f32 v3, v2;
	_ =	sdelay $0x1  }
0x2b6: {  	[tilespmem:s22+$0x156C0] =	vst v2;
	v2 =	vld [tilespmem:s22+$0x156D0]  }
0x2b7: {  	v3 =	vld [tilespmem:s1+$0x142D0];
	_ =	sdelay $0x4  }
0x2b8: {  	v2 =	vmul.f32 v3, v2;
	_ =	sdelay $0x1  }
0x2b9: {  	[tilespmem:s22+$0x156D0] =	vst v2;
	v2 =	vld [tilespmem:s22+$0x156E0]  }
0x2ba: {  	v3 =	vld [tilespmem:s1+$0x142E0];
	_ =	sdelay $0x4  }
0x2bb: {  	v2 =	vmul.f32 v3, v2;
	_ =	sdelay $0x1  }
0x2bc: {  	[tilespmem:s22+$0x156E0] =	vst v2;
	v2 =	vld [tilespmem:s22+$0x156F0]  }
0x2bd: {  	v3 =	vld [tilespmem:s1+$0x142F0];
	_ =	sdelay $0x4  }
0x2be: {  	v2 =	vmul.f32 v3, v2;
	_ =	sdelay $0x1  }
0x2bf: {  	[tilespmem:s22+$0x156F0] =	vst v2;
	v2 =	vld [tilespmem:s22+$0x15700]  }
0x2c0: {  	v3 =	vld [tilespmem:s0+$0x14280];
	_ =	sdelay $0x4  }
0x2c1: {  	v2 =	vmul.f32 v3, v2;
	_ =	sdelay $0x1  }
0x2c2: {  	[tilespmem:s22+$0x15700] =	vst v2;
	v2 =	vld [tilespmem:s22+$0x15710]  }
0x2c3: {  	v3 =	vld [tilespmem:s0+$0x14290];
	_ =	sdelay $0x4  }
0x2c4: {  	v2 =	vmul.f32 v3, v2;
	_ =	sdelay $0x1  }
0x2c5: {  	[tilespmem:s22+$0x15710] =	vst v2;
	v2 =	vld [tilespmem:s22+$0x15720]  }
0x2c6: {  	v3 =	vld [tilespmem:s0+$0x142A0];
	_ =	sdelay $0x4  }
0x2c7: {  	v2 =	vmul.f32 v3, v2;
	_ =	sdelay $0x1  }
0x2c8: {  	[tilespmem:s22+$0x15720] =	vst v2;
	v2 =	vld [tilespmem:s22+$0x15730]  }
0x2c9: {  	v3 =	vld [tilespmem:s0+$0x142B0];
	_ =	sdelay $0x4  }
0x2ca: {  	v2 =	vmul.f32 v3, v2;
	_ =	sdelay $0x1  }
0x2cb: {  	[tilespmem:s22+$0x15730] =	vst v2;
	v2 =	vld [tilespmem:s22+$0x15740]  }
0x2cc: {  	v3 =	vld [tilespmem:s0+$0x142C0];
	_ =	sdelay $0x4  }
0x2cd: {  	v2 =	vmul.f32 v3, v2;
	_ =	sdelay $0x1  }
0x2ce: {  	[tilespmem:s22+$0x15740] =	vst v2;
	v2 =	vld [tilespmem:s22+$0x15750]  }
0x2cf: {  	v3 =	vld [tilespmem:s0+$0x142D0];
	_ =	sdelay $0x4  }
0x2d0: {  	v2 =	vmul.f32 v3, v2;
	_ =	sdelay $0x1  }
0x2d1: {  	[tilespmem:s22+$0x15750] =	vst v2;
	v2 =	vld [tilespmem:s22+$0x15760]  }
0x2d2: {  	v3 =	vld [tilespmem:s0+$0x142E0];
	_ =	sdelay $0x4  }
0x2d3: {  	v2 =	vmul.f32 v3, v2;
	_ =	sdelay $0x1  }
0x2d4: {  	[tilespmem:s22+$0x15760] =	vst v2;
	v2 =	vld [tilespmem:s22+$0x15770]  }
0x2d5: {  	v3 =	vld [tilespmem:s0+$0x142F0];
	_ =	sdelay $0x4  }
0x2d6: {  	v2 =	vmul.f32 v3, v2;
	_ =	sdelay $0x1  }
0x2d7: {  	[tilespmem:s22+$0x15770] =	vst v2;
	v2 =	vld [tilespmem:s22+$0x15780]  }
0x2d8: {  	v3 =	vld [tilespmem:s8+$0x14280];
	_ =	sdelay $0x4  }
0x2d9: {  	v2 =	vmul.f32 v3, v2;
	_ =	sdelay $0x1  }
0x2da: {  	[tilespmem:s22+$0x15780] =	vst v2;
	v2 =	vld [tilespmem:s22+$0x15790]  }
0x2db: {  	v3 =	vld [tilespmem:s8+$0x14290];
	_ =	sdelay $0x4  }
0x2dc: {  	v2 =	vmul.f32 v3, v2;
	_ =	sdelay $0x1  }
0x2dd: {  	[tilespmem:s22+$0x15790] =	vst v2;
	v2 =	vld [tilespmem:s22+$0x157A0]  }
0x2de: {  	v3 =	vld [tilespmem:s8+$0x142A0];
	_ =	sdelay $0x4  }
0x2df: {  	v2 =	vmul.f32 v3, v2;
	_ =	sdelay $0x1  }
0x2e0: {  	[tilespmem:s22+$0x157A0] =	vst v2;
	v2 =	vld [tilespmem:s22+$0x157B0]  }
0x2e1: {  	v3 =	vld [tilespmem:s8+$0x142B0];
	_ =	sdelay $0x4  }
0x2e2: {  	v2 =	vmul.f32 v3, v2;
	_ =	sdelay $0x1  }
0x2e3: {  	[tilespmem:s22+$0x157B0] =	vst v2;
	v2 =	vld [tilespmem:s22+$0x157C0]  }
0x2e4: {  	v3 =	vld [tilespmem:s8+$0x142C0];
	_ =	sdelay $0x4  }
0x2e5: {  	v2 =	vmul.f32 v3, v2;
	_ =	sdelay $0x1  }
0x2e6: {  	[tilespmem:s22+$0x157C0] =	vst v2;
	v2 =	vld [tilespmem:s22+$0x157D0]  }
0x2e7: {  	v3 =	vld [tilespmem:s8+$0x142D0];
	_ =	sdelay $0x4  }
0x2e8: {  	v2 =	vmul.f32 v3, v2;
	_ =	sdelay $0x1  }
0x2e9: {  	[tilespmem:s22+$0x157D0] =	vst v2;
	v2 =	vld [tilespmem:s22+$0x157E0]  }
0x2ea: {  	v3 =	vld [tilespmem:s8+$0x142E0];
	_ =	sdelay $0x4  }
0x2eb: {  	v2 =	vmul.f32 v3, v2;
	_ =	sdelay $0x1  }
0x2ec: {  	[tilespmem:s22+$0x157E0] =	vst v2;
	v2 =	vld [tilespmem:s22+$0x157F0]  }
0x2ed: {  	v3 =	vld [tilespmem:s8+$0x142F0];
	_ =	sdelay $0x4  }
0x2ee: {  	v2 =	vmul.f32 v3, v2;
	_ =	sdelay $0x1  }
0x2ef: {  	[tilespmem:s22+$0x157F0] =	vst v2;
	v2 =	vld [tilespmem:s22+$0x15800]  }
0x2f0: {  	v3 =	vld [tilespmem:s11+$0x14280];
	_ =	sdelay $0x4  }
0x2f1: {  	v2 =	vmul.f32 v3, v2;
	_ =	sdelay $0x1  }
0x2f2: {  	[tilespmem:s22+$0x15800] =	vst v2;
	v2 =	vld [tilespmem:s22+$0x15810]  }
0x2f3: {  	v3 =	vld [tilespmem:s11+$0x14290];
	_ =	sdelay $0x4  }
0x2f4: {  	v2 =	vmul.f32 v3, v2;
	_ =	sdelay $0x1  }
0x2f5: {  	[tilespmem:s22+$0x15810] =	vst v2;
	v2 =	vld [tilespmem:s22+$0x15820]  }
0x2f6: {  	v3 =	vld [tilespmem:s11+$0x142A0];
	_ =	sdelay $0x4  }
0x2f7: {  	v2 =	vmul.f32 v3, v2;
	_ =	sdelay $0x1  }
0x2f8: {  	[tilespmem:s22+$0x15820] =	vst v2;
	v2 =	vld [tilespmem:s22+$0x15830]  }
0x2f9: {  	v3 =	vld [tilespmem:s11+$0x142B0];
	_ =	sdelay $0x4  }
0x2fa: {  	v2 =	vmul.f32 v3, v2;
	_ =	sdelay $0x1  }
0x2fb: {  	[tilespmem:s22+$0x15830] =	vst v2;
	v2 =	vld [tilespmem:s22+$0x15840]  }
0x2fc: {  	v3 =	vld [tilespmem:s11+$0x142C0];
	_ =	sdelay $0x4  }
0x2fd: {  	v2 =	vmul.f32 v3, v2;
	_ =	sdelay $0x1  }
0x2fe: {  	[tilespmem:s22+$0x15840] =	vst v2;
	v2 =	vld [tilespmem:s22+$0x15850]  }
0x2ff: {  	v3 =	vld [tilespmem:s11+$0x142D0];
	_ =	sdelay $0x4  }
0x300: {  	v2 =	vmul.f32 v3, v2;
	_ =	sdelay $0x1  }
0x301: {  	[tilespmem:s22+$0x15850] =	vst v2;
	v2 =	vld [tilespmem:s22+$0x15860]  }
0x302: {  	v3 =	vld [tilespmem:s11+$0x142E0];
	_ =	sdelay $0x4  }
0x303: {  	v2 =	vmul.f32 v3, v2;
	_ =	sdelay $0x1  }
0x304: {  	[tilespmem:s22+$0x15860] =	vst v2;
	v2 =	vld [tilespmem:s22+$0x15870]  }
0x305: {  	v3 =	vld [tilespmem:s11+$0x142F0];
	_ =	sdelay $0x4  }
0x306: {  	v2 =	vmul.f32 v3, v2;
	_ =	sdelay $0x1  }
0x307: {  	[tilespmem:s22+$0x15870] =	vst v2;
	v2 =	vld [tilespmem:s22+$0x15880]  }
0x308: {  	v3 =	vld [tilespmem:s17+$0x14280];
	_ =	sdelay $0x4  }
0x309: {  	v2 =	vmul.f32 v3, v2;
	_ =	sdelay $0x1  }
0x30a: {  	[tilespmem:s22+$0x15880] =	vst v2;
	v2 =	vld [tilespmem:s22+$0x15890]  }
0x30b: {  	v3 =	vld [tilespmem:s17+$0x14290];
	_ =	sdelay $0x4  }
0x30c: {  	v2 =	vmul.f32 v3, v2;
	_ =	sdelay $0x1  }
0x30d: {  	[tilespmem:s22+$0x15890] =	vst v2;
	v2 =	vld [tilespmem:s22+$0x158A0]  }
0x30e: {  	v3 =	vld [tilespmem:s17+$0x142A0];
	_ =	sdelay $0x4  }
0x30f: {  	v2 =	vmul.f32 v3, v2;
	_ =	sdelay $0x1  }
0x310: {  	[tilespmem:s22+$0x158A0] =	vst v2;
	v2 =	vld [tilespmem:s22+$0x158B0]  }
0x311: {  	v3 =	vld [tilespmem:s17+$0x142B0];
	_ =	sdelay $0x4  }
0x312: {  	v2 =	vmul.f32 v3, v2;
	_ =	sdelay $0x1  }
0x313: {  	[tilespmem:s22+$0x158B0] =	vst v2;
	v2 =	vld [tilespmem:s22+$0x158C0]  }
0x314: {  	v3 =	vld [tilespmem:s17+$0x142C0];
	_ =	sdelay $0x4  }
0x315: {  	v2 =	vmul.f32 v3, v2;
	_ =	sdelay $0x1  }
0x316: {  	[tilespmem:s22+$0x158C0] =	vst v2;
	v2 =	vld [tilespmem:s22+$0x158D0]  }
0x317: {  	v3 =	vld [tilespmem:s17+$0x142D0];
	_ =	sdelay $0x4  }
0x318: {  	v2 =	vmul.f32 v3, v2;
	_ =	sdelay $0x1  }
0x319: {  	[tilespmem:s22+$0x158D0] =	vst v2;
	v2 =	vld [tilespmem:s22+$0x158E0]  }
0x31a: {  	v3 =	vld [tilespmem:s17+$0x142E0];
	_ =	sdelay $0x4  }
0x31b: {  	v2 =	vmul.f32 v3, v2;
	_ =	sdelay $0x1  }
0x31c: {  	[tilespmem:s22+$0x158E0] =	vst v2;
	v2 =	vld [tilespmem:s22+$0x158F0]  }
0x31d: {  	v3 =	vld [tilespmem:s17+$0x142F0];
	_ =	sdelay $0x4  }
0x31e: {  	v2 =	vmul.f32 v3, v2;
	_ =	sdelay $0x1  }
0x31f: {  	[tilespmem:s22+$0x158F0] =	vst v2;
	v2 =	vld [tilespmem:s22+$0x15900]  }
0x320: {  	v3 =	vld [tilespmem:s21+$0x14280];
	_ =	sdelay $0x4  }
0x321: {  	v2 =	vmul.f32 v3, v2;
	_ =	sdelay $0x1  }
0x322: {  	[tilespmem:s22+$0x15900] =	vst v2;
	v2 =	vld [tilespmem:s22+$0x15910]  }
0x323: {  	v3 =	vld [tilespmem:s21+$0x14290];
	_ =	sdelay $0x4  }
0x324: {  	v2 =	vmul.f32 v3, v2;
	_ =	sdelay $0x1  }
0x325: {  	[tilespmem:s22+$0x15910] =	vst v2;
	v2 =	vld [tilespmem:s22+$0x15920]  }
0x326: {  	v3 =	vld [tilespmem:s21+$0x142A0];
	_ =	sdelay $0x4  }
0x327: {  	v2 =	vmul.f32 v3, v2;
	_ =	sdelay $0x1  }
0x328: {  	[tilespmem:s22+$0x15920] =	vst v2;
	v2 =	vld [tilespmem:s22+$0x15930]  }
0x329: {  	v3 =	vld [tilespmem:s21+$0x142B0];
	_ =	sdelay $0x4  }
0x32a: {  	v2 =	vmul.f32 v3, v2;
	_ =	sdelay $0x1  }
0x32b: {  	[tilespmem:s22+$0x15930] =	vst v2;
	v2 =	vld [tilespmem:s22+$0x15940]  }
0x32c: {  	v3 =	vld [tilespmem:s21+$0x142C0];
	_ =	sdelay $0x4  }
0x32d: {  	v2 =	vmul.f32 v3, v2;
	_ =	sdelay $0x1  }
0x32e: {  	[tilespmem:s22+$0x15940] =	vst v2;
	v2 =	vld [tilespmem:s22+$0x15950]  }
0x32f: {  	v3 =	vld [tilespmem:s21+$0x142D0];
	_ =	sdelay $0x4  }
0x330: {  	v2 =	vmul.f32 v3, v2;
	_ =	sdelay $0x1  }
0x331: {  	[tilespmem:s22+$0x15950] =	vst v2;
	v2 =	vld [tilespmem:s22+$0x15960]  }
0x332: {  	v3 =	vld [tilespmem:s21+$0x142E0];
	_ =	sdelay $0x4  }
0x333: {  	v2 =	vmul.f32 v3, v2;
	_ =	sdelay $0x1  }
0x334: {  	[tilespmem:s22+$0x15960] =	vst v2;
	v2 =	vld [tilespmem:s22+$0x15970]  }
0x335: {  	v3 =	vld [tilespmem:s21+$0x142F0];
	_ =	sdelay $0x4  }
0x336: {  	v2 =	vmul.f32 v3, v2;
	_ =	sdelay $0x1  }
0x337: {  	[tilespmem:s22+$0x15970] =	vst v2;
	v2 =	vld [tilespmem:s22+$0x15980]  }
0x338: {  	v3 =	vld [tilespmem:s20+$0x14280];
	_ =	sdelay $0x4  }
0x339: {  	v2 =	vmul.f32 v3, v2;
	_ =	sdelay $0x1  }
0x33a: {  	[tilespmem:s22+$0x15980] =	vst v2;
	v2 =	vld [tilespmem:s22+$0x15990]  }
0x33b: {  	v3 =	vld [tilespmem:s20+$0x14290];
	_ =	sdelay $0x4  }
0x33c: {  	v2 =	vmul.f32 v3, v2;
	_ =	sdelay $0x1  }
0x33d: {  	[tilespmem:s22+$0x15990] =	vst v2;
	v2 =	vld [tilespmem:s22+$0x159A0]  }
0x33e: {  	v3 =	vld [tilespmem:s20+$0x142A0];
	_ =	sdelay $0x4  }
0x33f: {  	v2 =	vmul.f32 v3, v2;
	_ =	sdelay $0x1  }
0x340: {  	[tilespmem:s22+$0x159A0] =	vst v2;
	v2 =	vld [tilespmem:s22+$0x159B0]  }
0x341: {  	v3 =	vld [tilespmem:s20+$0x142B0];
	_ =	sdelay $0x4  }
0x342: {  	v2 =	vmul.f32 v3, v2;
	_ =	sdelay $0x1  }
0x343: {  	[tilespmem:s22+$0x159B0] =	vst v2;
	v2 =	vld [tilespmem:s22+$0x159C0]  }
0x344: {  	v3 =	vld [tilespmem:s20+$0x142C0];
	_ =	sdelay $0x4  }
0x345: {  	v2 =	vmul.f32 v3, v2;
	_ =	sdelay $0x1  }
0x346: {  	[tilespmem:s22+$0x159C0] =	vst v2;
	v2 =	vld [tilespmem:s22+$0x159D0]  }
0x347: {  	v3 =	vld [tilespmem:s20+$0x142D0];
	_ =	sdelay $0x4  }
0x348: {  	v2 =	vmul.f32 v3, v2;
	_ =	sdelay $0x1  }
0x349: {  	[tilespmem:s22+$0x159D0] =	vst v2;
	v2 =	vld [tilespmem:s22+$0x159E0]  }
0x34a: {  	v3 =	vld [tilespmem:s20+$0x142E0];
	_ =	sdelay $0x4  }
0x34b: {  	v2 =	vmul.f32 v3, v2;
	_ =	sdelay $0x1  }
0x34c: {  	[tilespmem:s22+$0x159E0] =	vst v2;
	v2 =	vld [tilespmem:s22+$0x159F0]  }
0x34d: {  	v3 =	vld [tilespmem:s20+$0x142F0];
	_ =	sdelay $0x4  }
0x34e: {  	v2 =	vmul.f32 v3, v2;
	_ =	sdelay $0x1  }
0x34f: {  	[tilespmem:s22+$0x159F0] =	vst v2;
	v2 =	vld [tilespmem:s22+$0x15A00]  }
0x350: {  	v3 =	vld [tilespmem:s19+$0x14280];
	_ =	sdelay $0x4  }
0x351: {  	v2 =	vmul.f32 v3, v2;
	_ =	sdelay $0x1  }
0x352: {  	[tilespmem:s22+$0x15A00] =	vst v2;
	v2 =	vld [tilespmem:s22+$0x15A10]  }
0x353: {  	v3 =	vld [tilespmem:s19+$0x14290];
	_ =	sdelay $0x4  }
0x354: {  	v2 =	vmul.f32 v3, v2;
	_ =	sdelay $0x1  }
0x355: {  	[tilespmem:s22+$0x15A10] =	vst v2;
	v2 =	vld [tilespmem:s22+$0x15A20]  }
0x356: {  	v3 =	vld [tilespmem:s19+$0x142A0];
	_ =	sdelay $0x4  }
0x357: {  	v2 =	vmul.f32 v3, v2;
	_ =	sdelay $0x1  }
0x358: {  	[tilespmem:s22+$0x15A20] =	vst v2;
	v2 =	vld [tilespmem:s22+$0x15A30]  }
0x359: {  	v3 =	vld [tilespmem:s19+$0x142B0];
	_ =	sdelay $0x4  }
0x35a: {  	v2 =	vmul.f32 v3, v2;
	_ =	sdelay $0x1  }
0x35b: {  	[tilespmem:s22+$0x15A30] =	vst v2;
	v2 =	vld [tilespmem:s22+$0x15A40]  }
0x35c: {  	v3 =	vld [tilespmem:s19+$0x142C0];
	_ =	sdelay $0x4  }
0x35d: {  	v2 =	vmul.f32 v3, v2;
	_ =	sdelay $0x1  }
0x35e: {  	[tilespmem:s22+$0x15A40] =	vst v2;
	v2 =	vld [tilespmem:s22+$0x15A50]  }
0x35f: {  	v3 =	vld [tilespmem:s19+$0x142D0];
	_ =	sdelay $0x4  }
0x360: {  	v2 =	vmul.f32 v3, v2;
	_ =	sdelay $0x1  }
0x361: {  	[tilespmem:s22+$0x15A50] =	vst v2;
	v2 =	vld [tilespmem:s22+$0x15A60]  }
0x362: {  	v3 =	vld [tilespmem:s19+$0x142E0];
	_ =	sdelay $0x4  }
0x363: {  	v2 =	vmul.f32 v3, v2;
	_ =	sdelay $0x1  }
0x364: {  	[tilespmem:s22+$0x15A60] =	vst v2;
	v2 =	vld [tilespmem:s22+$0x15A70]  }
0x365: {  	v3 =	vld [tilespmem:s19+$0x142F0];
	_ =	sdelay $0x4  }
0x366: {  	v2 =	vmul.f32 v3, v2;
	_ =	sdelay $0x1  }
0x367: {  	[tilespmem:s22+$0x15A70] =	vst v2;
	v2 =	vld [tilespmem:s22+$0x15A80]  }
0x368: {  	v3 =	vld [tilespmem:s15+$0x14280];
	_ =	sdelay $0x4  }
0x369: {  	v2 =	vmul.f32 v3, v2;
	_ =	sdelay $0x1  }
0x36a: {  	[tilespmem:s22+$0x15A80] =	vst v2;
	v2 =	vld [tilespmem:s22+$0x15A90]  }
0x36b: {  	v3 =	vld [tilespmem:s15+$0x14290];
	_ =	sdelay $0x4  }
0x36c: {  	v2 =	vmul.f32 v3, v2;
	_ =	sdelay $0x1  }
0x36d: {  	[tilespmem:s22+$0x15A90] =	vst v2;
	v2 =	vld [tilespmem:s22+$0x15AA0]  }
0x36e: {  	v3 =	vld [tilespmem:s15+$0x142A0];
	_ =	sdelay $0x4  }
0x36f: {  	v2 =	vmul.f32 v3, v2;
	_ =	sdelay $0x1  }
0x370: {  	[tilespmem:s22+$0x15AA0] =	vst v2;
	v2 =	vld [tilespmem:s22+$0x15AB0]  }
0x371: {  	v3 =	vld [tilespmem:s15+$0x142B0];
	_ =	sdelay $0x4  }
0x372: {  	v2 =	vmul.f32 v3, v2;
	_ =	sdelay $0x1  }
0x373: {  	[tilespmem:s22+$0x15AB0] =	vst v2;
	v2 =	vld [tilespmem:s22+$0x15AC0]  }
0x374: {  	v3 =	vld [tilespmem:s15+$0x142C0];
	_ =	sdelay $0x4  }
0x375: {  	v2 =	vmul.f32 v3, v2;
	_ =	sdelay $0x1  }
0x376: {  	[tilespmem:s22+$0x15AC0] =	vst v2;
	v2 =	vld [tilespmem:s22+$0x15AD0]  }
0x377: {  	v3 =	vld [tilespmem:s15+$0x142D0];
	_ =	sdelay $0x4  }
0x378: {  	v2 =	vmul.f32 v3, v2;
	_ =	sdelay $0x1  }
0x379: {  	[tilespmem:s22+$0x15AD0] =	vst v2;
	v2 =	vld [tilespmem:s22+$0x15AE0]  }
0x37a: {  	v3 =	vld [tilespmem:s15+$0x142E0];
	_ =	sdelay $0x4  }
0x37b: {  	v2 =	vmul.f32 v3, v2;
	_ =	sdelay $0x1  }
0x37c: {  	[tilespmem:s22+$0x15AE0] =	vst v2;
	v2 =	vld [tilespmem:s22+$0x15AF0]  }
0x37d: {  	v3 =	vld [tilespmem:s15+$0x142F0];
	_ =	sdelay $0x4  }
0x37e: {  	v2 =	vmul.f32 v3, v2;
	_ =	sdelay $0x1  }
0x37f: {  	[tilespmem:s22+$0x15AF0] =	vst v2;
	v2 =	vld [tilespmem:s22+$0x15B00]  }
0x380: {  	v3 =	vld [tilespmem:s14+$0x14280];
	_ =	sdelay $0x4  }
0x381: {  	v2 =	vmul.f32 v3, v2;
	_ =	sdelay $0x1  }
0x382: {  	[tilespmem:s22+$0x15B00] =	vst v2;
	v2 =	vld [tilespmem:s22+$0x15B10]  }
0x383: {  	v3 =	vld [tilespmem:s14+$0x14290];
	_ =	sdelay $0x4  }
0x384: {  	v2 =	vmul.f32 v3, v2;
	_ =	sdelay $0x1  }
0x385: {  	[tilespmem:s22+$0x15B10] =	vst v2;
	v2 =	vld [tilespmem:s22+$0x15B20]  }
0x386: {  	v3 =	vld [tilespmem:s14+$0x142A0];
	_ =	sdelay $0x4  }
0x387: {  	v2 =	vmul.f32 v3, v2;
	_ =	sdelay $0x1  }
0x388: {  	[tilespmem:s22+$0x15B20] =	vst v2;
	v2 =	vld [tilespmem:s22+$0x15B30]  }
0x389: {  	v3 =	vld [tilespmem:s14+$0x142B0];
	_ =	sdelay $0x4  }
0x38a: {  	v2 =	vmul.f32 v3, v2;
	_ =	sdelay $0x1  }
0x38b: {  	[tilespmem:s22+$0x15B30] =	vst v2;
	v2 =	vld [tilespmem:s22+$0x15B40]  }
0x38c: {  	v3 =	vld [tilespmem:s14+$0x142C0];
	_ =	sdelay $0x4  }
0x38d: {  	v2 =	vmul.f32 v3, v2;
	_ =	sdelay $0x1  }
0x38e: {  	[tilespmem:s22+$0x15B40] =	vst v2;
	v2 =	vld [tilespmem:s22+$0x15B50]  }
0x38f: {  	v3 =	vld [tilespmem:s14+$0x142D0];
	_ =	sdelay $0x4  }
0x390: {  	v2 =	vmul.f32 v3, v2;
	_ =	sdelay $0x1  }
0x391: {  	[tilespmem:s22+$0x15B50] =	vst v2;
	v2 =	vld [tilespmem:s22+$0x15B60]  }
0x392: {  	v3 =	vld [tilespmem:s14+$0x142E0];
	_ =	sdelay $0x4  }
0x393: {  	v2 =	vmul.f32 v3, v2;
	_ =	sdelay $0x1  }
0x394: {  	[tilespmem:s22+$0x15B60] =	vst v2;
	v2 =	vld [tilespmem:s22+$0x15B70]  }
0x395: {  	v3 =	vld [tilespmem:s14+$0x142F0];
	_ =	sdelay $0x4  }
0x396: {  	v2 =	vmul.f32 v3, v2;
	_ =	sdelay $0x1  }
0x397: {  	[tilespmem:s22+$0x15B70] =	vst v2;
	v2 =	vld [tilespmem:s22+$0x15B80]  }
0x398: {  	v3 =	vld [tilespmem:s13+$0x14280];
	_ =	sdelay $0x4  }
0x399: {  	v2 =	vmul.f32 v3, v2;
	_ =	sdelay $0x1  }
0x39a: {  	[tilespmem:s22+$0x15B80] =	vst v2;
	v2 =	vld [tilespmem:s22+$0x15B90]  }
0x39b: {  	v3 =	vld [tilespmem:s13+$0x14290];
	_ =	sdelay $0x4  }
0x39c: {  	v2 =	vmul.f32 v3, v2;
	_ =	sdelay $0x1  }
0x39d: {  	[tilespmem:s22+$0x15B90] =	vst v2;
	v2 =	vld [tilespmem:s22+$0x15BA0]  }
0x39e: {  	v3 =	vld [tilespmem:s13+$0x142A0];
	_ =	sdelay $0x4  }
0x39f: {  	v2 =	vmul.f32 v3, v2;
	_ =	sdelay $0x1  }
0x3a0: {  	[tilespmem:s22+$0x15BA0] =	vst v2;
	v2 =	vld [tilespmem:s22+$0x15BB0]  }
0x3a1: {  	v3 =	vld [tilespmem:s13+$0x142B0];
	_ =	sdelay $0x4  }
0x3a2: {  	v2 =	vmul.f32 v3, v2;
	_ =	sdelay $0x1  }
0x3a3: {  	[tilespmem:s22+$0x15BB0] =	vst v2;
	v2 =	vld [tilespmem:s22+$0x15BC0]  }
0x3a4: {  	v3 =	vld [tilespmem:s13+$0x142C0];
	_ =	sdelay $0x4  }
0x3a5: {  	v2 =	vmul.f32 v3, v2;
	_ =	sdelay $0x1  }
0x3a6: {  	[tilespmem:s22+$0x15BC0] =	vst v2;
	v2 =	vld [tilespmem:s22+$0x15BD0]  }
0x3a7: {  	v3 =	vld [tilespmem:s13+$0x142D0];
	_ =	sdelay $0x4  }
0x3a8: {  	v2 =	vmul.f32 v3, v2;
	_ =	sdelay $0x1  }
0x3a9: {  	[tilespmem:s22+$0x15BD0] =	vst v2;
	v2 =	vld [tilespmem:s22+$0x15BE0]  }
0x3aa: {  	v3 =	vld [tilespmem:s13+$0x142E0];
	_ =	sdelay $0x4  }
0x3ab: {  	v2 =	vmul.f32 v3, v2;
	_ =	sdelay $0x1  }
0x3ac: {  	[tilespmem:s22+$0x15BE0] =	vst v2;
	v2 =	vld [tilespmem:s22+$0x15BF0]  }
0x3ad: {  	v3 =	vld [tilespmem:s13+$0x142F0];
	_ =	sdelay $0x1  }
.Ltmp1:
0x3ae: {  	(pc) =	sbr.rel @p0 .LBB2_5-.Ltmp1, $3  }
0x3af: {  	_ =	sdelay $0x1  }
0x3b0: {  	v2 =	vmul.f32 v3, v2  }
0x3b1: {  	s12 =	sadd.s32 $0x1, s12;
	s0 =	sshll.u32 s5, $0x4  }
0x3b2: {  	s0 =	sand.u32 $0x3FFFFFF0, s0;
	[tilespmem:s22+$0x15BF0] =	vst v2  }
0x3b3: {  	v2 =	vld [tilespmem:s0+$0x15380];
	_ =	sdelay $0x4  }
0x3b4: {  	v2 =	vshll.u32 v2, $0x9  }
0x3b5: {  	v2 =	vshra.s32 v2, $0x2  }
0x3b6: {  	(v2sf) =	vpush v2, $0x0;
	_ =	sdelay $0xc  }
0x3b7: {  	s22 =	sshll.u32 s5, $0xB  }
0x3b8: {  	s0 =	sand.u32 $0x3FFFF800, s22  }
0x3b9: {  	v3 =	vld [tilespmem:s0+$0x15400];
	s1 =	spop (v2sf)  }
0x3ba: {  	v4 =	vld [tilespmem:s1+$0x14280];
	_ =	sdelay $0x4  }
0x3bb: {  	v3 =	vmul.f32 v4, v3;
	_ =	sdelay $0x1  }
0x3bc: {  	[tilespmem:s0+$0x15400] =	vst v3;
	v3 =	vld [tilespmem:s0+$0x15410]  }
0x3bd: {  	v59 =	vld [tilespmem:s1+$0x14290];
	_ =	sdelay $0x4  }
0x3be: {  	v3 =	vmul.f32 v59, v3;
	_ =	sdelay $0x1  }
0x3bf: {  	[tilespmem:s0+$0x15410] =	vst v3;
	v3 =	vld [tilespmem:s0+$0x15420]  }
0x3c0: {  	v60 =	vld [tilespmem:s1+$0x142A0];
	_ =	sdelay $0x4  }
0x3c1: {  	v3 =	vmul.f32 v60, v3;
	_ =	sdelay $0x1  }
0x3c2: {  	[tilespmem:s0+$0x15420] =	vst v3;
	v3 =	vld [tilespmem:s0+$0x15430]  }
0x3c3: {  	v61 =	vld [tilespmem:s1+$0x142B0];
	_ =	sdelay $0x4  }
0x3c4: {  	v3 =	vmul.f32 v61, v3;
	_ =	sdelay $0x1  }
0x3c5: {  	[tilespmem:s0+$0x15430] =	vst v3;
	v3 =	vld [tilespmem:s0+$0x15440]  }
0x3c6: {  	v62 =	vld [tilespmem:s1+$0x142C0];
	_ =	sdelay $0x4  }
0x3c7: {  	v3 =	vmul.f32 v62, v3;
	_ =	sdelay $0x1  }
0x3c8: {  	[tilespmem:s0+$0x15440] =	vst v3;
	v3 =	vld [tilespmem:s0+$0x15450]  }
0x3c9: {  	v63 =	vld [tilespmem:s1+$0x142D0];
	_ =	sdelay $0x4  }
0x3ca: {  	v3 =	vmul.f32 v63, v3;
	_ =	sdelay $0x1  }
0x3cb: {  	[tilespmem:s0+$0x15450] =	vst v3;
	v3 =	vld [tilespmem:s0+$0x15460]  }
0x3cc: {  	(v2sf) =	vpush v2, $0x1;
	v8 =	vld [tilespmem:s1+$0x142E0];
	_ =	sdelay $0x4  }
0x3cd: {  	v3 =	vmul.f32 v8, v3;
	_ =	sdelay $0x1  }
0x3ce: {  	[tilespmem:s0+$0x15460] =	vst v3;
	v3 =	vld [tilespmem:s0+$0x15470]  }
0x3cf: {  	v9 =	vld [tilespmem:s1+$0x142F0];
	_ =	sdelay $0x4  }
0x3d0: {  	v3 =	vmul.f32 v9, v3;
	_ =	sdelay $0x1  }
0x3d1: {  	s29 =	spop (v2sf);
	[tilespmem:s0+$0x15470] =	vst v3;
	v3 =	vld [tilespmem:s0+$0x15480]  }
0x3d2: {  	v10 =	vld [tilespmem:s29+$0x14280];
	_ =	sdelay $0x4  }
0x3d3: {  	v3 =	vmul.f32 v10, v3;
	_ =	sdelay $0x1  }
0x3d4: {  	[tilespmem:s0+$0x15480] =	vst v3;
	v3 =	vld [tilespmem:s0+$0x15490]  }
0x3d5: {  	v11 =	vld [tilespmem:s29+$0x14290];
	_ =	sdelay $0x4  }
0x3d6: {  	v3 =	vmul.f32 v11, v3;
	_ =	sdelay $0x1  }
0x3d7: {  	[tilespmem:s0+$0x15490] =	vst v3;
	v3 =	vld [tilespmem:s0+$0x154A0]  }
0x3d8: {  	v12 =	vld [tilespmem:s29+$0x142A0];
	_ =	sdelay $0x4  }
0x3d9: {  	v3 =	vmul.f32 v12, v3;
	_ =	sdelay $0x1  }
0x3da: {  	[tilespmem:s0+$0x154A0] =	vst v3;
	v3 =	vld [tilespmem:s0+$0x154B0]  }
0x3db: {  	v13 =	vld [tilespmem:s29+$0x142B0];
	_ =	sdelay $0x4  }
0x3dc: {  	v3 =	vmul.f32 v13, v3;
	_ =	sdelay $0x1  }
0x3dd: {  	[tilespmem:s0+$0x154B0] =	vst v3;
	v3 =	vld [tilespmem:s0+$0x154C0]  }
0x3de: {  	v14 =	vld [tilespmem:s29+$0x142C0];
	_ =	sdelay $0x4  }
0x3df: {  	v3 =	vmul.f32 v14, v3;
	_ =	sdelay $0x1  }
0x3e0: {  	[tilespmem:s0+$0x154C0] =	vst v3;
	v3 =	vld [tilespmem:s0+$0x154D0]  }
0x3e1: {  	v15 =	vld [tilespmem:s29+$0x142D0];
	_ =	sdelay $0x4  }
0x3e2: {  	v3 =	vmul.f32 v15, v3;
	_ =	sdelay $0x1  }
0x3e3: {  	[tilespmem:s0+$0x154D0] =	vst v3;
	v3 =	vld [tilespmem:s0+$0x154E0]  }
0x3e4: {  	(v2sf) =	vpush v2, $0x2;
	v16 =	vld [tilespmem:s29+$0x142E0];
	_ =	sdelay $0x4  }
0x3e5: {  	v3 =	vmul.f32 v16, v3;
	_ =	sdelay $0x1  }
0x3e6: {  	[tilespmem:s0+$0x154E0] =	vst v3;
	v3 =	vld [tilespmem:s0+$0x154F0]  }
0x3e7: {  	v17 =	vld [tilespmem:s29+$0x142F0];
	_ =	sdelay $0x4  }
0x3e8: {  	v3 =	vmul.f32 v17, v3;
	_ =	sdelay $0x1  }
0x3e9: {  	s2 =	spop (v2sf);
	[tilespmem:s0+$0x154F0] =	vst v3;
	v3 =	vld [tilespmem:s0+$0x15500]  }
0x3ea: {  	v18 =	vld [tilespmem:s2+$0x14280];
	_ =	sdelay $0x4  }
0x3eb: {  	v3 =	vmul.f32 v18, v3;
	_ =	sdelay $0x1  }
0x3ec: {  	[tilespmem:s0+$0x15500] =	vst v3;
	v3 =	vld [tilespmem:s0+$0x15510]  }
0x3ed: {  	v19 =	vld [tilespmem:s2+$0x14290];
	_ =	sdelay $0x4  }
0x3ee: {  	v3 =	vmul.f32 v19, v3;
	_ =	sdelay $0x1  }
0x3ef: {  	[tilespmem:s0+$0x15510] =	vst v3;
	v3 =	vld [tilespmem:s0+$0x15520]  }
0x3f0: {  	v20 =	vld [tilespmem:s2+$0x142A0];
	_ =	sdelay $0x4  }
0x3f1: {  	v3 =	vmul.f32 v20, v3;
	_ =	sdelay $0x1  }
0x3f2: {  	[tilespmem:s0+$0x15520] =	vst v3;
	v3 =	vld [tilespmem:s0+$0x15530]  }
0x3f3: {  	v21 =	vld [tilespmem:s2+$0x142B0];
	_ =	sdelay $0x4  }
0x3f4: {  	v3 =	vmul.f32 v21, v3;
	_ =	sdelay $0x1  }
0x3f5: {  	[tilespmem:s0+$0x15530] =	vst v3;
	v3 =	vld [tilespmem:s0+$0x15540]  }
0x3f6: {  	v22 =	vld [tilespmem:s2+$0x142C0];
	_ =	sdelay $0x4  }
0x3f7: {  	v3 =	vmul.f32 v22, v3;
	_ =	sdelay $0x1  }
0x3f8: {  	[tilespmem:s0+$0x15540] =	vst v3;
	v3 =	vld [tilespmem:s0+$0x15550]  }
0x3f9: {  	v23 =	vld [tilespmem:s2+$0x142D0];
	_ =	sdelay $0x4  }
0x3fa: {  	v3 =	vmul.f32 v23, v3;
	_ =	sdelay $0x1  }
0x3fb: {  	[tilespmem:s0+$0x15550] =	vst v3;
	v3 =	vld [tilespmem:s0+$0x15560]  }
0x3fc: {  	(v2sf) =	vpush v2, $0x3;
	v24 =	vld [tilespmem:s2+$0x142E0];
	_ =	sdelay $0x4  }
0x3fd: {  	v3 =	vmul.f32 v24, v3;
	_ =	sdelay $0x1  }
0x3fe: {  	[tilespmem:s0+$0x15560] =	vst v3;
	v3 =	vld [tilespmem:s0+$0x15570]  }
0x3ff: {  	v25 =	vld [tilespmem:s2+$0x142F0];
	_ =	sdelay $0x4  }
0x400: {  	v3 =	vmul.f32 v25, v3;
	_ =	sdelay $0x1  }
0x401: {  	s4 =	spop (v2sf);
	[tilespmem:s0+$0x15570] =	vst v3;
	v3 =	vld [tilespmem:s0+$0x15580]  }
0x402: {  	v26 =	vld [tilespmem:s4+$0x14280];
	_ =	sdelay $0x4  }
0x403: {  	v3 =	vmul.f32 v26, v3;
	_ =	sdelay $0x1  }
0x404: {  	[tilespmem:s0+$0x15580] =	vst v3;
	v3 =	vld [tilespmem:s0+$0x15590]  }
0x405: {  	v27 =	vld [tilespmem:s4+$0x14290];
	_ =	sdelay $0x4  }
0x406: {  	v3 =	vmul.f32 v27, v3;
	_ =	sdelay $0x1  }
0x407: {  	[tilespmem:s0+$0x15590] =	vst v3;
	v3 =	vld [tilespmem:s0+$0x155A0]  }
0x408: {  	v28 =	vld [tilespmem:s4+$0x142A0];
	_ =	sdelay $0x4  }
0x409: {  	v3 =	vmul.f32 v28, v3;
	_ =	sdelay $0x1  }
0x40a: {  	[tilespmem:s0+$0x155A0] =	vst v3;
	v3 =	vld [tilespmem:s0+$0x155B0]  }
0x40b: {  	v29 =	vld [tilespmem:s4+$0x142B0];
	_ =	sdelay $0x4  }
0x40c: {  	v3 =	vmul.f32 v29, v3;
	_ =	sdelay $0x1  }
0x40d: {  	[tilespmem:s0+$0x155B0] =	vst v3;
	v3 =	vld [tilespmem:s0+$0x155C0]  }
0x40e: {  	v30 =	vld [tilespmem:s4+$0x142C0];
	_ =	sdelay $0x4  }
0x40f: {  	v3 =	vmul.f32 v30, v3;
	_ =	sdelay $0x1  }
0x410: {  	[tilespmem:s0+$0x155C0] =	vst v3;
	v3 =	vld [tilespmem:s0+$0x155D0]  }
0x411: {  	v31 =	vld [tilespmem:s4+$0x142D0];
	_ =	sdelay $0x4  }
0x412: {  	v3 =	vmul.f32 v31, v3;
	_ =	sdelay $0x1  }
0x413: {  	[tilespmem:s0+$0x155D0] =	vst v3;
	v3 =	vld [tilespmem:s0+$0x155E0]  }
0x414: {  	(v2sf) =	vpush v2, $0x4;
	v32 =	vld [tilespmem:s4+$0x142E0];
	_ =	sdelay $0x4  }
0x415: {  	v3 =	vmul.f32 v32, v3;
	_ =	sdelay $0x1  }
0x416: {  	[tilespmem:s0+$0x155E0] =	vst v3;
	v3 =	vld [tilespmem:s0+$0x155F0]  }
0x417: {  	v33 =	vld [tilespmem:s4+$0x142F0];
	_ =	sdelay $0x4  }
0x418: {  	v3 =	vmul.f32 v33, v3;
	_ =	sdelay $0x1  }
0x419: {  	s5 =	spop (v2sf);
	[tilespmem:s0+$0x155F0] =	vst v3;
	v3 =	vld [tilespmem:s0+$0x15600]  }
0x41a: {  	v34 =	vld [tilespmem:s5+$0x14280];
	_ =	sdelay $0x4  }
0x41b: {  	v3 =	vmul.f32 v34, v3;
	_ =	sdelay $0x1  }
0x41c: {  	[tilespmem:s0+$0x15600] =	vst v3;
	v3 =	vld [tilespmem:s0+$0x15610]  }
0x41d: {  	v35 =	vld [tilespmem:s5+$0x14290];
	_ =	sdelay $0x4  }
0x41e: {  	v3 =	vmul.f32 v35, v3;
	_ =	sdelay $0x1  }
0x41f: {  	[tilespmem:s0+$0x15610] =	vst v3;
	v3 =	vld [tilespmem:s0+$0x15620]  }
0x420: {  	v36 =	vld [tilespmem:s5+$0x142A0];
	_ =	sdelay $0x4  }
0x421: {  	v3 =	vmul.f32 v36, v3;
	_ =	sdelay $0x1  }
0x422: {  	[tilespmem:s0+$0x15620] =	vst v3;
	v3 =	vld [tilespmem:s0+$0x15630]  }
0x423: {  	v37 =	vld [tilespmem:s5+$0x142B0];
	_ =	sdelay $0x4  }
0x424: {  	v3 =	vmul.f32 v37, v3;
	_ =	sdelay $0x1  }
0x425: {  	[tilespmem:s0+$0x15630] =	vst v3;
	v3 =	vld [tilespmem:s0+$0x15640]  }
0x426: {  	v38 =	vld [tilespmem:s5+$0x142C0];
	_ =	sdelay $0x4  }
0x427: {  	v3 =	vmul.f32 v38, v3;
	_ =	sdelay $0x1  }
0x428: {  	[tilespmem:s0+$0x15640] =	vst v3;
	v3 =	vld [tilespmem:s0+$0x15650]  }
0x429: {  	v39 =	vld [tilespmem:s5+$0x142D0];
	_ =	sdelay $0x4  }
0x42a: {  	v3 =	vmul.f32 v39, v3;
	_ =	sdelay $0x1  }
0x42b: {  	[tilespmem:s0+$0x15650] =	vst v3;
	v3 =	vld [tilespmem:s0+$0x15660]  }
0x42c: {  	(v2sf) =	vpush v2, $0x5;
	v40 =	vld [tilespmem:s5+$0x142E0];
	_ =	sdelay $0x4  }
0x42d: {  	v3 =	vmul.f32 v40, v3;
	_ =	sdelay $0x1  }
0x42e: {  	[tilespmem:s0+$0x15660] =	vst v3;
	v3 =	vld [tilespmem:s0+$0x15670]  }
0x42f: {  	v41 =	vld [tilespmem:s5+$0x142F0];
	_ =	sdelay $0x4  }
0x430: {  	v3 =	vmul.f32 v41, v3;
	_ =	sdelay $0x1  }
0x431: {  	s6 =	spop (v2sf);
	[tilespmem:s0+$0x15670] =	vst v3;
	v3 =	vld [tilespmem:s0+$0x15680]  }
0x432: {  	v42 =	vld [tilespmem:s6+$0x14280];
	_ =	sdelay $0x4  }
0x433: {  	v3 =	vmul.f32 v42, v3;
	_ =	sdelay $0x1  }
0x434: {  	[tilespmem:s0+$0x15680] =	vst v3;
	v3 =	vld [tilespmem:s0+$0x15690]  }
0x435: {  	v43 =	vld [tilespmem:s6+$0x14290];
	_ =	sdelay $0x4  }
0x436: {  	v3 =	vmul.f32 v43, v3;
	_ =	sdelay $0x1  }
0x437: {  	[tilespmem:s0+$0x15690] =	vst v3;
	v3 =	vld [tilespmem:s0+$0x156A0]  }
0x438: {  	v44 =	vld [tilespmem:s6+$0x142A0];
	_ =	sdelay $0x4  }
0x439: {  	v3 =	vmul.f32 v44, v3;
	_ =	sdelay $0x1  }
0x43a: {  	[tilespmem:s0+$0x156A0] =	vst v3;
	v3 =	vld [tilespmem:s0+$0x156B0]  }
0x43b: {  	v45 =	vld [tilespmem:s6+$0x142B0];
	_ =	sdelay $0x4  }
0x43c: {  	v3 =	vmul.f32 v45, v3;
	_ =	sdelay $0x1  }
0x43d: {  	[tilespmem:s0+$0x156B0] =	vst v3;
	v3 =	vld [tilespmem:s0+$0x156C0]  }
0x43e: {  	v46 =	vld [tilespmem:s6+$0x142C0];
	_ =	sdelay $0x4  }
0x43f: {  	v3 =	vmul.f32 v46, v3;
	_ =	sdelay $0x1  }
0x440: {  	[tilespmem:s0+$0x156C0] =	vst v3;
	v3 =	vld [tilespmem:s0+$0x156D0]  }
0x441: {  	v47 =	vld [tilespmem:s6+$0x142D0];
	_ =	sdelay $0x4  }
0x442: {  	v3 =	vmul.f32 v47, v3;
	_ =	sdelay $0x1  }
0x443: {  	[tilespmem:s0+$0x156D0] =	vst v3;
	v3 =	vld [tilespmem:s0+$0x156E0]  }
0x444: {  	(v2sf) =	vpush v2, $0x6;
	v48 =	vld [tilespmem:s6+$0x142E0];
	_ =	sdelay $0x4  }
0x445: {  	v3 =	vmul.f32 v48, v3;
	_ =	sdelay $0x1  }
0x446: {  	[tilespmem:s0+$0x156E0] =	vst v3;
	v3 =	vld [tilespmem:s0+$0x156F0]  }
0x447: {  	v49 =	vld [tilespmem:s6+$0x142F0];
	_ =	sdelay $0x4  }
0x448: {  	v3 =	vmul.f32 v49, v3;
	_ =	sdelay $0x1  }
0x449: {  	s7 =	spop (v2sf);
	[tilespmem:s0+$0x156F0] =	vst v3;
	v3 =	vld [tilespmem:s0+$0x15700]  }
0x44a: {  	v50 =	vld [tilespmem:s7+$0x14280];
	_ =	sdelay $0x4  }
0x44b: {  	v3 =	vmul.f32 v50, v3;
	_ =	sdelay $0x1  }
0x44c: {  	[tilespmem:s0+$0x15700] =	vst v3;
	v3 =	vld [tilespmem:s0+$0x15710]  }
0x44d: {  	v51 =	vld [tilespmem:s7+$0x14290];
	_ =	sdelay $0x4  }
0x44e: {  	v3 =	vmul.f32 v51, v3;
	_ =	sdelay $0x1  }
0x44f: {  	[tilespmem:s0+$0x15710] =	vst v3;
	v3 =	vld [tilespmem:s0+$0x15720]  }
0x450: {  	v52 =	vld [tilespmem:s7+$0x142A0];
	_ =	sdelay $0x4  }
0x451: {  	v3 =	vmul.f32 v52, v3;
	_ =	sdelay $0x1  }
0x452: {  	[tilespmem:s0+$0x15720] =	vst v3;
	v3 =	vld [tilespmem:s0+$0x15730]  }
0x453: {  	v53 =	vld [tilespmem:s7+$0x142B0];
	_ =	sdelay $0x4  }
0x454: {  	v3 =	vmul.f32 v53, v3;
	_ =	sdelay $0x1  }
0x455: {  	[tilespmem:s0+$0x15730] =	vst v3;
	v3 =	vld [tilespmem:s0+$0x15740]  }
0x456: {  	v54 =	vld [tilespmem:s7+$0x142C0];
	_ =	sdelay $0x4  }
0x457: {  	v3 =	vmul.f32 v54, v3;
	_ =	sdelay $0x1  }
0x458: {  	[tilespmem:s0+$0x15740] =	vst v3;
	v3 =	vld [tilespmem:s0+$0x15750]  }
0x459: {  	v55 =	vld [tilespmem:s7+$0x142D0];
	_ =	sdelay $0x4  }
0x45a: {  	v3 =	vmul.f32 v55, v3;
	_ =	sdelay $0x1  }
0x45b: {  	[tilespmem:s0+$0x15750] =	vst v3;
	v3 =	vld [tilespmem:s0+$0x15760]  }
0x45c: {  	(v2sf) =	vpush v2, $0x7;
	v56 =	vld [tilespmem:s7+$0x142E0];
	_ =	sdelay $0x4  }
0x45d: {  	v3 =	vmul.f32 v56, v3;
	_ =	sdelay $0x1  }
0x45e: {  	[tilespmem:s0+$0x15760] =	vst v3;
	v3 =	vld [tilespmem:s0+$0x15770]  }
0x45f: {  	v57 =	vld [tilespmem:s7+$0x142F0];
	_ =	sdelay $0x4  }
0x460: {  	v3 =	vmul.f32 v57, v3;
	_ =	sdelay $0x1  }
0x461: {  	s8 =	spop (v2sf);
	[tilespmem:s0+$0x15770] =	vst v3;
	v3 =	vld [tilespmem:s0+$0x15780]  }
0x462: {  	v58 =	vld [tilespmem:s8+$0x14280];
	_ =	sdelay $0x4  }
0x463: {  	v3 =	vmul.f32 v58, v3;
	_ =	sdelay $0x1  }
0x464: {  	[tilespmem:s0+$0x15780] =	vst v3;
	v3 =	vld [tilespmem:s0+$0x15790]  }
0x465: {  	v59 =	vld [tilespmem:s8+$0x14290];
	_ =	sdelay $0x4  }
0x466: {  	v3 =	vmul.f32 v59, v3;
	_ =	sdelay $0x1  }
0x467: {  	[tilespmem:s0+$0x15790] =	vst v3;
	v3 =	vld [tilespmem:s0+$0x157A0]  }
0x468: {  	v60 =	vld [tilespmem:s8+$0x142A0];
	_ =	sdelay $0x4  }
0x469: {  	v3 =	vmul.f32 v60, v3;
	_ =	sdelay $0x1  }
0x46a: {  	[tilespmem:s0+$0x157A0] =	vst v3;
	v3 =	vld [tilespmem:s0+$0x157B0]  }
0x46b: {  	v61 =	vld [tilespmem:s8+$0x142B0];
	_ =	sdelay $0x4  }
0x46c: {  	v3 =	vmul.f32 v61, v3;
	_ =	sdelay $0x1  }
0x46d: {  	[tilespmem:s0+$0x157B0] =	vst v3;
	v3 =	vld [tilespmem:s0+$0x157C0]  }
0x46e: {  	v62 =	vld [tilespmem:s8+$0x142C0];
	_ =	sdelay $0x4  }
0x46f: {  	v3 =	vmul.f32 v62, v3;
	_ =	sdelay $0x1  }
0x470: {  	[tilespmem:s0+$0x157C0] =	vst v3;
	v3 =	vld [tilespmem:s0+$0x157D0]  }
0x471: {  	v63 =	vld [tilespmem:s8+$0x142D0];
	_ =	sdelay $0x4  }
0x472: {  	v3 =	vmul.f32 v63, v3;
	_ =	sdelay $0x1  }
0x473: {  	[tilespmem:s0+$0x157D0] =	vst v3;
	v3 =	vld [tilespmem:s0+$0x157E0]  }
0x474: {  	(v2sf) =	vpush v2, $0x8;
	v8 =	vld [tilespmem:s8+$0x142E0];
	_ =	sdelay $0x4  }
0x475: {  	v3 =	vmul.f32 v8, v3;
	_ =	sdelay $0x1  }
0x476: {  	[tilespmem:s0+$0x157E0] =	vst v3;
	v3 =	vld [tilespmem:s0+$0x157F0]  }
0x477: {  	v9 =	vld [tilespmem:s8+$0x142F0];
	_ =	sdelay $0x4  }
0x478: {  	v3 =	vmul.f32 v9, v3;
	_ =	sdelay $0x1  }
0x479: {  	s11 =	spop (v2sf);
	[tilespmem:s0+$0x157F0] =	vst v3;
	v3 =	vld [tilespmem:s0+$0x15800]  }
0x47a: {  	v10 =	vld [tilespmem:s11+$0x14280];
	_ =	sdelay $0x4  }
0x47b: {  	v3 =	vmul.f32 v10, v3;
	_ =	sdelay $0x1  }
0x47c: {  	[tilespmem:s0+$0x15800] =	vst v3;
	v3 =	vld [tilespmem:s0+$0x15810]  }
0x47d: {  	v11 =	vld [tilespmem:s11+$0x14290];
	_ =	sdelay $0x4  }
0x47e: {  	v3 =	vmul.f32 v11, v3;
	_ =	sdelay $0x1  }
0x47f: {  	[tilespmem:s0+$0x15810] =	vst v3;
	v3 =	vld [tilespmem:s0+$0x15820]  }
0x480: {  	v12 =	vld [tilespmem:s11+$0x142A0];
	_ =	sdelay $0x4  }
0x481: {  	v3 =	vmul.f32 v12, v3;
	_ =	sdelay $0x1  }
0x482: {  	[tilespmem:s0+$0x15820] =	vst v3;
	v3 =	vld [tilespmem:s0+$0x15830]  }
0x483: {  	v13 =	vld [tilespmem:s11+$0x142B0];
	_ =	sdelay $0x4  }
0x484: {  	v3 =	vmul.f32 v13, v3;
	_ =	sdelay $0x1  }
0x485: {  	[tilespmem:s0+$0x15830] =	vst v3;
	v3 =	vld [tilespmem:s0+$0x15840]  }
0x486: {  	v14 =	vld [tilespmem:s11+$0x142C0];
	_ =	sdelay $0x4  }
0x487: {  	v3 =	vmul.f32 v14, v3;
	_ =	sdelay $0x1  }
0x488: {  	[tilespmem:s0+$0x15840] =	vst v3;
	v3 =	vld [tilespmem:s0+$0x15850]  }
0x489: {  	v15 =	vld [tilespmem:s11+$0x142D0];
	_ =	sdelay $0x4  }
0x48a: {  	v3 =	vmul.f32 v15, v3;
	_ =	sdelay $0x1  }
0x48b: {  	[tilespmem:s0+$0x15850] =	vst v3;
	v3 =	vld [tilespmem:s0+$0x15860]  }
0x48c: {  	(v2sf) =	vpush v2, $0x9;
	v16 =	vld [tilespmem:s11+$0x142E0];
	_ =	sdelay $0x4  }
0x48d: {  	v3 =	vmul.f32 v16, v3;
	_ =	sdelay $0x1  }
0x48e: {  	[tilespmem:s0+$0x15860] =	vst v3;
	v3 =	vld [tilespmem:s0+$0x15870]  }
0x48f: {  	v17 =	vld [tilespmem:s11+$0x142F0];
	_ =	sdelay $0x4  }
0x490: {  	v3 =	vmul.f32 v17, v3;
	_ =	sdelay $0x1  }
0x491: {  	s12 =	spop (v2sf);
	[tilespmem:s0+$0x15870] =	vst v3;
	v3 =	vld [tilespmem:s0+$0x15880]  }
0x492: {  	v18 =	vld [tilespmem:s12+$0x14280];
	_ =	sdelay $0x4  }
0x493: {  	v3 =	vmul.f32 v18, v3;
	_ =	sdelay $0x1  }
0x494: {  	[tilespmem:s0+$0x15880] =	vst v3;
	v3 =	vld [tilespmem:s0+$0x15890]  }
0x495: {  	v19 =	vld [tilespmem:s12+$0x14290];
	_ =	sdelay $0x4  }
0x496: {  	v3 =	vmul.f32 v19, v3;
	_ =	sdelay $0x1  }
0x497: {  	[tilespmem:s0+$0x15890] =	vst v3;
	v3 =	vld [tilespmem:s0+$0x158A0]  }
0x498: {  	v20 =	vld [tilespmem:s12+$0x142A0];
	_ =	sdelay $0x4  }
0x499: {  	v3 =	vmul.f32 v20, v3;
	_ =	sdelay $0x1  }
0x49a: {  	[tilespmem:s0+$0x158A0] =	vst v3;
	v3 =	vld [tilespmem:s0+$0x158B0]  }
0x49b: {  	v21 =	vld [tilespmem:s12+$0x142B0];
	_ =	sdelay $0x4  }
0x49c: {  	v3 =	vmul.f32 v21, v3;
	_ =	sdelay $0x1  }
0x49d: {  	[tilespmem:s0+$0x158B0] =	vst v3;
	v3 =	vld [tilespmem:s0+$0x158C0]  }
0x49e: {  	v22 =	vld [tilespmem:s12+$0x142C0];
	_ =	sdelay $0x4  }
0x49f: {  	v3 =	vmul.f32 v22, v3;
	_ =	sdelay $0x1  }
0x4a0: {  	[tilespmem:s0+$0x158C0] =	vst v3;
	v3 =	vld [tilespmem:s0+$0x158D0]  }
0x4a1: {  	v23 =	vld [tilespmem:s12+$0x142D0];
	_ =	sdelay $0x4  }
0x4a2: {  	v3 =	vmul.f32 v23, v3;
	_ =	sdelay $0x1  }
0x4a3: {  	[tilespmem:s0+$0x158D0] =	vst v3;
	v3 =	vld [tilespmem:s0+$0x158E0]  }
0x4a4: {  	(v2sf) =	vpush v2, $0xA;
	v24 =	vld [tilespmem:s12+$0x142E0];
	_ =	sdelay $0x4  }
0x4a5: {  	v3 =	vmul.f32 v24, v3;
	_ =	sdelay $0x1  }
0x4a6: {  	[tilespmem:s0+$0x158E0] =	vst v3;
	v3 =	vld [tilespmem:s0+$0x158F0]  }
0x4a7: {  	v25 =	vld [tilespmem:s12+$0x142F0];
	_ =	sdelay $0x4  }
0x4a8: {  	v3 =	vmul.f32 v25, v3;
	_ =	sdelay $0x1  }
0x4a9: {  	s13 =	spop (v2sf);
	[tilespmem:s0+$0x158F0] =	vst v3;
	v3 =	vld [tilespmem:s0+$0x15900]  }
0x4aa: {  	v26 =	vld [tilespmem:s13+$0x14280];
	_ =	sdelay $0x4  }
0x4ab: {  	v3 =	vmul.f32 v26, v3;
	_ =	sdelay $0x1  }
0x4ac: {  	[tilespmem:s0+$0x15900] =	vst v3;
	v3 =	vld [tilespmem:s0+$0x15910]  }
0x4ad: {  	v27 =	vld [tilespmem:s13+$0x14290];
	_ =	sdelay $0x4  }
0x4ae: {  	v3 =	vmul.f32 v27, v3;
	_ =	sdelay $0x1  }
0x4af: {  	[tilespmem:s0+$0x15910] =	vst v3;
	v3 =	vld [tilespmem:s0+$0x15920]  }
0x4b0: {  	v28 =	vld [tilespmem:s13+$0x142A0];
	_ =	sdelay $0x4  }
0x4b1: {  	v3 =	vmul.f32 v28, v3;
	_ =	sdelay $0x1  }
0x4b2: {  	[tilespmem:s0+$0x15920] =	vst v3;
	v3 =	vld [tilespmem:s0+$0x15930]  }
0x4b3: {  	v29 =	vld [tilespmem:s13+$0x142B0];
	_ =	sdelay $0x4  }
0x4b4: {  	v3 =	vmul.f32 v29, v3;
	_ =	sdelay $0x1  }
0x4b5: {  	[tilespmem:s0+$0x15930] =	vst v3;
	v3 =	vld [tilespmem:s0+$0x15940]  }
0x4b6: {  	v30 =	vld [tilespmem:s13+$0x142C0];
	_ =	sdelay $0x4  }
0x4b7: {  	v3 =	vmul.f32 v30, v3;
	_ =	sdelay $0x1  }
0x4b8: {  	[tilespmem:s0+$0x15940] =	vst v3;
	v3 =	vld [tilespmem:s0+$0x15950]  }
0x4b9: {  	v31 =	vld [tilespmem:s13+$0x142D0];
	_ =	sdelay $0x4  }
0x4ba: {  	v3 =	vmul.f32 v31, v3;
	_ =	sdelay $0x1  }
0x4bb: {  	[tilespmem:s0+$0x15950] =	vst v3;
	v3 =	vld [tilespmem:s0+$0x15960]  }
0x4bc: {  	(v2sf) =	vpush v2, $0xB;
	v32 =	vld [tilespmem:s13+$0x142E0];
	_ =	sdelay $0x4  }
0x4bd: {  	v3 =	vmul.f32 v32, v3;
	_ =	sdelay $0x1  }
0x4be: {  	[tilespmem:s0+$0x15960] =	vst v3;
	v3 =	vld [tilespmem:s0+$0x15970]  }
0x4bf: {  	v33 =	vld [tilespmem:s13+$0x142F0];
	_ =	sdelay $0x4  }
0x4c0: {  	v3 =	vmul.f32 v33, v3;
	_ =	sdelay $0x1  }
0x4c1: {  	s14 =	spop (v2sf);
	[tilespmem:s0+$0x15970] =	vst v3;
	v3 =	vld [tilespmem:s0+$0x15980]  }
0x4c2: {  	v34 =	vld [tilespmem:s14+$0x14280];
	_ =	sdelay $0x4  }
0x4c3: {  	v3 =	vmul.f32 v34, v3;
	_ =	sdelay $0x1  }
0x4c4: {  	[tilespmem:s0+$0x15980] =	vst v3;
	v3 =	vld [tilespmem:s0+$0x15990]  }
0x4c5: {  	v35 =	vld [tilespmem:s14+$0x14290];
	_ =	sdelay $0x4  }
0x4c6: {  	v3 =	vmul.f32 v35, v3;
	_ =	sdelay $0x1  }
0x4c7: {  	[tilespmem:s0+$0x15990] =	vst v3;
	v3 =	vld [tilespmem:s0+$0x159A0]  }
0x4c8: {  	v36 =	vld [tilespmem:s14+$0x142A0];
	_ =	sdelay $0x4  }
0x4c9: {  	v3 =	vmul.f32 v36, v3;
	_ =	sdelay $0x1  }
0x4ca: {  	[tilespmem:s0+$0x159A0] =	vst v3;
	v3 =	vld [tilespmem:s0+$0x159B0]  }
0x4cb: {  	v37 =	vld [tilespmem:s14+$0x142B0];
	_ =	sdelay $0x4  }
0x4cc: {  	v3 =	vmul.f32 v37, v3;
	_ =	sdelay $0x1  }
0x4cd: {  	[tilespmem:s0+$0x159B0] =	vst v3;
	v3 =	vld [tilespmem:s0+$0x159C0]  }
0x4ce: {  	v38 =	vld [tilespmem:s14+$0x142C0];
	_ =	sdelay $0x4  }
0x4cf: {  	v3 =	vmul.f32 v38, v3;
	_ =	sdelay $0x1  }
0x4d0: {  	[tilespmem:s0+$0x159C0] =	vst v3;
	v3 =	vld [tilespmem:s0+$0x159D0]  }
0x4d1: {  	v39 =	vld [tilespmem:s14+$0x142D0];
	_ =	sdelay $0x4  }
0x4d2: {  	v3 =	vmul.f32 v39, v3;
	_ =	sdelay $0x1  }
0x4d3: {  	[tilespmem:s0+$0x159D0] =	vst v3;
	v3 =	vld [tilespmem:s0+$0x159E0]  }
0x4d4: {  	(v2sf) =	vpush v2, $0xC;
	v40 =	vld [tilespmem:s14+$0x142E0];
	_ =	sdelay $0x4  }
0x4d5: {  	v3 =	vmul.f32 v40, v3;
	_ =	sdelay $0x1  }
0x4d6: {  	[tilespmem:s0+$0x159E0] =	vst v3;
	v3 =	vld [tilespmem:s0+$0x159F0]  }
0x4d7: {  	v41 =	vld [tilespmem:s14+$0x142F0];
	_ =	sdelay $0x4  }
0x4d8: {  	v3 =	vmul.f32 v41, v3;
	_ =	sdelay $0x1  }
0x4d9: {  	s15 =	spop (v2sf);
	[tilespmem:s0+$0x159F0] =	vst v3;
	v3 =	vld [tilespmem:s0+$0x15A00]  }
0x4da: {  	v42 =	vld [tilespmem:s15+$0x14280];
	_ =	sdelay $0x4  }
0x4db: {  	v3 =	vmul.f32 v42, v3;
	_ =	sdelay $0x1  }
0x4dc: {  	[tilespmem:s0+$0x15A00] =	vst v3;
	v3 =	vld [tilespmem:s0+$0x15A10]  }
0x4dd: {  	v43 =	vld [tilespmem:s15+$0x14290];
	_ =	sdelay $0x4  }
0x4de: {  	v3 =	vmul.f32 v43, v3;
	_ =	sdelay $0x1  }
0x4df: {  	[tilespmem:s0+$0x15A10] =	vst v3;
	v3 =	vld [tilespmem:s0+$0x15A20]  }
0x4e0: {  	v44 =	vld [tilespmem:s15+$0x142A0];
	_ =	sdelay $0x4  }
0x4e1: {  	v3 =	vmul.f32 v44, v3;
	_ =	sdelay $0x1  }
0x4e2: {  	[tilespmem:s0+$0x15A20] =	vst v3;
	v3 =	vld [tilespmem:s0+$0x15A30]  }
0x4e3: {  	v45 =	vld [tilespmem:s15+$0x142B0];
	_ =	sdelay $0x4  }
0x4e4: {  	v3 =	vmul.f32 v45, v3;
	_ =	sdelay $0x1  }
0x4e5: {  	[tilespmem:s0+$0x15A30] =	vst v3;
	v3 =	vld [tilespmem:s0+$0x15A40]  }
0x4e6: {  	v46 =	vld [tilespmem:s15+$0x142C0];
	_ =	sdelay $0x4  }
0x4e7: {  	v3 =	vmul.f32 v46, v3;
	_ =	sdelay $0x1  }
0x4e8: {  	[tilespmem:s0+$0x15A40] =	vst v3;
	v3 =	vld [tilespmem:s0+$0x15A50]  }
0x4e9: {  	v47 =	vld [tilespmem:s15+$0x142D0];
	_ =	sdelay $0x4  }
0x4ea: {  	v3 =	vmul.f32 v47, v3;
	_ =	sdelay $0x1  }
0x4eb: {  	[tilespmem:s0+$0x15A50] =	vst v3;
	v3 =	vld [tilespmem:s0+$0x15A60]  }
0x4ec: {  	(v2sf) =	vpush v2, $0xD;
	v48 =	vld [tilespmem:s15+$0x142E0];
	_ =	sdelay $0x4  }
0x4ed: {  	v3 =	vmul.f32 v48, v3;
	_ =	sdelay $0x1  }
0x4ee: {  	[tilespmem:s0+$0x15A60] =	vst v3;
	v3 =	vld [tilespmem:s0+$0x15A70]  }
0x4ef: {  	v49 =	vld [tilespmem:s15+$0x142F0];
	_ =	sdelay $0x4  }
0x4f0: {  	v3 =	vmul.f32 v49, v3;
	_ =	sdelay $0x1  }
0x4f1: {  	s17 =	spop (v2sf);
	[tilespmem:s0+$0x15A70] =	vst v3;
	v3 =	vld [tilespmem:s0+$0x15A80]  }
0x4f2: {  	v50 =	vld [tilespmem:s17+$0x14280];
	_ =	sdelay $0x4  }
0x4f3: {  	v3 =	vmul.f32 v50, v3;
	_ =	sdelay $0x1  }
0x4f4: {  	[tilespmem:s0+$0x15A80] =	vst v3;
	v3 =	vld [tilespmem:s0+$0x15A90]  }
0x4f5: {  	v51 =	vld [tilespmem:s17+$0x14290];
	_ =	sdelay $0x4  }
0x4f6: {  	v3 =	vmul.f32 v51, v3;
	_ =	sdelay $0x1  }
0x4f7: {  	[tilespmem:s0+$0x15A90] =	vst v3;
	v3 =	vld [tilespmem:s0+$0x15AA0]  }
0x4f8: {  	v52 =	vld [tilespmem:s17+$0x142A0];
	_ =	sdelay $0x4  }
0x4f9: {  	v3 =	vmul.f32 v52, v3;
	_ =	sdelay $0x1  }
0x4fa: {  	[tilespmem:s0+$0x15AA0] =	vst v3;
	v3 =	vld [tilespmem:s0+$0x15AB0]  }
0x4fb: {  	v53 =	vld [tilespmem:s17+$0x142B0];
	_ =	sdelay $0x4  }
0x4fc: {  	v3 =	vmul.f32 v53, v3;
	_ =	sdelay $0x1  }
0x4fd: {  	[tilespmem:s0+$0x15AB0] =	vst v3;
	v3 =	vld [tilespmem:s0+$0x15AC0]  }
0x4fe: {  	v54 =	vld [tilespmem:s17+$0x142C0];
	_ =	sdelay $0x4  }
0x4ff: {  	v3 =	vmul.f32 v54, v3;
	_ =	sdelay $0x1  }
0x500: {  	[tilespmem:s0+$0x15AC0] =	vst v3;
	v3 =	vld [tilespmem:s0+$0x15AD0]  }
0x501: {  	v55 =	vld [tilespmem:s17+$0x142D0];
	_ =	sdelay $0x4  }
0x502: {  	v3 =	vmul.f32 v55, v3;
	_ =	sdelay $0x1  }
0x503: {  	[tilespmem:s0+$0x15AD0] =	vst v3;
	v3 =	vld [tilespmem:s0+$0x15AE0]  }
0x504: {  	(v2sf) =	vpush v2, $0xE;
	v56 =	vld [tilespmem:s17+$0x142E0];
	_ =	sdelay $0x4  }
0x505: {  	v3 =	vmul.f32 v56, v3;
	_ =	sdelay $0x1  }
0x506: {  	[tilespmem:s0+$0x15AE0] =	vst v3;
	v3 =	vld [tilespmem:s0+$0x15AF0]  }
0x507: {  	v57 =	vld [tilespmem:s17+$0x142F0];
	_ =	sdelay $0x4  }
0x508: {  	v3 =	vmul.f32 v57, v3;
	_ =	sdelay $0x1  }
0x509: {  	s19 =	spop (v2sf);
	[tilespmem:s0+$0x15AF0] =	vst v3;
	v3 =	vld [tilespmem:s0+$0x15B00]  }
0x50a: {  	v58 =	vld [tilespmem:s19+$0x14280];
	_ =	sdelay $0x4  }
0x50b: {  	v3 =	vmul.f32 v58, v3;
	_ =	sdelay $0x1  }
0x50c: {  	[tilespmem:s0+$0x15B00] =	vst v3;
	v3 =	vld [tilespmem:s0+$0x15B10]  }
0x50d: {  	v59 =	vld [tilespmem:s19+$0x14290];
	_ =	sdelay $0x4  }
0x50e: {  	v3 =	vmul.f32 v59, v3;
	_ =	sdelay $0x1  }
0x50f: {  	[tilespmem:s0+$0x15B10] =	vst v3;
	v3 =	vld [tilespmem:s0+$0x15B20]  }
0x510: {  	v60 =	vld [tilespmem:s19+$0x142A0];
	_ =	sdelay $0x4  }
0x511: {  	v3 =	vmul.f32 v60, v3;
	_ =	sdelay $0x1  }
0x512: {  	[tilespmem:s0+$0x15B20] =	vst v3;
	v3 =	vld [tilespmem:s0+$0x15B30]  }
0x513: {  	v61 =	vld [tilespmem:s19+$0x142B0];
	_ =	sdelay $0x4  }
0x514: {  	v3 =	vmul.f32 v61, v3;
	_ =	sdelay $0x1  }
0x515: {  	[tilespmem:s0+$0x15B30] =	vst v3;
	v3 =	vld [tilespmem:s0+$0x15B40]  }
0x516: {  	v62 =	vld [tilespmem:s19+$0x142C0];
	_ =	sdelay $0x4  }
0x517: {  	v3 =	vmul.f32 v62, v3;
	_ =	sdelay $0x1  }
0x518: {  	[tilespmem:s0+$0x15B40] =	vst v3;
	v3 =	vld [tilespmem:s0+$0x15B50]  }
0x519: {  	v63 =	vld [tilespmem:s19+$0x142D0];
	_ =	sdelay $0x4  }
0x51a: {  	v3 =	vmul.f32 v63, v3;
	_ =	sdelay $0x1  }
0x51b: {  	[tilespmem:s0+$0x15B50] =	vst v3;
	v3 =	vld [tilespmem:s0+$0x15B60]  }
0x51c: {  	(v2sf) =	vpush v2, $0xF;
	v2 =	vld [tilespmem:s19+$0x142E0];
	_ =	sdelay $0x4  }
0x51d: {  	v2 =	vmul.f32 v2, v3;
	_ =	sdelay $0x1  }
0x51e: {  	[tilespmem:s0+$0x15B60] =	vst v2;
	v2 =	vld [tilespmem:s0+$0x15B70]  }
0x51f: {  	v3 =	vld [tilespmem:s19+$0x142F0];
	_ =	sdelay $0x4  }
0x520: {  	v2 =	vmul.f32 v3, v2;
	_ =	sdelay $0x1  }
0x521: {  	s20 =	spop (v2sf);
	[tilespmem:s0+$0x15B70] =	vst v2;
	v2 =	vld [tilespmem:s0+$0x15B80]  }
0x522: {  	v3 =	vld [tilespmem:s20+$0x14280];
	_ =	sdelay $0x4  }
0x523: {  	v2 =	vmul.f32 v3, v2;
	_ =	sdelay $0x1  }
0x524: {  	[tilespmem:s0+$0x15B80] =	vst v2;
	v2 =	vld [tilespmem:s0+$0x15B90]  }
0x525: {  	v3 =	vld [tilespmem:s20+$0x14290];
	_ =	sdelay $0x4  }
0x526: {  	v2 =	vmul.f32 v3, v2;
	_ =	sdelay $0x1  }
0x527: {  	[tilespmem:s0+$0x15B90] =	vst v2;
	v2 =	vld [tilespmem:s0+$0x15BA0]  }
0x528: {  	v3 =	vld [tilespmem:s20+$0x142A0];
	_ =	sdelay $0x4  }
0x529: {  	v2 =	vmul.f32 v3, v2;
	_ =	sdelay $0x1  }
0x52a: {  	[tilespmem:s0+$0x15BA0] =	vst v2;
	v2 =	vld [tilespmem:s0+$0x15BB0]  }
0x52b: {  	v3 =	vld [tilespmem:s20+$0x142B0];
	_ =	sdelay $0x4  }
0x52c: {  	v2 =	vmul.f32 v3, v2;
	_ =	sdelay $0x1  }
0x52d: {  	[tilespmem:s0+$0x15BB0] =	vst v2;
	v2 =	vld [tilespmem:s0+$0x15BC0]  }
0x52e: {  	v3 =	vld [tilespmem:s20+$0x142C0];
	_ =	sdelay $0x4  }
0x52f: {  	v2 =	vmul.f32 v3, v2;
	_ =	sdelay $0x1  }
0x530: {  	[tilespmem:s0+$0x15BC0] =	vst v2;
	v2 =	vld [tilespmem:s0+$0x15BD0]  }
0x531: {  	v3 =	vld [tilespmem:s20+$0x142D0];
	_ =	sdelay $0x4  }
0x532: {  	v2 =	vmul.f32 v3, v2;
	_ =	sdelay $0x1  }
0x533: {  	[tilespmem:s0+$0x15BD0] =	vst v2;
	v2 =	vld [tilespmem:s0+$0x15BE0]  }
0x534: {  	v3 =	vld [tilespmem:s20+$0x142E0];
	_ =	sdelay $0x4  }
0x535: {  	v2 =	vmul.f32 v3, v2;
	_ =	sdelay $0x1  }
0x536: {  	[tilespmem:s0+$0x15BE0] =	vst v2;
	v2 =	vld [tilespmem:s0+$0x15BF0]  }
0x537: {  	v3 =	vld [tilespmem:s20+$0x142F0];
	_ =	sdelay $0x4  }
0x538: {  	v2 =	vmul.f32 v3, v2;
	_ =	sdelay $0x1  }
0x539: {  	s21 =	rddreg [dreg:$0x5];
	[tilespmem:s0+$0x15BF0] =	vst v2  }
0x53a: {  	[spmem:s21] =	stream.indirect.scatter.add.f32 [tilespmem:s24], [sflag:$0x2], $0x80, s28, s30, $0xb8;
	[tilespmem:$0x19700] =	vst v63  }
0x53b: {  	_ =	swait.ge [sflag:s23], $0x4000  }
0x53c: {  	s3 =	sadd.s32 $0x1, s3;
	[sflag:s23] =	ssyncset.done $0x0  }
0x53d: {  	p0 =	sne.s32 s3, s16;
	[sflag:s23] =	ssyncadd.s32 $0xFFFFC000  }
.Ltmp2:
0x53e: {  	s29 =	simm.s32 $0x19400;
	s22 =	rddreg [dreg:$0x6];
	(pc) =	sbr.rel @p0 .LBB2_4-.Ltmp2, $4  }
0x53f: {  	[spmem:s22] =	stream.indirect.scatter.add.f32 [tilespmem:s29], [sflag:$0x2], $0x1, s28, s30, $0xb8;
	[tilespmem:$0x19700] =	vst v63  }
0x540: {  	_ =	swait.ge [sflag:s23], $0x80  }
0x541: {  	[sflag:s23] =	ssyncset.done $0x0  }
0x542: {  	[sflag:s23] =	ssyncadd.s32 $0xFFFFFF80  }
0x543: {  	s0 =	stileid.u32;
	[bflag:$0x0] =	sbarrier.arrive $0xFFFF  }
0x544: {  	s0 =	sshll.u32 s0, $0x6;
	s4 =	rddreg [dreg:$0x9]  }
0x545: {  	s2 =	rddreg [dreg:$0xf];
	s0 =	sor.u32 $0x1C02, s0;
	s1 =	sshrl.u32 s4, $0x3  }
0x546: {  	[hbm:s2], [sflag:s0] =	dma.local [spmem:s1], $0x2800  }
0x547: {  	s5 =	simm.s32 $0x20;
	_ =	swait.ge [sflag:s23], $0x2800  }
0x548: {  	s6 =	simm.s32 $0x10;
	[sflag:s23] =	ssyncset.done $0x0;
	s3 =	rddreg [dreg:$0xe]  }
0x549: {  	s22 =	rddreg [dreg:$0x10];
	[sflag:s23] =	ssyncadd.s32 $0xFFFFD800;
	s21 =	sshrl.u32 s3, $0x3  }
0x54a: {  	[hbm:s22@s5], [sflag:s0] =	dma.strided [spmem:s21@s6], $0x50, s31, $0x10   }
0x54b: {  	_ =	swait.ge [sflag:s23], $0x50  }
0x54c: {  	s8 =	rddreg [dreg:$0x8]  }
0x54d: {  	s29 =	rddreg [dreg:$0x11];
	s8 =	sadd.s32 $0x1, s8  }
0x54e: {  	p0 =	sne.s32 s8, s29  }
.Ltmp3:
0x54f: {  	_ = 	snop;
	(pc) =	sbr.rel @p0 .LBB2_1-.Ltmp3, $3  }
0x550: {  	_ =	sdelay $0x1  }
0x551: {  	[sflag:s23] =	ssyncset.done $0x0  }
0x552: {  	[sflag:s23] =	ssyncadd.s32 $0xFFFFFFB0  }
0x553: {  	_ =	sfence.sel $0x180000  }
0x554: {  	[bflag:$0x0] =	sbarrier.arrive $0xFFFF  }
0x555: {  	_ =	strace $0x90000047  }
0x556: {  	s0 =	stileid.u32;
	[bflag:$0x2] =	sbarrier.arrive $0xFFFF  }
0x557: {  	p0 =	sne.s32 s0, $0x0;
	s0 =	rddreg [dreg:$0x7]  }
0x558: {  	s0 =	sadd.s32 @!p0 $0x100000, s0  }
0x559: {  	[sflag:s0] =	ssyncadd.tile.s32 @!p0 $0x1;
	_ =	shalt  }
.Lfunc_end2:
_tile_overlayer_lowered:
.L_overlay_start_2:
0x55a: {  	(tag) =	ssettag $0x2  }
0x55b: {  	s0 =	rddreg [dreg:$0x0];
	s2 =	stileid.u32  }
0x55c: {  	s1 =	rddreg [dreg:$0x1];
	p0 =	sne.s32 s2, $0x0  }
0x55d: {  	s3 =	rddreg [dreg:$0x2];
	[bflag:$0x3] =	sbarrier.arrive $0xFFFF;
	s2 =	simm.s32 @!p0 $0x1C02  }
0x55e: {  	[timem:s3], [sflag:s2] =	dma.local @!p0 [hbm:s0], s1  }
0x55f: {  	s0 =	simm.s32 @!p0 $0x2  }
0x560: {  	_ =	swait.ge @!p0 [sflag:s0], s1  }
0x561: {  	s1 =	ssub.s32 @!p0 $0x0, s1;
	[sflag:s0] =	ssyncset.done @!p0 $0x0  }
0x562: {  	[sflag:s0] =	ssyncadd.s32 @!p0 s1  }
0x563: {  	[bflag:$0x3] =	sbarrier.arrive $0xFFFF  }
0x564: {  	_ =	shalt  }

</sc_bundles>
